<compile_context>
chip_gen: v7x
topology: tpu7x:2x2x1
jax: 0.10.2.dev20260603
libtpu: 0.0.44.dev20260713+nightly
codegen_flags: <defaults>
</compile_context>

<pallas_src>
import functools

import jax
import jax.numpy as jnp
from jax import lax
from jax.experimental import pallas as pl
from jax.experimental.pallas import tpu as pltpu
from jax.experimental.pallas import tpu_sc as plsc

N_FEATS = 256
N_OUT = 10242
NC = 2
NS = 16
NW = NC * NS
PER_W = 336
N_PAD = NW * PER_W
SB = 16
NBATCH = PER_W // SB
LANES = 16
ROW7 = 7 * N_FEATS
LAST_FULL = (N_OUT // SB) * SB
OUT_CLAMP = N_OUT - SB


def _sc_body(feat_hbm, hexf_hbm, out_hbm, idxall, rows, outb, gsem, osem):
    cid = lax.axis_index("c")
    sid = lax.axis_index("s")
    wid = sid * NC + cid
    vstart = wid * PER_W
    iota7 = lax.iota(jnp.int32, LANES) * 7
    zvec = jnp.zeros((LANES,), jnp.int32)

    pltpu.sync_copy(hexf_hbm.at[pl.ds(vstart * 7, PER_W * 7)], idxall)

    def start_gather(b, r):
        idx_slice = idxall.at[pl.ds(b * SB * 7, SB * 7)]
        pltpu.async_copy(feat_hbm.at[idx_slice], rows[r], gsem[r])

    def wait_gather(r):
        pltpu.make_async_copy(
            feat_hbm.at[pl.ds(0, SB * 7)], rows[r], gsem[r]
        ).wait()

    def wait_out(r):
        pltpu.make_async_copy(
            outb[r], out_hbm.at[pl.ds(0, SB)], osem[r]
        ).wait()

    def compute_store(b, r):
        rbuf = rows[r]
        ob = outb[r]

        def fblock(t, c2):
            base = iota7 + t * (7 * LANES)
            pvs = [base + j for j in range(7)]
            for i0 in range(0, SB, 4):
                gs = [
                    [
                        plsc.load_gather(rbuf, [zvec, pvs[j] + i * ROW7])
                        for j in range(7)
                    ]
                    for i in range(i0, i0 + 4)
                ]
                t1 = [gs[k][0] + gs[k][1] for k in range(4)]
                t2 = [gs[k][2] + gs[k][3] for k in range(4)]
                t3 = [gs[k][4] + gs[k][5] for k in range(4)]
                t4 = [t1[k] + t2[k] for k in range(4)]
                t5 = [t3[k] + gs[k][6] for k in range(4)]
                for k in range(4):
                    ob[i0 + k, pl.ds(t * LANES, LANES)] = (
                        t4[k] + t5[k]
                    ) * jnp.float32(1.0 / 7.0)
            return c2

        lax.fori_loop(0, N_FEATS // LANES, fblock, 0)
        co = jnp.minimum(vstart + b * SB, OUT_CLAMP)
        pltpu.async_copy(ob, out_hbm.at[pl.ds(co, SB)], osem[r])

    start_gather(0, 0)
    start_gather(1, 1)

    def do_batch(b, d):
        @pl.when(b + 2 < NBATCH)
        def _():
            start_gather(b + 2, (d + 2) % 3)

        wait_gather(d)

        @pl.when(b >= 3)
        def _():
            wait_out(d)

        compute_store(b, d)

    def triple(u, c2):
        b0 = 3 * u
        do_batch(b0, 0)
        do_batch(b0 + 1, 1)
        do_batch(b0 + 2, 2)
        return c2

    lax.fori_loop(0, NBATCH // 3, triple, 0)
    for d in range(3):
        wait_out(d)


@functools.partial(
    pl.kernel,
    out_type=jax.ShapeDtypeStruct((N_OUT, N_FEATS), jnp.float32),
    mesh=plsc.VectorSubcoreMesh(core_axis_name="c", subcore_axis_name="s"),
    scratch_types=[
        pltpu.VMEM((PER_W * 7,), jnp.int32),
        [pltpu.VMEM((SB * 7, N_FEATS), jnp.float32) for _ in range(3)],
        [pltpu.VMEM((SB, N_FEATS), jnp.float32) for _ in range(3)],
        [pltpu.SemaphoreType.DMA for _ in range(3)],
        [pltpu.SemaphoreType.DMA for _ in range(3)],
    ],
    compiler_params=pltpu.CompilerParams(
        use_tc_tiling_on_sc=False, needs_layout_passes=False
    ),
)
def _hex_pool_sc(feat_hbm, hexf_hbm, out_hbm, idxall, rows, outb, gsem, osem):
    _sc_body(feat_hbm, hexf_hbm, out_hbm, idxall, rows, outb, gsem, osem)


def kernel(ico_feat, hex):
    n_ver = (ico_feat.shape[0] + 6) // 4
    hx = hex[:n_ver].astype(jnp.int32)
    tail = OUT_CLAMP + (jnp.arange(N_PAD - LAST_FULL) % SB)
    hexf = jnp.concatenate([hx[:LAST_FULL], hx[tail]], axis=0).reshape(-1)
    return _hex_pool_sc(ico_feat, hexf)

# --- scband reference (transcript-rebuilt; emitter-appended) ---
"""Pipeline reference for scband-hex-pooling-65326452572553 (READ-ONLY COPY).

The authoritative reference and input builder live on the scoring server;
editing this copy changes nothing except your own understanding.
"""

import jax, jax.numpy as jnp
import numpy as np

N_VER_IN = 40962   # icosphere level 6: 10*4^6 + 2
NUM_FEATS = 256
N_VER_OUT = (N_VER_IN + 6) // 4  # 10242, icosphere level 5

def setup_inputs(seed: int = 0) -> dict:
    key = jax.random.key(seed)
    k1, k2 = jax.random.split(key)
    ico_feat = jax.random.normal(k1, (N_VER_IN, NUM_FEATS), dtype=jnp.float32)
    # hex neighbor table: for each coarse vertex, 7 indices into the fine mesh
    # (self + 6 hexagonal neighbors; pentagon vertices repeat self). Random in-range stand-in.
    hex_idx = jax.random.randint(k2, (N_VER_OUT, 7), 0, N_VER_IN, dtype=jnp.int64)
    return {"ico_feat": ico_feat, "hex": hex_idx}

def reference(ico_feat, hex):
    n_ver = (ico_feat.shape[0] + 6) // 4
    num_feats = ico_feat.shape[1]
    # gather: [n_ver, 7, num_feats]
    gathered = jnp.take(ico_feat, hex[:n_ver], axis=0)
    # faithful to torch .view(n_ver, num_feats, 7): raw memory reinterpret, NOT a transpose
    reshaped = gathered.reshape(n_ver, num_feats, 7)
    out = jnp.mean(reshaped, axis=2)
    return out

if __name__ == "__main__":
    import jax
    _d = setup_inputs()
    print(jax.jit(kernel)(*tuple(_d.values())))

</pallas_src>

<mosaic_0001>
#map = affine_map<(d0, d1) -> (0, 0)>
#map1 = affine_map<(d0, d1) -> (0)>
module attributes {stable_mosaic.version = 14 : i64} {
  func.func @_hex_pool_sc(%arg0: i32, %arg1: i32, %arg2: memref<40962x256xf32, #tpu.memory_space<hbm>>, %arg3: memref<75264xi32, #tpu.memory_space<hbm>>, %arg4: memref<10242x256xf32, #tpu.memory_space<hbm>>, %arg5: memref<2352xi32, #tpu.memory_space<vmem>>, %arg6: memref<112x256xf32, #tpu.memory_space<vmem>>, %arg7: memref<112x256xf32, #tpu.memory_space<vmem>>, %arg8: memref<112x256xf32, #tpu.memory_space<vmem>>, %arg9: memref<16x256xf32, #tpu.memory_space<vmem>>, %arg10: memref<16x256xf32, #tpu.memory_space<vmem>>, %arg11: memref<16x256xf32, #tpu.memory_space<vmem>>, %arg12: memref<!tpu.dma_semaphore, #tpu.memory_space<semaphore_mem>>, %arg13: memref<!tpu.dma_semaphore, #tpu.memory_space<semaphore_mem>>, %arg14: memref<!tpu.dma_semaphore, #tpu.memory_space<semaphore_mem>>, %arg15: memref<!tpu.dma_semaphore, #tpu.memory_space<semaphore_mem>>, %arg16: memref<!tpu.dma_semaphore, #tpu.memory_space<semaphore_mem>>, %arg17: memref<!tpu.dma_semaphore, #tpu.memory_space<semaphore_mem>>) attributes {dimension_semantics = [#tpu.dimension_semantics<core_parallel>, #tpu.dimension_semantics<subcore_parallel>], iteration_bounds = array<i64: 2, 16>, scalar_prefetch = 0 : i64, scratch_operands = 13 : i64, tpu.core_type = #tpu.core_type<sc_vector_subcore>, window_params = [{transform_indices = #map}, {transform_indices = #map1}, {transform_indices = #map}]} {
    %mul3A = arith.constant 2 : i32
    %mul3A_0 = arith.muli %arg1, %mul3A : i32
    %add3A = arith.addi %mul3A_0, %arg0 : i32
    %mul3A_1 = arith.constant 336 : i32
    %mul3A_2 = arith.muli %add3A, %mul3A_1 : i32
    %iota3A = tpu.iota {dimensions = array<i32: 0>} : vector<16xi32>
    %mul3A_3 = arith.constant 7 : i32
    %mul3A_4 = vector.broadcast %mul3A_3 : i32 to vector<16xi32>
    %mul3A_5 = arith.muli %iota3A, %mul3A_4 : vector<16xi32>
    %broadcast_in_dim3A = arith.constant 0 : i32
    %broadcast_in_dim3A_6 = vector.broadcast %broadcast_in_dim3A : i32 to vector<16xi32>
    %mul3A_7 = arith.constant 7 : i32
    %mul3A_8 = arith.muli %mul3A_2, %mul3A_7 : i32
    "tpu.region"() ({
      %run_scoped3A = tpu.sem_alloc : memref<!tpu.dma_semaphore, #tpu.memory_space<semaphore_mem>>
      %dma_start3A_40 = tpu.memref_slice %arg3[%mul3A_8] : memref<75264xi32, #tpu.memory_space<hbm>> -> memref<2352xi32, #tpu.memory_space<hbm>>
      %dma_start3A_41 = tpu.memref_slice %arg3[%mul3A_8] : memref<75264xi32, #tpu.memory_space<hbm>> -> memref<2352xi32, #tpu.memory_space<hbm>>
      tpu.enqueue_dma source(%dma_start3A_41 : memref<2352xi32, #tpu.memory_space<hbm>>) target(%arg5 : memref<2352xi32, #tpu.memory_space<vmem>>) target_semaphore(%run_scoped3A : memref<!tpu.dma_semaphore, #tpu.memory_space<semaphore_mem>>)
      %dma_wait3A_42 = tpu.memref_slice %arg3[%mul3A_8] : memref<75264xi32, #tpu.memory_space<hbm>> -> memref<2352xi32, #tpu.memory_space<hbm>>
      %dma_wait3A_43 = tpu.memref_slice %arg3[%mul3A_8] : memref<75264xi32, #tpu.memory_space<hbm>> -> memref<2352xi32, #tpu.memory_space<hbm>>
      tpu.wait_dma2 semaphore(%run_scoped3A : memref<!tpu.dma_semaphore, #tpu.memory_space<semaphore_mem>>) src(%dma_wait3A_43 : memref<2352xi32, #tpu.memory_space<hbm>>) dst(%arg5 : memref<2352xi32, #tpu.memory_space<vmem>>)
      tpu.yield
    }) : () -> ()
    %dma_start3A = arith.constant 0 : i32
    %dma_start3A_9 = tpu.memref_slice %arg5[%dma_start3A] : memref<2352xi32, #tpu.memory_space<vmem>> -> memref<112xi32, #tpu.memory_space<vmem>>
    %dma_start3A_10 = arith.constant 0 : i32
    %dma_start3A_11 = arith.constant 0 : i32
    %dma_start3A_12 = tpu.memref_slice %arg2[%dma_start3A_10, %dma_start3A_11] : memref<40962x256xf32, #tpu.memory_space<hbm>> -> memref<40962x256xf32, #tpu.memory_space<hbm>>
    tpu.enqueue_indirect_dma source(%dma_start3A_12 : memref<40962x256xf32, #tpu.memory_space<hbm>>) target(%arg6 : memref<112x256xf32, #tpu.memory_space<vmem>>) offsets(%dma_start3A_9 : memref<112xi32, #tpu.memory_space<vmem>>) semaphore(%arg12 : memref<!tpu.dma_semaphore, #tpu.memory_space<semaphore_mem>>)
    %dma_start3A_13 = arith.constant 112 : i32
    %dma_start3A_14 = tpu.memref_slice %arg5[%dma_start3A_13] : memref<2352xi32, #tpu.memory_space<vmem>> -> memref<112xi32, #tpu.memory_space<vmem>>
    %dma_start3A_15 = arith.constant 0 : i32
    %dma_start3A_16 = arith.constant 0 : i32
    %dma_start3A_17 = tpu.memref_slice %arg2[%dma_start3A_15, %dma_start3A_16] : memref<40962x256xf32, #tpu.memory_space<hbm>> -> memref<40962x256xf32, #tpu.memory_space<hbm>>
    tpu.enqueue_indirect_dma source(%dma_start3A_17 : memref<40962x256xf32, #tpu.memory_space<hbm>>) target(%arg7 : memref<112x256xf32, #tpu.memory_space<vmem>>) offsets(%dma_start3A_14 : memref<112xi32, #tpu.memory_space<vmem>>) semaphore(%arg13 : memref<!tpu.dma_semaphore, #tpu.memory_space<semaphore_mem>>)
    %scan3A = arith.constant 0 : i32
    %scan3A_18 = arith.constant 0 : i32
    %scan3A_19 = arith.constant 7 : i32
    %scan3A_20 = arith.addi %scan3A_18, %scan3A_19 : i32
    %scan3A_21 = arith.constant 1 : i32
    scf.for %scan3A_40 = %scan3A_18 to %scan3A_20 step %scan3A_21  : i32 {
      %mul3A_41 = arith.constant 3 : i32
      %mul3A_42 = arith.muli %mul3A_41, %scan3A_40 : i32
      %add3A_43 = arith.constant 2 : i32
      %add3A_44 = arith.addi %mul3A_42, %add3A_43 : i32
      %lt3A = arith.constant 21 : i32
      %lt3A_45 = arith.cmpi slt, %add3A_44, %lt3A : i32
      %convert_element_type3A = arith.extui %lt3A_45 : i1 to i32
      %cond3A = arith.constant 0 : i32
      %cond3A_46 = arith.cmpi ne, %convert_element_type3A, %cond3A : i32
      scf.if %cond3A_46 {
        %add3A_141 = arith.constant 2 : i32
        %add3A_142 = arith.addi %mul3A_42, %add3A_141 : i32
        %mul3A_143 = arith.constant 16 : i32
        %mul3A_144 = arith.muli %add3A_142, %mul3A_143 : i32
        %mul3A_145 = arith.constant 7 : i32
        %mul3A_146 = arith.muli %mul3A_144, %mul3A_145 : i32
        %dma_start3A_147 = tpu.memref_slice %arg5[%mul3A_146] : memref<2352xi32, #tpu.memory_space<vmem>> -> memref<112xi32, #tpu.memory_space<vmem>>
        %dma_start3A_148 = arith.constant 0 : i32
        %dma_start3A_149 = arith.constant 0 : i32
        %dma_start3A_150 = tpu.memref_slice %arg2[%dma_start3A_148, %dma_start3A_149] : memref<40962x256xf32, #tpu.memory_space<hbm>> -> memref<40962x256xf32, #tpu.memory_space<hbm>>
        tpu.enqueue_indirect_dma source(%dma_start3A_150 : memref<40962x256xf32, #tpu.memory_space<hbm>>) target(%arg8 : memref<112x256xf32, #tpu.memory_space<vmem>>) offsets(%dma_start3A_147 : memref<112xi32, #tpu.memory_space<vmem>>) semaphore(%arg14 : memref<!tpu.dma_semaphore, #tpu.memory_space<semaphore_mem>>)
      } else {
      }
      %dma_wait3A_47 = arith.constant 0 : i32
      %dma_wait3A_48 = arith.constant 0 : i32
      %dma_wait3A_49 = tpu.memref_slice %arg2[%dma_wait3A_47, %dma_wait3A_48] : memref<40962x256xf32, #tpu.memory_space<hbm>> -> memref<112x256xf32, #tpu.memory_space<hbm>>
      %dma_wait3A_50 = arith.constant 0 : i32
      %dma_wait3A_51 = arith.constant 0 : i32
      %dma_wait3A_52 = tpu.memref_slice %arg2[%dma_wait3A_50, %dma_wait3A_51] : memref<40962x256xf32, #tpu.memory_space<hbm>> -> memref<112x256xf32, #tpu.memory_space<hbm>>
      tpu.wait_dma2 semaphore(%arg12 : memref<!tpu.dma_semaphore, #tpu.memory_space<semaphore_mem>>) src(%dma_wait3A_52 : memref<112x256xf32, #tpu.memory_space<hbm>>) dst(%arg6 : memref<112x256xf32, #tpu.memory_space<vmem>>)
      %ge3A = arith.constant 3 : i32
      %ge3A_53 = arith.cmpi sge, %mul3A_42, %ge3A : i32
      %convert_element_type3A_54 = arith.extui %ge3A_53 : i1 to i32
      %cond3A_55 = arith.constant 0 : i32
      %cond3A_56 = arith.cmpi ne, %convert_element_type3A_54, %cond3A_55 : i32
      scf.if %cond3A_56 {
        %dma_wait3A_141 = arith.constant 0 : i32
        %dma_wait3A_142 = arith.constant 0 : i32
        %dma_wait3A_143 = tpu.memref_slice %arg4[%dma_wait3A_141, %dma_wait3A_142] : memref<10242x256xf32, #tpu.memory_space<hbm>> -> memref<16x256xf32, #tpu.memory_space<hbm>>
        %dma_wait3A_144 = arith.constant 0 : i32
        %dma_wait3A_145 = arith.constant 0 : i32
        %dma_wait3A_146 = tpu.memref_slice %arg4[%dma_wait3A_144, %dma_wait3A_145] : memref<10242x256xf32, #tpu.memory_space<hbm>> -> memref<16x256xf32, #tpu.memory_space<hbm>>
        tpu.wait_dma2 semaphore(%arg15 : memref<!tpu.dma_semaphore, #tpu.memory_space<semaphore_mem>>) src(%arg9 : memref<16x256xf32, #tpu.memory_space<vmem>>) dst(%dma_wait3A_146 : memref<16x256xf32, #tpu.memory_space<hbm>>)
      } else {
      }
      %scan3A_57 = arith.constant 0 : i32
      %scan3A_58 = arith.constant 0 : i32
      %scan3A_59 = arith.constant 16 : i32
      %scan3A_60 = arith.addi %scan3A_58, %scan3A_59 : i32
      %scan3A_61 = arith.constant 1 : i32
      scf.for %scan3A_141 = %scan3A_58 to %scan3A_60 step %scan3A_61  : i32 {
        %mul3A_142 = arith.constant 112 : i32
        %mul3A_143 = arith.muli %scan3A_141, %mul3A_142 : i32
        %add3A_144 = vector.broadcast %mul3A_143 : i32 to vector<16xi32>
        %add3A_145 = arith.addi %mul3A_5, %add3A_144 : vector<16xi32>
        %add3A_146 = arith.constant 0 : i32
        %add3A_147 = vector.broadcast %add3A_146 : i32 to vector<16xi32>
        %add3A_148 = arith.addi %add3A_145, %add3A_147 : vector<16xi32>
        %add3A_149 = arith.constant 1 : i32
        %add3A_150 = vector.broadcast %add3A_149 : i32 to vector<16xi32>
        %add3A_151 = arith.addi %add3A_145, %add3A_150 : vector<16xi32>
        %add3A_152 = arith.constant 2 : i32
        %add3A_153 = vector.broadcast %add3A_152 : i32 to vector<16xi32>
        %add3A_154 = arith.addi %add3A_145, %add3A_153 : vector<16xi32>
        %add3A_155 = arith.constant 3 : i32
        %add3A_156 = vector.broadcast %add3A_155 : i32 to vector<16xi32>
        %add3A_157 = arith.addi %add3A_145, %add3A_156 : vector<16xi32>
        %add3A_158 = arith.constant 4 : i32
        %add3A_159 = vector.broadcast %add3A_158 : i32 to vector<16xi32>
        %add3A_160 = arith.addi %add3A_145, %add3A_159 : vector<16xi32>
        %add3A_161 = arith.constant 5 : i32
        %add3A_162 = vector.broadcast %add3A_161 : i32 to vector<16xi32>
        %add3A_163 = arith.addi %add3A_145, %add3A_162 : vector<16xi32>
        %add3A_164 = arith.constant 6 : i32
        %add3A_165 = vector.broadcast %add3A_164 : i32 to vector<16xi32>
        %add3A_166 = arith.addi %add3A_145, %add3A_165 : vector<16xi32>
        %add3A_167 = arith.constant 0 : i32
        %add3A_168 = vector.broadcast %add3A_167 : i32 to vector<16xi32>
        %add3A_169 = arith.addi %add3A_148, %add3A_168 : vector<16xi32>
        %gather3A = tpu.vector_load_idx %arg6[%broadcast_in_dim3A_6, %add3A_169] : memref<112x256xf32, #tpu.memory_space<vmem>>[vector<16xi32>, vector<16xi32>], vector<16xf32>,
        %add3A_170 = arith.constant 0 : i32
        %add3A_171 = vector.broadcast %add3A_170 : i32 to vector<16xi32>
        %add3A_172 = arith.addi %add3A_151, %add3A_171 : vector<16xi32>
        %gather3A_173 = tpu.vector_load_idx %arg6[%broadcast_in_dim3A_6, %add3A_172] : memref<112x256xf32, #tpu.memory_space<vmem>>[vector<16xi32>, vector<16xi32>], vector<16xf32>,
        %add3A_174 = arith.constant 0 : i32
        %add3A_175 = vector.broadcast %add3A_174 : i32 to vector<16xi32>
        %add3A_176 = arith.addi %add3A_154, %add3A_175 : vector<16xi32>
        %gather3A_177 = tpu.vector_load_idx %arg6[%broadcast_in_dim3A_6, %add3A_176] : memref<112x256xf32, #tpu.memory_space<vmem>>[vector<16xi32>, vector<16xi32>], vector<16xf32>,
        %add3A_178 = arith.constant 0 : i32
        %add3A_179 = vector.broadcast %add3A_178 : i32 to vector<16xi32>
        %add3A_180 = arith.addi %add3A_157, %add3A_179 : vector<16xi32>
        %gather3A_181 = tpu.vector_load_idx %arg6[%broadcast_in_dim3A_6, %add3A_180] : memref<112x256xf32, #tpu.memory_space<vmem>>[vector<16xi32>, vector<16xi32>], vector<16xf32>,
        %add3A_182 = arith.constant 0 : i32
        %add3A_183 = vector.broadcast %add3A_182 : i32 to vector<16xi32>
        %add3A_184 = arith.addi %add3A_160, %add3A_183 : vector<16xi32>
        %gather3A_185 = tpu.vector_load_idx %arg6[%broadcast_in_dim3A_6, %add3A_184] : memref<112x256xf32, #tpu.memory_space<vmem>>[vector<16xi32>, vector<16xi32>], vector<16xf32>,
        %add3A_186 = arith.constant 0 : i32
        %add3A_187 = vector.broadcast %add3A_186 : i32 to vector<16xi32>
        %add3A_188 = arith.addi %add3A_163, %add3A_187 : vector<16xi32>
        %gather3A_189 = tpu.vector_load_idx %arg6[%broadcast_in_dim3A_6, %add3A_188] : memref<112x256xf32, #tpu.memory_space<vmem>>[vector<16xi32>, vector<16xi32>], vector<16xf32>,
        %add3A_190 = arith.constant 0 : i32
        %add3A_191 = vector.broadcast %add3A_190 : i32 to vector<16xi32>
        %add3A_192 = arith.addi %add3A_166, %add3A_191 : vector<16xi32>
        %gather3A_193 = tpu.vector_load_idx %arg6[%broadcast_in_dim3A_6, %add3A_192] : memref<112x256xf32, #tpu.memory_space<vmem>>[vector<16xi32>, vector<16xi32>], vector<16xf32>,
        %add3A_194 = arith.constant 1792 : i32
        %add3A_195 = vector.broadcast %add3A_194 : i32 to vector<16xi32>
        %add3A_196 = arith.addi %add3A_148, %add3A_195 : vector<16xi32>
        %gather3A_197 = tpu.vector_load_idx %arg6[%broadcast_in_dim3A_6, %add3A_196] : memref<112x256xf32, #tpu.memory_space<vmem>>[vector<16xi32>, vector<16xi32>], vector<16xf32>,
        %add3A_198 = arith.constant 1792 : i32
        %add3A_199 = vector.broadcast %add3A_198 : i32 to vector<16xi32>
        %add3A_200 = arith.addi %add3A_151, %add3A_199 : vector<16xi32>
        %gather3A_201 = tpu.vector_load_idx %arg6[%broadcast_in_dim3A_6, %add3A_200] : memref<112x256xf32, #tpu.memory_space<vmem>>[vector<16xi32>, vector<16xi32>], vector<16xf32>,
        %add3A_202 = arith.constant 1792 : i32
        %add3A_203 = vector.broadcast %add3A_202 : i32 to vector<16xi32>
        %add3A_204 = arith.addi %add3A_154, %add3A_203 : vector<16xi32>
        %gather3A_205 = tpu.vector_load_idx %arg6[%broadcast_in_dim3A_6, %add3A_204] : memref<112x256xf32, #tpu.memory_space<vmem>>[vector<16xi32>, vector<16xi32>], vector<16xf32>,
        %add3A_206 = arith.constant 1792 : i32
        %add3A_207 = vector.broadcast %add3A_206 : i32 to vector<16xi32>
        %add3A_208 = arith.addi %add3A_157, %add3A_207 : vector<16xi32>
        %gather3A_209 = tpu.vector_load_idx %arg6[%broadcast_in_dim3A_6, %add3A_208] : memref<112x256xf32, #tpu.memory_space<vmem>>[vector<16xi32>, vector<16xi32>], vector<16xf32>,
        %add3A_210 = arith.constant 1792 : i32
        %add3A_211 = vector.broadcast %add3A_210 : i32 to vector<16xi32>
        %add3A_212 = arith.addi %add3A_160, %add3A_211 : vector<16xi32>
        %gather3A_213 = tpu.vector_load_idx %arg6[%broadcast_in_dim3A_6, %add3A_212] : memref<112x256xf32, #tpu.memory_space<vmem>>[vector<16xi32>, vector<16xi32>], vector<16xf32>,
        %add3A_214 = arith.constant 1792 : i32
        %add3A_215 = vector.broadcast %add3A_214 : i32 to vector<16xi32>
        %add3A_216 = arith.addi %add3A_163, %add3A_215 : vector<16xi32>
        %gather3A_217 = tpu.vector_load_idx %arg6[%broadcast_in_dim3A_6, %add3A_216] : memref<112x256xf32, #tpu.memory_space<vmem>>[vector<16xi32>, vector<16xi32>], vector<16xf32>,
        %add3A_218 = arith.constant 1792 : i32
        %add3A_219 = vector.broadcast %add3A_218 : i32 to vector<16xi32>
        %add3A_220 = arith.addi %add3A_166, %add3A_219 : vector<16xi32>
        %gather3A_221 = tpu.vector_load_idx %arg6[%broadcast_in_dim3A_6, %add3A_220] : memref<112x256xf32, #tpu.memory_space<vmem>>[vector<16xi32>, vector<16xi32>], vector<16xf32>,
        %add3A_222 = arith.constant 3584 : i32
        %add3A_223 = vector.broadcast %add3A_222 : i32 to vector<16xi32>
        %add3A_224 = arith.addi %add3A_148, %add3A_223 : vector<16xi32>
        %gather3A_225 = tpu.vector_load_idx %arg6[%broadcast_in_dim3A_6, %add3A_224] : memref<112x256xf32, #tpu.memory_space<vmem>>[vector<16xi32>, vector<16xi32>], vector<16xf32>,
        %add3A_226 = arith.constant 3584 : i32
        %add3A_227 = vector.broadcast %add3A_226 : i32 to vector<16xi32>
        %add3A_228 = arith.addi %add3A_151, %add3A_227 : vector<16xi32>
        %gather3A_229 = tpu.vector_load_idx %arg6[%broadcast_in_dim3A_6, %add3A_228] : memref<112x256xf32, #tpu.memory_space<vmem>>[vector<16xi32>, vector<16xi32>], vector<16xf32>,
        %add3A_230 = arith.constant 3584 : i32
        %add3A_231 = vector.broadcast %add3A_230 : i32 to vector<16xi32>
        %add3A_232 = arith.addi %add3A_154, %add3A_231 : vector<16xi32>
        %gather3A_233 = tpu.vector_load_idx %arg6[%broadcast_in_dim3A_6, %add3A_232] : memref<112x256xf32, #tpu.memory_space<vmem>>[vector<16xi32>, vector<16xi32>], vector<16xf32>,
        %add3A_234 = arith.constant 3584 : i32
        %add3A_235 = vector.broadcast %add3A_234 : i32 to vector<16xi32>
        %add3A_236 = arith.addi %add3A_157, %add3A_235 : vector<16xi32>
        %gather3A_237 = tpu.vector_load_idx %arg6[%broadcast_in_dim3A_6, %add3A_236] : memref<112x256xf32, #tpu.memory_space<vmem>>[vector<16xi32>, vector<16xi32>], vector<16xf32>,
        %add3A_238 = arith.constant 3584 : i32
        %add3A_239 = vector.broadcast %add3A_238 : i32 to vector<16xi32>
        %add3A_240 = arith.addi %add3A_160, %add3A_239 : vector<16xi32>
        %gather3A_241 = tpu.vector_load_idx %arg6[%broadcast_in_dim3A_6, %add3A_240] : memref<112x256xf32, #tpu.memory_space<vmem>>[vector<16xi32>, vector<16xi32>], vector<16xf32>,
        %add3A_242 = arith.constant 3584 : i32
        %add3A_243 = vector.broadcast %add3A_242 : i32 to vector<16xi32>
        %add3A_244 = arith.addi %add3A_163, %add3A_243 : vector<16xi32>
        %gather3A_245 = tpu.vector_load_idx %arg6[%broadcast_in_dim3A_6, %add3A_244] : memref<112x256xf32, #tpu.memory_space<vmem>>[vector<16xi32>, vector<16xi32>], vector<16xf32>,
        %add3A_246 = arith.constant 3584 : i32
        %add3A_247 = vector.broadcast %add3A_246 : i32 to vector<16xi32>
        %add3A_248 = arith.addi %add3A_166, %add3A_247 : vector<16xi32>
        %gather3A_249 = tpu.vector_load_idx %arg6[%broadcast_in_dim3A_6, %add3A_248] : memref<112x256xf32, #tpu.memory_space<vmem>>[vector<16xi32>, vector<16xi32>], vector<16xf32>,
        %add3A_250 = arith.constant 5376 : i32
        %add3A_251 = vector.broadcast %add3A_250 : i32 to vector<16xi32>
        %add3A_252 = arith.addi %add3A_148, %add3A_251 : vector<16xi32>
        %gather3A_253 = tpu.vector_load_idx %arg6[%broadcast_in_dim3A_6, %add3A_252] : memref<112x256xf32, #tpu.memory_space<vmem>>[vector<16xi32>, vector<16xi32>], vector<16xf32>,
        %add3A_254 = arith.constant 5376 : i32
        %add3A_255 = vector.broadcast %add3A_254 : i32 to vector<16xi32>
        %add3A_256 = arith.addi %add3A_151, %add3A_255 : vector<16xi32>
        %gather3A_257 = tpu.vector_load_idx %arg6[%broadcast_in_dim3A_6, %add3A_256] : memref<112x256xf32, #tpu.memory_space<vmem>>[vector<16xi32>, vector<16xi32>], vector<16xf32>,
        %add3A_258 = arith.constant 5376 : i32
        %add3A_259 = vector.broadcast %add3A_258 : i32 to vector<16xi32>
        %add3A_260 = arith.addi %add3A_154, %add3A_259 : vector<16xi32>
        %gather3A_261 = tpu.vector_load_idx %arg6[%broadcast_in_dim3A_6, %add3A_260] : memref<112x256xf32, #tpu.memory_space<vmem>>[vector<16xi32>, vector<16xi32>], vector<16xf32>,
        %add3A_262 = arith.constant 5376 : i32
        %add3A_263 = vector.broadcast %add3A_262 : i32 to vector<16xi32>
        %add3A_264 = arith.addi %add3A_157, %add3A_263 : vector<16xi32>
        %gather3A_265 = tpu.vector_load_idx %arg6[%broadcast_in_dim3A_6, %add3A_264] : memref<112x256xf32, #tpu.memory_space<vmem>>[vector<16xi32>, vector<16xi32>], vector<16xf32>,
        %add3A_266 = arith.constant 5376 : i32
        %add3A_267 = vector.broadcast %add3A_266 : i32 to vector<16xi32>
        %add3A_268 = arith.addi %add3A_160, %add3A_267 : vector<16xi32>
        %gather3A_269 = tpu.vector_load_idx %arg6[%broadcast_in_dim3A_6, %add3A_268] : memref<112x256xf32, #tpu.memory_space<vmem>>[vector<16xi32>, vector<16xi32>], vector<16xf32>,
        %add3A_270 = arith.constant 5376 : i32
        %add3A_271 = vector.broadcast %add3A_270 : i32 to vector<16xi32>
        %add3A_272 = arith.addi %add3A_163, %add3A_271 : vector<16xi32>
        %gather3A_273 = tpu.vector_load_idx %arg6[%broadcast_in_dim3A_6, %add3A_272] : memref<112x256xf32, #tpu.memory_space<vmem>>[vector<16xi32>, vector<16xi32>], vector<16xf32>,
        %add3A_274 = arith.constant 5376 : i32
        %add3A_275 = vector.broadcast %add3A_274 : i32 to vector<16xi32>
        %add3A_276 = arith.addi %add3A_166, %add3A_275 : vector<16xi32>
        %gather3A_277 = tpu.vector_load_idx %arg6[%broadcast_in_dim3A_6, %add3A_276] : memref<112x256xf32, #tpu.memory_space<vmem>>[vector<16xi32>, vector<16xi32>], vector<16xf32>,
        %add3A_278 = arith.addf %gather3A, %gather3A_173 : vector<16xf32>
        %add3A_279 = arith.addf %gather3A_197, %gather3A_201 : vector<16xf32>
        %add3A_280 = arith.addf %gather3A_225, %gather3A_229 : vector<16xf32>
        %add3A_281 = arith.addf %gather3A_253, %gather3A_257 : vector<16xf32>
        %add3A_282 = arith.addf %gather3A_177, %gather3A_181 : vector<16xf32>
        %add3A_283 = arith.addf %gather3A_205, %gather3A_209 : vector<16xf32>
        %add3A_284 = arith.addf %gather3A_233, %gather3A_237 : vector<16xf32>
        %add3A_285 = arith.addf %gather3A_261, %gather3A_265 : vector<16xf32>
        %add3A_286 = arith.addf %gather3A_185, %gather3A_189 : vector<16xf32>
        %add3A_287 = arith.addf %gather3A_213, %gather3A_217 : vector<16xf32>
        %add3A_288 = arith.addf %gather3A_241, %gather3A_245 : vector<16xf32>
        %add3A_289 = arith.addf %gather3A_269, %gather3A_273 : vector<16xf32>
        %add3A_290 = arith.addf %add3A_278, %add3A_282 : vector<16xf32>
        %add3A_291 = arith.addf %add3A_279, %add3A_283 : vector<16xf32>
        %add3A_292 = arith.addf %add3A_280, %add3A_284 : vector<16xf32>
        %add3A_293 = arith.addf %add3A_281, %add3A_285 : vector<16xf32>
        %add3A_294 = arith.addf %add3A_286, %gather3A_193 : vector<16xf32>
        %add3A_295 = arith.addf %add3A_287, %gather3A_221 : vector<16xf32>
        %add3A_296 = arith.addf %add3A_288, %gather3A_249 : vector<16xf32>
        %add3A_297 = arith.addf %add3A_289, %gather3A_277 : vector<16xf32>
        %add3A_298 = arith.addf %add3A_290, %add3A_294 : vector<16xf32>
        %mul3A_299 = arith.constant 0.142857149 : f32
        %mul3A_300 = vector.broadcast %mul3A_299 : f32 to vector<16xf32>
        %mul3A_301 = arith.mulf %add3A_298, %mul3A_300 : vector<16xf32>
        %mul3A_302 = arith.constant 16 : i32
        %mul3A_303 = arith.muli %scan3A_141, %mul3A_302 : i32
        %swap3A = arith.constant 0 : i32
        %swap3A_304 = arith.index_cast %swap3A : i32 to index
        %swap3A_305 = arith.index_cast %mul3A_303 : i32 to index
        %swap3A_306 = tpu.vector_load %arg9[%swap3A_304, %swap3A_305] {strides = array<i32>} : memref<16x256xf32, #tpu.memory_space<vmem>>, vector<16xf32>,
        tpu.vector_store %arg9[%swap3A_304, %swap3A_305], %mul3A_301 {strides = array<i32>} : memref<16x256xf32, #tpu.memory_space<vmem>>, vector<16xf32>,
        %add3A_307 = arith.addf %add3A_291, %add3A_295 : vector<16xf32>
        %mul3A_308 = arith.constant 0.142857149 : f32
        %mul3A_309 = vector.broadcast %mul3A_308 : f32 to vector<16xf32>
        %mul3A_310 = arith.mulf %add3A_307, %mul3A_309 : vector<16xf32>
        %mul3A_311 = arith.constant 16 : i32
        %mul3A_312 = arith.muli %scan3A_141, %mul3A_311 : i32
        %swap3A_313 = arith.constant 1 : i32
        %swap3A_314 = arith.index_cast %swap3A_313 : i32 to index
        %swap3A_315 = arith.index_cast %mul3A_312 : i32 to index
        %swap3A_316 = tpu.vector_load %arg9[%swap3A_314, %swap3A_315] {strides = array<i32>} : memref<16x256xf32, #tpu.memory_space<vmem>>, vector<16xf32>,
        tpu.vector_store %arg9[%swap3A_314, %swap3A_315], %mul3A_310 {strides = array<i32>} : memref<16x256xf32, #tpu.memory_space<vmem>>, vector<16xf32>,
        %add3A_317 = arith.addf %add3A_292, %add3A_296 : vector<16xf32>
        %mul3A_318 = arith.constant 0.142857149 : f32
        %mul3A_319 = vector.broadcast %mul3A_318 : f32 to vector<16xf32>
        %mul3A_320 = arith.mulf %add3A_317, %mul3A_319 : vector<16xf32>
        %mul3A_321 = arith.constant 16 : i32
        %mul3A_322 = arith.muli %scan3A_141, %mul3A_321 : i32
        %swap3A_323 = arith.constant 2 : i32
        %swap3A_324 = arith.index_cast %swap3A_323 : i32 to index
        %swap3A_325 = arith.index_cast %mul3A_322 : i32 to index
        %swap3A_326 = tpu.vector_load %arg9[%swap3A_324, %swap3A_325] {strides = array<i32>} : memref<16x256xf32, #tpu.memory_space<vmem>>, vector<16xf32>,
        tpu.vector_store %arg9[%swap3A_324, %swap3A_325], %mul3A_320 {strides = array<i32>} : memref<16x256xf32, #tpu.memory_space<vmem>>, vector<16xf32>,
        %add3A_327 = arith.addf %add3A_293, %add3A_297 : vector<16xf32>
        %mul3A_328 = arith.constant 0.142857149 : f32
        %mul3A_329 = vector.broadcast %mul3A_328 : f32 to vector<16xf32>
        %mul3A_330 = arith.mulf %add3A_327, %mul3A_329 : vector<16xf32>
        %mul3A_331 = arith.constant 16 : i32
        %mul3A_332 = arith.muli %scan3A_141, %mul3A_331 : i32
        %swap3A_333 = arith.constant 3 : i32
        %swap3A_334 = arith.index_cast %swap3A_333 : i32 to index
        %swap3A_335 = arith.index_cast %mul3A_332 : i32 to index
        %swap3A_336 = tpu.vector_load %arg9[%swap3A_334, %swap3A_335] {strides = array<i32>} : memref<16x256xf32, #tpu.memory_space<vmem>>, vector<16xf32>,
        tpu.vector_store %arg9[%swap3A_334, %swap3A_335], %mul3A_330 {strides = array<i32>} : memref<16x256xf32, #tpu.memory_space<vmem>>, vector<16xf32>,
        %add3A_337 = arith.constant 7168 : i32
        %add3A_338 = vector.broadcast %add3A_337 : i32 to vector<16xi32>
        %add3A_339 = arith.addi %add3A_148, %add3A_338 : vector<16xi32>
        %gather3A_340 = tpu.vector_load_idx %arg6[%broadcast_in_dim3A_6, %add3A_339] : memref<112x256xf32, #tpu.memory_space<vmem>>[vector<16xi32>, vector<16xi32>], vector<16xf32>,
        %add3A_341 = arith.constant 7168 : i32
        %add3A_342 = vector.broadcast %add3A_341 : i32 to vector<16xi32>
        %add3A_343 = arith.addi %add3A_151, %add3A_342 : vector<16xi32>
        %gather3A_344 = tpu.vector_load_idx %arg6[%broadcast_in_dim3A_6, %add3A_343] : memref<112x256xf32, #tpu.memory_space<vmem>>[vector<16xi32>, vector<16xi32>], vector<16xf32>,
        %add3A_345 = arith.constant 7168 : i32
        %add3A_346 = vector.broadcast %add3A_345 : i32 to vector<16xi32>
        %add3A_347 = arith.addi %add3A_154, %add3A_346 : vector<16xi32>
        %gather3A_348 = tpu.vector_load_idx %arg6[%broadcast_in_dim3A_6, %add3A_347] : memref<112x256xf32, #tpu.memory_space<vmem>>[vector<16xi32>, vector<16xi32>], vector<16xf32>,
        %add3A_349 = arith.constant 7168 : i32
        %add3A_350 = vector.broadcast %add3A_349 : i32 to vector<16xi32>
        %add3A_351 = arith.addi %add3A_157, %add3A_350 : vector<16xi32>
        %gather3A_352 = tpu.vector_load_idx %arg6[%broadcast_in_dim3A_6, %add3A_351] : memref<112x256xf32, #tpu.memory_space<vmem>>[vector<16xi32>, vector<16xi32>], vector<16xf32>,
        %add3A_353 = arith.constant 7168 : i32
        %add3A_354 = vector.broadcast %add3A_353 : i32 to vector<16xi32>
        %add3A_355 = arith.addi %add3A_160, %add3A_354 : vector<16xi32>
        %gather3A_356 = tpu.vector_load_idx %arg6[%broadcast_in_dim3A_6, %add3A_355] : memref<112x256xf32, #tpu.memory_space<vmem>>[vector<16xi32>, vector<16xi32>], vector<16xf32>,
        %add3A_357 = arith.constant 7168 : i32
        %add3A_358 = vector.broadcast %add3A_357 : i32 to vector<16xi32>
        %add3A_359 = arith.addi %add3A_163, %add3A_358 : vector<16xi32>
        %gather3A_360 = tpu.vector_load_idx %arg6[%broadcast_in_dim3A_6, %add3A_359] : memref<112x256xf32, #tpu.memory_space<vmem>>[vector<16xi32>, vector<16xi32>], vector<16xf32>,
        %add3A_361 = arith.constant 7168 : i32
        %add3A_362 = vector.broadcast %add3A_361 : i32 to vector<16xi32>
        %add3A_363 = arith.addi %add3A_166, %add3A_362 : vector<16xi32>
        %gather3A_364 = tpu.vector_load_idx %arg6[%broadcast_in_dim3A_6, %add3A_363] : memref<112x256xf32, #tpu.memory_space<vmem>>[vector<16xi32>, vector<16xi32>], vector<16xf32>,
        %add3A_365 = arith.constant 8960 : i32
        %add3A_366 = vector.broadcast %add3A_365 : i32 to vector<16xi32>
        %add3A_367 = arith.addi %add3A_148, %add3A_366 : vector<16xi32>
        %gather3A_368 = tpu.vector_load_idx %arg6[%broadcast_in_dim3A_6, %add3A_367] : memref<112x256xf32, #tpu.memory_space<vmem>>[vector<16xi32>, vector<16xi32>], vector<16xf32>,
        %add3A_369 = arith.constant 8960 : i32
        %add3A_370 = vector.broadcast %add3A_369 : i32 to vector<16xi32>
        %add3A_371 = arith.addi %add3A_151, %add3A_370 : vector<16xi32>
        %gather3A_372 = tpu.vector_load_idx %arg6[%broadcast_in_dim3A_6, %add3A_371] : memref<112x256xf32, #tpu.memory_space<vmem>>[vector<16xi32>, vector<16xi32>], vector<16xf32>,
        %add3A_373 = arith.constant 8960 : i32
        %add3A_374 = vector.broadcast %add3A_373 : i32 to vector<16xi32>
        %add3A_375 = arith.addi %add3A_154, %add3A_374 : vector<16xi32>
        %gather3A_376 = tpu.vector_load_idx %arg6[%broadcast_in_dim3A_6, %add3A_375] : memref<112x256xf32, #tpu.memory_space<vmem>>[vector<16xi32>, vector<16xi32>], vector<16xf32>,
        %add3A_377 = arith.constant 8960 : i32
        %add3A_378 = vector.broadcast %add3A_377 : i32 to vector<16xi32>
        %add3A_379 = arith.addi %add3A_157, %add3A_378 : vector<16xi32>
        %gather3A_380 = tpu.vector_load_idx %arg6[%broadcast_in_dim3A_6, %add3A_379] : memref<112x256xf32, #tpu.memory_space<vmem>>[vector<16xi32>, vector<16xi32>], vector<16xf32>,
        %add3A_381 = arith.constant 8960 : i32
        %add3A_382 = vector.broadcast %add3A_381 : i32 to vector<16xi32>
        %add3A_383 = arith.addi %add3A_160, %add3A_382 : vector<16xi32>
        %gather3A_384 = tpu.vector_load_idx %arg6[%broadcast_in_dim3A_6, %add3A_383] : memref<112x256xf32, #tpu.memory_space<vmem>>[vector<16xi32>, vector<16xi32>], vector<16xf32>,
        %add3A_385 = arith.constant 8960 : i32
        %add3A_386 = vector.broadcast %add3A_385 : i32 to vector<16xi32>
        %add3A_387 = arith.addi %add3A_163, %add3A_386 : vector<16xi32>
        %gather3A_388 = tpu.vector_load_idx %arg6[%broadcast_in_dim3A_6, %add3A_387] : memref<112x256xf32, #tpu.memory_space<vmem>>[vector<16xi32>, vector<16xi32>], vector<16xf32>,
        %add3A_389 = arith.constant 8960 : i32
        %add3A_390 = vector.broadcast %add3A_389 : i32 to vector<16xi32>
        %add3A_391 = arith.addi %add3A_166, %add3A_390 : vector<16xi32>
        %gather3A_392 = tpu.vector_load_idx %arg6[%broadcast_in_dim3A_6, %add3A_391] : memref<112x256xf32, #tpu.memory_space<vmem>>[vector<16xi32>, vector<16xi32>], vector<16xf32>,
        %add3A_393 = arith.constant 10752 : i32
        %add3A_394 = vector.broadcast %add3A_393 : i32 to vector<16xi32>
        %add3A_395 = arith.addi %add3A_148, %add3A_394 : vector<16xi32>
        %gather3A_396 = tpu.vector_load_idx %arg6[%broadcast_in_dim3A_6, %add3A_395] : memref<112x256xf32, #tpu.memory_space<vmem>>[vector<16xi32>, vector<16xi32>], vector<16xf32>,
        %add3A_397 = arith.constant 10752 : i32
        %add3A_398 = vector.broadcast %add3A_397 : i32 to vector<16xi32>
        %add3A_399 = arith.addi %add3A_151, %add3A_398 : vector<16xi32>
        %gather3A_400 = tpu.vector_load_idx %arg6[%broadcast_in_dim3A_6, %add3A_399] : memref<112x256xf32, #tpu.memory_space<vmem>>[vector<16xi32>, vector<16xi32>], vector<16xf32>,
        %add3A_401 = arith.constant 10752 : i32
        %add3A_402 = vector.broadcast %add3A_401 : i32 to vector<16xi32>
        %add3A_403 = arith.addi %add3A_154, %add3A_402 : vector<16xi32>
        %gather3A_404 = tpu.vector_load_idx %arg6[%broadcast_in_dim3A_6, %add3A_403] : memref<112x256xf32, #tpu.memory_space<vmem>>[vector<16xi32>, vector<16xi32>], vector<16xf32>,
        %add3A_405 = arith.constant 10752 : i32
        %add3A_406 = vector.broadcast %add3A_405 : i32 to vector<16xi32>
        %add3A_407 = arith.addi %add3A_157, %add3A_406 : vector<16xi32>
        %gather3A_408 = tpu.vector_load_idx %arg6[%broadcast_in_dim3A_6, %add3A_407] : memref<112x256xf32, #tpu.memory_space<vmem>>[vector<16xi32>, vector<16xi32>], vector<16xf32>,
        %add3A_409 = arith.constant 10752 : i32
        %add3A_410 = vector.broadcast %add3A_409 : i32 to vector<16xi32>
        %add3A_411 = arith.addi %add3A_160, %add3A_410 : vector<16xi32>
        %gather3A_412 = tpu.vector_load_idx %arg6[%broadcast_in_dim3A_6, %add3A_411] : memref<112x256xf32, #tpu.memory_space<vmem>>[vector<16xi32>, vector<16xi32>], vector<16xf32>,
        %add3A_413 = arith.constant 10752 : i32
        %add3A_414 = vector.broadcast %add3A_413 : i32 to vector<16xi32>
        %add3A_415 = arith.addi %add3A_163, %add3A_414 : vector<16xi32>
        %gather3A_416 = tpu.vector_load_idx %arg6[%broadcast_in_dim3A_6, %add3A_415] : memref<112x256xf32, #tpu.memory_space<vmem>>[vector<16xi32>, vector<16xi32>], vector<16xf32>,
        %add3A_417 = arith.constant 10752 : i32
        %add3A_418 = vector.broadcast %add3A_417 : i32 to vector<16xi32>
        %add3A_419 = arith.addi %add3A_166, %add3A_418 : vector<16xi32>
        %gather3A_420 = tpu.vector_load_idx %arg6[%broadcast_in_dim3A_6, %add3A_419] : memref<112x256xf32, #tpu.memory_space<vmem>>[vector<16xi32>, vector<16xi32>], vector<16xf32>,
        %add3A_421 = arith.constant 12544 : i32
        %add3A_422 = vector.broadcast %add3A_421 : i32 to vector<16xi32>
        %add3A_423 = arith.addi %add3A_148, %add3A_422 : vector<16xi32>
        %gather3A_424 = tpu.vector_load_idx %arg6[%broadcast_in_dim3A_6, %add3A_423] : memref<112x256xf32, #tpu.memory_space<vmem>>[vector<16xi32>, vector<16xi32>], vector<16xf32>,
        %add3A_425 = arith.constant 12544 : i32
        %add3A_426 = vector.broadcast %add3A_425 : i32 to vector<16xi32>
        %add3A_427 = arith.addi %add3A_151, %add3A_426 : vector<16xi32>
        %gather3A_428 = tpu.vector_load_idx %arg6[%broadcast_in_dim3A_6, %add3A_427] : memref<112x256xf32, #tpu.memory_space<vmem>>[vector<16xi32>, vector<16xi32>], vector<16xf32>,
        %add3A_429 = arith.constant 12544 : i32
        %add3A_430 = vector.broadcast %add3A_429 : i32 to vector<16xi32>
        %add3A_431 = arith.addi %add3A_154, %add3A_430 : vector<16xi32>
        %gather3A_432 = tpu.vector_load_idx %arg6[%broadcast_in_dim3A_6, %add3A_431] : memref<112x256xf32, #tpu.memory_space<vmem>>[vector<16xi32>, vector<16xi32>], vector<16xf32>,
        %add3A_433 = arith.constant 12544 : i32
        %add3A_434 = vector.broadcast %add3A_433 : i32 to vector<16xi32>
        %add3A_435 = arith.addi %add3A_157, %add3A_434 : vector<16xi32>
        %gather3A_436 = tpu.vector_load_idx %arg6[%broadcast_in_dim3A_6, %add3A_435] : memref<112x256xf32, #tpu.memory_space<vmem>>[vector<16xi32>, vector<16xi32>], vector<16xf32>,
        %add3A_437 = arith.constant 12544 : i32
        %add3A_438 = vector.broadcast %add3A_437 : i32 to vector<16xi32>
        %add3A_439 = arith.addi %add3A_160, %add3A_438 : vector<16xi32>
        %gather3A_440 = tpu.vector_load_idx %arg6[%broadcast_in_dim3A_6, %add3A_439] : memref<112x256xf32, #tpu.memory_space<vmem>>[vector<16xi32>, vector<16xi32>], vector<16xf32>,
        %add3A_441 = arith.constant 12544 : i32
        %add3A_442 = vector.broadcast %add3A_441 : i32 to vector<16xi32>
        %add3A_443 = arith.addi %add3A_163, %add3A_442 : vector<16xi32>
        %gather3A_444 = tpu.vector_load_idx %arg6[%broadcast_in_dim3A_6, %add3A_443] : memref<112x256xf32, #tpu.memory_space<vmem>>[vector<16xi32>, vector<16xi32>], vector<16xf32>,
        %add3A_445 = arith.constant 12544 : i32
        %add3A_446 = vector.broadcast %add3A_445 : i32 to vector<16xi32>
        %add3A_447 = arith.addi %add3A_166, %add3A_446 : vector<16xi32>
        %gather3A_448 = tpu.vector_load_idx %arg6[%broadcast_in_dim3A_6, %add3A_447] : memref<112x256xf32, #tpu.memory_space<vmem>>[vector<16xi32>, vector<16xi32>], vector<16xf32>,
        %add3A_449 = arith.addf %gather3A_340, %gather3A_344 : vector<16xf32>
        %add3A_450 = arith.addf %gather3A_368, %gather3A_372 : vector<16xf32>
        %add3A_451 = arith.addf %gather3A_396, %gather3A_400 : vector<16xf32>
        %add3A_452 = arith.addf %gather3A_424, %gather3A_428 : vector<16xf32>
        %add3A_453 = arith.addf %gather3A_348, %gather3A_352 : vector<16xf32>
        %add3A_454 = arith.addf %gather3A_376, %gather3A_380 : vector<16xf32>
        %add3A_455 = arith.addf %gather3A_404, %gather3A_408 : vector<16xf32>
        %add3A_456 = arith.addf %gather3A_432, %gather3A_436 : vector<16xf32>
        %add3A_457 = arith.addf %gather3A_356, %gather3A_360 : vector<16xf32>
        %add3A_458 = arith.addf %gather3A_384, %gather3A_388 : vector<16xf32>
        %add3A_459 = arith.addf %gather3A_412, %gather3A_416 : vector<16xf32>
        %add3A_460 = arith.addf %gather3A_440, %gather3A_444 : vector<16xf32>
        %add3A_461 = arith.addf %add3A_449, %add3A_453 : vector<16xf32>
        %add3A_462 = arith.addf %add3A_450, %add3A_454 : vector<16xf32>
        %add3A_463 = arith.addf %add3A_451, %add3A_455 : vector<16xf32>
        %add3A_464 = arith.addf %add3A_452, %add3A_456 : vector<16xf32>
        %add3A_465 = arith.addf %add3A_457, %gather3A_364 : vector<16xf32>
        %add3A_466 = arith.addf %add3A_458, %gather3A_392 : vector<16xf32>
        %add3A_467 = arith.addf %add3A_459, %gather3A_420 : vector<16xf32>
        %add3A_468 = arith.addf %add3A_460, %gather3A_448 : vector<16xf32>
        %add3A_469 = arith.addf %add3A_461, %add3A_465 : vector<16xf32>
        %mul3A_470 = arith.constant 0.142857149 : f32
        %mul3A_471 = vector.broadcast %mul3A_470 : f32 to vector<16xf32>
        %mul3A_472 = arith.mulf %add3A_469, %mul3A_471 : vector<16xf32>
        %mul3A_473 = arith.constant 16 : i32
        %mul3A_474 = arith.muli %scan3A_141, %mul3A_473 : i32
        %swap3A_475 = arith.constant 4 : i32
        %swap3A_476 = arith.index_cast %swap3A_475 : i32 to index
        %swap3A_477 = arith.index_cast %mul3A_474 : i32 to index
        %swap3A_478 = tpu.vector_load %arg9[%swap3A_476, %swap3A_477] {strides = array<i32>} : memref<16x256xf32, #tpu.memory_space<vmem>>, vector<16xf32>,
        tpu.vector_store %arg9[%swap3A_476, %swap3A_477], %mul3A_472 {strides = array<i32>} : memref<16x256xf32, #tpu.memory_space<vmem>>, vector<16xf32>,
        %add3A_479 = arith.addf %add3A_462, %add3A_466 : vector<16xf32>
        %mul3A_480 = arith.constant 0.142857149 : f32
        %mul3A_481 = vector.broadcast %mul3A_480 : f32 to vector<16xf32>
        %mul3A_482 = arith.mulf %add3A_479, %mul3A_481 : vector<16xf32>
        %mul3A_483 = arith.constant 16 : i32
        %mul3A_484 = arith.muli %scan3A_141, %mul3A_483 : i32
        %swap3A_485 = arith.constant 5 : i32
        %swap3A_486 = arith.index_cast %swap3A_485 : i32 to index
        %swap3A_487 = arith.index_cast %mul3A_484 : i32 to index
        %swap3A_488 = tpu.vector_load %arg9[%swap3A_486, %swap3A_487] {strides = array<i32>} : memref<16x256xf32, #tpu.memory_space<vmem>>, vector<16xf32>,
        tpu.vector_store %arg9[%swap3A_486, %swap3A_487], %mul3A_482 {strides = array<i32>} : memref<16x256xf32, #tpu.memory_space<vmem>>, vector<16xf32>,
        %add3A_489 = arith.addf %add3A_463, %add3A_467 : vector<16xf32>
        %mul3A_490 = arith.constant 0.142857149 : f32
        %mul3A_491 = vector.broadcast %mul3A_490 : f32 to vector<16xf32>
        %mul3A_492 = arith.mulf %add3A_489, %mul3A_491 : vector<16xf32>
        %mul3A_493 = arith.constant 16 : i32
        %mul3A_494 = arith.muli %scan3A_141, %mul3A_493 : i32
        %swap3A_495 = arith.constant 6 : i32
        %swap3A_496 = arith.index_cast %swap3A_495 : i32 to index
        %swap3A_497 = arith.index_cast %mul3A_494 : i32 to index
        %swap3A_498 = tpu.vector_load %arg9[%swap3A_496, %swap3A_497] {strides = array<i32>} : memref<16x256xf32, #tpu.memory_space<vmem>>, vector<16xf32>,
        tpu.vector_store %arg9[%swap3A_496, %swap3A_497], %mul3A_492 {strides = array<i32>} : memref<16x256xf32, #tpu.memory_space<vmem>>, vector<16xf32>,
        %add3A_499 = arith.addf %add3A_464, %add3A_468 : vector<16xf32>
        %mul3A_500 = arith.constant 0.142857149 : f32
        %mul3A_501 = vector.broadcast %mul3A_500 : f32 to vector<16xf32>
        %mul3A_502 = arith.mulf %add3A_499, %mul3A_501 : vector<16xf32>
        %mul3A_503 = arith.constant 16 : i32
        %mul3A_504 = arith.muli %scan3A_141, %mul3A_503 : i32
        %swap3A_505 = arith.constant 7 : i32
        %swap3A_506 = arith.index_cast %swap3A_505 : i32 to index
        %swap3A_507 = arith.index_cast %mul3A_504 : i32 to index
        %swap3A_508 = tpu.vector_load %arg9[%swap3A_506, %swap3A_507] {strides = array<i32>} : memref<16x256xf32, #tpu.memory_space<vmem>>, vector<16xf32>,
        tpu.vector_store %arg9[%swap3A_506, %swap3A_507], %mul3A_502 {strides = array<i32>} : memref<16x256xf32, #tpu.memory_space<vmem>>, vector<16xf32>,
        %add3A_509 = arith.constant 14336 : i32
        %add3A_510 = vector.broadcast %add3A_509 : i32 to vector<16xi32>
        %add3A_511 = arith.addi %add3A_148, %add3A_510 : vector<16xi32>
        %gather3A_512 = tpu.vector_load_idx %arg6[%broadcast_in_dim3A_6, %add3A_511] : memref<112x256xf32, #tpu.memory_space<vmem>>[vector<16xi32>, vector<16xi32>], vector<16xf32>,
        %add3A_513 = arith.constant 14336 : i32
        %add3A_514 = vector.broadcast %add3A_513 : i32 to vector<16xi32>
        %add3A_515 = arith.addi %add3A_151, %add3A_514 : vector<16xi32>
        %gather3A_516 = tpu.vector_load_idx %arg6[%broadcast_in_dim3A_6, %add3A_515] : memref<112x256xf32, #tpu.memory_space<vmem>>[vector<16xi32>, vector<16xi32>], vector<16xf32>,
        %add3A_517 = arith.constant 14336 : i32
        %add3A_518 = vector.broadcast %add3A_517 : i32 to vector<16xi32>
        %add3A_519 = arith.addi %add3A_154, %add3A_518 : vector<16xi32>
        %gather3A_520 = tpu.vector_load_idx %arg6[%broadcast_in_dim3A_6, %add3A_519] : memref<112x256xf32, #tpu.memory_space<vmem>>[vector<16xi32>, vector<16xi32>], vector<16xf32>,
        %add3A_521 = arith.constant 14336 : i32
        %add3A_522 = vector.broadcast %add3A_521 : i32 to vector<16xi32>
        %add3A_523 = arith.addi %add3A_157, %add3A_522 : vector<16xi32>
        %gather3A_524 = tpu.vector_load_idx %arg6[%broadcast_in_dim3A_6, %add3A_523] : memref<112x256xf32, #tpu.memory_space<vmem>>[vector<16xi32>, vector<16xi32>], vector<16xf32>,
        %add3A_525 = arith.constant 14336 : i32
        %add3A_526 = vector.broadcast %add3A_525 : i32 to vector<16xi32>
        %add3A_527 = arith.addi %add3A_160, %add3A_526 : vector<16xi32>
        %gather3A_528 = tpu.vector_load_idx %arg6[%broadcast_in_dim3A_6, %add3A_527] : memref<112x256xf32, #tpu.memory_space<vmem>>[vector<16xi32>, vector<16xi32>], vector<16xf32>,
        %add3A_529 = arith.constant 14336 : i32
        %add3A_530 = vector.broadcast %add3A_529 : i32 to vector<16xi32>
        %add3A_531 = arith.addi %add3A_163, %add3A_530 : vector<16xi32>
        %gather3A_532 = tpu.vector_load_idx %arg6[%broadcast_in_dim3A_6, %add3A_531] : memref<112x256xf32, #tpu.memory_space<vmem>>[vector<16xi32>, vector<16xi32>], vector<16xf32>,
        %add3A_533 = arith.constant 14336 : i32
        %add3A_534 = vector.broadcast %add3A_533 : i32 to vector<16xi32>
        %add3A_535 = arith.addi %add3A_166, %add3A_534 : vector<16xi32>
        %gather3A_536 = tpu.vector_load_idx %arg6[%broadcast_in_dim3A_6, %add3A_535] : memref<112x256xf32, #tpu.memory_space<vmem>>[vector<16xi32>, vector<16xi32>], vector<16xf32>,
        %add3A_537 = arith.constant 16128 : i32
        %add3A_538 = vector.broadcast %add3A_537 : i32 to vector<16xi32>
        %add3A_539 = arith.addi %add3A_148, %add3A_538 : vector<16xi32>
        %gather3A_540 = tpu.vector_load_idx %arg6[%broadcast_in_dim3A_6, %add3A_539] : memref<112x256xf32, #tpu.memory_space<vmem>>[vector<16xi32>, vector<16xi32>], vector<16xf32>,
        %add3A_541 = arith.constant 16128 : i32
        %add3A_542 = vector.broadcast %add3A_541 : i32 to vector<16xi32>
        %add3A_543 = arith.addi %add3A_151, %add3A_542 : vector<16xi32>
        %gather3A_544 = tpu.vector_load_idx %arg6[%broadcast_in_dim3A_6, %add3A_543] : memref<112x256xf32, #tpu.memory_space<vmem>>[vector<16xi32>, vector<16xi32>], vector<16xf32>,
        %add3A_545 = arith.constant 16128 : i32
        %add3A_546 = vector.broadcast %add3A_545 : i32 to vector<16xi32>
        %add3A_547 = arith.addi %add3A_154, %add3A_546 : vector<16xi32>
        %gather3A_548 = tpu.vector_load_idx %arg6[%broadcast_in_dim3A_6, %add3A_547] : memref<112x256xf32, #tpu.memory_space<vmem>>[vector<16xi32>, vector<16xi32>], vector<16xf32>,
        %add3A_549 = arith.constant 16128 : i32
        %add3A_550 = vector.broadcast %add3A_549 : i32 to vector<16xi32>
        %add3A_551 = arith.addi %add3A_157, %add3A_550 : vector<16xi32>
        %gather3A_552 = tpu.vector_load_idx %arg6[%broadcast_in_dim3A_6, %add3A_551] : memref<112x256xf32, #tpu.memory_space<vmem>>[vector<16xi32>, vector<16xi32>], vector<16xf32>,
        %add3A_553 = arith.constant 16128 : i32
        %add3A_554 = vector.broadcast %add3A_553 : i32 to vector<16xi32>
        %add3A_555 = arith.addi %add3A_160, %add3A_554 : vector<16xi32>
        %gather3A_556 = tpu.vector_load_idx %arg6[%broadcast_in_dim3A_6, %add3A_555] : memref<112x256xf32, #tpu.memory_space<vmem>>[vector<16xi32>, vector<16xi32>], vector<16xf32>,
        %add3A_557 = arith.constant 16128 : i32
        %add3A_558 = vector.broadcast %add3A_557 : i32 to vector<16xi32>
        %add3A_559 = arith.addi %add3A_163, %add3A_558 : vector<16xi32>
        %gather3A_560 = tpu.vector_load_idx %arg6[%broadcast_in_dim3A_6, %add3A_559] : memref<112x256xf32, #tpu.memory_space<vmem>>[vector<16xi32>, vector<16xi32>], vector<16xf32>,
        %add3A_561 = arith.constant 16128 : i32
        %add3A_562 = vector.broadcast %add3A_561 : i32 to vector<16xi32>
        %add3A_563 = arith.addi %add3A_166, %add3A_562 : vector<16xi32>
        %gather3A_564 = tpu.vector_load_idx %arg6[%broadcast_in_dim3A_6, %add3A_563] : memref<112x256xf32, #tpu.memory_space<vmem>>[vector<16xi32>, vector<16xi32>], vector<16xf32>,
        %add3A_565 = arith.constant 17920 : i32
        %add3A_566 = vector.broadcast %add3A_565 : i32 to vector<16xi32>
        %add3A_567 = arith.addi %add3A_148, %add3A_566 : vector<16xi32>
        %gather3A_568 = tpu.vector_load_idx %arg6[%broadcast_in_dim3A_6, %add3A_567] : memref<112x256xf32, #tpu.memory_space<vmem>>[vector<16xi32>, vector<16xi32>], vector<16xf32>,
        %add3A_569 = arith.constant 17920 : i32
        %add3A_570 = vector.broadcast %add3A_569 : i32 to vector<16xi32>
        %add3A_571 = arith.addi %add3A_151, %add3A_570 : vector<16xi32>
        %gather3A_572 = tpu.vector_load_idx %arg6[%broadcast_in_dim3A_6, %add3A_571] : memref<112x256xf32, #tpu.memory_space<vmem>>[vector<16xi32>, vector<16xi32>], vector<16xf32>,
        %add3A_573 = arith.constant 17920 : i32
        %add3A_574 = vector.broadcast %add3A_573 : i32 to vector<16xi32>
        %add3A_575 = arith.addi %add3A_154, %add3A_574 : vector<16xi32>
        %gather3A_576 = tpu.vector_load_idx %arg6[%broadcast_in_dim3A_6, %add3A_575] : memref<112x256xf32, #tpu.memory_space<vmem>>[vector<16xi32>, vector<16xi32>], vector<16xf32>,
        %add3A_577 = arith.constant 17920 : i32
        %add3A_578 = vector.broadcast %add3A_577 : i32 to vector<16xi32>
        %add3A_579 = arith.addi %add3A_157, %add3A_578 : vector<16xi32>
        %gather3A_580 = tpu.vector_load_idx %arg6[%broadcast_in_dim3A_6, %add3A_579] : memref<112x256xf32, #tpu.memory_space<vmem>>[vector<16xi32>, vector<16xi32>], vector<16xf32>,
        %add3A_581 = arith.constant 17920 : i32
        %add3A_582 = vector.broadcast %add3A_581 : i32 to vector<16xi32>
        %add3A_583 = arith.addi %add3A_160, %add3A_582 : vector<16xi32>
        %gather3A_584 = tpu.vector_load_idx %arg6[%broadcast_in_dim3A_6, %add3A_583] : memref<112x256xf32, #tpu.memory_space<vmem>>[vector<16xi32>, vector<16xi32>], vector<16xf32>,
        %add3A_585 = arith.constant 17920 : i32
        %add3A_586 = vector.broadcast %add3A_585 : i32 to vector<16xi32>
        %add3A_587 = arith.addi %add3A_163, %add3A_586 : vector<16xi32>
        %gather3A_588 = tpu.vector_load_idx %arg6[%broadcast_in_dim3A_6, %add3A_587] : memref<112x256xf32, #tpu.memory_space<vmem>>[vector<16xi32>, vector<16xi32>], vector<16xf32>,
        %add3A_589 = arith.constant 17920 : i32
        %add3A_590 = vector.broadcast %add3A_589 : i32 to vector<16xi32>
        %add3A_591 = arith.addi %add3A_166, %add3A_590 : vector<16xi32>
        %gather3A_592 = tpu.vector_load_idx %arg6[%broadcast_in_dim3A_6, %add3A_591] : memref<112x256xf32, #tpu.memory_space<vmem>>[vector<16xi32>, vector<16xi32>], vector<16xf32>,
        %add3A_593 = arith.constant 19712 : i32
        %add3A_594 = vector.broadcast %add3A_593 : i32 to vector<16xi32>
        %add3A_595 = arith.addi %add3A_148, %add3A_594 : vector<16xi32>
        %gather3A_596 = tpu.vector_load_idx %arg6[%broadcast_in_dim3A_6, %add3A_595] : memref<112x256xf32, #tpu.memory_space<vmem>>[vector<16xi32>, vector<16xi32>], vector<16xf32>,
        %add3A_597 = arith.constant 19712 : i32
        %add3A_598 = vector.broadcast %add3A_597 : i32 to vector<16xi32>
        %add3A_599 = arith.addi %add3A_151, %add3A_598 : vector<16xi32>
        %gather3A_600 = tpu.vector_load_idx %arg6[%broadcast_in_dim3A_6, %add3A_599] : memref<112x256xf32, #tpu.memory_space<vmem>>[vector<16xi32>, vector<16xi32>], vector<16xf32>,
        %add3A_601 = arith.constant 19712 : i32
        %add3A_602 = vector.broadcast %add3A_601 : i32 to vector<16xi32>
        %add3A_603 = arith.addi %add3A_154, %add3A_602 : vector<16xi32>
        %gather3A_604 = tpu.vector_load_idx %arg6[%broadcast_in_dim3A_6, %add3A_603] : memref<112x256xf32, #tpu.memory_space<vmem>>[vector<16xi32>, vector<16xi32>], vector<16xf32>,
        %add3A_605 = arith.constant 19712 : i32
        %add3A_606 = vector.broadcast %add3A_605 : i32 to vector<16xi32>
        %add3A_607 = arith.addi %add3A_157, %add3A_606 : vector<16xi32>
        %gather3A_608 = tpu.vector_load_idx %arg6[%broadcast_in_dim3A_6, %add3A_607] : memref<112x256xf32, #tpu.memory_space<vmem>>[vector<16xi32>, vector<16xi32>], vector<16xf32>,
        %add3A_609 = arith.constant 19712 : i32
        %add3A_610 = vector.broadcast %add3A_609 : i32 to vector<16xi32>
        %add3A_611 = arith.addi %add3A_160, %add3A_610 : vector<16xi32>
        %gather3A_612 = tpu.vector_load_idx %arg6[%broadcast_in_dim3A_6, %add3A_611] : memref<112x256xf32, #tpu.memory_space<vmem>>[vector<16xi32>, vector<16xi32>], vector<16xf32>,
        %add3A_613 = arith.constant 19712 : i32
        %add3A_614 = vector.broadcast %add3A_613 : i32 to vector<16xi32>
        %add3A_615 = arith.addi %add3A_163, %add3A_614 : vector<16xi32>
        %gather3A_616 = tpu.vector_load_idx %arg6[%broadcast_in_dim3A_6, %add3A_615] : memref<112x256xf32, #tpu.memory_space<vmem>>[vector<16xi32>, vector<16xi32>], vector<16xf32>,
        %add3A_617 = arith.constant 19712 : i32
        %add3A_618 = vector.broadcast %add3A_617 : i32 to vector<16xi32>
        %add3A_619 = arith.addi %add3A_166, %add3A_618 : vector<16xi32>
        %gather3A_620 = tpu.vector_load_idx %arg6[%broadcast_in_dim3A_6, %add3A_619] : memref<112x256xf32, #tpu.memory_space<vmem>>[vector<16xi32>, vector<16xi32>], vector<16xf32>,
        %add3A_621 = arith.addf %gather3A_512, %gather3A_516 : vector<16xf32>
        %add3A_622 = arith.addf %gather3A_540, %gather3A_544 : vector<16xf32>
        %add3A_623 = arith.addf %gather3A_568, %gather3A_572 : vector<16xf32>
        %add3A_624 = arith.addf %gather3A_596, %gather3A_600 : vector<16xf32>
        %add3A_625 = arith.addf %gather3A_520, %gather3A_524 : vector<16xf32>
        %add3A_626 = arith.addf %gather3A_548, %gather3A_552 : vector<16xf32>
        %add3A_627 = arith.addf %gather3A_576, %gather3A_580 : vector<16xf32>
        %add3A_628 = arith.addf %gather3A_604, %gather3A_608 : vector<16xf32>
        %add3A_629 = arith.addf %gather3A_528, %gather3A_532 : vector<16xf32>
        %add3A_630 = arith.addf %gather3A_556, %gather3A_560 : vector<16xf32>
        %add3A_631 = arith.addf %gather3A_584, %gather3A_588 : vector<16xf32>
        %add3A_632 = arith.addf %gather3A_612, %gather3A_616 : vector<16xf32>
        %add3A_633 = arith.addf %add3A_621, %add3A_625 : vector<16xf32>
        %add3A_634 = arith.addf %add3A_622, %add3A_626 : vector<16xf32>
        %add3A_635 = arith.addf %add3A_623, %add3A_627 : vector<16xf32>
        %add3A_636 = arith.addf %add3A_624, %add3A_628 : vector<16xf32>
        %add3A_637 = arith.addf %add3A_629, %gather3A_536 : vector<16xf32>
        %add3A_638 = arith.addf %add3A_630, %gather3A_564 : vector<16xf32>
        %add3A_639 = arith.addf %add3A_631, %gather3A_592 : vector<16xf32>
        %add3A_640 = arith.addf %add3A_632, %gather3A_620 : vector<16xf32>
        %add3A_641 = arith.addf %add3A_633, %add3A_637 : vector<16xf32>
        %mul3A_642 = arith.constant 0.142857149 : f32
        %mul3A_643 = vector.broadcast %mul3A_642 : f32 to vector<16xf32>
        %mul3A_644 = arith.mulf %add3A_641, %mul3A_643 : vector<16xf32>
        %mul3A_645 = arith.constant 16 : i32
        %mul3A_646 = arith.muli %scan3A_141, %mul3A_645 : i32
        %swap3A_647 = arith.constant 8 : i32
        %swap3A_648 = arith.index_cast %swap3A_647 : i32 to index
        %swap3A_649 = arith.index_cast %mul3A_646 : i32 to index
        %swap3A_650 = tpu.vector_load %arg9[%swap3A_648, %swap3A_649] {strides = array<i32>} : memref<16x256xf32, #tpu.memory_space<vmem>>, vector<16xf32>,
        tpu.vector_store %arg9[%swap3A_648, %swap3A_649], %mul3A_644 {strides = array<i32>} : memref<16x256xf32, #tpu.memory_space<vmem>>, vector<16xf32>,
        %add3A_651 = arith.addf %add3A_634, %add3A_638 : vector<16xf32>
        %mul3A_652 = arith.constant 0.142857149 : f32
        %mul3A_653 = vector.broadcast %mul3A_652 : f32 to vector<16xf32>
        %mul3A_654 = arith.mulf %add3A_651, %mul3A_653 : vector<16xf32>
        %mul3A_655 = arith.constant 16 : i32
        %mul3A_656 = arith.muli %scan3A_141, %mul3A_655 : i32
        %swap3A_657 = arith.constant 9 : i32
        %swap3A_658 = arith.index_cast %swap3A_657 : i32 to index
        %swap3A_659 = arith.index_cast %mul3A_656 : i32 to index
        %swap3A_660 = tpu.vector_load %arg9[%swap3A_658, %swap3A_659] {strides = array<i32>} : memref<16x256xf32, #tpu.memory_space<vmem>>, vector<16xf32>,
        tpu.vector_store %arg9[%swap3A_658, %swap3A_659], %mul3A_654 {strides = array<i32>} : memref<16x256xf32, #tpu.memory_space<vmem>>, vector<16xf32>,
        %add3A_661 = arith.addf %add3A_635, %add3A_639 : vector<16xf32>
        %mul3A_662 = arith.constant 0.142857149 : f32
        %mul3A_663 = vector.broadcast %mul3A_662 : f32 to vector<16xf32>
        %mul3A_664 = arith.mulf %add3A_661, %mul3A_663 : vector<16xf32>
        %mul3A_665 = arith.constant 16 : i32
        %mul3A_666 = arith.muli %scan3A_141, %mul3A_665 : i32
        %swap3A_667 = arith.constant 10 : i32
        %swap3A_668 = arith.index_cast %swap3A_667 : i32 to index
        %swap3A_669 = arith.index_cast %mul3A_666 : i32 to index
        %swap3A_670 = tpu.vector_load %arg9[%swap3A_668, %swap3A_669] {strides = array<i32>} : memref<16x256xf32, #tpu.memory_space<vmem>>, vector<16xf32>,
        tpu.vector_store %arg9[%swap3A_668, %swap3A_669], %mul3A_664 {strides = array<i32>} : memref<16x256xf32, #tpu.memory_space<vmem>>, vector<16xf32>,
        %add3A_671 = arith.addf %add3A_636, %add3A_640 : vector<16xf32>
        %mul3A_672 = arith.constant 0.142857149 : f32
        %mul3A_673 = vector.broadcast %mul3A_672 : f32 to vector<16xf32>
        %mul3A_674 = arith.mulf %add3A_671, %mul3A_673 : vector<16xf32>
        %mul3A_675 = arith.constant 16 : i32
        %mul3A_676 = arith.muli %scan3A_141, %mul3A_675 : i32
        %swap3A_677 = arith.constant 11 : i32
        %swap3A_678 = arith.index_cast %swap3A_677 : i32 to index
        %swap3A_679 = arith.index_cast %mul3A_676 : i32 to index
        %swap3A_680 = tpu.vector_load %arg9[%swap3A_678, %swap3A_679] {strides = array<i32>} : memref<16x256xf32, #tpu.memory_space<vmem>>, vector<16xf32>,
        tpu.vector_store %arg9[%swap3A_678, %swap3A_679], %mul3A_674 {strides = array<i32>} : memref<16x256xf32, #tpu.memory_space<vmem>>, vector<16xf32>,
        %add3A_681 = arith.constant 21504 : i32
        %add3A_682 = vector.broadcast %add3A_681 : i32 to vector<16xi32>
        %add3A_683 = arith.addi %add3A_148, %add3A_682 : vector<16xi32>
        %gather3A_684 = tpu.vector_load_idx %arg6[%broadcast_in_dim3A_6, %add3A_683] : memref<112x256xf32, #tpu.memory_space<vmem>>[vector<16xi32>, vector<16xi32>], vector<16xf32>,
        %add3A_685 = arith.constant 21504 : i32
        %add3A_686 = vector.broadcast %add3A_685 : i32 to vector<16xi32>
        %add3A_687 = arith.addi %add3A_151, %add3A_686 : vector<16xi32>
        %gather3A_688 = tpu.vector_load_idx %arg6[%broadcast_in_dim3A_6, %add3A_687] : memref<112x256xf32, #tpu.memory_space<vmem>>[vector<16xi32>, vector<16xi32>], vector<16xf32>,
        %add3A_689 = arith.constant 21504 : i32
        %add3A_690 = vector.broadcast %add3A_689 : i32 to vector<16xi32>
        %add3A_691 = arith.addi %add3A_154, %add3A_690 : vector<16xi32>
        %gather3A_692 = tpu.vector_load_idx %arg6[%broadcast_in_dim3A_6, %add3A_691] : memref<112x256xf32, #tpu.memory_space<vmem>>[vector<16xi32>, vector<16xi32>], vector<16xf32>,
        %add3A_693 = arith.constant 21504 : i32
        %add3A_694 = vector.broadcast %add3A_693 : i32 to vector<16xi32>
        %add3A_695 = arith.addi %add3A_157, %add3A_694 : vector<16xi32>
        %gather3A_696 = tpu.vector_load_idx %arg6[%broadcast_in_dim3A_6, %add3A_695] : memref<112x256xf32, #tpu.memory_space<vmem>>[vector<16xi32>, vector<16xi32>], vector<16xf32>,
        %add3A_697 = arith.constant 21504 : i32
        %add3A_698 = vector.broadcast %add3A_697 : i32 to vector<16xi32>
        %add3A_699 = arith.addi %add3A_160, %add3A_698 : vector<16xi32>
        %gather3A_700 = tpu.vector_load_idx %arg6[%broadcast_in_dim3A_6, %add3A_699] : memref<112x256xf32, #tpu.memory_space<vmem>>[vector<16xi32>, vector<16xi32>], vector<16xf32>,
        %add3A_701 = arith.constant 21504 : i32
        %add3A_702 = vector.broadcast %add3A_701 : i32 to vector<16xi32>
        %add3A_703 = arith.addi %add3A_163, %add3A_702 : vector<16xi32>
        %gather3A_704 = tpu.vector_load_idx %arg6[%broadcast_in_dim3A_6, %add3A_703] : memref<112x256xf32, #tpu.memory_space<vmem>>[vector<16xi32>, vector<16xi32>], vector<16xf32>,
        %add3A_705 = arith.constant 21504 : i32
        %add3A_706 = vector.broadcast %add3A_705 : i32 to vector<16xi32>
        %add3A_707 = arith.addi %add3A_166, %add3A_706 : vector<16xi32>
        %gather3A_708 = tpu.vector_load_idx %arg6[%broadcast_in_dim3A_6, %add3A_707] : memref<112x256xf32, #tpu.memory_space<vmem>>[vector<16xi32>, vector<16xi32>], vector<16xf32>,
        %add3A_709 = arith.constant 23296 : i32
        %add3A_710 = vector.broadcast %add3A_709 : i32 to vector<16xi32>
        %add3A_711 = arith.addi %add3A_148, %add3A_710 : vector<16xi32>
        %gather3A_712 = tpu.vector_load_idx %arg6[%broadcast_in_dim3A_6, %add3A_711] : memref<112x256xf32, #tpu.memory_space<vmem>>[vector<16xi32>, vector<16xi32>], vector<16xf32>,
        %add3A_713 = arith.constant 23296 : i32
        %add3A_714 = vector.broadcast %add3A_713 : i32 to vector<16xi32>
        %add3A_715 = arith.addi %add3A_151, %add3A_714 : vector<16xi32>
        %gather3A_716 = tpu.vector_load_idx %arg6[%broadcast_in_dim3A_6, %add3A_715] : memref<112x256xf32, #tpu.memory_space<vmem>>[vector<16xi32>, vector<16xi32>], vector<16xf32>,
        %add3A_717 = arith.constant 23296 : i32
        %add3A_718 = vector.broadcast %add3A_717 : i32 to vector<16xi32>
        %add3A_719 = arith.addi %add3A_154, %add3A_718 : vector<16xi32>
        %gather3A_720 = tpu.vector_load_idx %arg6[%broadcast_in_dim3A_6, %add3A_719] : memref<112x256xf32, #tpu.memory_space<vmem>>[vector<16xi32>, vector<16xi32>], vector<16xf32>,
        %add3A_721 = arith.constant 23296 : i32
        %add3A_722 = vector.broadcast %add3A_721 : i32 to vector<16xi32>
        %add3A_723 = arith.addi %add3A_157, %add3A_722 : vector<16xi32>
        %gather3A_724 = tpu.vector_load_idx %arg6[%broadcast_in_dim3A_6, %add3A_723] : memref<112x256xf32, #tpu.memory_space<vmem>>[vector<16xi32>, vector<16xi32>], vector<16xf32>,
        %add3A_725 = arith.constant 23296 : i32
        %add3A_726 = vector.broadcast %add3A_725 : i32 to vector<16xi32>
        %add3A_727 = arith.addi %add3A_160, %add3A_726 : vector<16xi32>
        %gather3A_728 = tpu.vector_load_idx %arg6[%broadcast_in_dim3A_6, %add3A_727] : memref<112x256xf32, #tpu.memory_space<vmem>>[vector<16xi32>, vector<16xi32>], vector<16xf32>,
        %add3A_729 = arith.constant 23296 : i32
        %add3A_730 = vector.broadcast %add3A_729 : i32 to vector<16xi32>
        %add3A_731 = arith.addi %add3A_163, %add3A_730 : vector<16xi32>
        %gather3A_732 = tpu.vector_load_idx %arg6[%broadcast_in_dim3A_6, %add3A_731] : memref<112x256xf32, #tpu.memory_space<vmem>>[vector<16xi32>, vector<16xi32>], vector<16xf32>,
        %add3A_733 = arith.constant 23296 : i32
        %add3A_734 = vector.broadcast %add3A_733 : i32 to vector<16xi32>
        %add3A_735 = arith.addi %add3A_166, %add3A_734 : vector<16xi32>
        %gather3A_736 = tpu.vector_load_idx %arg6[%broadcast_in_dim3A_6, %add3A_735] : memref<112x256xf32, #tpu.memory_space<vmem>>[vector<16xi32>, vector<16xi32>], vector<16xf32>,
        %add3A_737 = arith.constant 25088 : i32
        %add3A_738 = vector.broadcast %add3A_737 : i32 to vector<16xi32>
        %add3A_739 = arith.addi %add3A_148, %add3A_738 : vector<16xi32>
        %gather3A_740 = tpu.vector_load_idx %arg6[%broadcast_in_dim3A_6, %add3A_739] : memref<112x256xf32, #tpu.memory_space<vmem>>[vector<16xi32>, vector<16xi32>], vector<16xf32>,
        %add3A_741 = arith.constant 25088 : i32
        %add3A_742 = vector.broadcast %add3A_741 : i32 to vector<16xi32>
        %add3A_743 = arith.addi %add3A_151, %add3A_742 : vector<16xi32>
        %gather3A_744 = tpu.vector_load_idx %arg6[%broadcast_in_dim3A_6, %add3A_743] : memref<112x256xf32, #tpu.memory_space<vmem>>[vector<16xi32>, vector<16xi32>], vector<16xf32>,
        %add3A_745 = arith.constant 25088 : i32
        %add3A_746 = vector.broadcast %add3A_745 : i32 to vector<16xi32>
        %add3A_747 = arith.addi %add3A_154, %add3A_746 : vector<16xi32>
        %gather3A_748 = tpu.vector_load_idx %arg6[%broadcast_in_dim3A_6, %add3A_747] : memref<112x256xf32, #tpu.memory_space<vmem>>[vector<16xi32>, vector<16xi32>], vector<16xf32>,
        %add3A_749 = arith.constant 25088 : i32
        %add3A_750 = vector.broadcast %add3A_749 : i32 to vector<16xi32>
        %add3A_751 = arith.addi %add3A_157, %add3A_750 : vector<16xi32>
        %gather3A_752 = tpu.vector_load_idx %arg6[%broadcast_in_dim3A_6, %add3A_751] : memref<112x256xf32, #tpu.memory_space<vmem>>[vector<16xi32>, vector<16xi32>], vector<16xf32>,
        %add3A_753 = arith.constant 25088 : i32
        %add3A_754 = vector.broadcast %add3A_753 : i32 to vector<16xi32>
        %add3A_755 = arith.addi %add3A_160, %add3A_754 : vector<16xi32>
        %gather3A_756 = tpu.vector_load_idx %arg6[%broadcast_in_dim3A_6, %add3A_755] : memref<112x256xf32, #tpu.memory_space<vmem>>[vector<16xi32>, vector<16xi32>], vector<16xf32>,
        %add3A_757 = arith.constant 25088 : i32
        %add3A_758 = vector.broadcast %add3A_757 : i32 to vector<16xi32>
        %add3A_759 = arith.addi %add3A_163, %add3A_758 : vector<16xi32>
        %gather3A_760 = tpu.vector_load_idx %arg6[%broadcast_in_dim3A_6, %add3A_759] : memref<112x256xf32, #tpu.memory_space<vmem>>[vector<16xi32>, vector<16xi32>], vector<16xf32>,
        %add3A_761 = arith.constant 25088 : i32
        %add3A_762 = vector.broadcast %add3A_761 : i32 to vector<16xi32>
        %add3A_763 = arith.addi %add3A_166, %add3A_762 : vector<16xi32>
        %gather3A_764 = tpu.vector_load_idx %arg6[%broadcast_in_dim3A_6, %add3A_763] : memref<112x256xf32, #tpu.memory_space<vmem>>[vector<16xi32>, vector<16xi32>], vector<16xf32>,
        %add3A_765 = arith.constant 26880 : i32
        %add3A_766 = vector.broadcast %add3A_765 : i32 to vector<16xi32>
        %add3A_767 = arith.addi %add3A_148, %add3A_766 : vector<16xi32>
        %gather3A_768 = tpu.vector_load_idx %arg6[%broadcast_in_dim3A_6, %add3A_767] : memref<112x256xf32, #tpu.memory_space<vmem>>[vector<16xi32>, vector<16xi32>], vector<16xf32>,
        %add3A_769 = arith.constant 26880 : i32
        %add3A_770 = vector.broadcast %add3A_769 : i32 to vector<16xi32>
        %add3A_771 = arith.addi %add3A_151, %add3A_770 : vector<16xi32>
        %gather3A_772 = tpu.vector_load_idx %arg6[%broadcast_in_dim3A_6, %add3A_771] : memref<112x256xf32, #tpu.memory_space<vmem>>[vector<16xi32>, vector<16xi32>], vector<16xf32>,
        %add3A_773 = arith.constant 26880 : i32
        %add3A_774 = vector.broadcast %add3A_773 : i32 to vector<16xi32>
        %add3A_775 = arith.addi %add3A_154, %add3A_774 : vector<16xi32>
        %gather3A_776 = tpu.vector_load_idx %arg6[%broadcast_in_dim3A_6, %add3A_775] : memref<112x256xf32, #tpu.memory_space<vmem>>[vector<16xi32>, vector<16xi32>], vector<16xf32>,
        %add3A_777 = arith.constant 26880 : i32
        %add3A_778 = vector.broadcast %add3A_777 : i32 to vector<16xi32>
        %add3A_779 = arith.addi %add3A_157, %add3A_778 : vector<16xi32>
        %gather3A_780 = tpu.vector_load_idx %arg6[%broadcast_in_dim3A_6, %add3A_779] : memref<112x256xf32, #tpu.memory_space<vmem>>[vector<16xi32>, vector<16xi32>], vector<16xf32>,
        %add3A_781 = arith.constant 26880 : i32
        %add3A_782 = vector.broadcast %add3A_781 : i32 to vector<16xi32>
        %add3A_783 = arith.addi %add3A_160, %add3A_782 : vector<16xi32>
        %gather3A_784 = tpu.vector_load_idx %arg6[%broadcast_in_dim3A_6, %add3A_783] : memref<112x256xf32, #tpu.memory_space<vmem>>[vector<16xi32>, vector<16xi32>], vector<16xf32>,
        %add3A_785 = arith.constant 26880 : i32
        %add3A_786 = vector.broadcast %add3A_785 : i32 to vector<16xi32>
        %add3A_787 = arith.addi %add3A_163, %add3A_786 : vector<16xi32>
        %gather3A_788 = tpu.vector_load_idx %arg6[%broadcast_in_dim3A_6, %add3A_787] : memref<112x256xf32, #tpu.memory_space<vmem>>[vector<16xi32>, vector<16xi32>], vector<16xf32>,
        %add3A_789 = arith.constant 26880 : i32
        %add3A_790 = vector.broadcast %add3A_789 : i32 to vector<16xi32>
        %add3A_791 = arith.addi %add3A_166, %add3A_790 : vector<16xi32>
        %gather3A_792 = tpu.vector_load_idx %arg6[%broadcast_in_dim3A_6, %add3A_791] : memref<112x256xf32, #tpu.memory_space<vmem>>[vector<16xi32>, vector<16xi32>], vector<16xf32>,
        %add3A_793 = arith.addf %gather3A_684, %gather3A_688 : vector<16xf32>
        %add3A_794 = arith.addf %gather3A_712, %gather3A_716 : vector<16xf32>
        %add3A_795 = arith.addf %gather3A_740, %gather3A_744 : vector<16xf32>
        %add3A_796 = arith.addf %gather3A_768, %gather3A_772 : vector<16xf32>
        %add3A_797 = arith.addf %gather3A_692, %gather3A_696 : vector<16xf32>
        %add3A_798 = arith.addf %gather3A_720, %gather3A_724 : vector<16xf32>
        %add3A_799 = arith.addf %gather3A_748, %gather3A_752 : vector<16xf32>
        %add3A_800 = arith.addf %gather3A_776, %gather3A_780 : vector<16xf32>
        %add3A_801 = arith.addf %gather3A_700, %gather3A_704 : vector<16xf32>
        %add3A_802 = arith.addf %gather3A_728, %gather3A_732 : vector<16xf32>
        %add3A_803 = arith.addf %gather3A_756, %gather3A_760 : vector<16xf32>
        %add3A_804 = arith.addf %gather3A_784, %gather3A_788 : vector<16xf32>
        %add3A_805 = arith.addf %add3A_793, %add3A_797 : vector<16xf32>
        %add3A_806 = arith.addf %add3A_794, %add3A_798 : vector<16xf32>
        %add3A_807 = arith.addf %add3A_795, %add3A_799 : vector<16xf32>
        %add3A_808 = arith.addf %add3A_796, %add3A_800 : vector<16xf32>
        %add3A_809 = arith.addf %add3A_801, %gather3A_708 : vector<16xf32>
        %add3A_810 = arith.addf %add3A_802, %gather3A_736 : vector<16xf32>
        %add3A_811 = arith.addf %add3A_803, %gather3A_764 : vector<16xf32>
        %add3A_812 = arith.addf %add3A_804, %gather3A_792 : vector<16xf32>
        %add3A_813 = arith.addf %add3A_805, %add3A_809 : vector<16xf32>
        %mul3A_814 = arith.constant 0.142857149 : f32
        %mul3A_815 = vector.broadcast %mul3A_814 : f32 to vector<16xf32>
        %mul3A_816 = arith.mulf %add3A_813, %mul3A_815 : vector<16xf32>
        %mul3A_817 = arith.constant 16 : i32
        %mul3A_818 = arith.muli %scan3A_141, %mul3A_817 : i32
        %swap3A_819 = arith.constant 12 : i32
        %swap3A_820 = arith.index_cast %swap3A_819 : i32 to index
        %swap3A_821 = arith.index_cast %mul3A_818 : i32 to index
        %swap3A_822 = tpu.vector_load %arg9[%swap3A_820, %swap3A_821] {strides = array<i32>} : memref<16x256xf32, #tpu.memory_space<vmem>>, vector<16xf32>,
        tpu.vector_store %arg9[%swap3A_820, %swap3A_821], %mul3A_816 {strides = array<i32>} : memref<16x256xf32, #tpu.memory_space<vmem>>, vector<16xf32>,
        %add3A_823 = arith.addf %add3A_806, %add3A_810 : vector<16xf32>
        %mul3A_824 = arith.constant 0.142857149 : f32
        %mul3A_825 = vector.broadcast %mul3A_824 : f32 to vector<16xf32>
        %mul3A_826 = arith.mulf %add3A_823, %mul3A_825 : vector<16xf32>
        %mul3A_827 = arith.constant 16 : i32
        %mul3A_828 = arith.muli %scan3A_141, %mul3A_827 : i32
        %swap3A_829 = arith.constant 13 : i32
        %swap3A_830 = arith.index_cast %swap3A_829 : i32 to index
        %swap3A_831 = arith.index_cast %mul3A_828 : i32 to index
        %swap3A_832 = tpu.vector_load %arg9[%swap3A_830, %swap3A_831] {strides = array<i32>} : memref<16x256xf32, #tpu.memory_space<vmem>>, vector<16xf32>,
        tpu.vector_store %arg9[%swap3A_830, %swap3A_831], %mul3A_826 {strides = array<i32>} : memref<16x256xf32, #tpu.memory_space<vmem>>, vector<16xf32>,
        %add3A_833 = arith.addf %add3A_807, %add3A_811 : vector<16xf32>
        %mul3A_834 = arith.constant 0.142857149 : f32
        %mul3A_835 = vector.broadcast %mul3A_834 : f32 to vector<16xf32>
        %mul3A_836 = arith.mulf %add3A_833, %mul3A_835 : vector<16xf32>
        %mul3A_837 = arith.constant 16 : i32
        %mul3A_838 = arith.muli %scan3A_141, %mul3A_837 : i32
        %swap3A_839 = arith.constant 14 : i32
        %swap3A_840 = arith.index_cast %swap3A_839 : i32 to index
        %swap3A_841 = arith.index_cast %mul3A_838 : i32 to index
        %swap3A_842 = tpu.vector_load %arg9[%swap3A_840, %swap3A_841] {strides = array<i32>} : memref<16x256xf32, #tpu.memory_space<vmem>>, vector<16xf32>,
        tpu.vector_store %arg9[%swap3A_840, %swap3A_841], %mul3A_836 {strides = array<i32>} : memref<16x256xf32, #tpu.memory_space<vmem>>, vector<16xf32>,
        %add3A_843 = arith.addf %add3A_808, %add3A_812 : vector<16xf32>
        %mul3A_844 = arith.constant 0.142857149 : f32
        %mul3A_845 = vector.broadcast %mul3A_844 : f32 to vector<16xf32>
        %mul3A_846 = arith.mulf %add3A_843, %mul3A_845 : vector<16xf32>
        %mul3A_847 = arith.constant 16 : i32
        %mul3A_848 = arith.muli %scan3A_141, %mul3A_847 : i32
        %swap3A_849 = arith.constant 15 : i32
        %swap3A_850 = arith.index_cast %swap3A_849 : i32 to index
        %swap3A_851 = arith.index_cast %mul3A_848 : i32 to index
        %swap3A_852 = tpu.vector_load %arg9[%swap3A_850, %swap3A_851] {strides = array<i32>} : memref<16x256xf32, #tpu.memory_space<vmem>>, vector<16xf32>,
        tpu.vector_store %arg9[%swap3A_850, %swap3A_851], %mul3A_846 {strides = array<i32>} : memref<16x256xf32, #tpu.memory_space<vmem>>, vector<16xf32>,
      }
      %scan3A_62 = arith.constant 16 : i32
      %mul3A_63 = arith.constant 16 : i32
      %mul3A_64 = arith.muli %mul3A_42, %mul3A_63 : i32
      %add3A_65 = arith.addi %mul3A_2, %mul3A_64 : i32
      %min3A = arith.constant 10226 : i32
      %min3A_66 = arith.minsi %add3A_65, %min3A : i32
      %dma_start3A_67 = arith.constant 0 : i32
      %dma_start3A_68 = tpu.memref_slice %arg4[%min3A_66, %dma_start3A_67] : memref<10242x256xf32, #tpu.memory_space<hbm>> -> memref<16x256xf32, #tpu.memory_space<hbm>>
      %dma_start3A_69 = arith.constant 0 : i32
      %dma_start3A_70 = tpu.memref_slice %arg4[%min3A_66, %dma_start3A_69] : memref<10242x256xf32, #tpu.memory_space<hbm>> -> memref<16x256xf32, #tpu.memory_space<hbm>>
      tpu.enqueue_dma source(%arg9 : memref<16x256xf32, #tpu.memory_space<vmem>>) target(%dma_start3A_70 : memref<16x256xf32, #tpu.memory_space<hbm>>) target_semaphore(%arg15 : memref<!tpu.dma_semaphore, #tpu.memory_space<semaphore_mem>>)
      %add3A_71 = arith.constant 1 : i32
      %add3A_72 = arith.addi %mul3A_42, %add3A_71 : i32
      %add3A_73 = arith.constant 2 : i32
      %add3A_74 = arith.addi %add3A_72, %add3A_73 : i32
      %lt3A_75 = arith.constant 21 : i32
      %lt3A_76 = arith.cmpi slt, %add3A_74, %lt3A_75 : i32
      %convert_element_type3A_77 = arith.extui %lt3A_76 : i1 to i32
      %cond3A_78 = arith.constant 0 : i32
      %cond3A_79 = arith.cmpi ne, %convert_element_type3A_77, %cond3A_78 : i32
      scf.if %cond3A_79 {
        %add3A_141 = arith.constant 2 : i32
        %add3A_142 = arith.addi %add3A_72, %add3A_141 : i32
        %mul3A_143 = arith.constant 16 : i32
        %mul3A_144 = arith.muli %add3A_142, %mul3A_143 : i32
        %mul3A_145 = arith.constant 7 : i32
        %mul3A_146 = arith.muli %mul3A_144, %mul3A_145 : i32
        %dma_start3A_147 = tpu.memref_slice %arg5[%mul3A_146] : memref<2352xi32, #tpu.memory_space<vmem>> -> memref<112xi32, #tpu.memory_space<vmem>>
        %dma_start3A_148 = arith.constant 0 : i32
        %dma_start3A_149 = arith.constant 0 : i32
        %dma_start3A_150 = tpu.memref_slice %arg2[%dma_start3A_148, %dma_start3A_149] : memref<40962x256xf32, #tpu.memory_space<hbm>> -> memref<40962x256xf32, #tpu.memory_space<hbm>>
        tpu.enqueue_indirect_dma source(%dma_start3A_150 : memref<40962x256xf32, #tpu.memory_space<hbm>>) target(%arg6 : memref<112x256xf32, #tpu.memory_space<vmem>>) offsets(%dma_start3A_147 : memref<112xi32, #tpu.memory_space<vmem>>) semaphore(%arg12 : memref<!tpu.dma_semaphore, #tpu.memory_space<semaphore_mem>>)
      } else {
      }
      %dma_wait3A_80 = arith.constant 0 : i32
      %dma_wait3A_81 = arith.constant 0 : i32
      %dma_wait3A_82 = tpu.memref_slice %arg2[%dma_wait3A_80, %dma_wait3A_81] : memref<40962x256xf32, #tpu.memory_space<hbm>> -> memref<112x256xf32, #tpu.memory_space<hbm>>
      %dma_wait3A_83 = arith.constant 0 : i32
      %dma_wait3A_84 = arith.constant 0 : i32
      %dma_wait3A_85 = tpu.memref_slice %arg2[%dma_wait3A_83, %dma_wait3A_84] : memref<40962x256xf32, #tpu.memory_space<hbm>> -> memref<112x256xf32, #tpu.memory_space<hbm>>
      tpu.wait_dma2 semaphore(%arg13 : memref<!tpu.dma_semaphore, #tpu.memory_space<semaphore_mem>>) src(%dma_wait3A_85 : memref<112x256xf32, #tpu.memory_space<hbm>>) dst(%arg7 : memref<112x256xf32, #tpu.memory_space<vmem>>)
      %ge3A_86 = arith.constant 3 : i32
      %ge3A_87 = arith.cmpi sge, %add3A_72, %ge3A_86 : i32
      %convert_element_type3A_88 = arith.extui %ge3A_87 : i1 to i32
      %cond3A_89 = arith.constant 0 : i32
      %cond3A_90 = arith.cmpi ne, %convert_element_type3A_88, %cond3A_89 : i32
      scf.if %cond3A_90 {
        %dma_wait3A_141 = arith.constant 0 : i32
        %dma_wait3A_142 = arith.constant 0 : i32
        %dma_wait3A_143 = tpu.memref_slice %arg4[%dma_wait3A_141, %dma_wait3A_142] : memref<10242x256xf32, #tpu.memory_space<hbm>> -> memref<16x256xf32, #tpu.memory_space<hbm>>
        %dma_wait3A_144 = arith.constant 0 : i32
        %dma_wait3A_145 = arith.constant 0 : i32
        %dma_wait3A_146 = tpu.memref_slice %arg4[%dma_wait3A_144, %dma_wait3A_145] : memref<10242x256xf32, #tpu.memory_space<hbm>> -> memref<16x256xf32, #tpu.memory_space<hbm>>
        tpu.wait_dma2 semaphore(%arg16 : memref<!tpu.dma_semaphore, #tpu.memory_space<semaphore_mem>>) src(%arg10 : memref<16x256xf32, #tpu.memory_space<vmem>>) dst(%dma_wait3A_146 : memref<16x256xf32, #tpu.memory_space<hbm>>)
      } else {
      }
      %scan3A_91 = arith.constant 0 : i32
      %scan3A_92 = arith.constant 0 : i32
      %scan3A_93 = arith.constant 16 : i32
      %scan3A_94 = arith.addi %scan3A_92, %scan3A_93 : i32
      %scan3A_95 = arith.constant 1 : i32
      scf.for %scan3A_141 = %scan3A_92 to %scan3A_94 step %scan3A_95  : i32 {
        %mul3A_142 = arith.constant 112 : i32
        %mul3A_143 = arith.muli %scan3A_141, %mul3A_142 : i32
        %add3A_144 = vector.broadcast %mul3A_143 : i32 to vector<16xi32>
        %add3A_145 = arith.addi %mul3A_5, %add3A_144 : vector<16xi32>
        %add3A_146 = arith.constant 0 : i32
        %add3A_147 = vector.broadcast %add3A_146 : i32 to vector<16xi32>
        %add3A_148 = arith.addi %add3A_145, %add3A_147 : vector<16xi32>
        %add3A_149 = arith.constant 1 : i32
        %add3A_150 = vector.broadcast %add3A_149 : i32 to vector<16xi32>
        %add3A_151 = arith.addi %add3A_145, %add3A_150 : vector<16xi32>
        %add3A_152 = arith.constant 2 : i32
        %add3A_153 = vector.broadcast %add3A_152 : i32 to vector<16xi32>
        %add3A_154 = arith.addi %add3A_145, %add3A_153 : vector<16xi32>
        %add3A_155 = arith.constant 3 : i32
        %add3A_156 = vector.broadcast %add3A_155 : i32 to vector<16xi32>
        %add3A_157 = arith.addi %add3A_145, %add3A_156 : vector<16xi32>
        %add3A_158 = arith.constant 4 : i32
        %add3A_159 = vector.broadcast %add3A_158 : i32 to vector<16xi32>
        %add3A_160 = arith.addi %add3A_145, %add3A_159 : vector<16xi32>
        %add3A_161 = arith.constant 5 : i32
        %add3A_162 = vector.broadcast %add3A_161 : i32 to vector<16xi32>
        %add3A_163 = arith.addi %add3A_145, %add3A_162 : vector<16xi32>
        %add3A_164 = arith.constant 6 : i32
        %add3A_165 = vector.broadcast %add3A_164 : i32 to vector<16xi32>
        %add3A_166 = arith.addi %add3A_145, %add3A_165 : vector<16xi32>
        %add3A_167 = arith.constant 0 : i32
        %add3A_168 = vector.broadcast %add3A_167 : i32 to vector<16xi32>
        %add3A_169 = arith.addi %add3A_148, %add3A_168 : vector<16xi32>
        %gather3A = tpu.vector_load_idx %arg7[%broadcast_in_dim3A_6, %add3A_169] : memref<112x256xf32, #tpu.memory_space<vmem>>[vector<16xi32>, vector<16xi32>], vector<16xf32>,
        %add3A_170 = arith.constant 0 : i32
        %add3A_171 = vector.broadcast %add3A_170 : i32 to vector<16xi32>
        %add3A_172 = arith.addi %add3A_151, %add3A_171 : vector<16xi32>
        %gather3A_173 = tpu.vector_load_idx %arg7[%broadcast_in_dim3A_6, %add3A_172] : memref<112x256xf32, #tpu.memory_space<vmem>>[vector<16xi32>, vector<16xi32>], vector<16xf32>,
        %add3A_174 = arith.constant 0 : i32
        %add3A_175 = vector.broadcast %add3A_174 : i32 to vector<16xi32>
        %add3A_176 = arith.addi %add3A_154, %add3A_175 : vector<16xi32>
        %gather3A_177 = tpu.vector_load_idx %arg7[%broadcast_in_dim3A_6, %add3A_176] : memref<112x256xf32, #tpu.memory_space<vmem>>[vector<16xi32>, vector<16xi32>], vector<16xf32>,
        %add3A_178 = arith.constant 0 : i32
        %add3A_179 = vector.broadcast %add3A_178 : i32 to vector<16xi32>
        %add3A_180 = arith.addi %add3A_157, %add3A_179 : vector<16xi32>
        %gather3A_181 = tpu.vector_load_idx %arg7[%broadcast_in_dim3A_6, %add3A_180] : memref<112x256xf32, #tpu.memory_space<vmem>>[vector<16xi32>, vector<16xi32>], vector<16xf32>,
        %add3A_182 = arith.constant 0 : i32
        %add3A_183 = vector.broadcast %add3A_182 : i32 to vector<16xi32>
        %add3A_184 = arith.addi %add3A_160, %add3A_183 : vector<16xi32>
        %gather3A_185 = tpu.vector_load_idx %arg7[%broadcast_in_dim3A_6, %add3A_184] : memref<112x256xf32, #tpu.memory_space<vmem>>[vector<16xi32>, vector<16xi32>], vector<16xf32>,
        %add3A_186 = arith.constant 0 : i32
        %add3A_187 = vector.broadcast %add3A_186 : i32 to vector<16xi32>
        %add3A_188 = arith.addi %add3A_163, %add3A_187 : vector<16xi32>
        %gather3A_189 = tpu.vector_load_idx %arg7[%broadcast_in_dim3A_6, %add3A_188] : memref<112x256xf32, #tpu.memory_space<vmem>>[vector<16xi32>, vector<16xi32>], vector<16xf32>,
        %add3A_190 = arith.constant 0 : i32
        %add3A_191 = vector.broadcast %add3A_190 : i32 to vector<16xi32>
        %add3A_192 = arith.addi %add3A_166, %add3A_191 : vector<16xi32>
        %gather3A_193 = tpu.vector_load_idx %arg7[%broadcast_in_dim3A_6, %add3A_192] : memref<112x256xf32, #tpu.memory_space<vmem>>[vector<16xi32>, vector<16xi32>], vector<16xf32>,
        %add3A_194 = arith.constant 1792 : i32
        %add3A_195 = vector.broadcast %add3A_194 : i32 to vector<16xi32>
        %add3A_196 = arith.addi %add3A_148, %add3A_195 : vector<16xi32>
        %gather3A_197 = tpu.vector_load_idx %arg7[%broadcast_in_dim3A_6, %add3A_196] : memref<112x256xf32, #tpu.memory_space<vmem>>[vector<16xi32>, vector<16xi32>], vector<16xf32>,
        %add3A_198 = arith.constant 1792 : i32
        %add3A_199 = vector.broadcast %add3A_198 : i32 to vector<16xi32>
        %add3A_200 = arith.addi %add3A_151, %add3A_199 : vector<16xi32>
        %gather3A_201 = tpu.vector_load_idx %arg7[%broadcast_in_dim3A_6, %add3A_200] : memref<112x256xf32, #tpu.memory_space<vmem>>[vector<16xi32>, vector<16xi32>], vector<16xf32>,
        %add3A_202 = arith.constant 1792 : i32
        %add3A_203 = vector.broadcast %add3A_202 : i32 to vector<16xi32>
        %add3A_204 = arith.addi %add3A_154, %add3A_203 : vector<16xi32>
        %gather3A_205 = tpu.vector_load_idx %arg7[%broadcast_in_dim3A_6, %add3A_204] : memref<112x256xf32, #tpu.memory_space<vmem>>[vector<16xi32>, vector<16xi32>], vector<16xf32>,
        %add3A_206 = arith.constant 1792 : i32
        %add3A_207 = vector.broadcast %add3A_206 : i32 to vector<16xi32>
        %add3A_208 = arith.addi %add3A_157, %add3A_207 : vector<16xi32>
        %gather3A_209 = tpu.vector_load_idx %arg7[%broadcast_in_dim3A_6, %add3A_208] : memref<112x256xf32, #tpu.memory_space<vmem>>[vector<16xi32>, vector<16xi32>], vector<16xf32>,
        %add3A_210 = arith.constant 1792 : i32
        %add3A_211 = vector.broadcast %add3A_210 : i32 to vector<16xi32>
        %add3A_212 = arith.addi %add3A_160, %add3A_211 : vector<16xi32>
        %gather3A_213 = tpu.vector_load_idx %arg7[%broadcast_in_dim3A_6, %add3A_212] : memref<112x256xf32, #tpu.memory_space<vmem>>[vector<16xi32>, vector<16xi32>], vector<16xf32>,
        %add3A_214 = arith.constant 1792 : i32
        %add3A_215 = vector.broadcast %add3A_214 : i32 to vector<16xi32>
        %add3A_216 = arith.addi %add3A_163, %add3A_215 : vector<16xi32>
        %gather3A_217 = tpu.vector_load_idx %arg7[%broadcast_in_dim3A_6, %add3A_216] : memref<112x256xf32, #tpu.memory_space<vmem>>[vector<16xi32>, vector<16xi32>], vector<16xf32>,
        %add3A_218 = arith.constant 1792 : i32
        %add3A_219 = vector.broadcast %add3A_218 : i32 to vector<16xi32>
        %add3A_220 = arith.addi %add3A_166, %add3A_219 : vector<16xi32>
        %gather3A_221 = tpu.vector_load_idx %arg7[%broadcast_in_dim3A_6, %add3A_220] : memref<112x256xf32, #tpu.memory_space<vmem>>[vector<16xi32>, vector<16xi32>], vector<16xf32>,
        %add3A_222 = arith.constant 3584 : i32
        %add3A_223 = vector.broadcast %add3A_222 : i32 to vector<16xi32>
        %add3A_224 = arith.addi %add3A_148, %add3A_223 : vector<16xi32>
        %gather3A_225 = tpu.vector_load_idx %arg7[%broadcast_in_dim3A_6, %add3A_224] : memref<112x256xf32, #tpu.memory_space<vmem>>[vector<16xi32>, vector<16xi32>], vector<16xf32>,
        %add3A_226 = arith.constant 3584 : i32
        %add3A_227 = vector.broadcast %add3A_226 : i32 to vector<16xi32>
        %add3A_228 = arith.addi %add3A_151, %add3A_227 : vector<16xi32>
        %gather3A_229 = tpu.vector_load_idx %arg7[%broadcast_in_dim3A_6, %add3A_228] : memref<112x256xf32, #tpu.memory_space<vmem>>[vector<16xi32>, vector<16xi32>], vector<16xf32>,
        %add3A_230 = arith.constant 3584 : i32
        %add3A_231 = vector.broadcast %add3A_230 : i32 to vector<16xi32>
        %add3A_232 = arith.addi %add3A_154, %add3A_231 : vector<16xi32>
        %gather3A_233 = tpu.vector_load_idx %arg7[%broadcast_in_dim3A_6, %add3A_232] : memref<112x256xf32, #tpu.memory_space<vmem>>[vector<16xi32>, vector<16xi32>], vector<16xf32>,
        %add3A_234 = arith.constant 3584 : i32
        %add3A_235 = vector.broadcast %add3A_234 : i32 to vector<16xi32>
        %add3A_236 = arith.addi %add3A_157, %add3A_235 : vector<16xi32>
        %gather3A_237 = tpu.vector_load_idx %arg7[%broadcast_in_dim3A_6, %add3A_236] : memref<112x256xf32, #tpu.memory_space<vmem>>[vector<16xi32>, vector<16xi32>], vector<16xf32>,
        %add3A_238 = arith.constant 3584 : i32
        %add3A_239 = vector.broadcast %add3A_238 : i32 to vector<16xi32>
        %add3A_240 = arith.addi %add3A_160, %add3A_239 : vector<16xi32>
        %gather3A_241 = tpu.vector_load_idx %arg7[%broadcast_in_dim3A_6, %add3A_240] : memref<112x256xf32, #tpu.memory_space<vmem>>[vector<16xi32>, vector<16xi32>], vector<16xf32>,
        %add3A_242 = arith.constant 3584 : i32
        %add3A_243 = vector.broadcast %add3A_242 : i32 to vector<16xi32>
        %add3A_244 = arith.addi %add3A_163, %add3A_243 : vector<16xi32>
        %gather3A_245 = tpu.vector_load_idx %arg7[%broadcast_in_dim3A_6, %add3A_244] : memref<112x256xf32, #tpu.memory_space<vmem>>[vector<16xi32>, vector<16xi32>], vector<16xf32>,
        %add3A_246 = arith.constant 3584 : i32
        %add3A_247 = vector.broadcast %add3A_246 : i32 to vector<16xi32>
        %add3A_248 = arith.addi %add3A_166, %add3A_247 : vector<16xi32>
        %gather3A_249 = tpu.vector_load_idx %arg7[%broadcast_in_dim3A_6, %add3A_248] : memref<112x256xf32, #tpu.memory_space<vmem>>[vector<16xi32>, vector<16xi32>], vector<16xf32>,
        %add3A_250 = arith.constant 5376 : i32
        %add3A_251 = vector.broadcast %add3A_250 : i32 to vector<16xi32>
        %add3A_252 = arith.addi %add3A_148, %add3A_251 : vector<16xi32>
        %gather3A_253 = tpu.vector_load_idx %arg7[%broadcast_in_dim3A_6, %add3A_252] : memref<112x256xf32, #tpu.memory_space<vmem>>[vector<16xi32>, vector<16xi32>], vector<16xf32>,
        %add3A_254 = arith.constant 5376 : i32
        %add3A_255 = vector.broadcast %add3A_254 : i32 to vector<16xi32>
        %add3A_256 = arith.addi %add3A_151, %add3A_255 : vector<16xi32>
        %gather3A_257 = tpu.vector_load_idx %arg7[%broadcast_in_dim3A_6, %add3A_256] : memref<112x256xf32, #tpu.memory_space<vmem>>[vector<16xi32>, vector<16xi32>], vector<16xf32>,
        %add3A_258 = arith.constant 5376 : i32
        %add3A_259 = vector.broadcast %add3A_258 : i32 to vector<16xi32>
        %add3A_260 = arith.addi %add3A_154, %add3A_259 : vector<16xi32>
        %gather3A_261 = tpu.vector_load_idx %arg7[%broadcast_in_dim3A_6, %add3A_260] : memref<112x256xf32, #tpu.memory_space<vmem>>[vector<16xi32>, vector<16xi32>], vector<16xf32>,
        %add3A_262 = arith.constant 5376 : i32
        %add3A_263 = vector.broadcast %add3A_262 : i32 to vector<16xi32>
        %add3A_264 = arith.addi %add3A_157, %add3A_263 : vector<16xi32>
        %gather3A_265 = tpu.vector_load_idx %arg7[%broadcast_in_dim3A_6, %add3A_264] : memref<112x256xf32, #tpu.memory_space<vmem>>[vector<16xi32>, vector<16xi32>], vector<16xf32>,
        %add3A_266 = arith.constant 5376 : i32
        %add3A_267 = vector.broadcast %add3A_266 : i32 to vector<16xi32>
        %add3A_268 = arith.addi %add3A_160, %add3A_267 : vector<16xi32>
        %gather3A_269 = tpu.vector_load_idx %arg7[%broadcast_in_dim3A_6, %add3A_268] : memref<112x256xf32, #tpu.memory_space<vmem>>[vector<16xi32>, vector<16xi32>], vector<16xf32>,
        %add3A_270 = arith.constant 5376 : i32
        %add3A_271 = vector.broadcast %add3A_270 : i32 to vector<16xi32>
        %add3A_272 = arith.addi %add3A_163, %add3A_271 : vector<16xi32>
        %gather3A_273 = tpu.vector_load_idx %arg7[%broadcast_in_dim3A_6, %add3A_272] : memref<112x256xf32, #tpu.memory_space<vmem>>[vector<16xi32>, vector<16xi32>], vector<16xf32>,
        %add3A_274 = arith.constant 5376 : i32
        %add3A_275 = vector.broadcast %add3A_274 : i32 to vector<16xi32>
        %add3A_276 = arith.addi %add3A_166, %add3A_275 : vector<16xi32>
        %gather3A_277 = tpu.vector_load_idx %arg7[%broadcast_in_dim3A_6, %add3A_276] : memref<112x256xf32, #tpu.memory_space<vmem>>[vector<16xi32>, vector<16xi32>], vector<16xf32>,
        %add3A_278 = arith.addf %gather3A, %gather3A_173 : vector<16xf32>
        %add3A_279 = arith.addf %gather3A_197, %gather3A_201 : vector<16xf32>
        %add3A_280 = arith.addf %gather3A_225, %gather3A_229 : vector<16xf32>
        %add3A_281 = arith.addf %gather3A_253, %gather3A_257 : vector<16xf32>
        %add3A_282 = arith.addf %gather3A_177, %gather3A_181 : vector<16xf32>
        %add3A_283 = arith.addf %gather3A_205, %gather3A_209 : vector<16xf32>
        %add3A_284 = arith.addf %gather3A_233, %gather3A_237 : vector<16xf32>
        %add3A_285 = arith.addf %gather3A_261, %gather3A_265 : vector<16xf32>
        %add3A_286 = arith.addf %gather3A_185, %gather3A_189 : vector<16xf32>
        %add3A_287 = arith.addf %gather3A_213, %gather3A_217 : vector<16xf32>
        %add3A_288 = arith.addf %gather3A_241, %gather3A_245 : vector<16xf32>
        %add3A_289 = arith.addf %gather3A_269, %gather3A_273 : vector<16xf32>
        %add3A_290 = arith.addf %add3A_278, %add3A_282 : vector<16xf32>
        %add3A_291 = arith.addf %add3A_279, %add3A_283 : vector<16xf32>
        %add3A_292 = arith.addf %add3A_280, %add3A_284 : vector<16xf32>
        %add3A_293 = arith.addf %add3A_281, %add3A_285 : vector<16xf32>
        %add3A_294 = arith.addf %add3A_286, %gather3A_193 : vector<16xf32>
        %add3A_295 = arith.addf %add3A_287, %gather3A_221 : vector<16xf32>
        %add3A_296 = arith.addf %add3A_288, %gather3A_249 : vector<16xf32>
        %add3A_297 = arith.addf %add3A_289, %gather3A_277 : vector<16xf32>
        %add3A_298 = arith.addf %add3A_290, %add3A_294 : vector<16xf32>
        %mul3A_299 = arith.constant 0.142857149 : f32
        %mul3A_300 = vector.broadcast %mul3A_299 : f32 to vector<16xf32>
        %mul3A_301 = arith.mulf %add3A_298, %mul3A_300 : vector<16xf32>
        %mul3A_302 = arith.constant 16 : i32
        %mul3A_303 = arith.muli %scan3A_141, %mul3A_302 : i32
        %swap3A = arith.constant 0 : i32
        %swap3A_304 = arith.index_cast %swap3A : i32 to index
        %swap3A_305 = arith.index_cast %mul3A_303 : i32 to index
        %swap3A_306 = tpu.vector_load %arg10[%swap3A_304, %swap3A_305] {strides = array<i32>} : memref<16x256xf32, #tpu.memory_space<vmem>>, vector<16xf32>,
        tpu.vector_store %arg10[%swap3A_304, %swap3A_305], %mul3A_301 {strides = array<i32>} : memref<16x256xf32, #tpu.memory_space<vmem>>, vector<16xf32>,
        %add3A_307 = arith.addf %add3A_291, %add3A_295 : vector<16xf32>
        %mul3A_308 = arith.constant 0.142857149 : f32
        %mul3A_309 = vector.broadcast %mul3A_308 : f32 to vector<16xf32>
        %mul3A_310 = arith.mulf %add3A_307, %mul3A_309 : vector<16xf32>
        %mul3A_311 = arith.constant 16 : i32
        %mul3A_312 = arith.muli %scan3A_141, %mul3A_311 : i32
        %swap3A_313 = arith.constant 1 : i32
        %swap3A_314 = arith.index_cast %swap3A_313 : i32 to index
        %swap3A_315 = arith.index_cast %mul3A_312 : i32 to index
        %swap3A_316 = tpu.vector_load %arg10[%swap3A_314, %swap3A_315] {strides = array<i32>} : memref<16x256xf32, #tpu.memory_space<vmem>>, vector<16xf32>,
        tpu.vector_store %arg10[%swap3A_314, %swap3A_315], %mul3A_310 {strides = array<i32>} : memref<16x256xf32, #tpu.memory_space<vmem>>, vector<16xf32>,
        %add3A_317 = arith.addf %add3A_292, %add3A_296 : vector<16xf32>
        %mul3A_318 = arith.constant 0.142857149 : f32
        %mul3A_319 = vector.broadcast %mul3A_318 : f32 to vector<16xf32>
        %mul3A_320 = arith.mulf %add3A_317, %mul3A_319 : vector<16xf32>
        %mul3A_321 = arith.constant 16 : i32
        %mul3A_322 = arith.muli %scan3A_141, %mul3A_321 : i32
        %swap3A_323 = arith.constant 2 : i32
        %swap3A_324 = arith.index_cast %swap3A_323 : i32 to index
        %swap3A_325 = arith.index_cast %mul3A_322 : i32 to index
        %swap3A_326 = tpu.vector_load %arg10[%swap3A_324, %swap3A_325] {strides = array<i32>} : memref<16x256xf32, #tpu.memory_space<vmem>>, vector<16xf32>,
        tpu.vector_store %arg10[%swap3A_324, %swap3A_325], %mul3A_320 {strides = array<i32>} : memref<16x256xf32, #tpu.memory_space<vmem>>, vector<16xf32>,
        %add3A_327 = arith.addf %add3A_293, %add3A_297 : vector<16xf32>
        %mul3A_328 = arith.constant 0.142857149 : f32
        %mul3A_329 = vector.broadcast %mul3A_328 : f32 to vector<16xf32>
        %mul3A_330 = arith.mulf %add3A_327, %mul3A_329 : vector<16xf32>
        %mul3A_331 = arith.constant 16 : i32
        %mul3A_332 = arith.muli %scan3A_141, %mul3A_331 : i32
        %swap3A_333 = arith.constant 3 : i32
        %swap3A_334 = arith.index_cast %swap3A_333 : i32 to index
        %swap3A_335 = arith.index_cast %mul3A_332 : i32 to index
        %swap3A_336 = tpu.vector_load %arg10[%swap3A_334, %swap3A_335] {strides = array<i32>} : memref<16x256xf32, #tpu.memory_space<vmem>>, vector<16xf32>,
        tpu.vector_store %arg10[%swap3A_334, %swap3A_335], %mul3A_330 {strides = array<i32>} : memref<16x256xf32, #tpu.memory_space<vmem>>, vector<16xf32>,
        %add3A_337 = arith.constant 7168 : i32
        %add3A_338 = vector.broadcast %add3A_337 : i32 to vector<16xi32>
        %add3A_339 = arith.addi %add3A_148, %add3A_338 : vector<16xi32>
        %gather3A_340 = tpu.vector_load_idx %arg7[%broadcast_in_dim3A_6, %add3A_339] : memref<112x256xf32, #tpu.memory_space<vmem>>[vector<16xi32>, vector<16xi32>], vector<16xf32>,
        %add3A_341 = arith.constant 7168 : i32
        %add3A_342 = vector.broadcast %add3A_341 : i32 to vector<16xi32>
        %add3A_343 = arith.addi %add3A_151, %add3A_342 : vector<16xi32>
        %gather3A_344 = tpu.vector_load_idx %arg7[%broadcast_in_dim3A_6, %add3A_343] : memref<112x256xf32, #tpu.memory_space<vmem>>[vector<16xi32>, vector<16xi32>], vector<16xf32>,
        %add3A_345 = arith.constant 7168 : i32
        %add3A_346 = vector.broadcast %add3A_345 : i32 to vector<16xi32>
        %add3A_347 = arith.addi %add3A_154, %add3A_346 : vector<16xi32>
        %gather3A_348 = tpu.vector_load_idx %arg7[%broadcast_in_dim3A_6, %add3A_347] : memref<112x256xf32, #tpu.memory_space<vmem>>[vector<16xi32>, vector<16xi32>], vector<16xf32>,
        %add3A_349 = arith.constant 7168 : i32
        %add3A_350 = vector.broadcast %add3A_349 : i32 to vector<16xi32>
        %add3A_351 = arith.addi %add3A_157, %add3A_350 : vector<16xi32>
        %gather3A_352 = tpu.vector_load_idx %arg7[%broadcast_in_dim3A_6, %add3A_351] : memref<112x256xf32, #tpu.memory_space<vmem>>[vector<16xi32>, vector<16xi32>], vector<16xf32>,
        %add3A_353 = arith.constant 7168 : i32
        %add3A_354 = vector.broadcast %add3A_353 : i32 to vector<16xi32>
        %add3A_355 = arith.addi %add3A_160, %add3A_354 : vector<16xi32>
        %gather3A_356 = tpu.vector_load_idx %arg7[%broadcast_in_dim3A_6, %add3A_355] : memref<112x256xf32, #tpu.memory_space<vmem>>[vector<16xi32>, vector<16xi32>], vector<16xf32>,
        %add3A_357 = arith.constant 7168 : i32
        %add3A_358 = vector.broadcast %add3A_357 : i32 to vector<16xi32>
        %add3A_359 = arith.addi %add3A_163, %add3A_358 : vector<16xi32>
        %gather3A_360 = tpu.vector_load_idx %arg7[%broadcast_in_dim3A_6, %add3A_359] : memref<112x256xf32, #tpu.memory_space<vmem>>[vector<16xi32>, vector<16xi32>], vector<16xf32>,
        %add3A_361 = arith.constant 7168 : i32
        %add3A_362 = vector.broadcast %add3A_361 : i32 to vector<16xi32>
        %add3A_363 = arith.addi %add3A_166, %add3A_362 : vector<16xi32>
        %gather3A_364 = tpu.vector_load_idx %arg7[%broadcast_in_dim3A_6, %add3A_363] : memref<112x256xf32, #tpu.memory_space<vmem>>[vector<16xi32>, vector<16xi32>], vector<16xf32>,
        %add3A_365 = arith.constant 8960 : i32
        %add3A_366 = vector.broadcast %add3A_365 : i32 to vector<16xi32>
        %add3A_367 = arith.addi %add3A_148, %add3A_366 : vector<16xi32>
        %gather3A_368 = tpu.vector_load_idx %arg7[%broadcast_in_dim3A_6, %add3A_367] : memref<112x256xf32, #tpu.memory_space<vmem>>[vector<16xi32>, vector<16xi32>], vector<16xf32>,
        %add3A_369 = arith.constant 8960 : i32
        %add3A_370 = vector.broadcast %add3A_369 : i32 to vector<16xi32>
        %add3A_371 = arith.addi %add3A_151, %add3A_370 : vector<16xi32>
        %gather3A_372 = tpu.vector_load_idx %arg7[%broadcast_in_dim3A_6, %add3A_371] : memref<112x256xf32, #tpu.memory_space<vmem>>[vector<16xi32>, vector<16xi32>], vector<16xf32>,
        %add3A_373 = arith.constant 8960 : i32
        %add3A_374 = vector.broadcast %add3A_373 : i32 to vector<16xi32>
        %add3A_375 = arith.addi %add3A_154, %add3A_374 : vector<16xi32>
        %gather3A_376 = tpu.vector_load_idx %arg7[%broadcast_in_dim3A_6, %add3A_375] : memref<112x256xf32, #tpu.memory_space<vmem>>[vector<16xi32>, vector<16xi32>], vector<16xf32>,
        %add3A_377 = arith.constant 8960 : i32
        %add3A_378 = vector.broadcast %add3A_377 : i32 to vector<16xi32>
        %add3A_379 = arith.addi %add3A_157, %add3A_378 : vector<16xi32>
        %gather3A_380 = tpu.vector_load_idx %arg7[%broadcast_in_dim3A_6, %add3A_379] : memref<112x256xf32, #tpu.memory_space<vmem>>[vector<16xi32>, vector<16xi32>], vector<16xf32>,
        %add3A_381 = arith.constant 8960 : i32
        %add3A_382 = vector.broadcast %add3A_381 : i32 to vector<16xi32>
        %add3A_383 = arith.addi %add3A_160, %add3A_382 : vector<16xi32>
        %gather3A_384 = tpu.vector_load_idx %arg7[%broadcast_in_dim3A_6, %add3A_383] : memref<112x256xf32, #tpu.memory_space<vmem>>[vector<16xi32>, vector<16xi32>], vector<16xf32>,
        %add3A_385 = arith.constant 8960 : i32
        %add3A_386 = vector.broadcast %add3A_385 : i32 to vector<16xi32>
        %add3A_387 = arith.addi %add3A_163, %add3A_386 : vector<16xi32>
        %gather3A_388 = tpu.vector_load_idx %arg7[%broadcast_in_dim3A_6, %add3A_387] : memref<112x256xf32, #tpu.memory_space<vmem>>[vector<16xi32>, vector<16xi32>], vector<16xf32>,
        %add3A_389 = arith.constant 8960 : i32
        %add3A_390 = vector.broadcast %add3A_389 : i32 to vector<16xi32>
        %add3A_391 = arith.addi %add3A_166, %add3A_390 : vector<16xi32>
        %gather3A_392 = tpu.vector_load_idx %arg7[%broadcast_in_dim3A_6, %add3A_391] : memref<112x256xf32, #tpu.memory_space<vmem>>[vector<16xi32>, vector<16xi32>], vector<16xf32>,
        %add3A_393 = arith.constant 10752 : i32
        %add3A_394 = vector.broadcast %add3A_393 : i32 to vector<16xi32>
        %add3A_395 = arith.addi %add3A_148, %add3A_394 : vector<16xi32>
        %gather3A_396 = tpu.vector_load_idx %arg7[%broadcast_in_dim3A_6, %add3A_395] : memref<112x256xf32, #tpu.memory_space<vmem>>[vector<16xi32>, vector<16xi32>], vector<16xf32>,
        %add3A_397 = arith.constant 10752 : i32
        %add3A_398 = vector.broadcast %add3A_397 : i32 to vector<16xi32>
        %add3A_399 = arith.addi %add3A_151, %add3A_398 : vector<16xi32>
        %gather3A_400 = tpu.vector_load_idx %arg7[%broadcast_in_dim3A_6, %add3A_399] : memref<112x256xf32, #tpu.memory_space<vmem>>[vector<16xi32>, vector<16xi32>], vector<16xf32>,
        %add3A_401 = arith.constant 10752 : i32
        %add3A_402 = vector.broadcast %add3A_401 : i32 to vector<16xi32>
        %add3A_403 = arith.addi %add3A_154, %add3A_402 : vector<16xi32>
        %gather3A_404 = tpu.vector_load_idx %arg7[%broadcast_in_dim3A_6, %add3A_403] : memref<112x256xf32, #tpu.memory_space<vmem>>[vector<16xi32>, vector<16xi32>], vector<16xf32>,
        %add3A_405 = arith.constant 10752 : i32
        %add3A_406 = vector.broadcast %add3A_405 : i32 to vector<16xi32>
        %add3A_407 = arith.addi %add3A_157, %add3A_406 : vector<16xi32>
        %gather3A_408 = tpu.vector_load_idx %arg7[%broadcast_in_dim3A_6, %add3A_407] : memref<112x256xf32, #tpu.memory_space<vmem>>[vector<16xi32>, vector<16xi32>], vector<16xf32>,
        %add3A_409 = arith.constant 10752 : i32
        %add3A_410 = vector.broadcast %add3A_409 : i32 to vector<16xi32>
        %add3A_411 = arith.addi %add3A_160, %add3A_410 : vector<16xi32>
        %gather3A_412 = tpu.vector_load_idx %arg7[%broadcast_in_dim3A_6, %add3A_411] : memref<112x256xf32, #tpu.memory_space<vmem>>[vector<16xi32>, vector<16xi32>], vector<16xf32>,
        %add3A_413 = arith.constant 10752 : i32
        %add3A_414 = vector.broadcast %add3A_413 : i32 to vector<16xi32>
        %add3A_415 = arith.addi %add3A_163, %add3A_414 : vector<16xi32>
        %gather3A_416 = tpu.vector_load_idx %arg7[%broadcast_in_dim3A_6, %add3A_415] : memref<112x256xf32, #tpu.memory_space<vmem>>[vector<16xi32>, vector<16xi32>], vector<16xf32>,
        %add3A_417 = arith.constant 10752 : i32
        %add3A_418 = vector.broadcast %add3A_417 : i32 to vector<16xi32>
        %add3A_419 = arith.addi %add3A_166, %add3A_418 : vector<16xi32>
        %gather3A_420 = tpu.vector_load_idx %arg7[%broadcast_in_dim3A_6, %add3A_419] : memref<112x256xf32, #tpu.memory_space<vmem>>[vector<16xi32>, vector<16xi32>], vector<16xf32>,
        %add3A_421 = arith.constant 12544 : i32
        %add3A_422 = vector.broadcast %add3A_421 : i32 to vector<16xi32>
        %add3A_423 = arith.addi %add3A_148, %add3A_422 : vector<16xi32>
        %gather3A_424 = tpu.vector_load_idx %arg7[%broadcast_in_dim3A_6, %add3A_423] : memref<112x256xf32, #tpu.memory_space<vmem>>[vector<16xi32>, vector<16xi32>], vector<16xf32>,
        %add3A_425 = arith.constant 12544 : i32
        %add3A_426 = vector.broadcast %add3A_425 : i32 to vector<16xi32>
        %add3A_427 = arith.addi %add3A_151, %add3A_426 : vector<16xi32>
        %gather3A_428 = tpu.vector_load_idx %arg7[%broadcast_in_dim3A_6, %add3A_427] : memref<112x256xf32, #tpu.memory_space<vmem>>[vector<16xi32>, vector<16xi32>], vector<16xf32>,
        %add3A_429 = arith.constant 12544 : i32
        %add3A_430 = vector.broadcast %add3A_429 : i32 to vector<16xi32>
        %add3A_431 = arith.addi %add3A_154, %add3A_430 : vector<16xi32>
        %gather3A_432 = tpu.vector_load_idx %arg7[%broadcast_in_dim3A_6, %add3A_431] : memref<112x256xf32, #tpu.memory_space<vmem>>[vector<16xi32>, vector<16xi32>], vector<16xf32>,
        %add3A_433 = arith.constant 12544 : i32
        %add3A_434 = vector.broadcast %add3A_433 : i32 to vector<16xi32>
        %add3A_435 = arith.addi %add3A_157, %add3A_434 : vector<16xi32>
        %gather3A_436 = tpu.vector_load_idx %arg7[%broadcast_in_dim3A_6, %add3A_435] : memref<112x256xf32, #tpu.memory_space<vmem>>[vector<16xi32>, vector<16xi32>], vector<16xf32>,
        %add3A_437 = arith.constant 12544 : i32
        %add3A_438 = vector.broadcast %add3A_437 : i32 to vector<16xi32>
        %add3A_439 = arith.addi %add3A_160, %add3A_438 : vector<16xi32>
        %gather3A_440 = tpu.vector_load_idx %arg7[%broadcast_in_dim3A_6, %add3A_439] : memref<112x256xf32, #tpu.memory_space<vmem>>[vector<16xi32>, vector<16xi32>], vector<16xf32>,
        %add3A_441 = arith.constant 12544 : i32
        %add3A_442 = vector.broadcast %add3A_441 : i32 to vector<16xi32>
        %add3A_443 = arith.addi %add3A_163, %add3A_442 : vector<16xi32>
        %gather3A_444 = tpu.vector_load_idx %arg7[%broadcast_in_dim3A_6, %add3A_443] : memref<112x256xf32, #tpu.memory_space<vmem>>[vector<16xi32>, vector<16xi32>], vector<16xf32>,
        %add3A_445 = arith.constant 12544 : i32
        %add3A_446 = vector.broadcast %add3A_445 : i32 to vector<16xi32>
        %add3A_447 = arith.addi %add3A_166, %add3A_446 : vector<16xi32>
        %gather3A_448 = tpu.vector_load_idx %arg7[%broadcast_in_dim3A_6, %add3A_447] : memref<112x256xf32, #tpu.memory_space<vmem>>[vector<16xi32>, vector<16xi32>], vector<16xf32>,
        %add3A_449 = arith.addf %gather3A_340, %gather3A_344 : vector<16xf32>
        %add3A_450 = arith.addf %gather3A_368, %gather3A_372 : vector<16xf32>
        %add3A_451 = arith.addf %gather3A_396, %gather3A_400 : vector<16xf32>
        %add3A_452 = arith.addf %gather3A_424, %gather3A_428 : vector<16xf32>
        %add3A_453 = arith.addf %gather3A_348, %gather3A_352 : vector<16xf32>
        %add3A_454 = arith.addf %gather3A_376, %gather3A_380 : vector<16xf32>
        %add3A_455 = arith.addf %gather3A_404, %gather3A_408 : vector<16xf32>
        %add3A_456 = arith.addf %gather3A_432, %gather3A_436 : vector<16xf32>
        %add3A_457 = arith.addf %gather3A_356, %gather3A_360 : vector<16xf32>
        %add3A_458 = arith.addf %gather3A_384, %gather3A_388 : vector<16xf32>
        %add3A_459 = arith.addf %gather3A_412, %gather3A_416 : vector<16xf32>
        %add3A_460 = arith.addf %gather3A_440, %gather3A_444 : vector<16xf32>
        %add3A_461 = arith.addf %add3A_449, %add3A_453 : vector<16xf32>
        %add3A_462 = arith.addf %add3A_450, %add3A_454 : vector<16xf32>
        %add3A_463 = arith.addf %add3A_451, %add3A_455 : vector<16xf32>
        %add3A_464 = arith.addf %add3A_452, %add3A_456 : vector<16xf32>
        %add3A_465 = arith.addf %add3A_457, %gather3A_364 : vector<16xf32>
        %add3A_466 = arith.addf %add3A_458, %gather3A_392 : vector<16xf32>
        %add3A_467 = arith.addf %add3A_459, %gather3A_420 : vector<16xf32>
        %add3A_468 = arith.addf %add3A_460, %gather3A_448 : vector<16xf32>
        %add3A_469 = arith.addf %add3A_461, %add3A_465 : vector<16xf32>
        %mul3A_470 = arith.constant 0.142857149 : f32
        %mul3A_471 = vector.broadcast %mul3A_470 : f32 to vector<16xf32>
        %mul3A_472 = arith.mulf %add3A_469, %mul3A_471 : vector<16xf32>
        %mul3A_473 = arith.constant 16 : i32
        %mul3A_474 = arith.muli %scan3A_141, %mul3A_473 : i32
        %swap3A_475 = arith.constant 4 : i32
        %swap3A_476 = arith.index_cast %swap3A_475 : i32 to index
        %swap3A_477 = arith.index_cast %mul3A_474 : i32 to index
        %swap3A_478 = tpu.vector_load %arg10[%swap3A_476, %swap3A_477] {strides = array<i32>} : memref<16x256xf32, #tpu.memory_space<vmem>>, vector<16xf32>,
        tpu.vector_store %arg10[%swap3A_476, %swap3A_477], %mul3A_472 {strides = array<i32>} : memref<16x256xf32, #tpu.memory_space<vmem>>, vector<16xf32>,
        %add3A_479 = arith.addf %add3A_462, %add3A_466 : vector<16xf32>
        %mul3A_480 = arith.constant 0.142857149 : f32
        %mul3A_481 = vector.broadcast %mul3A_480 : f32 to vector<16xf32>
        %mul3A_482 = arith.mulf %add3A_479, %mul3A_481 : vector<16xf32>
        %mul3A_483 = arith.constant 16 : i32
        %mul3A_484 = arith.muli %scan3A_141, %mul3A_483 : i32
        %swap3A_485 = arith.constant 5 : i32
        %swap3A_486 = arith.index_cast %swap3A_485 : i32 to index
        %swap3A_487 = arith.index_cast %mul3A_484 : i32 to index
        %swap3A_488 = tpu.vector_load %arg10[%swap3A_486, %swap3A_487] {strides = array<i32>} : memref<16x256xf32, #tpu.memory_space<vmem>>, vector<16xf32>,
        tpu.vector_store %arg10[%swap3A_486, %swap3A_487], %mul3A_482 {strides = array<i32>} : memref<16x256xf32, #tpu.memory_space<vmem>>, vector<16xf32>,
        %add3A_489 = arith.addf %add3A_463, %add3A_467 : vector<16xf32>
        %mul3A_490 = arith.constant 0.142857149 : f32
        %mul3A_491 = vector.broadcast %mul3A_490 : f32 to vector<16xf32>
        %mul3A_492 = arith.mulf %add3A_489, %mul3A_491 : vector<16xf32>
        %mul3A_493 = arith.constant 16 : i32
        %mul3A_494 = arith.muli %scan3A_141, %mul3A_493 : i32
        %swap3A_495 = arith.constant 6 : i32
        %swap3A_496 = arith.index_cast %swap3A_495 : i32 to index
        %swap3A_497 = arith.index_cast %mul3A_494 : i32 to index
        %swap3A_498 = tpu.vector_load %arg10[%swap3A_496, %swap3A_497] {strides = array<i32>} : memref<16x256xf32, #tpu.memory_space<vmem>>, vector<16xf32>,
        tpu.vector_store %arg10[%swap3A_496, %swap3A_497], %mul3A_492 {strides = array<i32>} : memref<16x256xf32, #tpu.memory_space<vmem>>, vector<16xf32>,
        %add3A_499 = arith.addf %add3A_464, %add3A_468 : vector<16xf32>
        %mul3A_500 = arith.constant 0.142857149 : f32
        %mul3A_501 = vector.broadcast %mul3A_500 : f32 to vector<16xf32>
        %mul3A_502 = arith.mulf %add3A_499, %mul3A_501 : vector<16xf32>
        %mul3A_503 = arith.constant 16 : i32
        %mul3A_504 = arith.muli %scan3A_141, %mul3A_503 : i32
        %swap3A_505 = arith.constant 7 : i32
        %swap3A_506 = arith.index_cast %swap3A_505 : i32 to index
        %swap3A_507 = arith.index_cast %mul3A_504 : i32 to index
        %swap3A_508 = tpu.vector_load %arg10[%swap3A_506, %swap3A_507] {strides = array<i32>} : memref<16x256xf32, #tpu.memory_space<vmem>>, vector<16xf32>,
        tpu.vector_store %arg10[%swap3A_506, %swap3A_507], %mul3A_502 {strides = array<i32>} : memref<16x256xf32, #tpu.memory_space<vmem>>, vector<16xf32>,
        %add3A_509 = arith.constant 14336 : i32
        %add3A_510 = vector.broadcast %add3A_509 : i32 to vector<16xi32>
        %add3A_511 = arith.addi %add3A_148, %add3A_510 : vector<16xi32>
        %gather3A_512 = tpu.vector_load_idx %arg7[%broadcast_in_dim3A_6, %add3A_511] : memref<112x256xf32, #tpu.memory_space<vmem>>[vector<16xi32>, vector<16xi32>], vector<16xf32>,
        %add3A_513 = arith.constant 14336 : i32
        %add3A_514 = vector.broadcast %add3A_513 : i32 to vector<16xi32>
        %add3A_515 = arith.addi %add3A_151, %add3A_514 : vector<16xi32>
        %gather3A_516 = tpu.vector_load_idx %arg7[%broadcast_in_dim3A_6, %add3A_515] : memref<112x256xf32, #tpu.memory_space<vmem>>[vector<16xi32>, vector<16xi32>], vector<16xf32>,
        %add3A_517 = arith.constant 14336 : i32
        %add3A_518 = vector.broadcast %add3A_517 : i32 to vector<16xi32>
        %add3A_519 = arith.addi %add3A_154, %add3A_518 : vector<16xi32>
        %gather3A_520 = tpu.vector_load_idx %arg7[%broadcast_in_dim3A_6, %add3A_519] : memref<112x256xf32, #tpu.memory_space<vmem>>[vector<16xi32>, vector<16xi32>], vector<16xf32>,
        %add3A_521 = arith.constant 14336 : i32
        %add3A_522 = vector.broadcast %add3A_521 : i32 to vector<16xi32>
        %add3A_523 = arith.addi %add3A_157, %add3A_522 : vector<16xi32>
        %gather3A_524 = tpu.vector_load_idx %arg7[%broadcast_in_dim3A_6, %add3A_523] : memref<112x256xf32, #tpu.memory_space<vmem>>[vector<16xi32>, vector<16xi32>], vector<16xf32>,
        %add3A_525 = arith.constant 14336 : i32
        %add3A_526 = vector.broadcast %add3A_525 : i32 to vector<16xi32>
        %add3A_527 = arith.addi %add3A_160, %add3A_526 : vector<16xi32>
        %gather3A_528 = tpu.vector_load_idx %arg7[%broadcast_in_dim3A_6, %add3A_527] : memref<112x256xf32, #tpu.memory_space<vmem>>[vector<16xi32>, vector<16xi32>], vector<16xf32>,
        %add3A_529 = arith.constant 14336 : i32
        %add3A_530 = vector.broadcast %add3A_529 : i32 to vector<16xi32>
        %add3A_531 = arith.addi %add3A_163, %add3A_530 : vector<16xi32>
        %gather3A_532 = tpu.vector_load_idx %arg7[%broadcast_in_dim3A_6, %add3A_531] : memref<112x256xf32, #tpu.memory_space<vmem>>[vector<16xi32>, vector<16xi32>], vector<16xf32>,
        %add3A_533 = arith.constant 14336 : i32
        %add3A_534 = vector.broadcast %add3A_533 : i32 to vector<16xi32>
        %add3A_535 = arith.addi %add3A_166, %add3A_534 : vector<16xi32>
        %gather3A_536 = tpu.vector_load_idx %arg7[%broadcast_in_dim3A_6, %add3A_535] : memref<112x256xf32, #tpu.memory_space<vmem>>[vector<16xi32>, vector<16xi32>], vector<16xf32>,
        %add3A_537 = arith.constant 16128 : i32
        %add3A_538 = vector.broadcast %add3A_537 : i32 to vector<16xi32>
        %add3A_539 = arith.addi %add3A_148, %add3A_538 : vector<16xi32>
        %gather3A_540 = tpu.vector_load_idx %arg7[%broadcast_in_dim3A_6, %add3A_539] : memref<112x256xf32, #tpu.memory_space<vmem>>[vector<16xi32>, vector<16xi32>], vector<16xf32>,
        %add3A_541 = arith.constant 16128 : i32
        %add3A_542 = vector.broadcast %add3A_541 : i32 to vector<16xi32>
        %add3A_543 = arith.addi %add3A_151, %add3A_542 : vector<16xi32>
        %gather3A_544 = tpu.vector_load_idx %arg7[%broadcast_in_dim3A_6, %add3A_543] : memref<112x256xf32, #tpu.memory_space<vmem>>[vector<16xi32>, vector<16xi32>], vector<16xf32>,
        %add3A_545 = arith.constant 16128 : i32
        %add3A_546 = vector.broadcast %add3A_545 : i32 to vector<16xi32>
        %add3A_547 = arith.addi %add3A_154, %add3A_546 : vector<16xi32>
        %gather3A_548 = tpu.vector_load_idx %arg7[%broadcast_in_dim3A_6, %add3A_547] : memref<112x256xf32, #tpu.memory_space<vmem>>[vector<16xi32>, vector<16xi32>], vector<16xf32>,
        %add3A_549 = arith.constant 16128 : i32
        %add3A_550 = vector.broadcast %add3A_549 : i32 to vector<16xi32>
        %add3A_551 = arith.addi %add3A_157, %add3A_550 : vector<16xi32>
        %gather3A_552 = tpu.vector_load_idx %arg7[%broadcast_in_dim3A_6, %add3A_551] : memref<112x256xf32, #tpu.memory_space<vmem>>[vector<16xi32>, vector<16xi32>], vector<16xf32>,
        %add3A_553 = arith.constant 16128 : i32
        %add3A_554 = vector.broadcast %add3A_553 : i32 to vector<16xi32>
        %add3A_555 = arith.addi %add3A_160, %add3A_554 : vector<16xi32>
        %gather3A_556 = tpu.vector_load_idx %arg7[%broadcast_in_dim3A_6, %add3A_555] : memref<112x256xf32, #tpu.memory_space<vmem>>[vector<16xi32>, vector<16xi32>], vector<16xf32>,
        %add3A_557 = arith.constant 16128 : i32
        %add3A_558 = vector.broadcast %add3A_557 : i32 to vector<16xi32>
        %add3A_559 = arith.addi %add3A_163, %add3A_558 : vector<16xi32>
        %gather3A_560 = tpu.vector_load_idx %arg7[%broadcast_in_dim3A_6, %add3A_559] : memref<112x256xf32, #tpu.memory_space<vmem>>[vector<16xi32>, vector<16xi32>], vector<16xf32>,
        %add3A_561 = arith.constant 16128 : i32
        %add3A_562 = vector.broadcast %add3A_561 : i32 to vector<16xi32>
        %add3A_563 = arith.addi %add3A_166, %add3A_562 : vector<16xi32>
        %gather3A_564 = tpu.vector_load_idx %arg7[%broadcast_in_dim3A_6, %add3A_563] : memref<112x256xf32, #tpu.memory_space<vmem>>[vector<16xi32>, vector<16xi32>], vector<16xf32>,
        %add3A_565 = arith.constant 17920 : i32
        %add3A_566 = vector.broadcast %add3A_565 : i32 to vector<16xi32>
        %add3A_567 = arith.addi %add3A_148, %add3A_566 : vector<16xi32>
        %gather3A_568 = tpu.vector_load_idx %arg7[%broadcast_in_dim3A_6, %add3A_567] : memref<112x256xf32, #tpu.memory_space<vmem>>[vector<16xi32>, vector<16xi32>], vector<16xf32>,
        %add3A_569 = arith.constant 17920 : i32
        %add3A_570 = vector.broadcast %add3A_569 : i32 to vector<16xi32>
        %add3A_571 = arith.addi %add3A_151, %add3A_570 : vector<16xi32>
        %gather3A_572 = tpu.vector_load_idx %arg7[%broadcast_in_dim3A_6, %add3A_571] : memref<112x256xf32, #tpu.memory_space<vmem>>[vector<16xi32>, vector<16xi32>], vector<16xf32>,
        %add3A_573 = arith.constant 17920 : i32
        %add3A_574 = vector.broadcast %add3A_573 : i32 to vector<16xi32>
        %add3A_575 = arith.addi %add3A_154, %add3A_574 : vector<16xi32>
        %gather3A_576 = tpu.vector_load_idx %arg7[%broadcast_in_dim3A_6, %add3A_575] : memref<112x256xf32, #tpu.memory_space<vmem>>[vector<16xi32>, vector<16xi32>], vector<16xf32>,
        %add3A_577 = arith.constant 17920 : i32
        %add3A_578 = vector.broadcast %add3A_577 : i32 to vector<16xi32>
        %add3A_579 = arith.addi %add3A_157, %add3A_578 : vector<16xi32>
        %gather3A_580 = tpu.vector_load_idx %arg7[%broadcast_in_dim3A_6, %add3A_579] : memref<112x256xf32, #tpu.memory_space<vmem>>[vector<16xi32>, vector<16xi32>], vector<16xf32>,
        %add3A_581 = arith.constant 17920 : i32
        %add3A_582 = vector.broadcast %add3A_581 : i32 to vector<16xi32>
        %add3A_583 = arith.addi %add3A_160, %add3A_582 : vector<16xi32>
        %gather3A_584 = tpu.vector_load_idx %arg7[%broadcast_in_dim3A_6, %add3A_583] : memref<112x256xf32, #tpu.memory_space<vmem>>[vector<16xi32>, vector<16xi32>], vector<16xf32>,
        %add3A_585 = arith.constant 17920 : i32
        %add3A_586 = vector.broadcast %add3A_585 : i32 to vector<16xi32>
        %add3A_587 = arith.addi %add3A_163, %add3A_586 : vector<16xi32>
        %gather3A_588 = tpu.vector_load_idx %arg7[%broadcast_in_dim3A_6, %add3A_587] : memref<112x256xf32, #tpu.memory_space<vmem>>[vector<16xi32>, vector<16xi32>], vector<16xf32>,
        %add3A_589 = arith.constant 17920 : i32
        %add3A_590 = vector.broadcast %add3A_589 : i32 to vector<16xi32>
        %add3A_591 = arith.addi %add3A_166, %add3A_590 : vector<16xi32>
        %gather3A_592 = tpu.vector_load_idx %arg7[%broadcast_in_dim3A_6, %add3A_591] : memref<112x256xf32, #tpu.memory_space<vmem>>[vector<16xi32>, vector<16xi32>], vector<16xf32>,
        %add3A_593 = arith.constant 19712 : i32
        %add3A_594 = vector.broadcast %add3A_593 : i32 to vector<16xi32>
        %add3A_595 = arith.addi %add3A_148, %add3A_594 : vector<16xi32>
        %gather3A_596 = tpu.vector_load_idx %arg7[%broadcast_in_dim3A_6, %add3A_595] : memref<112x256xf32, #tpu.memory_space<vmem>>[vector<16xi32>, vector<16xi32>], vector<16xf32>,
        %add3A_597 = arith.constant 19712 : i32
        %add3A_598 = vector.broadcast %add3A_597 : i32 to vector<16xi32>
        %add3A_599 = arith.addi %add3A_151, %add3A_598 : vector<16xi32>
        %gather3A_600 = tpu.vector_load_idx %arg7[%broadcast_in_dim3A_6, %add3A_599] : memref<112x256xf32, #tpu.memory_space<vmem>>[vector<16xi32>, vector<16xi32>], vector<16xf32>,
        %add3A_601 = arith.constant 19712 : i32
        %add3A_602 = vector.broadcast %add3A_601 : i32 to vector<16xi32>
        %add3A_603 = arith.addi %add3A_154, %add3A_602 : vector<16xi32>
        %gather3A_604 = tpu.vector_load_idx %arg7[%broadcast_in_dim3A_6, %add3A_603] : memref<112x256xf32, #tpu.memory_space<vmem>>[vector<16xi32>, vector<16xi32>], vector<16xf32>,
        %add3A_605 = arith.constant 19712 : i32
        %add3A_606 = vector.broadcast %add3A_605 : i32 to vector<16xi32>
        %add3A_607 = arith.addi %add3A_157, %add3A_606 : vector<16xi32>
        %gather3A_608 = tpu.vector_load_idx %arg7[%broadcast_in_dim3A_6, %add3A_607] : memref<112x256xf32, #tpu.memory_space<vmem>>[vector<16xi32>, vector<16xi32>], vector<16xf32>,
        %add3A_609 = arith.constant 19712 : i32
        %add3A_610 = vector.broadcast %add3A_609 : i32 to vector<16xi32>
        %add3A_611 = arith.addi %add3A_160, %add3A_610 : vector<16xi32>
        %gather3A_612 = tpu.vector_load_idx %arg7[%broadcast_in_dim3A_6, %add3A_611] : memref<112x256xf32, #tpu.memory_space<vmem>>[vector<16xi32>, vector<16xi32>], vector<16xf32>,
        %add3A_613 = arith.constant 19712 : i32
        %add3A_614 = vector.broadcast %add3A_613 : i32 to vector<16xi32>
        %add3A_615 = arith.addi %add3A_163, %add3A_614 : vector<16xi32>
        %gather3A_616 = tpu.vector_load_idx %arg7[%broadcast_in_dim3A_6, %add3A_615] : memref<112x256xf32, #tpu.memory_space<vmem>>[vector<16xi32>, vector<16xi32>], vector<16xf32>,
        %add3A_617 = arith.constant 19712 : i32
        %add3A_618 = vector.broadcast %add3A_617 : i32 to vector<16xi32>
        %add3A_619 = arith.addi %add3A_166, %add3A_618 : vector<16xi32>
        %gather3A_620 = tpu.vector_load_idx %arg7[%broadcast_in_dim3A_6, %add3A_619] : memref<112x256xf32, #tpu.memory_space<vmem>>[vector<16xi32>, vector<16xi32>], vector<16xf32>,
        %add3A_621 = arith.addf %gather3A_512, %gather3A_516 : vector<16xf32>
        %add3A_622 = arith.addf %gather3A_540, %gather3A_544 : vector<16xf32>
        %add3A_623 = arith.addf %gather3A_568, %gather3A_572 : vector<16xf32>
        %add3A_624 = arith.addf %gather3A_596, %gather3A_600 : vector<16xf32>
        %add3A_625 = arith.addf %gather3A_520, %gather3A_524 : vector<16xf32>
        %add3A_626 = arith.addf %gather3A_548, %gather3A_552 : vector<16xf32>
        %add3A_627 = arith.addf %gather3A_576, %gather3A_580 : vector<16xf32>
        %add3A_628 = arith.addf %gather3A_604, %gather3A_608 : vector<16xf32>
        %add3A_629 = arith.addf %gather3A_528, %gather3A_532 : vector<16xf32>
        %add3A_630 = arith.addf %gather3A_556, %gather3A_560 : vector<16xf32>
        %add3A_631 = arith.addf %gather3A_584, %gather3A_588 : vector<16xf32>
        %add3A_632 = arith.addf %gather3A_612, %gather3A_616 : vector<16xf32>
        %add3A_633 = arith.addf %add3A_621, %add3A_625 : vector<16xf32>
        %add3A_634 = arith.addf %add3A_622, %add3A_626 : vector<16xf32>
        %add3A_635 = arith.addf %add3A_623, %add3A_627 : vector<16xf32>
        %add3A_636 = arith.addf %add3A_624, %add3A_628 : vector<16xf32>
        %add3A_637 = arith.addf %add3A_629, %gather3A_536 : vector<16xf32>
        %add3A_638 = arith.addf %add3A_630, %gather3A_564 : vector<16xf32>
        %add3A_639 = arith.addf %add3A_631, %gather3A_592 : vector<16xf32>
        %add3A_640 = arith.addf %add3A_632, %gather3A_620 : vector<16xf32>
        %add3A_641 = arith.addf %add3A_633, %add3A_637 : vector<16xf32>
        %mul3A_642 = arith.constant 0.142857149 : f32
        %mul3A_643 = vector.broadcast %mul3A_642 : f32 to vector<16xf32>
        %mul3A_644 = arith.mulf %add3A_641, %mul3A_643 : vector<16xf32>
        %mul3A_645 = arith.constant 16 : i32
        %mul3A_646 = arith.muli %scan3A_141, %mul3A_645 : i32
        %swap3A_647 = arith.constant 8 : i32
        %swap3A_648 = arith.index_cast %swap3A_647 : i32 to index
        %swap3A_649 = arith.index_cast %mul3A_646 : i32 to index
        %swap3A_650 = tpu.vector_load %arg10[%swap3A_648, %swap3A_649] {strides = array<i32>} : memref<16x256xf32, #tpu.memory_space<vmem>>, vector<16xf32>,
        tpu.vector_store %arg10[%swap3A_648, %swap3A_649], %mul3A_644 {strides = array<i32>} : memref<16x256xf32, #tpu.memory_space<vmem>>, vector<16xf32>,
        %add3A_651 = arith.addf %add3A_634, %add3A_638 : vector<16xf32>
        %mul3A_652 = arith.constant 0.142857149 : f32
        %mul3A_653 = vector.broadcast %mul3A_652 : f32 to vector<16xf32>
        %mul3A_654 = arith.mulf %add3A_651, %mul3A_653 : vector<16xf32>
        %mul3A_655 = arith.constant 16 : i32
        %mul3A_656 = arith.muli %scan3A_141, %mul3A_655 : i32
        %swap3A_657 = arith.constant 9 : i32
        %swap3A_658 = arith.index_cast %swap3A_657 : i32 to index
        %swap3A_659 = arith.index_cast %mul3A_656 : i32 to index
        %swap3A_660 = tpu.vector_load %arg10[%swap3A_658, %swap3A_659] {strides = array<i32>} : memref<16x256xf32, #tpu.memory_space<vmem>>, vector<16xf32>,
        tpu.vector_store %arg10[%swap3A_658, %swap3A_659], %mul3A_654 {strides = array<i32>} : memref<16x256xf32, #tpu.memory_space<vmem>>, vector<16xf32>,
        %add3A_661 = arith.addf %add3A_635, %add3A_639 : vector<16xf32>
        %mul3A_662 = arith.constant 0.142857149 : f32
        %mul3A_663 = vector.broadcast %mul3A_662 : f32 to vector<16xf32>
        %mul3A_664 = arith.mulf %add3A_661, %mul3A_663 : vector<16xf32>
        %mul3A_665 = arith.constant 16 : i32
        %mul3A_666 = arith.muli %scan3A_141, %mul3A_665 : i32
        %swap3A_667 = arith.constant 10 : i32
        %swap3A_668 = arith.index_cast %swap3A_667 : i32 to index
        %swap3A_669 = arith.index_cast %mul3A_666 : i32 to index
        %swap3A_670 = tpu.vector_load %arg10[%swap3A_668, %swap3A_669] {strides = array<i32>} : memref<16x256xf32, #tpu.memory_space<vmem>>, vector<16xf32>,
        tpu.vector_store %arg10[%swap3A_668, %swap3A_669], %mul3A_664 {strides = array<i32>} : memref<16x256xf32, #tpu.memory_space<vmem>>, vector<16xf32>,
        %add3A_671 = arith.addf %add3A_636, %add3A_640 : vector<16xf32>
        %mul3A_672 = arith.constant 0.142857149 : f32
        %mul3A_673 = vector.broadcast %mul3A_672 : f32 to vector<16xf32>
        %mul3A_674 = arith.mulf %add3A_671, %mul3A_673 : vector<16xf32>
        %mul3A_675 = arith.constant 16 : i32
        %mul3A_676 = arith.muli %scan3A_141, %mul3A_675 : i32
        %swap3A_677 = arith.constant 11 : i32
        %swap3A_678 = arith.index_cast %swap3A_677 : i32 to index
        %swap3A_679 = arith.index_cast %mul3A_676 : i32 to index
        %swap3A_680 = tpu.vector_load %arg10[%swap3A_678, %swap3A_679] {strides = array<i32>} : memref<16x256xf32, #tpu.memory_space<vmem>>, vector<16xf32>,
        tpu.vector_store %arg10[%swap3A_678, %swap3A_679], %mul3A_674 {strides = array<i32>} : memref<16x256xf32, #tpu.memory_space<vmem>>, vector<16xf32>,
        %add3A_681 = arith.constant 21504 : i32
        %add3A_682 = vector.broadcast %add3A_681 : i32 to vector<16xi32>
        %add3A_683 = arith.addi %add3A_148, %add3A_682 : vector<16xi32>
        %gather3A_684 = tpu.vector_load_idx %arg7[%broadcast_in_dim3A_6, %add3A_683] : memref<112x256xf32, #tpu.memory_space<vmem>>[vector<16xi32>, vector<16xi32>], vector<16xf32>,
        %add3A_685 = arith.constant 21504 : i32
        %add3A_686 = vector.broadcast %add3A_685 : i32 to vector<16xi32>
        %add3A_687 = arith.addi %add3A_151, %add3A_686 : vector<16xi32>
        %gather3A_688 = tpu.vector_load_idx %arg7[%broadcast_in_dim3A_6, %add3A_687] : memref<112x256xf32, #tpu.memory_space<vmem>>[vector<16xi32>, vector<16xi32>], vector<16xf32>,
        %add3A_689 = arith.constant 21504 : i32
        %add3A_690 = vector.broadcast %add3A_689 : i32 to vector<16xi32>
        %add3A_691 = arith.addi %add3A_154, %add3A_690 : vector<16xi32>
        %gather3A_692 = tpu.vector_load_idx %arg7[%broadcast_in_dim3A_6, %add3A_691] : memref<112x256xf32, #tpu.memory_space<vmem>>[vector<16xi32>, vector<16xi32>], vector<16xf32>,
        %add3A_693 = arith.constant 21504 : i32
        %add3A_694 = vector.broadcast %add3A_693 : i32 to vector<16xi32>
        %add3A_695 = arith.addi %add3A_157, %add3A_694 : vector<16xi32>
        %gather3A_696 = tpu.vector_load_idx %arg7[%broadcast_in_dim3A_6, %add3A_695] : memref<112x256xf32, #tpu.memory_space<vmem>>[vector<16xi32>, vector<16xi32>], vector<16xf32>,
        %add3A_697 = arith.constant 21504 : i32
        %add3A_698 = vector.broadcast %add3A_697 : i32 to vector<16xi32>
        %add3A_699 = arith.addi %add3A_160, %add3A_698 : vector<16xi32>
        %gather3A_700 = tpu.vector_load_idx %arg7[%broadcast_in_dim3A_6, %add3A_699] : memref<112x256xf32, #tpu.memory_space<vmem>>[vector<16xi32>, vector<16xi32>], vector<16xf32>,
        %add3A_701 = arith.constant 21504 : i32
        %add3A_702 = vector.broadcast %add3A_701 : i32 to vector<16xi32>
        %add3A_703 = arith.addi %add3A_163, %add3A_702 : vector<16xi32>
        %gather3A_704 = tpu.vector_load_idx %arg7[%broadcast_in_dim3A_6, %add3A_703] : memref<112x256xf32, #tpu.memory_space<vmem>>[vector<16xi32>, vector<16xi32>], vector<16xf32>,
        %add3A_705 = arith.constant 21504 : i32
        %add3A_706 = vector.broadcast %add3A_705 : i32 to vector<16xi32>
        %add3A_707 = arith.addi %add3A_166, %add3A_706 : vector<16xi32>
        %gather3A_708 = tpu.vector_load_idx %arg7[%broadcast_in_dim3A_6, %add3A_707] : memref<112x256xf32, #tpu.memory_space<vmem>>[vector<16xi32>, vector<16xi32>], vector<16xf32>,
        %add3A_709 = arith.constant 23296 : i32
        %add3A_710 = vector.broadcast %add3A_709 : i32 to vector<16xi32>
        %add3A_711 = arith.addi %add3A_148, %add3A_710 : vector<16xi32>
        %gather3A_712 = tpu.vector_load_idx %arg7[%broadcast_in_dim3A_6, %add3A_711] : memref<112x256xf32, #tpu.memory_space<vmem>>[vector<16xi32>, vector<16xi32>], vector<16xf32>,
        %add3A_713 = arith.constant 23296 : i32
        %add3A_714 = vector.broadcast %add3A_713 : i32 to vector<16xi32>
        %add3A_715 = arith.addi %add3A_151, %add3A_714 : vector<16xi32>
        %gather3A_716 = tpu.vector_load_idx %arg7[%broadcast_in_dim3A_6, %add3A_715] : memref<112x256xf32, #tpu.memory_space<vmem>>[vector<16xi32>, vector<16xi32>], vector<16xf32>,
        %add3A_717 = arith.constant 23296 : i32
        %add3A_718 = vector.broadcast %add3A_717 : i32 to vector<16xi32>
        %add3A_719 = arith.addi %add3A_154, %add3A_718 : vector<16xi32>
        %gather3A_720 = tpu.vector_load_idx %arg7[%broadcast_in_dim3A_6, %add3A_719] : memref<112x256xf32, #tpu.memory_space<vmem>>[vector<16xi32>, vector<16xi32>], vector<16xf32>,
        %add3A_721 = arith.constant 23296 : i32
        %add3A_722 = vector.broadcast %add3A_721 : i32 to vector<16xi32>
        %add3A_723 = arith.addi %add3A_157, %add3A_722 : vector<16xi32>
        %gather3A_724 = tpu.vector_load_idx %arg7[%broadcast_in_dim3A_6, %add3A_723] : memref<112x256xf32, #tpu.memory_space<vmem>>[vector<16xi32>, vector<16xi32>], vector<16xf32>,
        %add3A_725 = arith.constant 23296 : i32
        %add3A_726 = vector.broadcast %add3A_725 : i32 to vector<16xi32>
        %add3A_727 = arith.addi %add3A_160, %add3A_726 : vector<16xi32>
        %gather3A_728 = tpu.vector_load_idx %arg7[%broadcast_in_dim3A_6, %add3A_727] : memref<112x256xf32, #tpu.memory_space<vmem>>[vector<16xi32>, vector<16xi32>], vector<16xf32>,
        %add3A_729 = arith.constant 23296 : i32
        %add3A_730 = vector.broadcast %add3A_729 : i32 to vector<16xi32>
        %add3A_731 = arith.addi %add3A_163, %add3A_730 : vector<16xi32>
        %gather3A_732 = tpu.vector_load_idx %arg7[%broadcast_in_dim3A_6, %add3A_731] : memref<112x256xf32, #tpu.memory_space<vmem>>[vector<16xi32>, vector<16xi32>], vector<16xf32>,
        %add3A_733 = arith.constant 23296 : i32
        %add3A_734 = vector.broadcast %add3A_733 : i32 to vector<16xi32>
        %add3A_735 = arith.addi %add3A_166, %add3A_734 : vector<16xi32>
        %gather3A_736 = tpu.vector_load_idx %arg7[%broadcast_in_dim3A_6, %add3A_735] : memref<112x256xf32, #tpu.memory_space<vmem>>[vector<16xi32>, vector<16xi32>], vector<16xf32>,
        %add3A_737 = arith.constant 25088 : i32
        %add3A_738 = vector.broadcast %add3A_737 : i32 to vector<16xi32>
        %add3A_739 = arith.addi %add3A_148, %add3A_738 : vector<16xi32>
        %gather3A_740 = tpu.vector_load_idx %arg7[%broadcast_in_dim3A_6, %add3A_739] : memref<112x256xf32, #tpu.memory_space<vmem>>[vector<16xi32>, vector<16xi32>], vector<16xf32>,
        %add3A_741 = arith.constant 25088 : i32
        %add3A_742 = vector.broadcast %add3A_741 : i32 to vector<16xi32>
        %add3A_743 = arith.addi %add3A_151, %add3A_742 : vector<16xi32>
        %gather3A_744 = tpu.vector_load_idx %arg7[%broadcast_in_dim3A_6, %add3A_743] : memref<112x256xf32, #tpu.memory_space<vmem>>[vector<16xi32>, vector<16xi32>], vector<16xf32>,
        %add3A_745 = arith.constant 25088 : i32
        %add3A_746 = vector.broadcast %add3A_745 : i32 to vector<16xi32>
        %add3A_747 = arith.addi %add3A_154, %add3A_746 : vector<16xi32>
        %gather3A_748 = tpu.vector_load_idx %arg7[%broadcast_in_dim3A_6, %add3A_747] : memref<112x256xf32, #tpu.memory_space<vmem>>[vector<16xi32>, vector<16xi32>], vector<16xf32>,
        %add3A_749 = arith.constant 25088 : i32
        %add3A_750 = vector.broadcast %add3A_749 : i32 to vector<16xi32>
        %add3A_751 = arith.addi %add3A_157, %add3A_750 : vector<16xi32>
        %gather3A_752 = tpu.vector_load_idx %arg7[%broadcast_in_dim3A_6, %add3A_751] : memref<112x256xf32, #tpu.memory_space<vmem>>[vector<16xi32>, vector<16xi32>], vector<16xf32>,
        %add3A_753 = arith.constant 25088 : i32
        %add3A_754 = vector.broadcast %add3A_753 : i32 to vector<16xi32>
        %add3A_755 = arith.addi %add3A_160, %add3A_754 : vector<16xi32>
        %gather3A_756 = tpu.vector_load_idx %arg7[%broadcast_in_dim3A_6, %add3A_755] : memref<112x256xf32, #tpu.memory_space<vmem>>[vector<16xi32>, vector<16xi32>], vector<16xf32>,
        %add3A_757 = arith.constant 25088 : i32
        %add3A_758 = vector.broadcast %add3A_757 : i32 to vector<16xi32>
        %add3A_759 = arith.addi %add3A_163, %add3A_758 : vector<16xi32>
        %gather3A_760 = tpu.vector_load_idx %arg7[%broadcast_in_dim3A_6, %add3A_759] : memref<112x256xf32, #tpu.memory_space<vmem>>[vector<16xi32>, vector<16xi32>], vector<16xf32>,
        %add3A_761 = arith.constant 25088 : i32
        %add3A_762 = vector.broadcast %add3A_761 : i32 to vector<16xi32>
        %add3A_763 = arith.addi %add3A_166, %add3A_762 : vector<16xi32>
        %gather3A_764 = tpu.vector_load_idx %arg7[%broadcast_in_dim3A_6, %add3A_763] : memref<112x256xf32, #tpu.memory_space<vmem>>[vector<16xi32>, vector<16xi32>], vector<16xf32>,
        %add3A_765 = arith.constant 26880 : i32
        %add3A_766 = vector.broadcast %add3A_765 : i32 to vector<16xi32>
        %add3A_767 = arith.addi %add3A_148, %add3A_766 : vector<16xi32>
        %gather3A_768 = tpu.vector_load_idx %arg7[%broadcast_in_dim3A_6, %add3A_767] : memref<112x256xf32, #tpu.memory_space<vmem>>[vector<16xi32>, vector<16xi32>], vector<16xf32>,
        %add3A_769 = arith.constant 26880 : i32
        %add3A_770 = vector.broadcast %add3A_769 : i32 to vector<16xi32>
        %add3A_771 = arith.addi %add3A_151, %add3A_770 : vector<16xi32>
        %gather3A_772 = tpu.vector_load_idx %arg7[%broadcast_in_dim3A_6, %add3A_771] : memref<112x256xf32, #tpu.memory_space<vmem>>[vector<16xi32>, vector<16xi32>], vector<16xf32>,
        %add3A_773 = arith.constant 26880 : i32
        %add3A_774 = vector.broadcast %add3A_773 : i32 to vector<16xi32>
        %add3A_775 = arith.addi %add3A_154, %add3A_774 : vector<16xi32>
        %gather3A_776 = tpu.vector_load_idx %arg7[%broadcast_in_dim3A_6, %add3A_775] : memref<112x256xf32, #tpu.memory_space<vmem>>[vector<16xi32>, vector<16xi32>], vector<16xf32>,
        %add3A_777 = arith.constant 26880 : i32
        %add3A_778 = vector.broadcast %add3A_777 : i32 to vector<16xi32>
        %add3A_779 = arith.addi %add3A_157, %add3A_778 : vector<16xi32>
        %gather3A_780 = tpu.vector_load_idx %arg7[%broadcast_in_dim3A_6, %add3A_779] : memref<112x256xf32, #tpu.memory_space<vmem>>[vector<16xi32>, vector<16xi32>], vector<16xf32>,
        %add3A_781 = arith.constant 26880 : i32
        %add3A_782 = vector.broadcast %add3A_781 : i32 to vector<16xi32>
        %add3A_783 = arith.addi %add3A_160, %add3A_782 : vector<16xi32>
        %gather3A_784 = tpu.vector_load_idx %arg7[%broadcast_in_dim3A_6, %add3A_783] : memref<112x256xf32, #tpu.memory_space<vmem>>[vector<16xi32>, vector<16xi32>], vector<16xf32>,
        %add3A_785 = arith.constant 26880 : i32
        %add3A_786 = vector.broadcast %add3A_785 : i32 to vector<16xi32>
        %add3A_787 = arith.addi %add3A_163, %add3A_786 : vector<16xi32>
        %gather3A_788 = tpu.vector_load_idx %arg7[%broadcast_in_dim3A_6, %add3A_787] : memref<112x256xf32, #tpu.memory_space<vmem>>[vector<16xi32>, vector<16xi32>], vector<16xf32>,
        %add3A_789 = arith.constant 26880 : i32
        %add3A_790 = vector.broadcast %add3A_789 : i32 to vector<16xi32>
        %add3A_791 = arith.addi %add3A_166, %add3A_790 : vector<16xi32>
        %gather3A_792 = tpu.vector_load_idx %arg7[%broadcast_in_dim3A_6, %add3A_791] : memref<112x256xf32, #tpu.memory_space<vmem>>[vector<16xi32>, vector<16xi32>], vector<16xf32>,
        %add3A_793 = arith.addf %gather3A_684, %gather3A_688 : vector<16xf32>
        %add3A_794 = arith.addf %gather3A_712, %gather3A_716 : vector<16xf32>
        %add3A_795 = arith.addf %gather3A_740, %gather3A_744 : vector<16xf32>
        %add3A_796 = arith.addf %gather3A_768, %gather3A_772 : vector<16xf32>
        %add3A_797 = arith.addf %gather3A_692, %gather3A_696 : vector<16xf32>
        %add3A_798 = arith.addf %gather3A_720, %gather3A_724 : vector<16xf32>
        %add3A_799 = arith.addf %gather3A_748, %gather3A_752 : vector<16xf32>
        %add3A_800 = arith.addf %gather3A_776, %gather3A_780 : vector<16xf32>
        %add3A_801 = arith.addf %gather3A_700, %gather3A_704 : vector<16xf32>
        %add3A_802 = arith.addf %gather3A_728, %gather3A_732 : vector<16xf32>
        %add3A_803 = arith.addf %gather3A_756, %gather3A_760 : vector<16xf32>
        %add3A_804 = arith.addf %gather3A_784, %gather3A_788 : vector<16xf32>
        %add3A_805 = arith.addf %add3A_793, %add3A_797 : vector<16xf32>
        %add3A_806 = arith.addf %add3A_794, %add3A_798 : vector<16xf32>
        %add3A_807 = arith.addf %add3A_795, %add3A_799 : vector<16xf32>
        %add3A_808 = arith.addf %add3A_796, %add3A_800 : vector<16xf32>
        %add3A_809 = arith.addf %add3A_801, %gather3A_708 : vector<16xf32>
        %add3A_810 = arith.addf %add3A_802, %gather3A_736 : vector<16xf32>
        %add3A_811 = arith.addf %add3A_803, %gather3A_764 : vector<16xf32>
        %add3A_812 = arith.addf %add3A_804, %gather3A_792 : vector<16xf32>
        %add3A_813 = arith.addf %add3A_805, %add3A_809 : vector<16xf32>
        %mul3A_814 = arith.constant 0.142857149 : f32
        %mul3A_815 = vector.broadcast %mul3A_814 : f32 to vector<16xf32>
        %mul3A_816 = arith.mulf %add3A_813, %mul3A_815 : vector<16xf32>
        %mul3A_817 = arith.constant 16 : i32
        %mul3A_818 = arith.muli %scan3A_141, %mul3A_817 : i32
        %swap3A_819 = arith.constant 12 : i32
        %swap3A_820 = arith.index_cast %swap3A_819 : i32 to index
        %swap3A_821 = arith.index_cast %mul3A_818 : i32 to index
        %swap3A_822 = tpu.vector_load %arg10[%swap3A_820, %swap3A_821] {strides = array<i32>} : memref<16x256xf32, #tpu.memory_space<vmem>>, vector<16xf32>,
        tpu.vector_store %arg10[%swap3A_820, %swap3A_821], %mul3A_816 {strides = array<i32>} : memref<16x256xf32, #tpu.memory_space<vmem>>, vector<16xf32>,
        %add3A_823 = arith.addf %add3A_806, %add3A_810 : vector<16xf32>
        %mul3A_824 = arith.constant 0.142857149 : f32
        %mul3A_825 = vector.broadcast %mul3A_824 : f32 to vector<16xf32>
        %mul3A_826 = arith.mulf %add3A_823, %mul3A_825 : vector<16xf32>
        %mul3A_827 = arith.constant 16 : i32
        %mul3A_828 = arith.muli %scan3A_141, %mul3A_827 : i32
        %swap3A_829 = arith.constant 13 : i32
        %swap3A_830 = arith.index_cast %swap3A_829 : i32 to index
        %swap3A_831 = arith.index_cast %mul3A_828 : i32 to index
        %swap3A_832 = tpu.vector_load %arg10[%swap3A_830, %swap3A_831] {strides = array<i32>} : memref<16x256xf32, #tpu.memory_space<vmem>>, vector<16xf32>,
        tpu.vector_store %arg10[%swap3A_830, %swap3A_831], %mul3A_826 {strides = array<i32>} : memref<16x256xf32, #tpu.memory_space<vmem>>, vector<16xf32>,
        %add3A_833 = arith.addf %add3A_807, %add3A_811 : vector<16xf32>
        %mul3A_834 = arith.constant 0.142857149 : f32
        %mul3A_835 = vector.broadcast %mul3A_834 : f32 to vector<16xf32>
        %mul3A_836 = arith.mulf %add3A_833, %mul3A_835 : vector<16xf32>
        %mul3A_837 = arith.constant 16 : i32
        %mul3A_838 = arith.muli %scan3A_141, %mul3A_837 : i32
        %swap3A_839 = arith.constant 14 : i32
        %swap3A_840 = arith.index_cast %swap3A_839 : i32 to index
        %swap3A_841 = arith.index_cast %mul3A_838 : i32 to index
        %swap3A_842 = tpu.vector_load %arg10[%swap3A_840, %swap3A_841] {strides = array<i32>} : memref<16x256xf32, #tpu.memory_space<vmem>>, vector<16xf32>,
        tpu.vector_store %arg10[%swap3A_840, %swap3A_841], %mul3A_836 {strides = array<i32>} : memref<16x256xf32, #tpu.memory_space<vmem>>, vector<16xf32>,
        %add3A_843 = arith.addf %add3A_808, %add3A_812 : vector<16xf32>
        %mul3A_844 = arith.constant 0.142857149 : f32
        %mul3A_845 = vector.broadcast %mul3A_844 : f32 to vector<16xf32>
        %mul3A_846 = arith.mulf %add3A_843, %mul3A_845 : vector<16xf32>
        %mul3A_847 = arith.constant 16 : i32
        %mul3A_848 = arith.muli %scan3A_141, %mul3A_847 : i32
        %swap3A_849 = arith.constant 15 : i32
        %swap3A_850 = arith.index_cast %swap3A_849 : i32 to index
        %swap3A_851 = arith.index_cast %mul3A_848 : i32 to index
        %swap3A_852 = tpu.vector_load %arg10[%swap3A_850, %swap3A_851] {strides = array<i32>} : memref<16x256xf32, #tpu.memory_space<vmem>>, vector<16xf32>,
        tpu.vector_store %arg10[%swap3A_850, %swap3A_851], %mul3A_846 {strides = array<i32>} : memref<16x256xf32, #tpu.memory_space<vmem>>, vector<16xf32>,
      }
      %scan3A_96 = arith.constant 16 : i32
      %mul3A_97 = arith.constant 16 : i32
      %mul3A_98 = arith.muli %add3A_72, %mul3A_97 : i32
      %add3A_99 = arith.addi %mul3A_2, %mul3A_98 : i32
      %min3A_100 = arith.constant 10226 : i32
      %min3A_101 = arith.minsi %add3A_99, %min3A_100 : i32
      %dma_start3A_102 = arith.constant 0 : i32
      %dma_start3A_103 = tpu.memref_slice %arg4[%min3A_101, %dma_start3A_102] : memref<10242x256xf32, #tpu.memory_space<hbm>> -> memref<16x256xf32, #tpu.memory_space<hbm>>
      %dma_start3A_104 = arith.constant 0 : i32
      %dma_start3A_105 = tpu.memref_slice %arg4[%min3A_101, %dma_start3A_104] : memref<10242x256xf32, #tpu.memory_space<hbm>> -> memref<16x256xf32, #tpu.memory_space<hbm>>
      tpu.enqueue_dma source(%arg10 : memref<16x256xf32, #tpu.memory_space<vmem>>) target(%dma_start3A_105 : memref<16x256xf32, #tpu.memory_space<hbm>>) target_semaphore(%arg16 : memref<!tpu.dma_semaphore, #tpu.memory_space<semaphore_mem>>)
      %add3A_106 = arith.constant 2 : i32
      %add3A_107 = arith.addi %mul3A_42, %add3A_106 : i32
      %add3A_108 = arith.constant 2 : i32
      %add3A_109 = arith.addi %add3A_107, %add3A_108 : i32
      %lt3A_110 = arith.constant 21 : i32
      %lt3A_111 = arith.cmpi slt, %add3A_109, %lt3A_110 : i32
      %convert_element_type3A_112 = arith.extui %lt3A_111 : i1 to i32
      %cond3A_113 = arith.constant 0 : i32
      %cond3A_114 = arith.cmpi ne, %convert_element_type3A_112, %cond3A_113 : i32
      scf.if %cond3A_114 {
        %add3A_141 = arith.constant 2 : i32
        %add3A_142 = arith.addi %add3A_107, %add3A_141 : i32
        %mul3A_143 = arith.constant 16 : i32
        %mul3A_144 = arith.muli %add3A_142, %mul3A_143 : i32
        %mul3A_145 = arith.constant 7 : i32
        %mul3A_146 = arith.muli %mul3A_144, %mul3A_145 : i32
        %dma_start3A_147 = tpu.memref_slice %arg5[%mul3A_146] : memref<2352xi32, #tpu.memory_space<vmem>> -> memref<112xi32, #tpu.memory_space<vmem>>
        %dma_start3A_148 = arith.constant 0 : i32
        %dma_start3A_149 = arith.constant 0 : i32
        %dma_start3A_150 = tpu.memref_slice %arg2[%dma_start3A_148, %dma_start3A_149] : memref<40962x256xf32, #tpu.memory_space<hbm>> -> memref<40962x256xf32, #tpu.memory_space<hbm>>
        tpu.enqueue_indirect_dma source(%dma_start3A_150 : memref<40962x256xf32, #tpu.memory_space<hbm>>) target(%arg7 : memref<112x256xf32, #tpu.memory_space<vmem>>) offsets(%dma_start3A_147 : memref<112xi32, #tpu.memory_space<vmem>>) semaphore(%arg13 : memref<!tpu.dma_semaphore, #tpu.memory_space<semaphore_mem>>)
      } else {
      }
      %dma_wait3A_115 = arith.constant 0 : i32
      %dma_wait3A_116 = arith.constant 0 : i32
      %dma_wait3A_117 = tpu.memref_slice %arg2[%dma_wait3A_115, %dma_wait3A_116] : memref<40962x256xf32, #tpu.memory_space<hbm>> -> memref<112x256xf32, #tpu.memory_space<hbm>>
      %dma_wait3A_118 = arith.constant 0 : i32
      %dma_wait3A_119 = arith.constant 0 : i32
      %dma_wait3A_120 = tpu.memref_slice %arg2[%dma_wait3A_118, %dma_wait3A_119] : memref<40962x256xf32, #tpu.memory_space<hbm>> -> memref<112x256xf32, #tpu.memory_space<hbm>>
      tpu.wait_dma2 semaphore(%arg14 : memref<!tpu.dma_semaphore, #tpu.memory_space<semaphore_mem>>) src(%dma_wait3A_120 : memref<112x256xf32, #tpu.memory_space<hbm>>) dst(%arg8 : memref<112x256xf32, #tpu.memory_space<vmem>>)
      %ge3A_121 = arith.constant 3 : i32
      %ge3A_122 = arith.cmpi sge, %add3A_107, %ge3A_121 : i32
      %convert_element_type3A_123 = arith.extui %ge3A_122 : i1 to i32
      %cond3A_124 = arith.constant 0 : i32
      %cond3A_125 = arith.cmpi ne, %convert_element_type3A_123, %cond3A_124 : i32
      scf.if %cond3A_125 {
        %dma_wait3A_141 = arith.constant 0 : i32
        %dma_wait3A_142 = arith.constant 0 : i32
        %dma_wait3A_143 = tpu.memref_slice %arg4[%dma_wait3A_141, %dma_wait3A_142] : memref<10242x256xf32, #tpu.memory_space<hbm>> -> memref<16x256xf32, #tpu.memory_space<hbm>>
        %dma_wait3A_144 = arith.constant 0 : i32
        %dma_wait3A_145 = arith.constant 0 : i32
        %dma_wait3A_146 = tpu.memref_slice %arg4[%dma_wait3A_144, %dma_wait3A_145] : memref<10242x256xf32, #tpu.memory_space<hbm>> -> memref<16x256xf32, #tpu.memory_space<hbm>>
        tpu.wait_dma2 semaphore(%arg17 : memref<!tpu.dma_semaphore, #tpu.memory_space<semaphore_mem>>) src(%arg11 : memref<16x256xf32, #tpu.memory_space<vmem>>) dst(%dma_wait3A_146 : memref<16x256xf32, #tpu.memory_space<hbm>>)
      } else {
      }
      %scan3A_126 = arith.constant 0 : i32
      %scan3A_127 = arith.constant 0 : i32
      %scan3A_128 = arith.constant 16 : i32
      %scan3A_129 = arith.addi %scan3A_127, %scan3A_128 : i32
      %scan3A_130 = arith.constant 1 : i32
      scf.for %scan3A_141 = %scan3A_127 to %scan3A_129 step %scan3A_130  : i32 {
        %mul3A_142 = arith.constant 112 : i32
        %mul3A_143 = arith.muli %scan3A_141, %mul3A_142 : i32
        %add3A_144 = vector.broadcast %mul3A_143 : i32 to vector<16xi32>
        %add3A_145 = arith.addi %mul3A_5, %add3A_144 : vector<16xi32>
        %add3A_146 = arith.constant 0 : i32
        %add3A_147 = vector.broadcast %add3A_146 : i32 to vector<16xi32>
        %add3A_148 = arith.addi %add3A_145, %add3A_147 : vector<16xi32>
        %add3A_149 = arith.constant 1 : i32
        %add3A_150 = vector.broadcast %add3A_149 : i32 to vector<16xi32>
        %add3A_151 = arith.addi %add3A_145, %add3A_150 : vector<16xi32>
        %add3A_152 = arith.constant 2 : i32
        %add3A_153 = vector.broadcast %add3A_152 : i32 to vector<16xi32>
        %add3A_154 = arith.addi %add3A_145, %add3A_153 : vector<16xi32>
        %add3A_155 = arith.constant 3 : i32
        %add3A_156 = vector.broadcast %add3A_155 : i32 to vector<16xi32>
        %add3A_157 = arith.addi %add3A_145, %add3A_156 : vector<16xi32>
        %add3A_158 = arith.constant 4 : i32
        %add3A_159 = vector.broadcast %add3A_158 : i32 to vector<16xi32>
        %add3A_160 = arith.addi %add3A_145, %add3A_159 : vector<16xi32>
        %add3A_161 = arith.constant 5 : i32
        %add3A_162 = vector.broadcast %add3A_161 : i32 to vector<16xi32>
        %add3A_163 = arith.addi %add3A_145, %add3A_162 : vector<16xi32>
        %add3A_164 = arith.constant 6 : i32
        %add3A_165 = vector.broadcast %add3A_164 : i32 to vector<16xi32>
        %add3A_166 = arith.addi %add3A_145, %add3A_165 : vector<16xi32>
        %add3A_167 = arith.constant 0 : i32
        %add3A_168 = vector.broadcast %add3A_167 : i32 to vector<16xi32>
        %add3A_169 = arith.addi %add3A_148, %add3A_168 : vector<16xi32>
        %gather3A = tpu.vector_load_idx %arg8[%broadcast_in_dim3A_6, %add3A_169] : memref<112x256xf32, #tpu.memory_space<vmem>>[vector<16xi32>, vector<16xi32>], vector<16xf32>,
        %add3A_170 = arith.constant 0 : i32
        %add3A_171 = vector.broadcast %add3A_170 : i32 to vector<16xi32>
        %add3A_172 = arith.addi %add3A_151, %add3A_171 : vector<16xi32>
        %gather3A_173 = tpu.vector_load_idx %arg8[%broadcast_in_dim3A_6, %add3A_172] : memref<112x256xf32, #tpu.memory_space<vmem>>[vector<16xi32>, vector<16xi32>], vector<16xf32>,
        %add3A_174 = arith.constant 0 : i32
        %add3A_175 = vector.broadcast %add3A_174 : i32 to vector<16xi32>
        %add3A_176 = arith.addi %add3A_154, %add3A_175 : vector<16xi32>
        %gather3A_177 = tpu.vector_load_idx %arg8[%broadcast_in_dim3A_6, %add3A_176] : memref<112x256xf32, #tpu.memory_space<vmem>>[vector<16xi32>, vector<16xi32>], vector<16xf32>,
        %add3A_178 = arith.constant 0 : i32
        %add3A_179 = vector.broadcast %add3A_178 : i32 to vector<16xi32>
        %add3A_180 = arith.addi %add3A_157, %add3A_179 : vector<16xi32>
        %gather3A_181 = tpu.vector_load_idx %arg8[%broadcast_in_dim3A_6, %add3A_180] : memref<112x256xf32, #tpu.memory_space<vmem>>[vector<16xi32>, vector<16xi32>], vector<16xf32>,
        %add3A_182 = arith.constant 0 : i32
        %add3A_183 = vector.broadcast %add3A_182 : i32 to vector<16xi32>
        %add3A_184 = arith.addi %add3A_160, %add3A_183 : vector<16xi32>
        %gather3A_185 = tpu.vector_load_idx %arg8[%broadcast_in_dim3A_6, %add3A_184] : memref<112x256xf32, #tpu.memory_space<vmem>>[vector<16xi32>, vector<16xi32>], vector<16xf32>,
        %add3A_186 = arith.constant 0 : i32
        %add3A_187 = vector.broadcast %add3A_186 : i32 to vector<16xi32>
        %add3A_188 = arith.addi %add3A_163, %add3A_187 : vector<16xi32>
        %gather3A_189 = tpu.vector_load_idx %arg8[%broadcast_in_dim3A_6, %add3A_188] : memref<112x256xf32, #tpu.memory_space<vmem>>[vector<16xi32>, vector<16xi32>], vector<16xf32>,
        %add3A_190 = arith.constant 0 : i32
        %add3A_191 = vector.broadcast %add3A_190 : i32 to vector<16xi32>
        %add3A_192 = arith.addi %add3A_166, %add3A_191 : vector<16xi32>
        %gather3A_193 = tpu.vector_load_idx %arg8[%broadcast_in_dim3A_6, %add3A_192] : memref<112x256xf32, #tpu.memory_space<vmem>>[vector<16xi32>, vector<16xi32>], vector<16xf32>,
        %add3A_194 = arith.constant 1792 : i32
        %add3A_195 = vector.broadcast %add3A_194 : i32 to vector<16xi32>
        %add3A_196 = arith.addi %add3A_148, %add3A_195 : vector<16xi32>
        %gather3A_197 = tpu.vector_load_idx %arg8[%broadcast_in_dim3A_6, %add3A_196] : memref<112x256xf32, #tpu.memory_space<vmem>>[vector<16xi32>, vector<16xi32>], vector<16xf32>,
        %add3A_198 = arith.constant 1792 : i32
        %add3A_199 = vector.broadcast %add3A_198 : i32 to vector<16xi32>
        %add3A_200 = arith.addi %add3A_151, %add3A_199 : vector<16xi32>
        %gather3A_201 = tpu.vector_load_idx %arg8[%broadcast_in_dim3A_6, %add3A_200] : memref<112x256xf32, #tpu.memory_space<vmem>>[vector<16xi32>, vector<16xi32>], vector<16xf32>,
        %add3A_202 = arith.constant 1792 : i32
        %add3A_203 = vector.broadcast %add3A_202 : i32 to vector<16xi32>
        %add3A_204 = arith.addi %add3A_154, %add3A_203 : vector<16xi32>
        %gather3A_205 = tpu.vector_load_idx %arg8[%broadcast_in_dim3A_6, %add3A_204] : memref<112x256xf32, #tpu.memory_space<vmem>>[vector<16xi32>, vector<16xi32>], vector<16xf32>,
        %add3A_206 = arith.constant 1792 : i32
        %add3A_207 = vector.broadcast %add3A_206 : i32 to vector<16xi32>
        %add3A_208 = arith.addi %add3A_157, %add3A_207 : vector<16xi32>
        %gather3A_209 = tpu.vector_load_idx %arg8[%broadcast_in_dim3A_6, %add3A_208] : memref<112x256xf32, #tpu.memory_space<vmem>>[vector<16xi32>, vector<16xi32>], vector<16xf32>,
        %add3A_210 = arith.constant 1792 : i32
        %add3A_211 = vector.broadcast %add3A_210 : i32 to vector<16xi32>
        %add3A_212 = arith.addi %add3A_160, %add3A_211 : vector<16xi32>
        %gather3A_213 = tpu.vector_load_idx %arg8[%broadcast_in_dim3A_6, %add3A_212] : memref<112x256xf32, #tpu.memory_space<vmem>>[vector<16xi32>, vector<16xi32>], vector<16xf32>,
        %add3A_214 = arith.constant 1792 : i32
        %add3A_215 = vector.broadcast %add3A_214 : i32 to vector<16xi32>
        %add3A_216 = arith.addi %add3A_163, %add3A_215 : vector<16xi32>
        %gather3A_217 = tpu.vector_load_idx %arg8[%broadcast_in_dim3A_6, %add3A_216] : memref<112x256xf32, #tpu.memory_space<vmem>>[vector<16xi32>, vector<16xi32>], vector<16xf32>,
        %add3A_218 = arith.constant 1792 : i32
        %add3A_219 = vector.broadcast %add3A_218 : i32 to vector<16xi32>
        %add3A_220 = arith.addi %add3A_166, %add3A_219 : vector<16xi32>
        %gather3A_221 = tpu.vector_load_idx %arg8[%broadcast_in_dim3A_6, %add3A_220] : memref<112x256xf32, #tpu.memory_space<vmem>>[vector<16xi32>, vector<16xi32>], vector<16xf32>,
        %add3A_222 = arith.constant 3584 : i32
        %add3A_223 = vector.broadcast %add3A_222 : i32 to vector<16xi32>
        %add3A_224 = arith.addi %add3A_148, %add3A_223 : vector<16xi32>
        %gather3A_225 = tpu.vector_load_idx %arg8[%broadcast_in_dim3A_6, %add3A_224] : memref<112x256xf32, #tpu.memory_space<vmem>>[vector<16xi32>, vector<16xi32>], vector<16xf32>,
        %add3A_226 = arith.constant 3584 : i32
        %add3A_227 = vector.broadcast %add3A_226 : i32 to vector<16xi32>
        %add3A_228 = arith.addi %add3A_151, %add3A_227 : vector<16xi32>
        %gather3A_229 = tpu.vector_load_idx %arg8[%broadcast_in_dim3A_6, %add3A_228] : memref<112x256xf32, #tpu.memory_space<vmem>>[vector<16xi32>, vector<16xi32>], vector<16xf32>,
        %add3A_230 = arith.constant 3584 : i32
        %add3A_231 = vector.broadcast %add3A_230 : i32 to vector<16xi32>
        %add3A_232 = arith.addi %add3A_154, %add3A_231 : vector<16xi32>
        %gather3A_233 = tpu.vector_load_idx %arg8[%broadcast_in_dim3A_6, %add3A_232] : memref<112x256xf32, #tpu.memory_space<vmem>>[vector<16xi32>, vector<16xi32>], vector<16xf32>,
        %add3A_234 = arith.constant 3584 : i32
        %add3A_235 = vector.broadcast %add3A_234 : i32 to vector<16xi32>
        %add3A_236 = arith.addi %add3A_157, %add3A_235 : vector<16xi32>
        %gather3A_237 = tpu.vector_load_idx %arg8[%broadcast_in_dim3A_6, %add3A_236] : memref<112x256xf32, #tpu.memory_space<vmem>>[vector<16xi32>, vector<16xi32>], vector<16xf32>,
        %add3A_238 = arith.constant 3584 : i32
        %add3A_239 = vector.broadcast %add3A_238 : i32 to vector<16xi32>
        %add3A_240 = arith.addi %add3A_160, %add3A_239 : vector<16xi32>
        %gather3A_241 = tpu.vector_load_idx %arg8[%broadcast_in_dim3A_6, %add3A_240] : memref<112x256xf32, #tpu.memory_space<vmem>>[vector<16xi32>, vector<16xi32>], vector<16xf32>,
        %add3A_242 = arith.constant 3584 : i32
        %add3A_243 = vector.broadcast %add3A_242 : i32 to vector<16xi32>
        %add3A_244 = arith.addi %add3A_163, %add3A_243 : vector<16xi32>
        %gather3A_245 = tpu.vector_load_idx %arg8[%broadcast_in_dim3A_6, %add3A_244] : memref<112x256xf32, #tpu.memory_space<vmem>>[vector<16xi32>, vector<16xi32>], vector<16xf32>,
        %add3A_246 = arith.constant 3584 : i32
        %add3A_247 = vector.broadcast %add3A_246 : i32 to vector<16xi32>
        %add3A_248 = arith.addi %add3A_166, %add3A_247 : vector<16xi32>
        %gather3A_249 = tpu.vector_load_idx %arg8[%broadcast_in_dim3A_6, %add3A_248] : memref<112x256xf32, #tpu.memory_space<vmem>>[vector<16xi32>, vector<16xi32>], vector<16xf32>,
        %add3A_250 = arith.constant 5376 : i32
        %add3A_251 = vector.broadcast %add3A_250 : i32 to vector<16xi32>
        %add3A_252 = arith.addi %add3A_148, %add3A_251 : vector<16xi32>
        %gather3A_253 = tpu.vector_load_idx %arg8[%broadcast_in_dim3A_6, %add3A_252] : memref<112x256xf32, #tpu.memory_space<vmem>>[vector<16xi32>, vector<16xi32>], vector<16xf32>,
        %add3A_254 = arith.constant 5376 : i32
        %add3A_255 = vector.broadcast %add3A_254 : i32 to vector<16xi32>
        %add3A_256 = arith.addi %add3A_151, %add3A_255 : vector<16xi32>
        %gather3A_257 = tpu.vector_load_idx %arg8[%broadcast_in_dim3A_6, %add3A_256] : memref<112x256xf32, #tpu.memory_space<vmem>>[vector<16xi32>, vector<16xi32>], vector<16xf32>,
        %add3A_258 = arith.constant 5376 : i32
        %add3A_259 = vector.broadcast %add3A_258 : i32 to vector<16xi32>
        %add3A_260 = arith.addi %add3A_154, %add3A_259 : vector<16xi32>
        %gather3A_261 = tpu.vector_load_idx %arg8[%broadcast_in_dim3A_6, %add3A_260] : memref<112x256xf32, #tpu.memory_space<vmem>>[vector<16xi32>, vector<16xi32>], vector<16xf32>,
        %add3A_262 = arith.constant 5376 : i32
        %add3A_263 = vector.broadcast %add3A_262 : i32 to vector<16xi32>
        %add3A_264 = arith.addi %add3A_157, %add3A_263 : vector<16xi32>
        %gather3A_265 = tpu.vector_load_idx %arg8[%broadcast_in_dim3A_6, %add3A_264] : memref<112x256xf32, #tpu.memory_space<vmem>>[vector<16xi32>, vector<16xi32>], vector<16xf32>,
        %add3A_266 = arith.constant 5376 : i32
        %add3A_267 = vector.broadcast %add3A_266 : i32 to vector<16xi32>
        %add3A_268 = arith.addi %add3A_160, %add3A_267 : vector<16xi32>
        %gather3A_269 = tpu.vector_load_idx %arg8[%broadcast_in_dim3A_6, %add3A_268] : memref<112x256xf32, #tpu.memory_space<vmem>>[vector<16xi32>, vector<16xi32>], vector<16xf32>,
        %add3A_270 = arith.constant 5376 : i32
        %add3A_271 = vector.broadcast %add3A_270 : i32 to vector<16xi32>
        %add3A_272 = arith.addi %add3A_163, %add3A_271 : vector<16xi32>
        %gather3A_273 = tpu.vector_load_idx %arg8[%broadcast_in_dim3A_6, %add3A_272] : memref<112x256xf32, #tpu.memory_space<vmem>>[vector<16xi32>, vector<16xi32>], vector<16xf32>,
        %add3A_274 = arith.constant 5376 : i32
        %add3A_275 = vector.broadcast %add3A_274 : i32 to vector<16xi32>
        %add3A_276 = arith.addi %add3A_166, %add3A_275 : vector<16xi32>
        %gather3A_277 = tpu.vector_load_idx %arg8[%broadcast_in_dim3A_6, %add3A_276] : memref<112x256xf32, #tpu.memory_space<vmem>>[vector<16xi32>, vector<16xi32>], vector<16xf32>,
        %add3A_278 = arith.addf %gather3A, %gather3A_173 : vector<16xf32>
        %add3A_279 = arith.addf %gather3A_197, %gather3A_201 : vector<16xf32>
        %add3A_280 = arith.addf %gather3A_225, %gather3A_229 : vector<16xf32>
        %add3A_281 = arith.addf %gather3A_253, %gather3A_257 : vector<16xf32>
        %add3A_282 = arith.addf %gather3A_177, %gather3A_181 : vector<16xf32>
        %add3A_283 = arith.addf %gather3A_205, %gather3A_209 : vector<16xf32>
        %add3A_284 = arith.addf %gather3A_233, %gather3A_237 : vector<16xf32>
        %add3A_285 = arith.addf %gather3A_261, %gather3A_265 : vector<16xf32>
        %add3A_286 = arith.addf %gather3A_185, %gather3A_189 : vector<16xf32>
        %add3A_287 = arith.addf %gather3A_213, %gather3A_217 : vector<16xf32>
        %add3A_288 = arith.addf %gather3A_241, %gather3A_245 : vector<16xf32>
        %add3A_289 = arith.addf %gather3A_269, %gather3A_273 : vector<16xf32>
        %add3A_290 = arith.addf %add3A_278, %add3A_282 : vector<16xf32>
        %add3A_291 = arith.addf %add3A_279, %add3A_283 : vector<16xf32>
        %add3A_292 = arith.addf %add3A_280, %add3A_284 : vector<16xf32>
        %add3A_293 = arith.addf %add3A_281, %add3A_285 : vector<16xf32>
        %add3A_294 = arith.addf %add3A_286, %gather3A_193 : vector<16xf32>
        %add3A_295 = arith.addf %add3A_287, %gather3A_221 : vector<16xf32>
        %add3A_296 = arith.addf %add3A_288, %gather3A_249 : vector<16xf32>
        %add3A_297 = arith.addf %add3A_289, %gather3A_277 : vector<16xf32>
        %add3A_298 = arith.addf %add3A_290, %add3A_294 : vector<16xf32>
        %mul3A_299 = arith.constant 0.142857149 : f32
        %mul3A_300 = vector.broadcast %mul3A_299 : f32 to vector<16xf32>
        %mul3A_301 = arith.mulf %add3A_298, %mul3A_300 : vector<16xf32>
        %mul3A_302 = arith.constant 16 : i32
        %mul3A_303 = arith.muli %scan3A_141, %mul3A_302 : i32
        %swap3A = arith.constant 0 : i32
        %swap3A_304 = arith.index_cast %swap3A : i32 to index
        %swap3A_305 = arith.index_cast %mul3A_303 : i32 to index
        %swap3A_306 = tpu.vector_load %arg11[%swap3A_304, %swap3A_305] {strides = array<i32>} : memref<16x256xf32, #tpu.memory_space<vmem>>, vector<16xf32>,
        tpu.vector_store %arg11[%swap3A_304, %swap3A_305], %mul3A_301 {strides = array<i32>} : memref<16x256xf32, #tpu.memory_space<vmem>>, vector<16xf32>,
        %add3A_307 = arith.addf %add3A_291, %add3A_295 : vector<16xf32>
        %mul3A_308 = arith.constant 0.142857149 : f32
        %mul3A_309 = vector.broadcast %mul3A_308 : f32 to vector<16xf32>
        %mul3A_310 = arith.mulf %add3A_307, %mul3A_309 : vector<16xf32>
        %mul3A_311 = arith.constant 16 : i32
        %mul3A_312 = arith.muli %scan3A_141, %mul3A_311 : i32
        %swap3A_313 = arith.constant 1 : i32
        %swap3A_314 = arith.index_cast %swap3A_313 : i32 to index
        %swap3A_315 = arith.index_cast %mul3A_312 : i32 to index
        %swap3A_316 = tpu.vector_load %arg11[%swap3A_314, %swap3A_315] {strides = array<i32>} : memref<16x256xf32, #tpu.memory_space<vmem>>, vector<16xf32>,
        tpu.vector_store %arg11[%swap3A_314, %swap3A_315], %mul3A_310 {strides = array<i32>} : memref<16x256xf32, #tpu.memory_space<vmem>>, vector<16xf32>,
        %add3A_317 = arith.addf %add3A_292, %add3A_296 : vector<16xf32>
        %mul3A_318 = arith.constant 0.142857149 : f32
        %mul3A_319 = vector.broadcast %mul3A_318 : f32 to vector<16xf32>
        %mul3A_320 = arith.mulf %add3A_317, %mul3A_319 : vector<16xf32>
        %mul3A_321 = arith.constant 16 : i32
        %mul3A_322 = arith.muli %scan3A_141, %mul3A_321 : i32
        %swap3A_323 = arith.constant 2 : i32
        %swap3A_324 = arith.index_cast %swap3A_323 : i32 to index
        %swap3A_325 = arith.index_cast %mul3A_322 : i32 to index
        %swap3A_326 = tpu.vector_load %arg11[%swap3A_324, %swap3A_325] {strides = array<i32>} : memref<16x256xf32, #tpu.memory_space<vmem>>, vector<16xf32>,
        tpu.vector_store %arg11[%swap3A_324, %swap3A_325], %mul3A_320 {strides = array<i32>} : memref<16x256xf32, #tpu.memory_space<vmem>>, vector<16xf32>,
        %add3A_327 = arith.addf %add3A_293, %add3A_297 : vector<16xf32>
        %mul3A_328 = arith.constant 0.142857149 : f32
        %mul3A_329 = vector.broadcast %mul3A_328 : f32 to vector<16xf32>
        %mul3A_330 = arith.mulf %add3A_327, %mul3A_329 : vector<16xf32>
        %mul3A_331 = arith.constant 16 : i32
        %mul3A_332 = arith.muli %scan3A_141, %mul3A_331 : i32
        %swap3A_333 = arith.constant 3 : i32
        %swap3A_334 = arith.index_cast %swap3A_333 : i32 to index
        %swap3A_335 = arith.index_cast %mul3A_332 : i32 to index
        %swap3A_336 = tpu.vector_load %arg11[%swap3A_334, %swap3A_335] {strides = array<i32>} : memref<16x256xf32, #tpu.memory_space<vmem>>, vector<16xf32>,
        tpu.vector_store %arg11[%swap3A_334, %swap3A_335], %mul3A_330 {strides = array<i32>} : memref<16x256xf32, #tpu.memory_space<vmem>>, vector<16xf32>,
        %add3A_337 = arith.constant 7168 : i32
        %add3A_338 = vector.broadcast %add3A_337 : i32 to vector<16xi32>
        %add3A_339 = arith.addi %add3A_148, %add3A_338 : vector<16xi32>
        %gather3A_340 = tpu.vector_load_idx %arg8[%broadcast_in_dim3A_6, %add3A_339] : memref<112x256xf32, #tpu.memory_space<vmem>>[vector<16xi32>, vector<16xi32>], vector<16xf32>,
        %add3A_341 = arith.constant 7168 : i32
        %add3A_342 = vector.broadcast %add3A_341 : i32 to vector<16xi32>
        %add3A_343 = arith.addi %add3A_151, %add3A_342 : vector<16xi32>
        %gather3A_344 = tpu.vector_load_idx %arg8[%broadcast_in_dim3A_6, %add3A_343] : memref<112x256xf32, #tpu.memory_space<vmem>>[vector<16xi32>, vector<16xi32>], vector<16xf32>,
        %add3A_345 = arith.constant 7168 : i32
        %add3A_346 = vector.broadcast %add3A_345 : i32 to vector<16xi32>
        %add3A_347 = arith.addi %add3A_154, %add3A_346 : vector<16xi32>
        %gather3A_348 = tpu.vector_load_idx %arg8[%broadcast_in_dim3A_6, %add3A_347] : memref<112x256xf32, #tpu.memory_space<vmem>>[vector<16xi32>, vector<16xi32>], vector<16xf32>,
        %add3A_349 = arith.constant 7168 : i32
        %add3A_350 = vector.broadcast %add3A_349 : i32 to vector<16xi32>
        %add3A_351 = arith.addi %add3A_157, %add3A_350 : vector<16xi32>
        %gather3A_352 = tpu.vector_load_idx %arg8[%broadcast_in_dim3A_6, %add3A_351] : memref<112x256xf32, #tpu.memory_space<vmem>>[vector<16xi32>, vector<16xi32>], vector<16xf32>,
        %add3A_353 = arith.constant 7168 : i32
        %add3A_354 = vector.broadcast %add3A_353 : i32 to vector<16xi32>
        %add3A_355 = arith.addi %add3A_160, %add3A_354 : vector<16xi32>
        %gather3A_356 = tpu.vector_load_idx %arg8[%broadcast_in_dim3A_6, %add3A_355] : memref<112x256xf32, #tpu.memory_space<vmem>>[vector<16xi32>, vector<16xi32>], vector<16xf32>,
        %add3A_357 = arith.constant 7168 : i32
        %add3A_358 = vector.broadcast %add3A_357 : i32 to vector<16xi32>
        %add3A_359 = arith.addi %add3A_163, %add3A_358 : vector<16xi32>
        %gather3A_360 = tpu.vector_load_idx %arg8[%broadcast_in_dim3A_6, %add3A_359] : memref<112x256xf32, #tpu.memory_space<vmem>>[vector<16xi32>, vector<16xi32>], vector<16xf32>,
        %add3A_361 = arith.constant 7168 : i32
        %add3A_362 = vector.broadcast %add3A_361 : i32 to vector<16xi32>
        %add3A_363 = arith.addi %add3A_166, %add3A_362 : vector<16xi32>
        %gather3A_364 = tpu.vector_load_idx %arg8[%broadcast_in_dim3A_6, %add3A_363] : memref<112x256xf32, #tpu.memory_space<vmem>>[vector<16xi32>, vector<16xi32>], vector<16xf32>,
        %add3A_365 = arith.constant 8960 : i32
        %add3A_366 = vector.broadcast %add3A_365 : i32 to vector<16xi32>
        %add3A_367 = arith.addi %add3A_148, %add3A_366 : vector<16xi32>
        %gather3A_368 = tpu.vector_load_idx %arg8[%broadcast_in_dim3A_6, %add3A_367] : memref<112x256xf32, #tpu.memory_space<vmem>>[vector<16xi32>, vector<16xi32>], vector<16xf32>,
        %add3A_369 = arith.constant 8960 : i32
        %add3A_370 = vector.broadcast %add3A_369 : i32 to vector<16xi32>
        %add3A_371 = arith.addi %add3A_151, %add3A_370 : vector<16xi32>
        %gather3A_372 = tpu.vector_load_idx %arg8[%broadcast_in_dim3A_6, %add3A_371] : memref<112x256xf32, #tpu.memory_space<vmem>>[vector<16xi32>, vector<16xi32>], vector<16xf32>,
        %add3A_373 = arith.constant 8960 : i32
        %add3A_374 = vector.broadcast %add3A_373 : i32 to vector<16xi32>
        %add3A_375 = arith.addi %add3A_154, %add3A_374 : vector<16xi32>
        %gather3A_376 = tpu.vector_load_idx %arg8[%broadcast_in_dim3A_6, %add3A_375] : memref<112x256xf32, #tpu.memory_space<vmem>>[vector<16xi32>, vector<16xi32>], vector<16xf32>,
        %add3A_377 = arith.constant 8960 : i32
        %add3A_378 = vector.broadcast %add3A_377 : i32 to vector<16xi32>
        %add3A_379 = arith.addi %add3A_157, %add3A_378 : vector<16xi32>
        %gather3A_380 = tpu.vector_load_idx %arg8[%broadcast_in_dim3A_6, %add3A_379] : memref<112x256xf32, #tpu.memory_space<vmem>>[vector<16xi32>, vector<16xi32>], vector<16xf32>,
        %add3A_381 = arith.constant 8960 : i32
        %add3A_382 = vector.broadcast %add3A_381 : i32 to vector<16xi32>
        %add3A_383 = arith.addi %add3A_160, %add3A_382 : vector<16xi32>
        %gather3A_384 = tpu.vector_load_idx %arg8[%broadcast_in_dim3A_6, %add3A_383] : memref<112x256xf32, #tpu.memory_space<vmem>>[vector<16xi32>, vector<16xi32>], vector<16xf32>,
        %add3A_385 = arith.constant 8960 : i32
        %add3A_386 = vector.broadcast %add3A_385 : i32 to vector<16xi32>
        %add3A_387 = arith.addi %add3A_163, %add3A_386 : vector<16xi32>
        %gather3A_388 = tpu.vector_load_idx %arg8[%broadcast_in_dim3A_6, %add3A_387] : memref<112x256xf32, #tpu.memory_space<vmem>>[vector<16xi32>, vector<16xi32>], vector<16xf32>,
        %add3A_389 = arith.constant 8960 : i32
        %add3A_390 = vector.broadcast %add3A_389 : i32 to vector<16xi32>
        %add3A_391 = arith.addi %add3A_166, %add3A_390 : vector<16xi32>
        %gather3A_392 = tpu.vector_load_idx %arg8[%broadcast_in_dim3A_6, %add3A_391] : memref<112x256xf32, #tpu.memory_space<vmem>>[vector<16xi32>, vector<16xi32>], vector<16xf32>,
        %add3A_393 = arith.constant 10752 : i32
        %add3A_394 = vector.broadcast %add3A_393 : i32 to vector<16xi32>
        %add3A_395 = arith.addi %add3A_148, %add3A_394 : vector<16xi32>
        %gather3A_396 = tpu.vector_load_idx %arg8[%broadcast_in_dim3A_6, %add3A_395] : memref<112x256xf32, #tpu.memory_space<vmem>>[vector<16xi32>, vector<16xi32>], vector<16xf32>,
        %add3A_397 = arith.constant 10752 : i32
        %add3A_398 = vector.broadcast %add3A_397 : i32 to vector<16xi32>
        %add3A_399 = arith.addi %add3A_151, %add3A_398 : vector<16xi32>
        %gather3A_400 = tpu.vector_load_idx %arg8[%broadcast_in_dim3A_6, %add3A_399] : memref<112x256xf32, #tpu.memory_space<vmem>>[vector<16xi32>, vector<16xi32>], vector<16xf32>,
        %add3A_401 = arith.constant 10752 : i32
        %add3A_402 = vector.broadcast %add3A_401 : i32 to vector<16xi32>
        %add3A_403 = arith.addi %add3A_154, %add3A_402 : vector<16xi32>
        %gather3A_404 = tpu.vector_load_idx %arg8[%broadcast_in_dim3A_6, %add3A_403] : memref<112x256xf32, #tpu.memory_space<vmem>>[vector<16xi32>, vector<16xi32>], vector<16xf32>,
        %add3A_405 = arith.constant 10752 : i32
        %add3A_406 = vector.broadcast %add3A_405 : i32 to vector<16xi32>
        %add3A_407 = arith.addi %add3A_157, %add3A_406 : vector<16xi32>
        %gather3A_408 = tpu.vector_load_idx %arg8[%broadcast_in_dim3A_6, %add3A_407] : memref<112x256xf32, #tpu.memory_space<vmem>>[vector<16xi32>, vector<16xi32>], vector<16xf32>,
        %add3A_409 = arith.constant 10752 : i32
        %add3A_410 = vector.broadcast %add3A_409 : i32 to vector<16xi32>
        %add3A_411 = arith.addi %add3A_160, %add3A_410 : vector<16xi32>
        %gather3A_412 = tpu.vector_load_idx %arg8[%broadcast_in_dim3A_6, %add3A_411] : memref<112x256xf32, #tpu.memory_space<vmem>>[vector<16xi32>, vector<16xi32>], vector<16xf32>,
        %add3A_413 = arith.constant 10752 : i32
        %add3A_414 = vector.broadcast %add3A_413 : i32 to vector<16xi32>
        %add3A_415 = arith.addi %add3A_163, %add3A_414 : vector<16xi32>
        %gather3A_416 = tpu.vector_load_idx %arg8[%broadcast_in_dim3A_6, %add3A_415] : memref<112x256xf32, #tpu.memory_space<vmem>>[vector<16xi32>, vector<16xi32>], vector<16xf32>,
        %add3A_417 = arith.constant 10752 : i32
        %add3A_418 = vector.broadcast %add3A_417 : i32 to vector<16xi32>
        %add3A_419 = arith.addi %add3A_166, %add3A_418 : vector<16xi32>
        %gather3A_420 = tpu.vector_load_idx %arg8[%broadcast_in_dim3A_6, %add3A_419] : memref<112x256xf32, #tpu.memory_space<vmem>>[vector<16xi32>, vector<16xi32>], vector<16xf32>,
        %add3A_421 = arith.constant 12544 : i32
        %add3A_422 = vector.broadcast %add3A_421 : i32 to vector<16xi32>
        %add3A_423 = arith.addi %add3A_148, %add3A_422 : vector<16xi32>
        %gather3A_424 = tpu.vector_load_idx %arg8[%broadcast_in_dim3A_6, %add3A_423] : memref<112x256xf32, #tpu.memory_space<vmem>>[vector<16xi32>, vector<16xi32>], vector<16xf32>,
        %add3A_425 = arith.constant 12544 : i32
        %add3A_426 = vector.broadcast %add3A_425 : i32 to vector<16xi32>
        %add3A_427 = arith.addi %add3A_151, %add3A_426 : vector<16xi32>
        %gather3A_428 = tpu.vector_load_idx %arg8[%broadcast_in_dim3A_6, %add3A_427] : memref<112x256xf32, #tpu.memory_space<vmem>>[vector<16xi32>, vector<16xi32>], vector<16xf32>,
        %add3A_429 = arith.constant 12544 : i32
        %add3A_430 = vector.broadcast %add3A_429 : i32 to vector<16xi32>
        %add3A_431 = arith.addi %add3A_154, %add3A_430 : vector<16xi32>
        %gather3A_432 = tpu.vector_load_idx %arg8[%broadcast_in_dim3A_6, %add3A_431] : memref<112x256xf32, #tpu.memory_space<vmem>>[vector<16xi32>, vector<16xi32>], vector<16xf32>,
        %add3A_433 = arith.constant 12544 : i32
        %add3A_434 = vector.broadcast %add3A_433 : i32 to vector<16xi32>
        %add3A_435 = arith.addi %add3A_157, %add3A_434 : vector<16xi32>
        %gather3A_436 = tpu.vector_load_idx %arg8[%broadcast_in_dim3A_6, %add3A_435] : memref<112x256xf32, #tpu.memory_space<vmem>>[vector<16xi32>, vector<16xi32>], vector<16xf32>,
        %add3A_437 = arith.constant 12544 : i32
        %add3A_438 = vector.broadcast %add3A_437 : i32 to vector<16xi32>
        %add3A_439 = arith.addi %add3A_160, %add3A_438 : vector<16xi32>
        %gather3A_440 = tpu.vector_load_idx %arg8[%broadcast_in_dim3A_6, %add3A_439] : memref<112x256xf32, #tpu.memory_space<vmem>>[vector<16xi32>, vector<16xi32>], vector<16xf32>,
        %add3A_441 = arith.constant 12544 : i32
        %add3A_442 = vector.broadcast %add3A_441 : i32 to vector<16xi32>
        %add3A_443 = arith.addi %add3A_163, %add3A_442 : vector<16xi32>
        %gather3A_444 = tpu.vector_load_idx %arg8[%broadcast_in_dim3A_6, %add3A_443] : memref<112x256xf32, #tpu.memory_space<vmem>>[vector<16xi32>, vector<16xi32>], vector<16xf32>,
        %add3A_445 = arith.constant 12544 : i32
        %add3A_446 = vector.broadcast %add3A_445 : i32 to vector<16xi32>
        %add3A_447 = arith.addi %add3A_166, %add3A_446 : vector<16xi32>
        %gather3A_448 = tpu.vector_load_idx %arg8[%broadcast_in_dim3A_6, %add3A_447] : memref<112x256xf32, #tpu.memory_space<vmem>>[vector<16xi32>, vector<16xi32>], vector<16xf32>,
        %add3A_449 = arith.addf %gather3A_340, %gather3A_344 : vector<16xf32>
        %add3A_450 = arith.addf %gather3A_368, %gather3A_372 : vector<16xf32>
        %add3A_451 = arith.addf %gather3A_396, %gather3A_400 : vector<16xf32>
        %add3A_452 = arith.addf %gather3A_424, %gather3A_428 : vector<16xf32>
        %add3A_453 = arith.addf %gather3A_348, %gather3A_352 : vector<16xf32>
        %add3A_454 = arith.addf %gather3A_376, %gather3A_380 : vector<16xf32>
        %add3A_455 = arith.addf %gather3A_404, %gather3A_408 : vector<16xf32>
        %add3A_456 = arith.addf %gather3A_432, %gather3A_436 : vector<16xf32>
        %add3A_457 = arith.addf %gather3A_356, %gather3A_360 : vector<16xf32>
        %add3A_458 = arith.addf %gather3A_384, %gather3A_388 : vector<16xf32>
        %add3A_459 = arith.addf %gather3A_412, %gather3A_416 : vector<16xf32>
        %add3A_460 = arith.addf %gather3A_440, %gather3A_444 : vector<16xf32>
        %add3A_461 = arith.addf %add3A_449, %add3A_453 : vector<16xf32>
        %add3A_462 = arith.addf %add3A_450, %add3A_454 : vector<16xf32>
        %add3A_463 = arith.addf %add3A_451, %add3A_455 : vector<16xf32>
        %add3A_464 = arith.addf %add3A_452, %add3A_456 : vector<16xf32>
        %add3A_465 = arith.addf %add3A_457, %gather3A_364 : vector<16xf32>
        %add3A_466 = arith.addf %add3A_458, %gather3A_392 : vector<16xf32>
        %add3A_467 = arith.addf %add3A_459, %gather3A_420 : vector<16xf32>
        %add3A_468 = arith.addf %add3A_460, %gather3A_448 : vector<16xf32>
        %add3A_469 = arith.addf %add3A_461, %add3A_465 : vector<16xf32>
        %mul3A_470 = arith.constant 0.142857149 : f32
        %mul3A_471 = vector.broadcast %mul3A_470 : f32 to vector<16xf32>
        %mul3A_472 = arith.mulf %add3A_469, %mul3A_471 : vector<16xf32>
        %mul3A_473 = arith.constant 16 : i32
        %mul3A_474 = arith.muli %scan3A_141, %mul3A_473 : i32
        %swap3A_475 = arith.constant 4 : i32
        %swap3A_476 = arith.index_cast %swap3A_475 : i32 to index
        %swap3A_477 = arith.index_cast %mul3A_474 : i32 to index
        %swap3A_478 = tpu.vector_load %arg11[%swap3A_476, %swap3A_477] {strides = array<i32>} : memref<16x256xf32, #tpu.memory_space<vmem>>, vector<16xf32>,
        tpu.vector_store %arg11[%swap3A_476, %swap3A_477], %mul3A_472 {strides = array<i32>} : memref<16x256xf32, #tpu.memory_space<vmem>>, vector<16xf32>,
        %add3A_479 = arith.addf %add3A_462, %add3A_466 : vector<16xf32>
        %mul3A_480 = arith.constant 0.142857149 : f32
        %mul3A_481 = vector.broadcast %mul3A_480 : f32 to vector<16xf32>
        %mul3A_482 = arith.mulf %add3A_479, %mul3A_481 : vector<16xf32>
        %mul3A_483 = arith.constant 16 : i32
        %mul3A_484 = arith.muli %scan3A_141, %mul3A_483 : i32
        %swap3A_485 = arith.constant 5 : i32
        %swap3A_486 = arith.index_cast %swap3A_485 : i32 to index
        %swap3A_487 = arith.index_cast %mul3A_484 : i32 to index
        %swap3A_488 = tpu.vector_load %arg11[%swap3A_486, %swap3A_487] {strides = array<i32>} : memref<16x256xf32, #tpu.memory_space<vmem>>, vector<16xf32>,
        tpu.vector_store %arg11[%swap3A_486, %swap3A_487], %mul3A_482 {strides = array<i32>} : memref<16x256xf32, #tpu.memory_space<vmem>>, vector<16xf32>,
        %add3A_489 = arith.addf %add3A_463, %add3A_467 : vector<16xf32>
        %mul3A_490 = arith.constant 0.142857149 : f32
        %mul3A_491 = vector.broadcast %mul3A_490 : f32 to vector<16xf32>
        %mul3A_492 = arith.mulf %add3A_489, %mul3A_491 : vector<16xf32>
        %mul3A_493 = arith.constant 16 : i32
        %mul3A_494 = arith.muli %scan3A_141, %mul3A_493 : i32
        %swap3A_495 = arith.constant 6 : i32
        %swap3A_496 = arith.index_cast %swap3A_495 : i32 to index
        %swap3A_497 = arith.index_cast %mul3A_494 : i32 to index
        %swap3A_498 = tpu.vector_load %arg11[%swap3A_496, %swap3A_497] {strides = array<i32>} : memref<16x256xf32, #tpu.memory_space<vmem>>, vector<16xf32>,
        tpu.vector_store %arg11[%swap3A_496, %swap3A_497], %mul3A_492 {strides = array<i32>} : memref<16x256xf32, #tpu.memory_space<vmem>>, vector<16xf32>,
        %add3A_499 = arith.addf %add3A_464, %add3A_468 : vector<16xf32>
        %mul3A_500 = arith.constant 0.142857149 : f32
        %mul3A_501 = vector.broadcast %mul3A_500 : f32 to vector<16xf32>
        %mul3A_502 = arith.mulf %add3A_499, %mul3A_501 : vector<16xf32>
        %mul3A_503 = arith.constant 16 : i32
        %mul3A_504 = arith.muli %scan3A_141, %mul3A_503 : i32
        %swap3A_505 = arith.constant 7 : i32
        %swap3A_506 = arith.index_cast %swap3A_505 : i32 to index
        %swap3A_507 = arith.index_cast %mul3A_504 : i32 to index
        %swap3A_508 = tpu.vector_load %arg11[%swap3A_506, %swap3A_507] {strides = array<i32>} : memref<16x256xf32, #tpu.memory_space<vmem>>, vector<16xf32>,
        tpu.vector_store %arg11[%swap3A_506, %swap3A_507], %mul3A_502 {strides = array<i32>} : memref<16x256xf32, #tpu.memory_space<vmem>>, vector<16xf32>,
        %add3A_509 = arith.constant 14336 : i32
        %add3A_510 = vector.broadcast %add3A_509 : i32 to vector<16xi32>
        %add3A_511 = arith.addi %add3A_148, %add3A_510 : vector<16xi32>
        %gather3A_512 = tpu.vector_load_idx %arg8[%broadcast_in_dim3A_6, %add3A_511] : memref<112x256xf32, #tpu.memory_space<vmem>>[vector<16xi32>, vector<16xi32>], vector<16xf32>,
        %add3A_513 = arith.constant 14336 : i32
        %add3A_514 = vector.broadcast %add3A_513 : i32 to vector<16xi32>
        %add3A_515 = arith.addi %add3A_151, %add3A_514 : vector<16xi32>
        %gather3A_516 = tpu.vector_load_idx %arg8[%broadcast_in_dim3A_6, %add3A_515] : memref<112x256xf32, #tpu.memory_space<vmem>>[vector<16xi32>, vector<16xi32>], vector<16xf32>,
        %add3A_517 = arith.constant 14336 : i32
        %add3A_518 = vector.broadcast %add3A_517 : i32 to vector<16xi32>
        %add3A_519 = arith.addi %add3A_154, %add3A_518 : vector<16xi32>
        %gather3A_520 = tpu.vector_load_idx %arg8[%broadcast_in_dim3A_6, %add3A_519] : memref<112x256xf32, #tpu.memory_space<vmem>>[vector<16xi32>, vector<16xi32>], vector<16xf32>,
        %add3A_521 = arith.constant 14336 : i32
        %add3A_522 = vector.broadcast %add3A_521 : i32 to vector<16xi32>
        %add3A_523 = arith.addi %add3A_157, %add3A_522 : vector<16xi32>
        %gather3A_524 = tpu.vector_load_idx %arg8[%broadcast_in_dim3A_6, %add3A_523] : memref<112x256xf32, #tpu.memory_space<vmem>>[vector<16xi32>, vector<16xi32>], vector<16xf32>,
        %add3A_525 = arith.constant 14336 : i32
        %add3A_526 = vector.broadcast %add3A_525 : i32 to vector<16xi32>
        %add3A_527 = arith.addi %add3A_160, %add3A_526 : vector<16xi32>
        %gather3A_528 = tpu.vector_load_idx %arg8[%broadcast_in_dim3A_6, %add3A_527] : memref<112x256xf32, #tpu.memory_space<vmem>>[vector<16xi32>, vector<16xi32>], vector<16xf32>,
        %add3A_529 = arith.constant 14336 : i32
        %add3A_530 = vector.broadcast %add3A_529 : i32 to vector<16xi32>
        %add3A_531 = arith.addi %add3A_163, %add3A_530 : vector<16xi32>
        %gather3A_532 = tpu.vector_load_idx %arg8[%broadcast_in_dim3A_6, %add3A_531] : memref<112x256xf32, #tpu.memory_space<vmem>>[vector<16xi32>, vector<16xi32>], vector<16xf32>,
        %add3A_533 = arith.constant 14336 : i32
        %add3A_534 = vector.broadcast %add3A_533 : i32 to vector<16xi32>
        %add3A_535 = arith.addi %add3A_166, %add3A_534 : vector<16xi32>
        %gather3A_536 = tpu.vector_load_idx %arg8[%broadcast_in_dim3A_6, %add3A_535] : memref<112x256xf32, #tpu.memory_space<vmem>>[vector<16xi32>, vector<16xi32>], vector<16xf32>,
        %add3A_537 = arith.constant 16128 : i32
        %add3A_538 = vector.broadcast %add3A_537 : i32 to vector<16xi32>
        %add3A_539 = arith.addi %add3A_148, %add3A_538 : vector<16xi32>
        %gather3A_540 = tpu.vector_load_idx %arg8[%broadcast_in_dim3A_6, %add3A_539] : memref<112x256xf32, #tpu.memory_space<vmem>>[vector<16xi32>, vector<16xi32>], vector<16xf32>,
        %add3A_541 = arith.constant 16128 : i32
        %add3A_542 = vector.broadcast %add3A_541 : i32 to vector<16xi32>
        %add3A_543 = arith.addi %add3A_151, %add3A_542 : vector<16xi32>
        %gather3A_544 = tpu.vector_load_idx %arg8[%broadcast_in_dim3A_6, %add3A_543] : memref<112x256xf32, #tpu.memory_space<vmem>>[vector<16xi32>, vector<16xi32>], vector<16xf32>,
        %add3A_545 = arith.constant 16128 : i32
        %add3A_546 = vector.broadcast %add3A_545 : i32 to vector<16xi32>
        %add3A_547 = arith.addi %add3A_154, %add3A_546 : vector<16xi32>
        %gather3A_548 = tpu.vector_load_idx %arg8[%broadcast_in_dim3A_6, %add3A_547] : memref<112x256xf32, #tpu.memory_space<vmem>>[vector<16xi32>, vector<16xi32>], vector<16xf32>,
        %add3A_549 = arith.constant 16128 : i32
        %add3A_550 = vector.broadcast %add3A_549 : i32 to vector<16xi32>
        %add3A_551 = arith.addi %add3A_157, %add3A_550 : vector<16xi32>
        %gather3A_552 = tpu.vector_load_idx %arg8[%broadcast_in_dim3A_6, %add3A_551] : memref<112x256xf32, #tpu.memory_space<vmem>>[vector<16xi32>, vector<16xi32>], vector<16xf32>,
        %add3A_553 = arith.constant 16128 : i32
        %add3A_554 = vector.broadcast %add3A_553 : i32 to vector<16xi32>
        %add3A_555 = arith.addi %add3A_160, %add3A_554 : vector<16xi32>
        %gather3A_556 = tpu.vector_load_idx %arg8[%broadcast_in_dim3A_6, %add3A_555] : memref<112x256xf32, #tpu.memory_space<vmem>>[vector<16xi32>, vector<16xi32>], vector<16xf32>,
        %add3A_557 = arith.constant 16128 : i32
        %add3A_558 = vector.broadcast %add3A_557 : i32 to vector<16xi32>
        %add3A_559 = arith.addi %add3A_163, %add3A_558 : vector<16xi32>
        %gather3A_560 = tpu.vector_load_idx %arg8[%broadcast_in_dim3A_6, %add3A_559] : memref<112x256xf32, #tpu.memory_space<vmem>>[vector<16xi32>, vector<16xi32>], vector<16xf32>,
        %add3A_561 = arith.constant 16128 : i32
        %add3A_562 = vector.broadcast %add3A_561 : i32 to vector<16xi32>
        %add3A_563 = arith.addi %add3A_166, %add3A_562 : vector<16xi32>
        %gather3A_564 = tpu.vector_load_idx %arg8[%broadcast_in_dim3A_6, %add3A_563] : memref<112x256xf32, #tpu.memory_space<vmem>>[vector<16xi32>, vector<16xi32>], vector<16xf32>,
        %add3A_565 = arith.constant 17920 : i32
        %add3A_566 = vector.broadcast %add3A_565 : i32 to vector<16xi32>
        %add3A_567 = arith.addi %add3A_148, %add3A_566 : vector<16xi32>
        %gather3A_568 = tpu.vector_load_idx %arg8[%broadcast_in_dim3A_6, %add3A_567] : memref<112x256xf32, #tpu.memory_space<vmem>>[vector<16xi32>, vector<16xi32>], vector<16xf32>,
        %add3A_569 = arith.constant 17920 : i32
        %add3A_570 = vector.broadcast %add3A_569 : i32 to vector<16xi32>
        %add3A_571 = arith.addi %add3A_151, %add3A_570 : vector<16xi32>
        %gather3A_572 = tpu.vector_load_idx %arg8[%broadcast_in_dim3A_6, %add3A_571] : memref<112x256xf32, #tpu.memory_space<vmem>>[vector<16xi32>, vector<16xi32>], vector<16xf32>,
        %add3A_573 = arith.constant 17920 : i32
        %add3A_574 = vector.broadcast %add3A_573 : i32 to vector<16xi32>
        %add3A_575 = arith.addi %add3A_154, %add3A_574 : vector<16xi32>
        %gather3A_576 = tpu.vector_load_idx %arg8[%broadcast_in_dim3A_6, %add3A_575] : memref<112x256xf32, #tpu.memory_space<vmem>>[vector<16xi32>, vector<16xi32>], vector<16xf32>,
        %add3A_577 = arith.constant 17920 : i32
        %add3A_578 = vector.broadcast %add3A_577 : i32 to vector<16xi32>
        %add3A_579 = arith.addi %add3A_157, %add3A_578 : vector<16xi32>
        %gather3A_580 = tpu.vector_load_idx %arg8[%broadcast_in_dim3A_6, %add3A_579] : memref<112x256xf32, #tpu.memory_space<vmem>>[vector<16xi32>, vector<16xi32>], vector<16xf32>,
        %add3A_581 = arith.constant 17920 : i32
        %add3A_582 = vector.broadcast %add3A_581 : i32 to vector<16xi32>
        %add3A_583 = arith.addi %add3A_160, %add3A_582 : vector<16xi32>
        %gather3A_584 = tpu.vector_load_idx %arg8[%broadcast_in_dim3A_6, %add3A_583] : memref<112x256xf32, #tpu.memory_space<vmem>>[vector<16xi32>, vector<16xi32>], vector<16xf32>,
        %add3A_585 = arith.constant 17920 : i32
        %add3A_586 = vector.broadcast %add3A_585 : i32 to vector<16xi32>
        %add3A_587 = arith.addi %add3A_163, %add3A_586 : vector<16xi32>
        %gather3A_588 = tpu.vector_load_idx %arg8[%broadcast_in_dim3A_6, %add3A_587] : memref<112x256xf32, #tpu.memory_space<vmem>>[vector<16xi32>, vector<16xi32>], vector<16xf32>,
        %add3A_589 = arith.constant 17920 : i32
        %add3A_590 = vector.broadcast %add3A_589 : i32 to vector<16xi32>
        %add3A_591 = arith.addi %add3A_166, %add3A_590 : vector<16xi32>
        %gather3A_592 = tpu.vector_load_idx %arg8[%broadcast_in_dim3A_6, %add3A_591] : memref<112x256xf32, #tpu.memory_space<vmem>>[vector<16xi32>, vector<16xi32>], vector<16xf32>,
        %add3A_593 = arith.constant 19712 : i32
        %add3A_594 = vector.broadcast %add3A_593 : i32 to vector<16xi32>
        %add3A_595 = arith.addi %add3A_148, %add3A_594 : vector<16xi32>
        %gather3A_596 = tpu.vector_load_idx %arg8[%broadcast_in_dim3A_6, %add3A_595] : memref<112x256xf32, #tpu.memory_space<vmem>>[vector<16xi32>, vector<16xi32>], vector<16xf32>,
        %add3A_597 = arith.constant 19712 : i32
        %add3A_598 = vector.broadcast %add3A_597 : i32 to vector<16xi32>
        %add3A_599 = arith.addi %add3A_151, %add3A_598 : vector<16xi32>
        %gather3A_600 = tpu.vector_load_idx %arg8[%broadcast_in_dim3A_6, %add3A_599] : memref<112x256xf32, #tpu.memory_space<vmem>>[vector<16xi32>, vector<16xi32>], vector<16xf32>,
        %add3A_601 = arith.constant 19712 : i32
        %add3A_602 = vector.broadcast %add3A_601 : i32 to vector<16xi32>
        %add3A_603 = arith.addi %add3A_154, %add3A_602 : vector<16xi32>
        %gather3A_604 = tpu.vector_load_idx %arg8[%broadcast_in_dim3A_6, %add3A_603] : memref<112x256xf32, #tpu.memory_space<vmem>>[vector<16xi32>, vector<16xi32>], vector<16xf32>,
        %add3A_605 = arith.constant 19712 : i32
        %add3A_606 = vector.broadcast %add3A_605 : i32 to vector<16xi32>
        %add3A_607 = arith.addi %add3A_157, %add3A_606 : vector<16xi32>
        %gather3A_608 = tpu.vector_load_idx %arg8[%broadcast_in_dim3A_6, %add3A_607] : memref<112x256xf32, #tpu.memory_space<vmem>>[vector<16xi32>, vector<16xi32>], vector<16xf32>,
        %add3A_609 = arith.constant 19712 : i32
        %add3A_610 = vector.broadcast %add3A_609 : i32 to vector<16xi32>
        %add3A_611 = arith.addi %add3A_160, %add3A_610 : vector<16xi32>
        %gather3A_612 = tpu.vector_load_idx %arg8[%broadcast_in_dim3A_6, %add3A_611] : memref<112x256xf32, #tpu.memory_space<vmem>>[vector<16xi32>, vector<16xi32>], vector<16xf32>,
        %add3A_613 = arith.constant 19712 : i32
        %add3A_614 = vector.broadcast %add3A_613 : i32 to vector<16xi32>
        %add3A_615 = arith.addi %add3A_163, %add3A_614 : vector<16xi32>
        %gather3A_616 = tpu.vector_load_idx %arg8[%broadcast_in_dim3A_6, %add3A_615] : memref<112x256xf32, #tpu.memory_space<vmem>>[vector<16xi32>, vector<16xi32>], vector<16xf32>,
        %add3A_617 = arith.constant 19712 : i32
        %add3A_618 = vector.broadcast %add3A_617 : i32 to vector<16xi32>
        %add3A_619 = arith.addi %add3A_166, %add3A_618 : vector<16xi32>
        %gather3A_620 = tpu.vector_load_idx %arg8[%broadcast_in_dim3A_6, %add3A_619] : memref<112x256xf32, #tpu.memory_space<vmem>>[vector<16xi32>, vector<16xi32>], vector<16xf32>,
        %add3A_621 = arith.addf %gather3A_512, %gather3A_516 : vector<16xf32>
        %add3A_622 = arith.addf %gather3A_540, %gather3A_544 : vector<16xf32>
        %add3A_623 = arith.addf %gather3A_568, %gather3A_572 : vector<16xf32>
        %add3A_624 = arith.addf %gather3A_596, %gather3A_600 : vector<16xf32>
        %add3A_625 = arith.addf %gather3A_520, %gather3A_524 : vector<16xf32>
        %add3A_626 = arith.addf %gather3A_548, %gather3A_552 : vector<16xf32>
        %add3A_627 = arith.addf %gather3A_576, %gather3A_580 : vector<16xf32>
        %add3A_628 = arith.addf %gather3A_604, %gather3A_608 : vector<16xf32>
        %add3A_629 = arith.addf %gather3A_528, %gather3A_532 : vector<16xf32>
        %add3A_630 = arith.addf %gather3A_556, %gather3A_560 : vector<16xf32>
        %add3A_631 = arith.addf %gather3A_584, %gather3A_588 : vector<16xf32>
        %add3A_632 = arith.addf %gather3A_612, %gather3A_616 : vector<16xf32>
        %add3A_633 = arith.addf %add3A_621, %add3A_625 : vector<16xf32>
        %add3A_634 = arith.addf %add3A_622, %add3A_626 : vector<16xf32>
        %add3A_635 = arith.addf %add3A_623, %add3A_627 : vector<16xf32>
        %add3A_636 = arith.addf %add3A_624, %add3A_628 : vector<16xf32>
        %add3A_637 = arith.addf %add3A_629, %gather3A_536 : vector<16xf32>
        %add3A_638 = arith.addf %add3A_630, %gather3A_564 : vector<16xf32>
        %add3A_639 = arith.addf %add3A_631, %gather3A_592 : vector<16xf32>
        %add3A_640 = arith.addf %add3A_632, %gather3A_620 : vector<16xf32>
        %add3A_641 = arith.addf %add3A_633, %add3A_637 : vector<16xf32>
        %mul3A_642 = arith.constant 0.142857149 : f32
        %mul3A_643 = vector.broadcast %mul3A_642 : f32 to vector<16xf32>
        %mul3A_644 = arith.mulf %add3A_641, %mul3A_643 : vector<16xf32>
        %mul3A_645 = arith.constant 16 : i32
        %mul3A_646 = arith.muli %scan3A_141, %mul3A_645 : i32
        %swap3A_647 = arith.constant 8 : i32
        %swap3A_648 = arith.index_cast %swap3A_647 : i32 to index
        %swap3A_649 = arith.index_cast %mul3A_646 : i32 to index
        %swap3A_650 = tpu.vector_load %arg11[%swap3A_648, %swap3A_649] {strides = array<i32>} : memref<16x256xf32, #tpu.memory_space<vmem>>, vector<16xf32>,
        tpu.vector_store %arg11[%swap3A_648, %swap3A_649], %mul3A_644 {strides = array<i32>} : memref<16x256xf32, #tpu.memory_space<vmem>>, vector<16xf32>,
        %add3A_651 = arith.addf %add3A_634, %add3A_638 : vector<16xf32>
        %mul3A_652 = arith.constant 0.142857149 : f32
        %mul3A_653 = vector.broadcast %mul3A_652 : f32 to vector<16xf32>
        %mul3A_654 = arith.mulf %add3A_651, %mul3A_653 : vector<16xf32>
        %mul3A_655 = arith.constant 16 : i32
        %mul3A_656 = arith.muli %scan3A_141, %mul3A_655 : i32
        %swap3A_657 = arith.constant 9 : i32
        %swap3A_658 = arith.index_cast %swap3A_657 : i32 to index
        %swap3A_659 = arith.index_cast %mul3A_656 : i32 to index
        %swap3A_660 = tpu.vector_load %arg11[%swap3A_658, %swap3A_659] {strides = array<i32>} : memref<16x256xf32, #tpu.memory_space<vmem>>, vector<16xf32>,
        tpu.vector_store %arg11[%swap3A_658, %swap3A_659], %mul3A_654 {strides = array<i32>} : memref<16x256xf32, #tpu.memory_space<vmem>>, vector<16xf32>,
        %add3A_661 = arith.addf %add3A_635, %add3A_639 : vector<16xf32>
        %mul3A_662 = arith.constant 0.142857149 : f32
        %mul3A_663 = vector.broadcast %mul3A_662 : f32 to vector<16xf32>
        %mul3A_664 = arith.mulf %add3A_661, %mul3A_663 : vector<16xf32>
        %mul3A_665 = arith.constant 16 : i32
        %mul3A_666 = arith.muli %scan3A_141, %mul3A_665 : i32
        %swap3A_667 = arith.constant 10 : i32
        %swap3A_668 = arith.index_cast %swap3A_667 : i32 to index
        %swap3A_669 = arith.index_cast %mul3A_666 : i32 to index
        %swap3A_670 = tpu.vector_load %arg11[%swap3A_668, %swap3A_669] {strides = array<i32>} : memref<16x256xf32, #tpu.memory_space<vmem>>, vector<16xf32>,
        tpu.vector_store %arg11[%swap3A_668, %swap3A_669], %mul3A_664 {strides = array<i32>} : memref<16x256xf32, #tpu.memory_space<vmem>>, vector<16xf32>,
        %add3A_671 = arith.addf %add3A_636, %add3A_640 : vector<16xf32>
        %mul3A_672 = arith.constant 0.142857149 : f32
        %mul3A_673 = vector.broadcast %mul3A_672 : f32 to vector<16xf32>
        %mul3A_674 = arith.mulf %add3A_671, %mul3A_673 : vector<16xf32>
        %mul3A_675 = arith.constant 16 : i32
        %mul3A_676 = arith.muli %scan3A_141, %mul3A_675 : i32
        %swap3A_677 = arith.constant 11 : i32
        %swap3A_678 = arith.index_cast %swap3A_677 : i32 to index
        %swap3A_679 = arith.index_cast %mul3A_676 : i32 to index
        %swap3A_680 = tpu.vector_load %arg11[%swap3A_678, %swap3A_679] {strides = array<i32>} : memref<16x256xf32, #tpu.memory_space<vmem>>, vector<16xf32>,
        tpu.vector_store %arg11[%swap3A_678, %swap3A_679], %mul3A_674 {strides = array<i32>} : memref<16x256xf32, #tpu.memory_space<vmem>>, vector<16xf32>,
        %add3A_681 = arith.constant 21504 : i32
        %add3A_682 = vector.broadcast %add3A_681 : i32 to vector<16xi32>
        %add3A_683 = arith.addi %add3A_148, %add3A_682 : vector<16xi32>
        %gather3A_684 = tpu.vector_load_idx %arg8[%broadcast_in_dim3A_6, %add3A_683] : memref<112x256xf32, #tpu.memory_space<vmem>>[vector<16xi32>, vector<16xi32>], vector<16xf32>,
        %add3A_685 = arith.constant 21504 : i32
        %add3A_686 = vector.broadcast %add3A_685 : i32 to vector<16xi32>
        %add3A_687 = arith.addi %add3A_151, %add3A_686 : vector<16xi32>
        %gather3A_688 = tpu.vector_load_idx %arg8[%broadcast_in_dim3A_6, %add3A_687] : memref<112x256xf32, #tpu.memory_space<vmem>>[vector<16xi32>, vector<16xi32>], vector<16xf32>,
        %add3A_689 = arith.constant 21504 : i32
        %add3A_690 = vector.broadcast %add3A_689 : i32 to vector<16xi32>
        %add3A_691 = arith.addi %add3A_154, %add3A_690 : vector<16xi32>
        %gather3A_692 = tpu.vector_load_idx %arg8[%broadcast_in_dim3A_6, %add3A_691] : memref<112x256xf32, #tpu.memory_space<vmem>>[vector<16xi32>, vector<16xi32>], vector<16xf32>,
        %add3A_693 = arith.constant 21504 : i32
        %add3A_694 = vector.broadcast %add3A_693 : i32 to vector<16xi32>
        %add3A_695 = arith.addi %add3A_157, %add3A_694 : vector<16xi32>
        %gather3A_696 = tpu.vector_load_idx %arg8[%broadcast_in_dim3A_6, %add3A_695] : memref<112x256xf32, #tpu.memory_space<vmem>>[vector<16xi32>, vector<16xi32>], vector<16xf32>,
        %add3A_697 = arith.constant 21504 : i32
        %add3A_698 = vector.broadcast %add3A_697 : i32 to vector<16xi32>
        %add3A_699 = arith.addi %add3A_160, %add3A_698 : vector<16xi32>
        %gather3A_700 = tpu.vector_load_idx %arg8[%broadcast_in_dim3A_6, %add3A_699] : memref<112x256xf32, #tpu.memory_space<vmem>>[vector<16xi32>, vector<16xi32>], vector<16xf32>,
        %add3A_701 = arith.constant 21504 : i32
        %add3A_702 = vector.broadcast %add3A_701 : i32 to vector<16xi32>
        %add3A_703 = arith.addi %add3A_163, %add3A_702 : vector<16xi32>
        %gather3A_704 = tpu.vector_load_idx %arg8[%broadcast_in_dim3A_6, %add3A_703] : memref<112x256xf32, #tpu.memory_space<vmem>>[vector<16xi32>, vector<16xi32>], vector<16xf32>,
        %add3A_705 = arith.constant 21504 : i32
        %add3A_706 = vector.broadcast %add3A_705 : i32 to vector<16xi32>
        %add3A_707 = arith.addi %add3A_166, %add3A_706 : vector<16xi32>
        %gather3A_708 = tpu.vector_load_idx %arg8[%broadcast_in_dim3A_6, %add3A_707] : memref<112x256xf32, #tpu.memory_space<vmem>>[vector<16xi32>, vector<16xi32>], vector<16xf32>,
        %add3A_709 = arith.constant 23296 : i32
        %add3A_710 = vector.broadcast %add3A_709 : i32 to vector<16xi32>
        %add3A_711 = arith.addi %add3A_148, %add3A_710 : vector<16xi32>
        %gather3A_712 = tpu.vector_load_idx %arg8[%broadcast_in_dim3A_6, %add3A_711] : memref<112x256xf32, #tpu.memory_space<vmem>>[vector<16xi32>, vector<16xi32>], vector<16xf32>,
        %add3A_713 = arith.constant 23296 : i32
        %add3A_714 = vector.broadcast %add3A_713 : i32 to vector<16xi32>
        %add3A_715 = arith.addi %add3A_151, %add3A_714 : vector<16xi32>
        %gather3A_716 = tpu.vector_load_idx %arg8[%broadcast_in_dim3A_6, %add3A_715] : memref<112x256xf32, #tpu.memory_space<vmem>>[vector<16xi32>, vector<16xi32>], vector<16xf32>,
        %add3A_717 = arith.constant 23296 : i32
        %add3A_718 = vector.broadcast %add3A_717 : i32 to vector<16xi32>
        %add3A_719 = arith.addi %add3A_154, %add3A_718 : vector<16xi32>
        %gather3A_720 = tpu.vector_load_idx %arg8[%broadcast_in_dim3A_6, %add3A_719] : memref<112x256xf32, #tpu.memory_space<vmem>>[vector<16xi32>, vector<16xi32>], vector<16xf32>,
        %add3A_721 = arith.constant 23296 : i32
        %add3A_722 = vector.broadcast %add3A_721 : i32 to vector<16xi32>
        %add3A_723 = arith.addi %add3A_157, %add3A_722 : vector<16xi32>
        %gather3A_724 = tpu.vector_load_idx %arg8[%broadcast_in_dim3A_6, %add3A_723] : memref<112x256xf32, #tpu.memory_space<vmem>>[vector<16xi32>, vector<16xi32>], vector<16xf32>,
        %add3A_725 = arith.constant 23296 : i32
        %add3A_726 = vector.broadcast %add3A_725 : i32 to vector<16xi32>
        %add3A_727 = arith.addi %add3A_160, %add3A_726 : vector<16xi32>
        %gather3A_728 = tpu.vector_load_idx %arg8[%broadcast_in_dim3A_6, %add3A_727] : memref<112x256xf32, #tpu.memory_space<vmem>>[vector<16xi32>, vector<16xi32>], vector<16xf32>,
        %add3A_729 = arith.constant 23296 : i32
        %add3A_730 = vector.broadcast %add3A_729 : i32 to vector<16xi32>
        %add3A_731 = arith.addi %add3A_163, %add3A_730 : vector<16xi32>
        %gather3A_732 = tpu.vector_load_idx %arg8[%broadcast_in_dim3A_6, %add3A_731] : memref<112x256xf32, #tpu.memory_space<vmem>>[vector<16xi32>, vector<16xi32>], vector<16xf32>,
        %add3A_733 = arith.constant 23296 : i32
        %add3A_734 = vector.broadcast %add3A_733 : i32 to vector<16xi32>
        %add3A_735 = arith.addi %add3A_166, %add3A_734 : vector<16xi32>
        %gather3A_736 = tpu.vector_load_idx %arg8[%broadcast_in_dim3A_6, %add3A_735] : memref<112x256xf32, #tpu.memory_space<vmem>>[vector<16xi32>, vector<16xi32>], vector<16xf32>,
        %add3A_737 = arith.constant 25088 : i32
        %add3A_738 = vector.broadcast %add3A_737 : i32 to vector<16xi32>
        %add3A_739 = arith.addi %add3A_148, %add3A_738 : vector<16xi32>
        %gather3A_740 = tpu.vector_load_idx %arg8[%broadcast_in_dim3A_6, %add3A_739] : memref<112x256xf32, #tpu.memory_space<vmem>>[vector<16xi32>, vector<16xi32>], vector<16xf32>,
        %add3A_741 = arith.constant 25088 : i32
        %add3A_742 = vector.broadcast %add3A_741 : i32 to vector<16xi32>
        %add3A_743 = arith.addi %add3A_151, %add3A_742 : vector<16xi32>
        %gather3A_744 = tpu.vector_load_idx %arg8[%broadcast_in_dim3A_6, %add3A_743] : memref<112x256xf32, #tpu.memory_space<vmem>>[vector<16xi32>, vector<16xi32>], vector<16xf32>,
        %add3A_745 = arith.constant 25088 : i32
        %add3A_746 = vector.broadcast %add3A_745 : i32 to vector<16xi32>
        %add3A_747 = arith.addi %add3A_154, %add3A_746 : vector<16xi32>
        %gather3A_748 = tpu.vector_load_idx %arg8[%broadcast_in_dim3A_6, %add3A_747] : memref<112x256xf32, #tpu.memory_space<vmem>>[vector<16xi32>, vector<16xi32>], vector<16xf32>,
        %add3A_749 = arith.constant 25088 : i32
        %add3A_750 = vector.broadcast %add3A_749 : i32 to vector<16xi32>
        %add3A_751 = arith.addi %add3A_157, %add3A_750 : vector<16xi32>
        %gather3A_752 = tpu.vector_load_idx %arg8[%broadcast_in_dim3A_6, %add3A_751] : memref<112x256xf32, #tpu.memory_space<vmem>>[vector<16xi32>, vector<16xi32>], vector<16xf32>,
        %add3A_753 = arith.constant 25088 : i32
        %add3A_754 = vector.broadcast %add3A_753 : i32 to vector<16xi32>
        %add3A_755 = arith.addi %add3A_160, %add3A_754 : vector<16xi32>
        %gather3A_756 = tpu.vector_load_idx %arg8[%broadcast_in_dim3A_6, %add3A_755] : memref<112x256xf32, #tpu.memory_space<vmem>>[vector<16xi32>, vector<16xi32>], vector<16xf32>,
        %add3A_757 = arith.constant 25088 : i32
        %add3A_758 = vector.broadcast %add3A_757 : i32 to vector<16xi32>
        %add3A_759 = arith.addi %add3A_163, %add3A_758 : vector<16xi32>
        %gather3A_760 = tpu.vector_load_idx %arg8[%broadcast_in_dim3A_6, %add3A_759] : memref<112x256xf32, #tpu.memory_space<vmem>>[vector<16xi32>, vector<16xi32>], vector<16xf32>,
        %add3A_761 = arith.constant 25088 : i32
        %add3A_762 = vector.broadcast %add3A_761 : i32 to vector<16xi32>
        %add3A_763 = arith.addi %add3A_166, %add3A_762 : vector<16xi32>
        %gather3A_764 = tpu.vector_load_idx %arg8[%broadcast_in_dim3A_6, %add3A_763] : memref<112x256xf32, #tpu.memory_space<vmem>>[vector<16xi32>, vector<16xi32>], vector<16xf32>,
        %add3A_765 = arith.constant 26880 : i32
        %add3A_766 = vector.broadcast %add3A_765 : i32 to vector<16xi32>
        %add3A_767 = arith.addi %add3A_148, %add3A_766 : vector<16xi32>
        %gather3A_768 = tpu.vector_load_idx %arg8[%broadcast_in_dim3A_6, %add3A_767] : memref<112x256xf32, #tpu.memory_space<vmem>>[vector<16xi32>, vector<16xi32>], vector<16xf32>,
        %add3A_769 = arith.constant 26880 : i32
        %add3A_770 = vector.broadcast %add3A_769 : i32 to vector<16xi32>
        %add3A_771 = arith.addi %add3A_151, %add3A_770 : vector<16xi32>
        %gather3A_772 = tpu.vector_load_idx %arg8[%broadcast_in_dim3A_6, %add3A_771] : memref<112x256xf32, #tpu.memory_space<vmem>>[vector<16xi32>, vector<16xi32>], vector<16xf32>,
        %add3A_773 = arith.constant 26880 : i32
        %add3A_774 = vector.broadcast %add3A_773 : i32 to vector<16xi32>
        %add3A_775 = arith.addi %add3A_154, %add3A_774 : vector<16xi32>
        %gather3A_776 = tpu.vector_load_idx %arg8[%broadcast_in_dim3A_6, %add3A_775] : memref<112x256xf32, #tpu.memory_space<vmem>>[vector<16xi32>, vector<16xi32>], vector<16xf32>,
        %add3A_777 = arith.constant 26880 : i32
        %add3A_778 = vector.broadcast %add3A_777 : i32 to vector<16xi32>
        %add3A_779 = arith.addi %add3A_157, %add3A_778 : vector<16xi32>
        %gather3A_780 = tpu.vector_load_idx %arg8[%broadcast_in_dim3A_6, %add3A_779] : memref<112x256xf32, #tpu.memory_space<vmem>>[vector<16xi32>, vector<16xi32>], vector<16xf32>,
        %add3A_781 = arith.constant 26880 : i32
        %add3A_782 = vector.broadcast %add3A_781 : i32 to vector<16xi32>
        %add3A_783 = arith.addi %add3A_160, %add3A_782 : vector<16xi32>
        %gather3A_784 = tpu.vector_load_idx %arg8[%broadcast_in_dim3A_6, %add3A_783] : memref<112x256xf32, #tpu.memory_space<vmem>>[vector<16xi32>, vector<16xi32>], vector<16xf32>,
        %add3A_785 = arith.constant 26880 : i32
        %add3A_786 = vector.broadcast %add3A_785 : i32 to vector<16xi32>
        %add3A_787 = arith.addi %add3A_163, %add3A_786 : vector<16xi32>
        %gather3A_788 = tpu.vector_load_idx %arg8[%broadcast_in_dim3A_6, %add3A_787] : memref<112x256xf32, #tpu.memory_space<vmem>>[vector<16xi32>, vector<16xi32>], vector<16xf32>,
        %add3A_789 = arith.constant 26880 : i32
        %add3A_790 = vector.broadcast %add3A_789 : i32 to vector<16xi32>
        %add3A_791 = arith.addi %add3A_166, %add3A_790 : vector<16xi32>
        %gather3A_792 = tpu.vector_load_idx %arg8[%broadcast_in_dim3A_6, %add3A_791] : memref<112x256xf32, #tpu.memory_space<vmem>>[vector<16xi32>, vector<16xi32>], vector<16xf32>,
        %add3A_793 = arith.addf %gather3A_684, %gather3A_688 : vector<16xf32>
        %add3A_794 = arith.addf %gather3A_712, %gather3A_716 : vector<16xf32>
        %add3A_795 = arith.addf %gather3A_740, %gather3A_744 : vector<16xf32>
        %add3A_796 = arith.addf %gather3A_768, %gather3A_772 : vector<16xf32>
        %add3A_797 = arith.addf %gather3A_692, %gather3A_696 : vector<16xf32>
        %add3A_798 = arith.addf %gather3A_720, %gather3A_724 : vector<16xf32>
        %add3A_799 = arith.addf %gather3A_748, %gather3A_752 : vector<16xf32>
        %add3A_800 = arith.addf %gather3A_776, %gather3A_780 : vector<16xf32>
        %add3A_801 = arith.addf %gather3A_700, %gather3A_704 : vector<16xf32>
        %add3A_802 = arith.addf %gather3A_728, %gather3A_732 : vector<16xf32>
        %add3A_803 = arith.addf %gather3A_756, %gather3A_760 : vector<16xf32>
        %add3A_804 = arith.addf %gather3A_784, %gather3A_788 : vector<16xf32>
        %add3A_805 = arith.addf %add3A_793, %add3A_797 : vector<16xf32>
        %add3A_806 = arith.addf %add3A_794, %add3A_798 : vector<16xf32>
        %add3A_807 = arith.addf %add3A_795, %add3A_799 : vector<16xf32>
        %add3A_808 = arith.addf %add3A_796, %add3A_800 : vector<16xf32>
        %add3A_809 = arith.addf %add3A_801, %gather3A_708 : vector<16xf32>
        %add3A_810 = arith.addf %add3A_802, %gather3A_736 : vector<16xf32>
        %add3A_811 = arith.addf %add3A_803, %gather3A_764 : vector<16xf32>
        %add3A_812 = arith.addf %add3A_804, %gather3A_792 : vector<16xf32>
        %add3A_813 = arith.addf %add3A_805, %add3A_809 : vector<16xf32>
        %mul3A_814 = arith.constant 0.142857149 : f32
        %mul3A_815 = vector.broadcast %mul3A_814 : f32 to vector<16xf32>
        %mul3A_816 = arith.mulf %add3A_813, %mul3A_815 : vector<16xf32>
        %mul3A_817 = arith.constant 16 : i32
        %mul3A_818 = arith.muli %scan3A_141, %mul3A_817 : i32
        %swap3A_819 = arith.constant 12 : i32
        %swap3A_820 = arith.index_cast %swap3A_819 : i32 to index
        %swap3A_821 = arith.index_cast %mul3A_818 : i32 to index
        %swap3A_822 = tpu.vector_load %arg11[%swap3A_820, %swap3A_821] {strides = array<i32>} : memref<16x256xf32, #tpu.memory_space<vmem>>, vector<16xf32>,
        tpu.vector_store %arg11[%swap3A_820, %swap3A_821], %mul3A_816 {strides = array<i32>} : memref<16x256xf32, #tpu.memory_space<vmem>>, vector<16xf32>,
        %add3A_823 = arith.addf %add3A_806, %add3A_810 : vector<16xf32>
        %mul3A_824 = arith.constant 0.142857149 : f32
        %mul3A_825 = vector.broadcast %mul3A_824 : f32 to vector<16xf32>
        %mul3A_826 = arith.mulf %add3A_823, %mul3A_825 : vector<16xf32>
        %mul3A_827 = arith.constant 16 : i32
        %mul3A_828 = arith.muli %scan3A_141, %mul3A_827 : i32
        %swap3A_829 = arith.constant 13 : i32
        %swap3A_830 = arith.index_cast %swap3A_829 : i32 to index
        %swap3A_831 = arith.index_cast %mul3A_828 : i32 to index
        %swap3A_832 = tpu.vector_load %arg11[%swap3A_830, %swap3A_831] {strides = array<i32>} : memref<16x256xf32, #tpu.memory_space<vmem>>, vector<16xf32>,
        tpu.vector_store %arg11[%swap3A_830, %swap3A_831], %mul3A_826 {strides = array<i32>} : memref<16x256xf32, #tpu.memory_space<vmem>>, vector<16xf32>,
        %add3A_833 = arith.addf %add3A_807, %add3A_811 : vector<16xf32>
        %mul3A_834 = arith.constant 0.142857149 : f32
        %mul3A_835 = vector.broadcast %mul3A_834 : f32 to vector<16xf32>
        %mul3A_836 = arith.mulf %add3A_833, %mul3A_835 : vector<16xf32>
        %mul3A_837 = arith.constant 16 : i32
        %mul3A_838 = arith.muli %scan3A_141, %mul3A_837 : i32
        %swap3A_839 = arith.constant 14 : i32
        %swap3A_840 = arith.index_cast %swap3A_839 : i32 to index
        %swap3A_841 = arith.index_cast %mul3A_838 : i32 to index
        %swap3A_842 = tpu.vector_load %arg11[%swap3A_840, %swap3A_841] {strides = array<i32>} : memref<16x256xf32, #tpu.memory_space<vmem>>, vector<16xf32>,
        tpu.vector_store %arg11[%swap3A_840, %swap3A_841], %mul3A_836 {strides = array<i32>} : memref<16x256xf32, #tpu.memory_space<vmem>>, vector<16xf32>,
        %add3A_843 = arith.addf %add3A_808, %add3A_812 : vector<16xf32>
        %mul3A_844 = arith.constant 0.142857149 : f32
        %mul3A_845 = vector.broadcast %mul3A_844 : f32 to vector<16xf32>
        %mul3A_846 = arith.mulf %add3A_843, %mul3A_845 : vector<16xf32>
        %mul3A_847 = arith.constant 16 : i32
        %mul3A_848 = arith.muli %scan3A_141, %mul3A_847 : i32
        %swap3A_849 = arith.constant 15 : i32
        %swap3A_850 = arith.index_cast %swap3A_849 : i32 to index
        %swap3A_851 = arith.index_cast %mul3A_848 : i32 to index
        %swap3A_852 = tpu.vector_load %arg11[%swap3A_850, %swap3A_851] {strides = array<i32>} : memref<16x256xf32, #tpu.memory_space<vmem>>, vector<16xf32>,
        tpu.vector_store %arg11[%swap3A_850, %swap3A_851], %mul3A_846 {strides = array<i32>} : memref<16x256xf32, #tpu.memory_space<vmem>>, vector<16xf32>,
      }
      %scan3A_131 = arith.constant 16 : i32
      %mul3A_132 = arith.constant 16 : i32
      %mul3A_133 = arith.muli %add3A_107, %mul3A_132 : i32
      %add3A_134 = arith.addi %mul3A_2, %mul3A_133 : i32
      %min3A_135 = arith.constant 10226 : i32
      %min3A_136 = arith.minsi %add3A_134, %min3A_135 : i32
      %dma_start3A_137 = arith.constant 0 : i32
      %dma_start3A_138 = tpu.memref_slice %arg4[%min3A_136, %dma_start3A_137] : memref<10242x256xf32, #tpu.memory_space<hbm>> -> memref<16x256xf32, #tpu.memory_space<hbm>>
      %dma_start3A_139 = arith.constant 0 : i32
      %dma_start3A_140 = tpu.memref_slice %arg4[%min3A_136, %dma_start3A_139] : memref<10242x256xf32, #tpu.memory_space<hbm>> -> memref<16x256xf32, #tpu.memory_space<hbm>>
      tpu.enqueue_dma source(%arg11 : memref<16x256xf32, #tpu.memory_space<vmem>>) target(%dma_start3A_140 : memref<16x256xf32, #tpu.memory_space<hbm>>) target_semaphore(%arg17 : memref<!tpu.dma_semaphore, #tpu.memory_space<semaphore_mem>>)
    }
    %scan3A_22 = arith.constant 7 : i32
    %dma_wait3A = arith.constant 0 : i32
    %dma_wait3A_23 = arith.constant 0 : i32
    %dma_wait3A_24 = tpu.memref_slice %arg4[%dma_wait3A, %dma_wait3A_23] : memref<10242x256xf32, #tpu.memory_space<hbm>> -> memref<16x256xf32, #tpu.memory_space<hbm>>
    %dma_wait3A_25 = arith.constant 0 : i32
    %dma_wait3A_26 = arith.constant 0 : i32
    %dma_wait3A_27 = tpu.memref_slice %arg4[%dma_wait3A_25, %dma_wait3A_26] : memref<10242x256xf32, #tpu.memory_space<hbm>> -> memref<16x256xf32, #tpu.memory_space<hbm>>
    tpu.wait_dma2 semaphore(%arg15 : memref<!tpu.dma_semaphore, #tpu.memory_space<semaphore_mem>>) src(%arg9 : memref<16x256xf32, #tpu.memory_space<vmem>>) dst(%dma_wait3A_27 : memref<16x256xf32, #tpu.memory_space<hbm>>)
    %dma_wait3A_28 = arith.constant 0 : i32
    %dma_wait3A_29 = arith.constant 0 : i32
    %dma_wait3A_30 = tpu.memref_slice %arg4[%dma_wait3A_28, %dma_wait3A_29] : memref<10242x256xf32, #tpu.memory_space<hbm>> -> memref<16x256xf32, #tpu.memory_space<hbm>>
    %dma_wait3A_31 = arith.constant 0 : i32
    %dma_wait3A_32 = arith.constant 0 : i32
    %dma_wait3A_33 = tpu.memref_slice %arg4[%dma_wait3A_31, %dma_wait3A_32] : memref<10242x256xf32, #tpu.memory_space<hbm>> -> memref<16x256xf32, #tpu.memory_space<hbm>>
    tpu.wait_dma2 semaphore(%arg16 : memref<!tpu.dma_semaphore, #tpu.memory_space<semaphore_mem>>) src(%arg10 : memref<16x256xf32, #tpu.memory_space<vmem>>) dst(%dma_wait3A_33 : memref<16x256xf32, #tpu.memory_space<hbm>>)
    %dma_wait3A_34 = arith.constant 0 : i32
    %dma_wait3A_35 = arith.constant 0 : i32
    %dma_wait3A_36 = tpu.memref_slice %arg4[%dma_wait3A_34, %dma_wait3A_35] : memref<10242x256xf32, #tpu.memory_space<hbm>> -> memref<16x256xf32, #tpu.memory_space<hbm>>
    %dma_wait3A_37 = arith.constant 0 : i32
    %dma_wait3A_38 = arith.constant 0 : i32
    %dma_wait3A_39 = tpu.memref_slice %arg4[%dma_wait3A_37, %dma_wait3A_38] : memref<10242x256xf32, #tpu.memory_space<hbm>> -> memref<16x256xf32, #tpu.memory_space<hbm>>
    tpu.wait_dma2 semaphore(%arg17 : memref<!tpu.dma_semaphore, #tpu.memory_space<semaphore_mem>>) src(%arg11 : memref<16x256xf32, #tpu.memory_space<vmem>>) dst(%dma_wait3A_39 : memref<16x256xf32, #tpu.memory_space<hbm>>)
    return
  }
}

</mosaic_0001>

<sc_bundles>
// kernel: kernel.3.cloned.1.call-start
scs
__scs_entry_jumppad:
0x0: {  	(pc) =	sbr.rel $0x88, $3  }
0x1: {  	(tag) =	ssettag $0x0;
	lr =	simm.s32 $0x1  }
0x2: {  	[smem:$0x3F9F] =	sst lr;
	_ =	strace $0xD0000000  }
0x3: {  	_ = 	snop  }
0x4: {  	_ = 	snop  }
0x5: {  	_ = 	snop  }
0x6: {  	_ = 	snop  }
0x7: {  	_ = 	snop  }
__scs_overlays_trampoline_lowered:
0x8: {  	[smem:$0x3FAE] =	sst s0  }
0x9: {  	[smem:$0x3FAF] =	sst s1  }
0xa: {  	[smem:$0x3FB0] =	sst s2  }
0xb: {  	[smem:$0x3FB1] =	sst s3  }
0xc: {  	[smem:$0x3FB2] =	sst s4  }
0xd: {  	[smem:$0x3FB3] =	sst s5  }
0xe: {  	[smem:$0x3FB4] =	sst s6  }
0xf: {  	[smem:$0x3FB5] =	sst s7  }
0x10: {  	[smem:$0x3FB6] =	sst s8  }
0x11: {  	[smem:$0x3FB7] =	sst s9;
	s0 =	simm.s32 @!p0 $0x0  }
0x12: {  	s1 =	sld [smem:$0x3F9D];
	s0 =	simm.s32 @p0 $0x1  }
0x13: {  	[smem:$0x3FB8] =	sst s0;
	s0 =	simm.s32 @!p1 $0x0  }
0x14: {  	s2 =	sld [smem:$0x3F9C];
	s0 =	simm.s32 @p1 $0x1  }
0x15: {  	[smem:$0x3FB9] =	sst s0;
	s0 =	simm.s32 @!p2 $0x0  }
0x16: {  	s3 =	sld [smem:$0x3FDB];
	s0 =	simm.s32 @p2 $0x1  }
0x17: {  	s4 =	simm.s32 $0x1BF5;
	[smem:$0x3FBB] =	sst s0  }
0x18: {  	s0 =	sld [smem:$0x3F9E];
	_ =	swait.ge [sflag:s4], $0x0  }
0x19: {  	s7 =	sld [smem:$0x3F9F]  }
0x1a: {  	s8 =	sadd.s32 $0xFFFFE003, lr  }
0x1b: {  	s9 =	sadd.s32 $0xFFFFFEF7, lr;
	s5 =	simm.s32 $0xFFFFFFFF;
	p2 =	slt.u32 s8, $0xFFFFF086  }
0x1c: {  	p1 =	slt.u32 s9, $0xF7A;
	s5 =	simm.s32 @!p2 $0x0  }
0x1d: {  	s5 =	simm.s32 @p1 $0x1;
	p0 =	seq.s32 s7, s2  }
0x1e: {  	s7 =	smul.u32 @!p0 $0xF7A, s2;
	p2 =	seq.s32 @!p0 s5, $0x0  }
0x1f: {  	s9 =	smul.u32 $0xF7A, s1;
	s8 =	simm.s32 @!p0 $0x1BF5;
	p2 =	por !p2, p0  }
0x20: {  	[sflag:s8] =	ssyncset.s32 @!p0 $0xFFFFF086;
	s6 =	sadd.s32 @!p0 s3, s7;
	s7 =	simm.s32 @!p0 $0x108  }
0x21: {  	s3 =	sadd.s32 s3, s9;
	s6 =	sadd.s32 @!p0 $0x88, s6;
	s7 =	simm.s32 @p2 $0x1082  }
0x22: {  	[simem:s7], [sflag:s8] =	dma.local @!p0 [hbm:s6], $0xF7A  }
0x23: {  	s9 =	sor.u32 $0xD0000000, s2;
	s6 =	simm.s32 $0x108;
	_ =	swait.ge @!p0 [sflag:s8], $0x0  }
0x24: {  	s3 =	sadd.s32 $0x88, s3;
	s6 =	simm.s32 @!p1 $0x1082;
	[sflag:s4] =	ssyncset.s32 $0xFFFFF086  }
0x25: {  	[simem:s6], [sflag:s4] =	dma.local [hbm:s3], $0xF7A  }
0x26: {  	[smem:$0x3F9F] =	sst s1;
	(tag) =	ssettag s2;
	_ =	strace s9  }
0x27: {  	s1 =	sld [smem:$0x3FAF]  }
0x28: {  	s2 =	sld [smem:$0x3FB0]  }
0x29: {  	s4 =	sld [smem:$0x3FB2]  }
0x2a: {  	p0 =	seq.s32 s5, $0x0;
	s5 =	sld [smem:$0x3FB3]  }
0x2b: {  	s6 =	sld [smem:$0x3FB4]  }
0x2c: {  	s7 =	sld [smem:$0x3FB5]  }
0x2d: {  	s3 =	simm.s32 $0x108;
	s8 =	sld [smem:$0x3FB6]  }
0x2e: {  	s3 =	simm.s32 @!p0 $0x1082;
	s9 =	sld [smem:$0x3FB7]  }
0x2f: {  	lr =	sadd.s32 s0, s3;
	s0 =	sld [smem:$0x3FAE]  }
0x30: {  	s3 =	sld [smem:$0x3FB1]  }
0x31: {  	[smem:$0x3FBA] =	sst s10  }
0x32: {  	s10 =	sld [smem:$0x3FB8];
	_ =	sdelay $0x3  }
0x33: {  	p0 =	seq.s32 s10, $0x1;
	s10 =	sld [smem:$0x3FBA];
	_ =	sdelay $0x3  }
0x34: {  	[smem:$0x3FBA] =	sst s10  }
0x35: {  	s10 =	sld [smem:$0x3FB9];
	_ =	sdelay $0x3  }
0x36: {  	p1 =	seq.s32 s10, $0x1;
	s10 =	sld [smem:$0x3FBA];
	_ =	sdelay $0x3  }
0x37: {  	[smem:$0x3FBA] =	sst s10  }
0x38: {  	s10 =	sld [smem:$0x3FBB]  }
0x39: {  	_ = 	snop;
	(pc) =	sbr.ind lr, $3  }
0x3a: {  	_ = 	snop  }
0x3b: {  	_ = 	snop  }
0x3c: {  	p2 =	seq.s32 s10, $0x1;
	s10 =	sld [smem:$0x3FBA]  }
0x3d: {  	_ =	shalt  }
0x3e: {  	_ =	shalt  }
0x3f: {  	_ =	shalt  }
0x40: {  	_ =	shalt  }
0x41: {  	_ =	shalt  }
0x42: {  	_ =	shalt  }
0x43: {  	_ =	shalt  }
0x44: {  	_ =	shalt  }
0x45: {  	_ =	shalt  }
0x46: {  	_ =	shalt  }
0x47: {  	_ =	shalt  }
0x48: {  	_ =	shalt  }
0x49: {  	_ =	shalt  }
0x4a: {  	_ =	shalt  }
0x4b: {  	_ =	shalt  }
0x4c: {  	_ =	shalt  }
0x4d: {  	_ =	shalt  }
0x4e: {  	_ =	shalt  }
0x4f: {  	_ =	shalt  }
0x50: {  	_ =	shalt  }
0x51: {  	_ =	shalt  }
0x52: {  	_ =	shalt  }
0x53: {  	_ =	shalt  }
0x54: {  	_ =	shalt  }
0x55: {  	_ =	shalt  }
0x56: {  	_ =	shalt  }
0x57: {  	_ =	shalt  }
0x58: {  	_ =	shalt  }
0x59: {  	_ =	shalt  }
0x5a: {  	_ =	shalt  }
0x5b: {  	_ =	shalt  }
0x5c: {  	_ =	shalt  }
0x5d: {  	_ =	shalt  }
0x5e: {  	_ =	shalt  }
0x5f: {  	_ =	shalt  }
0x60: {  	_ =	shalt  }
0x61: {  	_ =	shalt  }
0x62: {  	_ =	shalt  }
0x63: {  	_ =	shalt  }
0x64: {  	_ =	shalt  }
0x65: {  	_ =	shalt  }
0x66: {  	_ =	shalt  }
0x67: {  	_ =	shalt  }
0x68: {  	_ =	shalt  }
0x69: {  	_ =	shalt  }
0x6a: {  	_ =	shalt  }
0x6b: {  	_ =	shalt  }
0x6c: {  	_ =	shalt  }
0x6d: {  	_ =	shalt  }
0x6e: {  	_ =	shalt  }
0x6f: {  	_ =	shalt  }
0x70: {  	_ =	shalt  }
0x71: {  	_ =	shalt  }
0x72: {  	_ =	shalt  }
0x73: {  	_ =	shalt  }
0x74: {  	_ =	shalt  }
0x75: {  	_ =	shalt  }
0x76: {  	_ =	shalt  }
0x77: {  	_ =	shalt  }
0x78: {  	_ =	shalt  }
0x79: {  	_ =	shalt  }
0x7a: {  	_ =	shalt  }
0x7b: {  	_ =	shalt  }
0x7c: {  	_ =	shalt  }
0x7d: {  	_ =	shalt  }
0x7e: {  	_ =	shalt  }
0x7f: {  	_ =	shalt  }
0x80: {  	_ =	shalt  }
0x81: {  	_ =	shalt  }
0x82: {  	_ =	shalt  }
0x83: {  	_ =	shalt  }
0x84: {  	_ =	shalt  }
0x85: {  	_ =	shalt  }
0x86: {  	_ =	shalt  }
0x87: {  	_ =	shalt  }
.Lfunc_end0:
.L_simem_size_0:
called_computation_lowered:
.L_overlay_start_0:
0x88: {  	s2 =	sld [smem:$0x3FD9]  }
0x89: {  	s3 =	sld [smem:$0x3FFE];
	_ =	sdelay $0x1  }
0x8a: {  	s1 =	srdreg.scid  }
0x8b: {  	s0 =	sand.u32 $0x1, s1  }
0x8c: {  	s17 =	sshll.u32 s0, $0xA;
	s2 =	sadd.s32 s3, s2  }
0x8d: {  	s2 =	sadd.s32 s2, s17  }
0x8e: {  	[smem:$0x3FC6] =	sst s2  }
0x8f: {  	_ = 	snop  }
0x90: {  	s2 =	sld [smem:$0x3FD0];
	(tm) =	ssettm $0x1  }
0x91: {  	s18 =	sld [smem:$0x3FFB];
	_ =	sdelay $0x3  }
0x92: {  	_ =	strace s18  }
0x93: {  	s3 =	sld [smem:$0x3FFC];
	_ =	sdelay $0x3  }
0x94: {  	_ =	strace s3  }
0x95: {  	s3 =	sld [smem:$0x3FFD];
	_ =	sdelay $0x3  }
0x96: {  	_ =	strace s3  }
0x97: {  	_ =	strace $0x8FFFFFFF  }
0x98: {  	s19 =	sld [smem:$0x3FDB];
	_ =	sdelay $0x1  }
0x99: {  	s4 =	simm.s32 $_scs_section_size  }
0x9a: {  	s5 =	simm.s32 $_size__tile_overlayer_lowered;
	s6 =	simm.s32 $_tile_overlayer_lowered  }
0x9b: {  	s22 =	simm.s32 $0x1BFF;
	s21 =	sshll.u32 s6, $0x1;
	s3 =	sadd.s32 s4, s19  }
0x9c: {  	s7 =	simm.s32 $0x0;
	s20 =	sshll.u32 s5, $0x1;
	s5 =	sadd.s32 s21, s3  }
0x9d: {  	[timem:s7], [sflag:s22] =	dma.local [hbm:s5], s20  }
0x9e: {  	_ =	swait.ge [sflag:s22], s20  }
0x9f: {  	s4 =	ssub.s32 $0x0, s20;
	[sflag:s22] =	ssyncset.done $0x0  }
0xa0: {  	[sflag:s22] =	ssyncadd.s32 s4;
	_ =	sdelay $0x1  }
0xa1: {  	s23 =	simm.s32 $0x1B8B  }
0xa2: {  	_ =	swait.ge [sflag:s23], $0x1  }
0xa3: {  	[sflag:s23] =	ssyncset.done $0x0  }
0xa4: {  	s25 =	simm.s32 $0x1B8E;
	s24 =	sld [smem:$0x3FFE];
	[sflag:s23] =	ssyncadd.s32 $0xFFFFFFFF  }
0xa5: {  	s26 =	simm.s32 $execute0_lowered;
	[smem:$0x3FD2] =	sst s25  }
0xa6: {  	s5 =	sshll.u32 s26, $0x1;
	_ =	strace $0x80000046;
	[dreg:$0x1] =	wrdreg $0xFFFFFFFF  }
0xa7: {  	s28 =	simm.s32 $_size_execute0_lowered;
	s3 =	sadd.s32 s3, s5;
	[dreg:$0x0] =	wrdreg $0x0  }
0xa8: {  	s5 =	sshll.u32 s28, $0x1;
	[dreg:$0x2] =	wrdreg s3  }
0xa9: {  	[dreg:$0x3] =	wrdreg s5  }
0xaa: {  	[dreg:$0x4] =	wrdreg $0xC0  }
0xab: {  	_ =	task [dreg:s7], $0x5FFFF  }
0xac: {  	[dreg:$0x1] =	wrdreg $0xFFFFFFFF  }
0xad: {  	[dreg:$0x0] =	wrdreg $0x60  }
0xae: {  	[dreg:$0x2] =	wrdreg s24  }
0xaf: {  	[dreg:$0x3] =	wrdreg s2  }
0xb0: {  	[dreg:$0x4] =	wrdreg $0x9  }
0xb1: {  	_ =	task.clear_ibuf [dreg:s7], $0x5FFFF;
	_ =	strace $0x90000046  }
0xb2: {  	s29 =	simm.s32 $0x9;
	_ =	strace $0x80000048  }
0xb3: {  	_ =	swait.ge [sflag:s29], $0x1  }
0xb4: {  	[sflag:s29] =	ssyncadd.s32 $0xFFFFFFFF  }
0xb5: {  	_ =	strace $0x90000048  }
0xb6: {  	_ =	sfence  }
0xb7: {  	s30 =	sld [smem:$0x0];
	_ =	sdelay $0x2  }
0xb8: {  	s31 =	sshll.u32 s1, $0xD;
	s1 =	sshrl.u32 s1, $0x2  }
0xb9: {  	s3 =	sand.u32 $0x4000, s31;
	s1 =	sadd.s32 s1, s30  }
0xba: {  	s0 =	sor.u32 s3, s0;
	s1 =	sshll.u32 s1, $0x11  }
0xbb: {  	s0 =	sor.u32 s1, s0  }
0xbc: {  	s0 =	sadd.s32 $0x8F2B, s0  }
0xbd: {  	[sflag:s0] =	ssyncadd.remote.s32 $0x1  }
0xbe: {  	_ =	sfence.sel $0xFFFF  }
0xbf: {  	[dreg:$0x0] =	wrdreg $0xFFFFFFFF;
	(pc) =	sbr.abs _section_cstart, $3  }
0xc0: {  	[dreg:$0x1] =	wrdreg $0xFFFFFFFF  }
0xc1: {  	_ =	task.clear_ibuf [dreg:s7], $0x2FFFF;
	_ =	strace $0x9FFFFFFF  }
0xc2: {  	(tm) =	ssettm $0x7FFFFFFF  }
0xc3: {  	_ =	shalt  }
tec
execute0_lowered:
.L_overlay_start_1:
0x0: {  	(tag) =	ssettag $0x1  }
0x1: {  	v1 =	vimm.s32 $0x12345670  }
0x2: {  	v1 =	vunpack.c.l.s4.s8 v1;
	_ =	sdelay $0x1  }
0x3: {  	v7 =	vunpack.c.0.s8.s32 v1;
	v1 =	vimm.s32 $0x23456701  }
0x4: {  	v1 =	vunpack.c.l.s4.s8 v1  }
0x5: {  	v0 =	vlaneseq.u32;
	v6 =	vimm.s32 $0x70123456  }
0x6: {  	v0 =	vmul.u32 $0x7, v0;
	v8 =	vunpack.c.0.s8.s32 v1;
	v1 =	vunpack.c.l.s4.s8 v6;
	_ =	sdelay $0x1  }
0x7: {  	v13 =	vunpack.c.0.s8.s32 v1;
	v1 =	vadd.s32 $0x1502, v0  }
0x8: {  	[tilespmem:$0x1FC80] =	vst v1;
	v1 =	vadd.s32 $0x1503, v0  }
0x9: {  	[tilespmem:$0x1FC90] =	vst v1;
	v1 =	vadd.s32 $0x1504, v0  }
0xa: {  	[tilespmem:$0x1FCA0] =	vst v1;
	v1 =	vadd.s32 $0x1505, v0  }
0xb: {  	[tilespmem:$0x1FCB0] =	vst v1;
	v1 =	vadd.s32 $0x1506, v0  }
0xc: {  	[tilespmem:$0x1FCC0] =	vst v1;
	v1 =	vor.u32 $0x1C00, v0  }
0xd: {  	[tilespmem:$0x1FCD0] =	vst v1;
	v1 =	vadd.s32 $0x1C01, v0  }
0xe: {  	[tilespmem:$0x1FCE0] =	vst v1;
	v1 =	vadd.s32 $0x1C02, v0  }
0xf: {  	s5 =	rddreg [dreg:$0x0];
	[tilespmem:$0x1FCF0] =	vst v1;
	v1 =	vadd.s32 $0x1C03, v0  }
0x10: {  	s6 =	rddreg [dreg:$0x1];
	s2 =	simm.s32 $0x0;
	[tilespmem:$0x1FD00] =	vst v1;
	v1 =	vadd.s32 $0x1C04, v0  }
0x11: {  	s1 =	srdreg.scid;
	[smem:$0x7FF] =	sst s2;
	[tilespmem:$0x1FD10] =	vst v1;
	v1 =	vadd.s32 $0x1C05, v0  }
0x12: {  	s3 =	sand.u32 $0x1, s1;
	s1 =	rddreg [dreg:$0x2];
	v14 =	vadd.s32 $0x1, v0;
	_ =	strace $0x80000047;
	[tilespmem:$0x1FD20] =	vst v1  }
0x13: {  	v15 =	vadd.s32 $0x2, v0;
	[tilespmem:$0x1FEA0] =	vst v14  }
0x14: {  	v16 =	vadd.s32 $0x3, v0;
	[tilespmem:$0x1FEB0] =	vst v15  }
0x15: {  	v17 =	vadd.s32 $0x4, v0;
	[tilespmem:$0x1FEC0] =	vst v16  }
0x16: {  	v18 =	vadd.s32 $0x5, v0;
	[tilespmem:$0x1FED0] =	vst v17  }
0x17: {  	v26 =	vadd.s32 $0x6, v0;
	[tilespmem:$0x1FEE0] =	vst v18  }
0x18: {  	v19 =	vor.u32 $0x700, v0;
	[tilespmem:$0x1FEF0] =	vst v26  }
0x19: {  	v20 =	vadd.s32 $0x701, v0;
	[tilespmem:$0x1FF00] =	vst v19  }
0x1a: {  	v21 =	vadd.s32 $0x702, v0;
	[tilespmem:$0x1FF10] =	vst v20  }
0x1b: {  	v22 =	vadd.s32 $0x703, v0;
	[tilespmem:$0x1FF20] =	vst v21  }
0x1c: {  	v23 =	vadd.s32 $0x704, v0;
	[tilespmem:$0x1FF30] =	vst v22  }
0x1d: {  	v24 =	vadd.s32 $0x705, v0;
	[tilespmem:$0x1FF40] =	vst v23  }
0x1e: {  	v29 =	vadd.s32 $0x706, v0;
	[tilespmem:$0x1FF50] =	vst v24  }
0x1f: {  	v25 =	vor.u32 $0xE00, v0;
	[tilespmem:$0x1FF60] =	vst v29  }
0x20: {  	v27 =	vadd.s32 $0xE01, v0;
	[tilespmem:$0x1FF70] =	vst v25  }
0x21: {  	v28 =	vadd.s32 $0xE02, v0;
	[tilespmem:$0x1FF80] =	vst v27  }
0x22: {  	v30 =	vadd.s32 $0xE03, v0;
	[tilespmem:$0x1FF90] =	vst v28  }
0x23: {  	v31 =	vadd.s32 $0xE04, v0;
	[tilespmem:$0x1FFA0] =	vst v30  }
0x24: {  	v32 =	vadd.s32 $0xE05, v0;
	[tilespmem:$0x1FFB0] =	vst v31  }
0x25: {  	v34 =	vadd.s32 $0xE06, v0;
	[tilespmem:$0x1FFC0] =	vst v32  }
0x26: {  	v33 =	vor.u32 $0x1500, v0;
	[tilespmem:$0x1FFD0] =	vst v34  }
0x27: {  	v63 =	vadd.s32 $0x1501, v0;
	[tilespmem:$0x1FFE0] =	vst v33  }
0x28: {  	v1 =	vadd.s32 $0x1C06, v0;
	[tilespmem:$0x1FFF0] =	vst v63  }
0x29: {  	[tilespmem:$0x1FD30] =	vst v1;
	v1 =	vor.u32 $0x2300, v0  }
0x2a: {  	[tilespmem:$0x1FD40] =	vst v1;
	v1 =	vadd.s32 $0x2301, v0  }
0x2b: {  	[tilespmem:$0x1FD50] =	vst v1;
	v1 =	vadd.s32 $0x2302, v0  }
0x2c: {  	[tilespmem:$0x1FD60] =	vst v1;
	v1 =	vadd.s32 $0x2303, v0  }
0x2d: {  	[tilespmem:$0x1FD70] =	vst v1;
	v1 =	vadd.s32 $0x2304, v0  }
0x2e: {  	[tilespmem:$0x1FD80] =	vst v1;
	v1 =	vadd.s32 $0x2305, v0  }
0x2f: {  	[tilespmem:$0x1FD90] =	vst v1;
	v1 =	vadd.s32 $0x2306, v0  }
0x30: {  	[tilespmem:$0x1FDA0] =	vst v1;
	v1 =	vor.u32 $0x2A00, v0  }
0x31: {  	[tilespmem:$0x1FDB0] =	vst v1;
	v1 =	vadd.s32 $0x2A01, v0  }
0x32: {  	[tilespmem:$0x1FDC0] =	vst v1;
	v1 =	vadd.s32 $0x2A02, v0  }
0x33: {  	[tilespmem:$0x1FDD0] =	vst v1;
	v1 =	vadd.s32 $0x2A03, v0  }
0x34: {  	[tilespmem:$0x1FDE0] =	vst v1;
	v1 =	vadd.s32 $0x2A04, v0  }
0x35: {  	[tilespmem:$0x1FDF0] =	vst v1;
	v1 =	vadd.s32 $0x2A05, v0  }
0x36: {  	s0 =	stileid.u32;
	[tilespmem:$0x1FE00] =	vst v1;
	v1 =	vadd.s32 $0x2A06, v0  }
0x37: {  	s10 =	simm.s32 $0x70;
	s11 =	simm.s32 $0x930;
	s12 =	simm.s32 $0x7930;
	[tilespmem:$0x1FE10] =	vst v1;
	v1 =	vor.u32 $0x3100, v0  }
0x38: {  	s13 =	simm.s32 $0xE930;
	s14 =	simm.s32 $0x1;
	s15 =	simm.s32 $0x15930;
	[tilespmem:$0x1FE20] =	vst v1;
	v1 =	vadd.s32 $0x3101, v0  }
0x39: {  	v2 =	vimm.s32 $0x34567012;
	s16 =	simm.s32 $0x2;
	s17 =	simm.s32 $0x5;
	s18 =	simm.s32 $0x16930;
	[tilespmem:$0x1FE30] =	vst v1;
	v1 =	vadd.s32 $0x3102, v0  }
0x3a: {  	v3 =	vimm.s32 $0x45670123;
	v4 =	vimm.s32 $0x56701234;
	s19 =	simm.s32 $0x3;
	s20 =	simm.s32 $0x6;
	s4 =	sshll.u32 s0, $0x1;
	[tilespmem:$0x1FE40] =	vst v1;
	v1 =	vadd.s32 $0x3103, v0  }
0x3b: {  	v5 =	vimm.s32 $0x67012345;
	s21 =	simm.s32 $0x17930;
	s22 =	simm.s32 $0x4;
	s4 =	sor.u32 s3, s4;
	[tilespmem:$0x1FE50] =	vst v1;
	v1 =	vadd.s32 $0x3104, v0  }
0x3c: {  	s23 =	simm.s32 $0x0;
	v2 =	vunpack.c.l.s4.s8 v2;
	v3 =	vunpack.c.l.s4.s8 v3;
	s7 =	ssub.s32 $0x2, s3;
	s9 =	smul.u32 $0x126, s4;
	[tilespmem:$0x1FE60] =	vst v1;
	v1 =	vadd.s32 $0x3105, v0  }
0x3d: {  	v4 =	vunpack.c.l.s4.s8 v4;
	v5 =	vunpack.c.l.s4.s8 v5;
	s3 =	smul.u32 $0x150, s4;
	s8 =	sshrl.u32 s7, $0x1;
	s4 =	sadd.s32 $0x400, s5;
	[tilespmem:$0x1FE70] =	vst v1;
	v1 =	vadd.s32 $0x3106, v0  }
0x3e: {  	v9 =	vunpack.c.0.s8.s32 v2;
	s5 =	sadd.s32 $0x140600, s5;
	s8 =	ssub.s32 s7, s8;
	s6 =	sadd.s32 s6, s9;
	[tilespmem:$0x1FE80] =	vst v1;
	v1 =	vor.u32 $0x3800, v0  }
0x3f: {  	v10 =	vunpack.c.0.s8.s32 v3;
	v11 =	vunpack.c.0.s8.s32 v4;
	v12 =	vunpack.c.0.s8.s32 v5;
	s7 =	sadd.s32 $0x10, s3;
	s8 =	smax.u32 s8, $0x1;
	s9 =	simm.s32 $0x7;
	[tilespmem:$0x1FE90] =	vst v1  }
.LBB2_1:
0x40: {  	[tilespmem:s2], [sflag:$0x7] =	stream.linear.gather [hbm4b:s6+s2], $0x930, $0x38;
	[tilespmem:$0x18930] =	vst v63  }
0x41: {  	_ =	swait.ge [sflag:s9], $0x930  }
0x42: {  	[sflag:s9] =	ssyncset.done $0x0  }
0x43: {  	[sflag:s9] =	ssyncadd.s32 $0xFFFFF6D0  }
0x44: {  	[tilespmem:s11], [sflag:$0x1] =	stream.indirect.gather [hbm4b:s4+s10], $0x100, s2, s10, $0xb8;
	[tilespmem:$0x18930] =	vst v63  }
0x45: {  	s24 =	simm.s32 $0x0  }
0x46: {  	[tilespmem:s12], [sflag:$0x2] =	stream.indirect.gather [hbm4b:s4+s10], $0x100, s10, s10, $0xb8;
	[tilespmem:$0x18930] =	vst v63  }
.LBB2_2:
0x47: {  	s25 =	smul.u32 $0x3, s24;
	_ =	sdelay $0x1  }
0x48: {  	s25 =	sadd.s32 $0x2, s25  }
0x49: {  	s26 =	smul.u32 $0x1C0, s25;
	_ =	sdelay $0x1  }
0x4a: {  	s26 =	sshra.s32 s26, $0x2  }
0x4b: {  	[tilespmem:s13], [sflag:$0x3] =	stream.indirect.gather [hbm4b:s4+s10], $0x100, s26, s10, $0xb8;
	[tilespmem:$0x18930] =	vst v63  }
0x4c: {  	_ =	swait.ge [sflag:s14], $0x7000  }
0x4d: {  	p0 =	seq.s32 s24, $0x0;
	[sflag:s14] =	ssyncset.done $0x0  }
0x4e: {  	s26 =	simm.s32 @!p0 $0x4;
	[sflag:s14] =	ssyncadd.s32 $0xFFFF9000  }
0x4f: {  	_ =	swait.ge @!p0 [sflag:s26], $0x1000  }
0x50: {  	[sflag:s26] =	ssyncset.done @!p0 $0x0  }
0x51: {  	s28 =	simm.s32 $0x16130;
	[sflag:s26] =	ssyncadd.s32 @!p0 $0xFFFFF000;
	s26 =	simm.s32 $0x0  }
.LBB2_3:
0x52: {  	v29 =	vld [tilespmem:$0x1FC90]  }
0x53: {  	v53 =	vld [tilespmem:$0x1FEF0]  }
0x54: {  	v1 =	vadd.s32 s26, v0;
	v54 =	vld [tilespmem:$0x1FF60]  }
0x55: {  	v34 =	vld [tilespmem:$0x1FFD0];
	v1 =	vand.u32 $0xFF8, v1  }
0x56: {  	v35 =	vld [tilespmem:$0x1FCC0];
	v1 =	vor.u32 v7, v1  }
0x57: {  	v55 =	vld [tilespmem:$0x1FD30];
	v2 =	vadd.s32 s26, v14;
	v3 =	vadd.s32 s26, v15;
	v4 =	vadd.s32 s26, v16  }
0x58: {  	v56 =	vld [tilespmem:$0x1FDA0];
	v5 =	vadd.s32 s26, v17;
	v6 =	vadd.s32 s26, v18;
	v14 =	vadd.s32 s26, v19  }
0x59: {  	v57 =	vld [tilespmem:$0x1FE10];
	v17 =	vadd.s32 s26, v22;
	v18 =	vadd.s32 s26, v23;
	v2 =	vand.u32 $0xFF8, v2  }
0x5a: {  	v58 =	vld [tilespmem:$0x1FE80];
	v19 =	vadd.s32 s26, v24;
	v3 =	vand.u32 $0xFF8, v3;
	v2 =	vor.u32 v8, v2  }
0x5b: {  	v22 =	vadd.s32 s26, v28;
	v28 =	vld [tilespmem:$0x1FC80];
	v4 =	vand.u32 $0xFF8, v4;
	v3 =	vor.u32 v9, v3  }
0x5c: {  	v23 =	vadd.s32 s26, v30;
	v30 =	vld [tilespmem:$0x1FCA0];
	v5 =	vand.u32 $0xFF8, v5;
	v4 =	vor.u32 v10, v4  }
0x5d: {  	v24 =	vadd.s32 s26, v31;
	v31 =	vld [tilespmem:$0x1FCB0];
	v6 =	vand.u32 $0xFF8, v6;
	v5 =	vor.u32 v11, v5  }
0x5e: {  	v15 =	vadd.s32 s26, v20;
	v14 =	vand.u32 $0xFF8, v14;
	v6 =	vor.u32 v12, v6;
	v1 =	vld.idx.msk [tilespmem:v1+s11+$0x0], $0xffff  }
0x5f: {  	v16 =	vadd.s32 s26, v21;
	v15 =	vand.u32 $0xFF8, v15;
	v14 =	vor.u32 v7, v14;
	v2 =	vld.idx.msk [tilespmem:v2+s11+$0x0], $0xffff  }
0x60: {  	v16 =	vand.u32 $0xFF8, v16;
	v15 =	vor.u32 v8, v15;
	v3 =	vld.idx.msk [tilespmem:v3+s11+$0x0], $0xffff  }
0x61: {  	v17 =	vand.u32 $0xFF8, v17;
	v16 =	vor.u32 v9, v16;
	v4 =	vld.idx.msk [tilespmem:v4+s11+$0x0], $0xffff  }
0x62: {  	v18 =	vand.u32 $0xFF8, v18;
	v17 =	vor.u32 v10, v17;
	v5 =	vld.idx.msk [tilespmem:v5+s11+$0x0], $0xffff  }
0x63: {  	v20 =	vadd.s32 s26, v25;
	v19 =	vand.u32 $0xFF8, v19;
	v18 =	vor.u32 v11, v18;
	v6 =	vld.idx.msk [tilespmem:v6+s11+$0x0], $0xffff  }
0x64: {  	v21 =	vadd.s32 s26, v27;
	v20 =	vand.u32 $0x1FF8, v20;
	v19 =	vor.u32 v12, v19;
	v14 =	vld.idx.msk [tilespmem:v14+s11+$0x0], $0xffff  }
0x65: {  	v21 =	vand.u32 $0x1FF8, v21;
	v20 =	vor.u32 v7, v20;
	v15 =	vld.idx.msk [tilespmem:v15+s11+$0x0], $0xffff  }
0x66: {  	v22 =	vand.u32 $0x1FF8, v22;
	v21 =	vor.u32 v8, v21;
	v16 =	vld.idx.msk [tilespmem:v16+s11+$0x0], $0xffff  }
0x67: {  	v23 =	vand.u32 $0x1FF8, v23;
	v22 =	vor.u32 v9, v22;
	v17 =	vld.idx.msk [tilespmem:v17+s11+$0x0], $0xffff  }
0x68: {  	v25 =	vadd.s32 s26, v32;
	v24 =	vand.u32 $0x1FF8, v24;
	v23 =	vor.u32 v10, v23;
	v18 =	vld.idx.msk [tilespmem:v18+s11+$0x0], $0xffff  }
0x69: {  	v26 =	vadd.s32 s26, v33;
	v25 =	vand.u32 $0x1FF8, v25;
	v24 =	vor.u32 v11, v24;
	v19 =	vld.idx.msk [tilespmem:v19+s11+$0x0], $0xffff  }
0x6a: {  	v27 =	vadd.s32 s26, v63;
	v26 =	vand.u32 $0x1FF8, v26;
	v25 =	vor.u32 v12, v25;
	v20 =	vld.idx.msk [tilespmem:v20+s11+$0x0], $0xffff  }
0x6b: {  	v27 =	vand.u32 $0x1FF8, v27;
	v29 =	vadd.s32 s26, v29;
	v26 =	vor.u32 v7, v26;
	v21 =	vld.idx.msk [tilespmem:v21+s11+$0x0], $0xffff  }
0x6c: {  	v27 =	vor.u32 v8, v27;
	v29 =	vand.u32 $0x1FF8, v29;
	v28 =	vadd.s32 s26, v28;
	v22 =	vld.idx.msk [tilespmem:v22+s11+$0x0], $0xffff  }
0x6d: {  	v29 =	vor.u32 v10, v29;
	v30 =	vadd.s32 s26, v30;
	v28 =	vand.u32 $0x1FF8, v28;
	v23 =	vld.idx.msk [tilespmem:v23+s11+$0x0], $0xffff  }
0x6e: {  	v31 =	vadd.s32 s26, v31;
	v30 =	vand.u32 $0x1FF8, v30;
	v28 =	vor.u32 v9, v28;
	v24 =	vld.idx.msk [tilespmem:v24+s11+$0x0], $0xffff  }
0x6f: {  	v32 =	vadd.s32 s26, v53;
	v31 =	vand.u32 $0x1FF8, v31;
	v25 =	vld.idx.msk [tilespmem:v25+s11+$0x0], $0xffff;
	v30 =	vor.u32 v11, v30  }
0x70: {  	v33 =	vadd.s32 s26, v54;
	v32 =	vand.u32 $0xFF8, v32;
	v26 =	vld.idx.msk [tilespmem:v26+s11+$0x0], $0xffff;
	v31 =	vor.u32 v12, v31  }
0x71: {  	v34 =	vadd.s32 s26, v34;
	v33 =	vand.u32 $0xFF8, v33;
	v32 =	vor.u32 v13, v32;
	v27 =	vld.idx.msk [tilespmem:v27+s11+$0x0], $0xffff  }
0x72: {  	v35 =	vadd.s32 s26, v35;
	v34 =	vand.u32 $0x1FF8, v34;
	v33 =	vor.u32 v13, v33;
	v29 =	vld.idx.msk [tilespmem:v29+s11+$0x0], $0xffff  }
0x73: {  	v35 =	vand.u32 $0x1FF8, v35;
	v34 =	vor.u32 v13, v34;
	v28 =	vld.idx.msk [tilespmem:v28+s11+$0x0], $0xffff  }
0x74: {  	v35 =	vor.u32 v13, v35;
	v30 =	vld.idx.msk [tilespmem:v30+s11+$0x0], $0xffff  }
0x75: {  	v1 =	vadd.f32 v2, v1;
	v2 =	vld.idx.msk [tilespmem:v31+s11+$0x0], $0xffff  }
0x76: {  	v14 =	vadd.f32 v15, v14;
	v15 =	vadd.f32 v21, v20;
	v20 =	vld.idx.msk [tilespmem:v32+s11+$0x0], $0xffff  }
0x77: {  	v3 =	vadd.f32 v4, v3;
	v4 =	vld.idx.msk [tilespmem:v33+s11+$0x0], $0xffff  }
0x78: {  	v16 =	vadd.f32 v17, v16;
	v17 =	vadd.f32 v23, v22;
	v22 =	vld.idx.msk [tilespmem:v34+s11+$0x0], $0xffff  }
0x79: {  	v5 =	vadd.f32 v6, v5;
	v6 =	vld.idx.msk [tilespmem:v35+s11+$0x0], $0xffff  }
0x7a: {  	v18 =	vadd.f32 v19, v18;
	v19 =	vadd.f32 v25, v24;
	v24 =	vld [tilespmem:$0x1FDF0]  }
0x7b: {  	v25 =	vld [tilespmem:$0x1FE00]  }
0x7c: {  	v21 =	vadd.f32 v27, v26;
	v26 =	vld [tilespmem:$0x1FE20]  }
0x7d: {  	v27 =	vld [tilespmem:$0x1FE30]  }
0x7e: {  	v31 =	vld [tilespmem:$0x1FE70];
	v1 =	vadd.f32 v3, v1  }
0x7f: {  	v3 =	vadd.f32 v16, v14;
	v14 =	vadd.f32 v17, v15;
	v17 =	vld [tilespmem:$0x1FD70]  }
0x80: {  	v2 =	vadd.f32 v2, v30;
	v4 =	vadd.f32 v4, v18;
	v18 =	vld [tilespmem:$0x1FD80]  }
0x81: {  	v16 =	vadd.f32 v22, v19;
	v19 =	vld [tilespmem:$0x1FD90]  }
0x82: {  	v5 =	vadd.f32 v20, v5;
	v2 =	vadd.f32 v6, v2;
	v6 =	vld [tilespmem:$0x1FCE0]  }
0x83: {  	v3 =	vadd.f32 v4, v3;
	v4 =	vadd.f32 v16, v14;
	v14 =	vld [tilespmem:$0x1FCF0]  }
0x84: {  	v20 =	vld [tilespmem:$0x1FDB0]  }
0x85: {  	v23 =	vadd.f32 v29, v28;
	v22 =	vld [tilespmem:$0x1FDD0];
	v1 =	vadd.f32 v5, v1  }
0x86: {  	v24 =	vadd.s32 s26, v24;
	v25 =	vadd.s32 s26, v25;
	v26 =	vadd.s32 s26, v26;
	v28 =	vld [tilespmem:$0x1FE40]  }
0x87: {  	v27 =	vadd.s32 s26, v27;
	v29 =	vld [tilespmem:$0x1FE50];
	v1 =	vmul.f32 $1.428571490e-01, v1;
	v6 =	vadd.s32 s26, v6  }
0x88: {  	v30 =	vld [tilespmem:$0x1FE60];
	v15 =	vadd.f32 v23, v21;
	v14 =	vadd.s32 s26, v14;
	v6 =	vand.u32 $0x3FF8, v6  }
0x89: {  	v17 =	vadd.s32 s26, v17;
	[tilespmem:s28+$0xFFFFF800] =	vst v1;
	v1 =	vor.u32 v8, v6;
	v6 =	vand.u32 $0x3FF8, v14;
	v14 =	vld [tilespmem:$0x1FD00]  }
0x8a: {  	v24 =	vand.u32 $0x3FF8, v24;
	v25 =	vand.u32 $0x3FF8, v25;
	v5 =	vld [tilespmem:$0x1FCD0];
	v17 =	vand.u32 $0x2FF8, v17  }
0x8b: {  	v16 =	vld [tilespmem:$0x1FD60];
	v2 =	vadd.f32 v2, v15;
	v3 =	vmul.f32 $1.428571490e-01, v3;
	v17 =	vor.u32 v10, v17  }
0x8c: {  	v26 =	vand.u32 $0x3FF8, v26;
	v21 =	vld [tilespmem:$0x1FDC0];
	v24 =	vor.u32 v11, v24;
	v4 =	vmul.f32 $1.428571490e-01, v4  }
0x8d: {  	v27 =	vand.u32 $0x3FF8, v27;
	v23 =	vld [tilespmem:$0x1FDE0];
	v25 =	vor.u32 v12, v25;
	v2 =	vmul.f32 $1.428571490e-01, v2;
	[tilespmem:s28+$0xFFFFF900] =	vst v3  }
0x8e: {  	v26 =	vor.u32 v7, v26;
	v27 =	vor.u32 v8, v27;
	v15 =	vld [tilespmem:$0x1FD50];
	[tilespmem:s28+$0xFFFFFA00] =	vst v4;
	v14 =	vadd.s32 s26, v14  }
0x8f: {  	v18 =	vadd.s32 s26, v18;
	[tilespmem:s28+$0xFFFFFB00] =	vst v2;
	v3 =	vor.u32 v9, v6;
	v6 =	vand.u32 $0x3FF8, v14;
	v14 =	vld [tilespmem:$0x1FD10]  }
0x90: {  	v19 =	vadd.s32 s26, v19;
	v20 =	vadd.s32 s26, v20;
	v18 =	vand.u32 $0x2FF8, v18;
	v17 =	vld.idx.msk [tilespmem:v17+s11+$0x0], $0xffff  }
0x91: {  	v22 =	vadd.s32 s26, v22;
	v19 =	vand.u32 $0x2FF8, v19;
	v18 =	vor.u32 v11, v18;
	v24 =	vld.idx.msk [tilespmem:v24+s11+$0x0], $0xffff  }
0x92: {  	v28 =	vadd.s32 s26, v28;
	v20 =	vand.u32 $0x3FF8, v20;
	v19 =	vor.u32 v12, v19;
	v25 =	vld.idx.msk [tilespmem:v25+s11+$0x0], $0xffff  }
0x93: {  	v29 =	vadd.s32 s26, v29;
	v22 =	vand.u32 $0x3FF8, v22;
	v20 =	vor.u32 v7, v20;
	v26 =	vld.idx.msk [tilespmem:v26+s11+$0x0], $0xffff  }
0x94: {  	v28 =	vand.u32 $0x3FF8, v28;
	v22 =	vor.u32 v9, v22;
	v27 =	vld.idx.msk [tilespmem:v27+s11+$0x0], $0xffff;
	v14 =	vadd.s32 s26, v14  }
0x95: {  	v28 =	vor.u32 v9, v28;
	v4 =	vor.u32 v10, v6;
	v6 =	vand.u32 $0x3FF8, v14;
	v14 =	vld [tilespmem:$0x1FD20]  }
0x96: {  	v30 =	vadd.s32 s26, v30;
	v29 =	vand.u32 $0x3FF8, v29;
	v18 =	vld.idx.msk [tilespmem:v18+s11+$0x0], $0xffff  }
0x97: {  	v30 =	vand.u32 $0x3FF8, v30;
	v5 =	vadd.s32 s26, v5;
	v29 =	vor.u32 v10, v29;
	v19 =	vld.idx.msk [tilespmem:v19+s11+$0x0], $0xffff  }
0x98: {  	v30 =	vor.u32 v11, v30;
	v5 =	vand.u32 $0x3FF8, v5;
	v20 =	vld.idx.msk [tilespmem:v20+s11+$0x0], $0xffff  }
0x99: {  	v16 =	vadd.s32 s26, v16;
	v21 =	vadd.s32 s26, v21;
	v5 =	vor.u32 v7, v5;
	v22 =	vld.idx.msk [tilespmem:v22+s11+$0x0], $0xffff  }
0x9a: {  	v16 =	vand.u32 $0x2FF8, v16;
	v21 =	vand.u32 $0x3FF8, v21;
	v28 =	vld.idx.msk [tilespmem:v28+s11+$0x0], $0xffff;
	v14 =	vadd.s32 s26, v14  }
0x9b: {  	v16 =	vor.u32 v9, v16;
	v2 =	vor.u32 v11, v6;
	v6 =	vand.u32 $0x3FF8, v14;
	v14 =	vld [tilespmem:$0x1FD40]  }
0x9c: {  	v15 =	vadd.s32 s26, v15;
	v21 =	vor.u32 v8, v21;
	v29 =	vld.idx.msk [tilespmem:v29+s11+$0x0], $0xffff  }
0x9d: {  	v15 =	vand.u32 $0x2FF8, v15;
	v30 =	vld.idx.msk [tilespmem:v30+s11+$0x0], $0xffff  }
0x9e: {  	v15 =	vor.u32 v8, v15;
	v5 =	vld.idx.msk [tilespmem:v5+s11+$0x0], $0xffff  }
0x9f: {  	v1 =	vld.idx.msk [tilespmem:v1+s11+$0x0], $0xffff  }
0xa0: {  	v16 =	vld.idx.msk [tilespmem:v16+s11+$0x0], $0xffff;
	v14 =	vadd.s32 s26, v14  }
0xa1: {  	v23 =	vadd.s32 s26, v23;
	v21 =	vld.idx.msk [tilespmem:v21+s11+$0x0], $0xffff;
	v6 =	vor.u32 v12, v6;
	v14 =	vand.u32 $0x2FF8, v14  }
0xa2: {  	v31 =	vadd.s32 s26, v31;
	v23 =	vand.u32 $0x3FF8, v23;
	v3 =	vld.idx.msk [tilespmem:v3+s11+$0x0], $0xffff;
	v14 =	vor.u32 v7, v14  }
0xa3: {  	v33 =	vadd.s32 s26, v56;
	v31 =	vand.u32 $0x3FF8, v31;
	v23 =	vor.u32 v10, v23;
	v15 =	vld.idx.msk [tilespmem:v15+s11+$0x0], $0xffff  }
0xa4: {  	v35 =	vadd.s32 s26, v58;
	v33 =	vand.u32 $0x2FF8, v33;
	v31 =	vor.u32 v12, v31;
	v4 =	vld.idx.msk [tilespmem:v4+s11+$0x0], $0xffff  }
0xa5: {  	v32 =	vadd.s32 s26, v55;
	v35 =	vand.u32 $0x3FF8, v35;
	v33 =	vor.u32 v13, v33;
	v2 =	vld.idx.msk [tilespmem:v2+s11+$0x0], $0xffff  }
0xa6: {  	v32 =	vand.u32 $0x3FF8, v32;
	v35 =	vor.u32 v13, v35;
	v6 =	vld.idx.msk [tilespmem:v6+s11+$0x0], $0xffff  }
0xa7: {  	v32 =	vor.u32 v13, v32;
	v14 =	vld.idx.msk [tilespmem:v14+s11+$0x0], $0xffff  }
0xa8: {  	v34 =	vadd.s32 s26, v57;
	v23 =	vld.idx.msk [tilespmem:v23+s11+$0x0], $0xffff  }
0xa9: {  	v34 =	vand.u32 $0x3FF8, v34;
	v1 =	vadd.f32 v1, v5;
	v5 =	vld.idx.msk [tilespmem:v31+s11+$0x0], $0xffff  }
0xaa: {  	v34 =	vor.u32 v13, v34;
	v18 =	vadd.f32 v19, v18;
	v3 =	vadd.f32 v4, v3;
	v4 =	vld.idx.msk [tilespmem:v33+s11+$0x0], $0xffff  }
0xab: {  	v19 =	vadd.f32 v25, v24;
	v2 =	vadd.f32 v6, v2;
	v6 =	vld.idx.msk [tilespmem:v35+s11+$0x0], $0xffff  }
0xac: {  	v14 =	vadd.f32 v15, v14;
	v15 =	vadd.f32 v21, v20;
	v20 =	vld.idx.msk [tilespmem:v32+s11+$0x0], $0xffff  }
0xad: {  	v16 =	vadd.f32 v17, v16;
	v17 =	vadd.f32 v23, v22  }
0xae: {  	v23 =	vadd.f32 v29, v28;
	v5 =	vadd.f32 v5, v30  }
0xaf: {  	v22 =	vld.idx.msk [tilespmem:v34+s11+$0x0], $0xffff;
	v1 =	vadd.f32 v3, v1;
	v4 =	vadd.f32 v4, v18  }
0xb0: {  	v5 =	vadd.f32 v6, v5;
	v21 =	vadd.f32 v27, v26  }
0xb1: {  	v3 =	vadd.f32 v16, v14;
	v2 =	vadd.f32 v20, v2  }
0xb2: {  	v14 =	vadd.f32 v17, v15;
	v15 =	vadd.f32 v23, v21  }
0xb3: {  	v1 =	vadd.f32 v2, v1;
	v2 =	vadd.f32 v4, v3  }
0xb4: {  	v16 =	vadd.f32 v22, v19  }
0xb5: {  	v17 =	vmul.f32 $1.428571490e-01, v1;
	v1 =	vadd.f32 v5, v15;
	v18 =	vmul.f32 $1.428571490e-01, v2;
	v2 =	vld [tilespmem:$0x1FE90]  }
0xb6: {  	v3 =	vadd.f32 v16, v14  }
0xb7: {  	v20 =	vmul.f32 $1.428571490e-01, v1;
	v1 =	vadd.s32 $0x3801, v0  }
0xb8: {  	v19 =	vmul.f32 $1.428571490e-01, v3;
	[tilespmem:$0x1FAD0] =	vst v1;
	v3 =	vadd.s32 s26, v1;
	v1 =	vadd.s32 $0x3802, v0  }
0xb9: {  	v4 =	vand.u32 $0x7FF8, v3;
	[tilespmem:$0x1FAE0] =	vst v1;
	v5 =	vadd.s32 s26, v1;
	v1 =	vadd.s32 $0x3803, v0  }
0xba: {  	[tilespmem:s28+$0xFFFFFC00] =	vst v17;
	v2 =	vadd.s32 s26, v2;
	v22 =	vor.u32 v8, v4;
	v4 =	vand.u32 $0x7FF8, v5  }
0xbb: {  	[tilespmem:$0x1FAF0] =	vst v1;
	v5 =	vadd.s32 s26, v1;
	v1 =	vadd.s32 $0x3804, v0;
	v2 =	vand.u32 $0x7FF8, v2  }
0xbc: {  	[tilespmem:s28+$0xFFFFFD00] =	vst v18;
	v23 =	vor.u32 v9, v4;
	v5 =	vand.u32 $0x7FF8, v5;
	v6 =	vadd.s32 s26, v1  }
0xbd: {  	[tilespmem:$0x1FB00] =	vst v1;
	v1 =	vadd.s32 $0x3805, v0;
	v21 =	vor.u32 v7, v2;
	v24 =	vor.u32 v10, v5  }
0xbe: {  	v14 =	vand.u32 $0x7FF8, v6;
	[tilespmem:$0x1FB10] =	vst v1;
	v15 =	vadd.s32 s26, v1;
	v1 =	vadd.s32 $0x3806, v0  }
0xbf: {  	[tilespmem:s28+$0xFFFFFE00] =	vst v19;
	v25 =	vor.u32 v11, v14;
	v14 =	vand.u32 $0x7FF8, v15;
	v15 =	vadd.s32 s26, v1  }
0xc0: {  	[tilespmem:$0x1FB20] =	vst v1;
	v1 =	vor.u32 $0x3F00, v0;
	v26 =	vor.u32 v12, v14;
	v15 =	vand.u32 $0x7FF8, v15  }
0xc1: {  	[tilespmem:$0x1FB30] =	vst v1;
	v16 =	vadd.s32 s26, v1;
	v1 =	vadd.s32 $0x3F01, v0;
	v35 =	vor.u32 v13, v15  }
0xc2: {  	v27 =	vand.u32 $0x7FF8, v16;
	[tilespmem:$0x1FB40] =	vst v1;
	v28 =	vadd.s32 s26, v1;
	v1 =	vadd.s32 $0x3F02, v0  }
0xc3: {  	[tilespmem:s28+$0xFFFFFF00] =	vst v20;
	v27 =	vor.u32 v7, v27;
	v17 =	vand.u32 $0x7FF8, v28;
	v28 =	vadd.s32 s26, v1  }
0xc4: {  	v37 =	vld.idx.msk [tilespmem:v22+s11+$0x0], $0xffff;
	[tilespmem:$0x1FB50] =	vst v1;
	v1 =	vadd.s32 $0x3F03, v0;
	v29 =	vor.u32 v8, v17;
	v18 =	vand.u32 $0x7FF8, v28  }
0xc5: {  	v38 =	vld.idx.msk [tilespmem:v23+s11+$0x0], $0xffff;
	[tilespmem:$0x1FB60] =	vst v1;
	v19 =	vadd.s32 s26, v1;
	v1 =	vadd.s32 $0x3F04, v0;
	v28 =	vor.u32 v9, v18  }
0xc6: {  	v36 =	vld.idx.msk [tilespmem:v21+s11+$0x0], $0xffff;
	v20 =	vand.u32 $0x7FF8, v19;
	[tilespmem:$0x1FB70] =	vst v1;
	v30 =	vadd.s32 s26, v1;
	v1 =	vadd.s32 $0x3F05, v0  }
0xc7: {  	v39 =	vld.idx.msk [tilespmem:v24+s11+$0x0], $0xffff;
	v31 =	vor.u32 v10, v20;
	v20 =	vand.u32 $0x7FF8, v30;
	v21 =	vadd.s32 s26, v1  }
0xc8: {  	[tilespmem:$0x1FB80] =	vst v1;
	v1 =	vor.u32 $0x4600, v0;
	v30 =	vor.u32 v11, v20;
	v21 =	vand.u32 $0x7FF8, v21  }
0xc9: {  	v40 =	vld.idx.msk [tilespmem:v25+s11+$0x0], $0xffff;
	[tilespmem:$0x1FB90] =	vst v1;
	v22 =	vadd.s32 s26, v1;
	v1 =	vadd.s32 $0x4601, v0;
	v59 =	vor.u32 v12, v21  }
0xca: {  	v41 =	vld.idx.msk [tilespmem:v26+s11+$0x0], $0xffff;
	v23 =	vand.u32 $0x4FF8, v22;
	[tilespmem:$0x1FBA0] =	vst v1;
	v24 =	vadd.s32 s26, v1;
	v1 =	vadd.s32 $0x4602, v0  }
0xcb: {  	v60 =	vor.u32 v7, v23;
	v23 =	vand.u32 $0x4FF8, v24;
	v24 =	vadd.s32 s26, v1  }
0xcc: {  	[tilespmem:$0x1FBB0] =	vst v1;
	v1 =	vadd.s32 $0x4603, v0;
	v36 =	vadd.f32 v37, v36;
	v38 =	vadd.f32 v39, v38  }
0xcd: {  	v61 =	vor.u32 v8, v23;
	v24 =	vand.u32 $0x4FF8, v24;
	v25 =	vadd.s32 s26, v1  }
0xce: {  	v35 =	vld.idx.msk [tilespmem:v35+s11+$0x0], $0xffff;
	[tilespmem:$0x1FBC0] =	vst v1;
	v1 =	vadd.s32 $0x4604, v0;
	v43 =	vor.u32 v9, v24;
	v26 =	vand.u32 $0x4FF8, v25  }
0xcf: {  	v42 =	vld.idx.msk [tilespmem:v27+s11+$0x0], $0xffff;
	[tilespmem:$0x1FBD0] =	vst v1;
	v27 =	vadd.s32 s26, v1;
	v1 =	vadd.s32 $0x4605, v0;
	v40 =	vadd.f32 v41, v40  }
0xd0: {  	v44 =	vld.idx.msk [tilespmem:v29+s11+$0x0], $0xffff;
	v36 =	vadd.f32 v38, v36;
	v38 =	vadd.s32 $0x5403, v0;
	v46 =	vor.u32 v10, v26  }
0xd1: {  	v45 =	vld.idx.msk [tilespmem:v28+s11+$0x0], $0xffff;
	v26 =	vand.u32 $0x4FF8, v27;
	[tilespmem:$0x1FBE0] =	vst v1;
	v27 =	vadd.s32 s26, v1;
	v1 =	vor.u32 $0x4D00, v0  }
0xd2: {  	v47 =	vld.idx.msk [tilespmem:v31+s11+$0x0], $0xffff;
	v48 =	vor.u32 v11, v26;
	v27 =	vand.u32 $0x4FF8, v27;
	v28 =	vadd.s32 s26, v1  }
0xd3: {  	v49 =	vld.idx.msk [tilespmem:v30+s11+$0x0], $0xffff;
	[tilespmem:$0x1FBF0] =	vst v1;
	v1 =	vadd.s32 $0x4D01, v0;
	v35 =	vadd.f32 v35, v40;
	v50 =	vor.u32 v12, v27  }
0xd4: {  	v51 =	vld.idx.msk [tilespmem:v59+s11+$0x0], $0xffff;
	v29 =	vand.u32 $0x5FF8, v28;
	[tilespmem:$0x1FC00] =	vst v1;
	v30 =	vadd.s32 s26, v1;
	v1 =	vadd.s32 $0x4D02, v0  }
0xd5: {  	v52 =	vld.idx.msk [tilespmem:v60+s11+$0x0], $0xffff;
	v53 =	vor.u32 v7, v29;
	v29 =	vand.u32 $0x5FF8, v30;
	v30 =	vadd.s32 s26, v1  }
0xd6: {  	[tilespmem:$0x1FC10] =	vst v1;
	v54 =	vld.idx.msk [tilespmem:v61+s11+$0x0], $0xffff;
	v1 =	vadd.s32 $0x4D03, v0;
	v34 =	vor.u32 v8, v29;
	v30 =	vand.u32 $0x5FF8, v30  }
0xd7: {  	v43 =	vld.idx.msk [tilespmem:v43+s11+$0x0], $0xffff;
	[tilespmem:$0x1FC20] =	vst v1;
	v31 =	vadd.s32 s26, v1;
	v1 =	vadd.s32 $0x4D04, v0;
	v55 =	vor.u32 v9, v30  }
0xd8: {  	v46 =	vld.idx.msk [tilespmem:v46+s11+$0x0], $0xffff;
	v62 =	vand.u32 $0x5FF8, v31;
	[tilespmem:$0x1FC30] =	vst v1;
	v63 =	vadd.s32 s26, v1;
	v1 =	vadd.s32 $0x4D05, v0  }
0xd9: {  	v48 =	vld.idx.msk [tilespmem:v48+s11+$0x0], $0xffff;
	v56 =	vor.u32 v10, v62;
	v33 =	vand.u32 $0x5FF8, v63;
	v57 =	vadd.s32 s26, v1  }
0xda: {  	[tilespmem:$0x1FC40] =	vst v1;
	v1 =	vadd.s32 $0x3F06, v0;
	v50 =	vld.idx.msk [tilespmem:v50+s11+$0x0], $0xffff;
	v58 =	vor.u32 v11, v33;
	v57 =	vand.u32 $0x5FF8, v57  }
0xdb: {  	[tilespmem:$0x1FC50] =	vst v1;
	v59 =	vadd.s32 s26, v1;
	v1 =	vadd.s32 $0x4606, v0;
	v53 =	vld.idx.msk [tilespmem:v53+s11+$0x0], $0xffff;
	v57 =	vor.u32 v12, v57  }
0xdc: {  	v59 =	vand.u32 $0x7FF8, v59;
	[tilespmem:$0x1FC60] =	vst v1;
	v60 =	vadd.s32 s26, v1;
	v1 =	vadd.s32 $0x4D06, v0;
	v61 =	vld.idx.msk [tilespmem:v34+s11+$0x0], $0xffff  }
0xdd: {  	v59 =	vor.u32 v13, v59;
	v60 =	vand.u32 $0x4FF8, v60;
	v62 =	vadd.s32 s26, v1;
	v55 =	vld.idx.msk [tilespmem:v55+s11+$0x0], $0xffff  }
0xde: {  	v41 =	vor.u32 $0x5B00, v0;
	v60 =	vor.u32 v13, v60;
	v62 =	vand.u32 $0x5FF8, v62;
	v56 =	vld.idx.msk [tilespmem:v56+s11+$0x0], $0xffff  }
0xdf: {  	v42 =	vadd.f32 v44, v42;
	v35 =	vadd.f32 v35, v36;
	v62 =	vor.u32 v13, v62  }
0xe0: {  	v44 =	vadd.s32 $0x5B03, v0;
	v45 =	vadd.f32 v47, v45;
	v49 =	vadd.f32 v51, v49;
	v58 =	vld.idx.msk [tilespmem:v58+s11+$0x0], $0xffff  }
0xe1: {  	v36 =	vadd.s32 $0x5401, v0;
	v43 =	vadd.f32 v46, v43;
	v37 =	vld.idx.msk [tilespmem:v57+s11+$0x0], $0xffff;
	v57 =	vadd.f32 v54, v52  }
0xe2: {  	v48 =	vadd.f32 v50, v48;
	v50 =	vadd.s32 s26, v36;
	v61 =	vadd.f32 v61, v53;
	v63 =	vld.idx.msk [tilespmem:v59+s11+$0x0], $0xffff  }
0xe3: {  	v51 =	vand.u32 $0x5FF8, v50;
	v53 =	vld.idx.msk [tilespmem:v60+s11+$0x0], $0xffff;
	v57 =	vadd.f32 v43, v57;
	v54 =	vadd.f32 v56, v55  }
0xe4: {  	v55 =	vld.idx.msk [tilespmem:v62+s11+$0x0], $0xffff;
	v56 =	vadd.f32 v45, v42;
	v62 =	vmul.f32 $1.428571490e-01, v35;
	v35 =	vor.u32 $0x5400, v0  }
0xe5: {  	v42 =	vadd.s32 $0x5B01, v0;
	v45 =	vadd.s32 $0x5B04, v0;
	v32 =	vadd.s32 s26, v35  }
0xe6: {  	v37 =	vadd.f32 v37, v58;
	v58 =	vadd.f32 v54, v61;
	v33 =	vand.u32 $0x5FF8, v32  }
0xe7: {  	v54 =	vadd.s32 s26, v38;
	v39 =	vadd.f32 v63, v49;
	v34 =	vor.u32 v7, v33  }
0xe8: {  	v49 =	vor.u32 v8, v51;
	v40 =	vand.u32 $0x5FF8, v54;
	v33 =	vadd.s32 s26, v45  }
0xe9: {  	v59 =	vadd.f32 v53, v48;
	v51 =	vor.u32 v10, v40;
	v40 =	vadd.s32 $0x5405, v0  }
0xea: {  	v37 =	vadd.f32 v55, v37;
	v60 =	vadd.f32 v39, v56;
	v39 =	vadd.s32 $0x5404, v0  }
0xeb: {  	v48 =	vadd.s32 $0x6201, v0;
	v61 =	vadd.f32 v59, v57;
	v55 =	vadd.s32 s26, v39  }
0xec: {  	v57 =	vadd.s32 s26, v40;
	v59 =	vadd.s32 s26, v41;
	v37 =	vadd.f32 v37, v58  }
0xed: {  	v63 =	vmul.f32 $1.428571490e-01, v60;
	v56 =	vand.u32 $0x5FF8, v55;
	v58 =	vand.u32 $0x5FF8, v57  }
0xee: {  	v43 =	vand.u32 $0x7FF8, v59;
	v60 =	vadd.s32 s26, v42;
	v46 =	vmul.f32 $1.428571490e-01, v61  }
0xef: {  	[tilespmem:s28+$0x0] =	vst v62;
	v54 =	vor.u32 v7, v43;
	v43 =	vadd.s32 $0x5B02, v0;
	v55 =	vand.u32 $0x7FF8, v60  }
0xf0: {  	v47 =	vmul.f32 $1.428571490e-01, v37;
	v37 =	vadd.s32 $0x5402, v0;
	v61 =	vadd.s32 s26, v43;
	[tilespmem:s28+$0x100] =	vst v63  }
0xf1: {  	v55 =	vor.u32 v8, v55;
	v63 =	vadd.s32 s26, v44;
	v52 =	vadd.s32 s26, v37;
	[tilespmem:s28+$0x200] =	vst v46  }
0xf2: {  	v62 =	vand.u32 $0x7FF8, v61;
	v32 =	vand.u32 $0x7FF8, v63;
	v46 =	vadd.s32 $0x5B05, v0;
	[tilespmem:s28+$0x300] =	vst v47  }
0xf3: {  	v53 =	vand.u32 $0x5FF8, v52;
	v52 =	vor.u32 v11, v56;
	v57 =	vor.u32 v9, v62;
	v63 =	vld.idx.msk [tilespmem:v34+s11+$0x0], $0xffff  }
0xf4: {  	[tilespmem:$0x1FC70] =	vst v1;
	v56 =	vor.u32 v10, v32;
	v60 =	vadd.s32 s26, v46;
	v47 =	vor.u32 $0x6200, v0;
	v1 =	vld.idx.msk [tilespmem:v49+s11+$0x0], $0xffff  }
0xf5: {  	v32 =	vadd.s32 s26, v48;
	v50 =	vor.u32 v9, v53;
	v53 =	vor.u32 v12, v58;
	v3 =	vld.idx.msk [tilespmem:v51+s11+$0x0], $0xffff  }
0xf6: {  	v34 =	vand.u32 $0x7FF8, v33;
	v61 =	vand.u32 $0x7FF8, v60;
	v62 =	vadd.s32 s26, v47;
	v6 =	vld.idx.msk [tilespmem:v54+s11+$0x0], $0xffff  }
0xf7: {  	v33 =	vand.u32 $0x6FF8, v32;
	v51 =	vadd.s32 $0x6204, v0;
	v49 =	vand.u32 $0x6FF8, v62;
	v14 =	vld.idx.msk [tilespmem:v55+s11+$0x0], $0xffff  }
0xf8: {  	v59 =	vor.u32 v11, v34;
	v60 =	vor.u32 v7, v49;
	v49 =	vadd.s32 $0x6202, v0;
	v4 =	vld.idx.msk [tilespmem:v52+s11+$0x0], $0xffff  }
0xf9: {  	v58 =	vor.u32 v12, v61;
	v61 =	vor.u32 v8, v33;
	v34 =	vadd.s32 s26, v49;
	v16 =	vld.idx.msk [tilespmem:v57+s11+$0x0], $0xffff  }
0xfa: {  	v33 =	vadd.s32 s26, v51;
	v54 =	vadd.s32 $0x6901, v0;
	v62 =	vand.u32 $0x6FF8, v34;
	v17 =	vld.idx.msk [tilespmem:v56+s11+$0x0], $0xffff  }
0xfb: {  	v34 =	vand.u32 $0x6FF8, v33;
	v56 =	vadd.s32 $0x6903, v0;
	v2 =	vld.idx.msk [tilespmem:v50+s11+$0x0], $0xffff;
	v50 =	vadd.s32 $0x6203, v0  }
0xfc: {  	v5 =	vld.idx.msk [tilespmem:v53+s11+$0x0], $0xffff;
	v62 =	vor.u32 v9, v62;
	v53 =	vor.u32 $0x6900, v0;
	v18 =	vor.u32 v11, v34  }
0xfd: {  	v34 =	vadd.s32 s26, v54;
	v1 =	vadd.f32 v1, v63;
	v32 =	vadd.s32 s26, v50;
	v19 =	vld.idx.msk [tilespmem:v59+s11+$0x0], $0xffff  }
0xfe: {  	v33 =	vadd.s32 s26, v53;
	v21 =	vld.idx.msk [tilespmem:v58+s11+$0x0], $0xffff;
	v59 =	vadd.s32 $0x5406, v0;
	v52 =	vand.u32 $0x6FF8, v32  }
0xff: {  	v55 =	vand.u32 $0x7FF8, v33;
	v23 =	vld.idx.msk [tilespmem:v60+s11+$0x0], $0xffff;
	v60 =	vand.u32 $0x7FF8, v34;
	v34 =	vadd.s32 s26, v56  }
0x100: {  	v63 =	vld [tilespmem:$0x1FFF0];
	v15 =	vor.u32 v10, v52;
	v52 =	vadd.s32 $0x6205, v0;
	v22 =	vor.u32 v7, v55  }
0x101: {  	v24 =	vld.idx.msk [tilespmem:v61+s11+$0x0], $0xffff;
	v61 =	vor.u32 v8, v60;
	v58 =	vand.u32 $0x7FF8, v34;
	v34 =	vadd.s32 s26, v59  }
0x102: {  	v60 =	vadd.s32 $0x5B06, v0;
	v57 =	vadd.s32 s26, v52;
	v26 =	vor.u32 v10, v58;
	v25 =	vld.idx.msk [tilespmem:v62+s11+$0x0], $0xffff  }
0x103: {  	v29 =	vand.u32 $0x5FF8, v34;
	v31 =	vadd.s32 s26, v60;
	v32 =	vand.u32 $0x6FF8, v57;
	v18 =	vld.idx.msk [tilespmem:v18+s11+$0x0], $0xffff  }
0x104: {  	v29 =	vor.u32 v13, v29;
	v4 =	vadd.f32 v5, v4;
	v5 =	vadd.f32 v21, v19;
	v21 =	vld [tilespmem:$0x1FF20]  }
0x105: {  	v58 =	vadd.s32 $0x6905, v0;
	v31 =	vand.u32 $0x7FF8, v31;
	v20 =	vor.u32 v12, v32;
	v15 =	vld.idx.msk [tilespmem:v15+s11+$0x0], $0xffff  }
0x106: {  	v55 =	vadd.s32 $0x6902, v0;
	v27 =	vadd.s32 s26, v58;
	v31 =	vor.u32 v13, v31;
	v22 =	vld.idx.msk [tilespmem:v22+s11+$0x0], $0xffff  }
0x107: {  	v32 =	vadd.s32 s26, v55;
	v27 =	vand.u32 $0x7FF8, v27;
	v30 =	vld.idx.msk [tilespmem:v61+s11+$0x0], $0xffff  }
0x108: {  	v57 =	vadd.s32 $0x6904, v0;
	v33 =	vand.u32 $0x7FF8, v32;
	v27 =	vor.u32 v12, v27;
	v26 =	vld.idx.msk [tilespmem:v26+s11+$0x0], $0xffff  }
0x109: {  	v2 =	vadd.f32 v3, v2;
	v3 =	vadd.f32 v17, v16;
	v62 =	vor.u32 v9, v33;
	v16 =	vld.idx.msk [tilespmem:v29+s11+$0x0], $0xffff  }
0x10a: {  	v32 =	vadd.s32 s26, v57;
	v20 =	vld.idx.msk [tilespmem:v20+s11+$0x0], $0xffff  }
0x10b: {  	v23 =	vadd.f32 v24, v23;
	v33 =	vand.u32 $0x7FF8, v32;
	v24 =	vld.idx.msk [tilespmem:v31+s11+$0x0], $0xffff  }
0x10c: {  	v61 =	vadd.s32 $0x6206, v0;
	v28 =	vor.u32 v11, v33;
	v31 =	vld [tilespmem:$0x1FFB0]  }
0x10d: {  	v6 =	vadd.f32 v14, v6;
	v33 =	vadd.s32 s26, v61;
	v14 =	vld.idx.msk [tilespmem:v27+s11+$0x0], $0xffff  }
0x10e: {  	v33 =	vand.u32 $0x6FF8, v33;
	v32 =	vld.idx.msk [tilespmem:v62+s11+$0x0], $0xffff;
	v62 =	vadd.s32 $0x6906, v0  }
0x10f: {  	v33 =	vor.u32 v13, v33;
	v22 =	vadd.f32 v30, v22;
	v30 =	vld [tilespmem:$0x1FFA0];
	v34 =	vadd.s32 s26, v62  }
0x110: {  	v15 =	vadd.f32 v15, v25;
	v25 =	vld [tilespmem:$0x1FF70];
	v34 =	vand.u32 $0x7FF8, v34  }
0x111: {  	v1 =	vadd.f32 v2, v1;
	v28 =	vld.idx.msk [tilespmem:v28+s11+$0x0], $0xffff;
	v27 =	vor.u32 v13, v34  }
0x112: {  	v2 =	vadd.f32 v3, v6;
	v3 =	vadd.f32 v15, v23;
	v23 =	vld [tilespmem:$0x1FF40]  }
0x113: {  	v4 =	vadd.f32 v16, v4;
	v16 =	vld [tilespmem:$0x1FEC0]  }
0x114: {  	v19 =	vld.idx.msk [tilespmem:v33+s11+$0x0], $0xffff  }
0x115: {  	v33 =	vld [tilespmem:$0x1FFE0]  }
0x116: {  	v18 =	vadd.f32 v20, v18;
	v20 =	vld.idx.msk [tilespmem:v27+s11+$0x0], $0xffff  }
0x117: {  	v5 =	vadd.f32 v24, v5;
	v24 =	vld [tilespmem:$0x1FF50]  }
0x118: {  	v17 =	vadd.f32 v26, v32;
	v32 =	vld [tilespmem:$0x1FFC0]  }
0x119: {  	v1 =	vadd.f32 v4, v1;
	v14 =	vadd.f32 v14, v28;
	v28 =	vld [tilespmem:$0x1FF90]  }
0x11a: {  	v6 =	vadd.f32 v17, v22;
	v22 =	vld [tilespmem:$0x1FF30];
	v15 =	vadd.f32 v19, v18  }
0x11b: {  	v2 =	vadd.f32 v5, v2;
	v17 =	vld [tilespmem:$0x1FED0];
	v4 =	vadd.f32 v20, v14  }
0x11c: {  	p1 =	sne.s32 s26, $0x690;
	v1 =	vmul.f32 $1.428571490e-01, v1;
	v27 =	vld [tilespmem:$0x1FF80];
	v3 =	vadd.f32 v15, v3  }
.Ltmp0:
0x11d: {  	v2 =	vmul.f32 $1.428571490e-01, v2;
	v19 =	vld [tilespmem:$0x1FF00];
	v4 =	vadd.f32 v4, v6;
	(pc) =	sbr.rel @p1 .LBB2_3-.Ltmp0, $4  }
0x11e: {  	v18 =	vld [tilespmem:$0x1FEE0];
	[tilespmem:s28+$0x400] =	vst v1;
	v1 =	vmul.f32 $1.428571490e-01, v3  }
0x11f: {  	[tilespmem:s28+$0x500] =	vst v2;
	v15 =	vld [tilespmem:$0x1FEB0];
	v2 =	vmul.f32 $1.428571490e-01, v4  }
0x120: {  	v20 =	vld [tilespmem:$0x1FF10];
	[tilespmem:s28+$0x600] =	vst v1  }
0x121: {  	s26 =	sadd.s32 $0x70, s26;
	v14 =	vld [tilespmem:$0x1FEA0];
	[tilespmem:s28+$0x700] =	vst v2;
	s28 =	sadd.s32 $0x10, s28  }
0x122: {  	s26 =	smul.u32 $0x30, s24;
	_ =	sdelay $0x1  }
0x123: {  	s28 =	sadd.s32 s3, s26  }
0x124: {  	p1 =	slt.s32 s28, $0x27F2  }
0x125: {  	s28 =	simm.s32 @!p1 $0x27F2;
	p1 =	sne.s32 s24, $0x6  }
.Ltmp1:
0x126: {  	_ = 	snop;
	(pc) =	sbr.rel @p1 .LBB2_6-.Ltmp1, $4  }
0x127: {  	_ = 	snop  }
0x128: {  	s28 =	sshll.u32 s28, $0x5  }
0x129: {  	[tilespmem:$0x1FAC0] =	vst v35;
	s28 =	sadd.s32 s5, s28  }
0x12a: {  	[hbm4b:s28+s2] =	stream.linear.scatter [tilespmem:s15], [sflag:$0x4], $0x1000, $0x38;
	[tilespmem:$0x18930] =	vst v63  }
.Ltmp2:
0x12b: {  	(pc) =	sbr.rel .LBB2_7-.Ltmp2, $4  }
0x12c: {  	_ = 	snop  }
0x12d: {  	_ =	swait.ge [sflag:s16], $0x7000  }
0x12e: {  	[sflag:s16] =	ssyncset.done $0x0  }
0x12f: {  	v35 =	vmov v36;
	[sflag:s16] =	ssyncadd.s32 $0xFFFF9000  }
.LBB2_6:
0x130: {  	s28 =	smul.u32 $0x540, s24;
	_ =	sdelay $0x1  }
0x131: {  	s28 =	sshra.s32 s28, $0x2  }
.Ltmp3:
0x132: {  	s28 =	sadd.s32 $0x150, s28;
	(pc) =	sbr.rel @p0 .LBB2_8-.Ltmp3, $4  }
0x133: {  	[tilespmem:s11], [sflag:$0x1] =	stream.indirect.gather [hbm4b:s4+s10], $0x100, s28, s10, $0xb8;
	[tilespmem:$0x18930] =	vst v63  }
0x134: {  	_ =	swait.ge [sflag:s16], $0x7000  }
0x135: {  	[sflag:s16] =	ssyncset.done $0x0  }
0x136: {  	v35 =	vmov v36;
	[sflag:s16] =	ssyncadd.s32 $0xFFFF9000  }
.LBB2_7:
0x137: {  	_ =	swait.ge [sflag:s17], $0x1000  }
0x138: {  	[sflag:s17] =	ssyncset.done $0x0  }
0x139: {  	[sflag:s17] =	ssyncadd.s32 $0xFFFFF000  }
.LBB2_8:
0x13a: {  	v1 =	vld [tilespmem:$0x1FC80];
	_ =	sdelay $0x2  }
0x13b: {  	v36 =	vmov v37  }
0x13c: {  	v37 =	vmovc v38;
	v38 =	vmovc v39;
	v39 =	vmov v40;
	v40 =	vmov v41;
	v41 =	vmov v42  }
0x13d: {  	s28 =	simm.s32 $0x0;
	s29 =	simm.s32 $0x17130;
	v42 =	vmovc v43;
	v43 =	vmovc v44;
	v44 =	vmov v45;
	v45 =	vmov v46;
	v46 =	vmov v1  }
.LBB2_9:
0x13e: {  	_ =	sdelay $0x1  }
0x13f: {  	v1 =	vadd.s32 s28, v0  }
0x140: {  	v1 =	vand.u32 $0xFF8, v1  }
0x141: {  	v1 =	vor.u32 v7, v1;
	v2 =	vadd.s32 s28, v14  }
0x142: {  	v3 =	vadd.s32 s28, v15;
	v4 =	vadd.s32 s28, v16;
	v5 =	vadd.s32 s28, v17  }
0x143: {  	v6 =	vadd.s32 s28, v18;
	v14 =	vadd.s32 s28, v19;
	v15 =	vadd.s32 s28, v20  }
0x144: {  	v29 =	vld [tilespmem:$0x1FC90];
	v16 =	vadd.s32 s28, v21;
	v18 =	vadd.s32 s28, v23;
	v19 =	vadd.s32 s28, v24  }
0x145: {  	v21 =	vadd.s32 s28, v27;
	v27 =	vadd.s32 s28, v63;
	v63 =	vld [tilespmem:$0x1FEF0];
	v2 =	vand.u32 $0xFF8, v2  }
0x146: {  	v34 =	vld [tilespmem:$0x1FFD0];
	v20 =	vadd.s32 s28, v25;
	v3 =	vand.u32 $0xFF8, v3;
	v2 =	vor.u32 v8, v2  }
0x147: {  	v23 =	vadd.s32 s28, v30;
	v30 =	vld [tilespmem:$0x1FCA0];
	v4 =	vand.u32 $0xFF8, v4;
	v3 =	vor.u32 v9, v3  }
0x148: {  	v24 =	vadd.s32 s28, v31;
	v31 =	vld [tilespmem:$0x1FCB0];
	v5 =	vand.u32 $0xFF8, v5;
	v4 =	vor.u32 v10, v4  }
0x149: {  	v25 =	vadd.s32 s28, v32;
	v6 =	vand.u32 $0xFF8, v6;
	v5 =	vor.u32 v11, v5;
	v1 =	vld.idx.msk [tilespmem:v1+s12+$0x0], $0xffff  }
0x14a: {  	v14 =	vand.u32 $0xFF8, v14;
	v6 =	vor.u32 v12, v6;
	v32 =	vadd.s32 s28, v63;
	v63 =	vld [tilespmem:$0x1FF60]  }
0x14b: {  	v15 =	vand.u32 $0xFF8, v15;
	v14 =	vor.u32 v7, v14;
	v2 =	vld.idx.msk [tilespmem:v2+s12+$0x0], $0xffff  }
0x14c: {  	v17 =	vadd.s32 s28, v22;
	v16 =	vand.u32 $0xFF8, v16;
	v15 =	vor.u32 v8, v15;
	v3 =	vld.idx.msk [tilespmem:v3+s12+$0x0], $0xffff  }
0x14d: {  	v17 =	vand.u32 $0xFF8, v17;
	v16 =	vor.u32 v9, v16;
	v4 =	vld.idx.msk [tilespmem:v4+s12+$0x0], $0xffff  }
0x14e: {  	v18 =	vand.u32 $0xFF8, v18;
	v17 =	vor.u32 v10, v17;
	v5 =	vld.idx.msk [tilespmem:v5+s12+$0x0], $0xffff  }
0x14f: {  	v19 =	vand.u32 $0xFF8, v19;
	v18 =	vor.u32 v11, v18;
	v6 =	vld.idx.msk [tilespmem:v6+s12+$0x0], $0xffff  }
0x150: {  	v20 =	vand.u32 $0x1FF8, v20;
	v19 =	vor.u32 v12, v19;
	v14 =	vld.idx.msk [tilespmem:v14+s12+$0x0], $0xffff  }
0x151: {  	v22 =	vadd.s32 s28, v28;
	v21 =	vand.u32 $0x1FF8, v21;
	v20 =	vor.u32 v7, v20;
	v15 =	vld.idx.msk [tilespmem:v15+s12+$0x0], $0xffff  }
0x152: {  	v22 =	vand.u32 $0x1FF8, v22;
	v21 =	vor.u32 v8, v21;
	v16 =	vld.idx.msk [tilespmem:v16+s12+$0x0], $0xffff  }
0x153: {  	v23 =	vand.u32 $0x1FF8, v23;
	v22 =	vor.u32 v9, v22;
	v17 =	vld.idx.msk [tilespmem:v17+s12+$0x0], $0xffff  }
0x154: {  	v24 =	vand.u32 $0x1FF8, v24;
	v23 =	vor.u32 v10, v23;
	v18 =	vld.idx.msk [tilespmem:v18+s12+$0x0], $0xffff  }
0x155: {  	v26 =	vadd.s32 s28, v33;
	v25 =	vand.u32 $0x1FF8, v25;
	v24 =	vor.u32 v11, v24;
	v19 =	vld.idx.msk [tilespmem:v19+s12+$0x0], $0xffff  }
0x156: {  	v26 =	vand.u32 $0x1FF8, v26;
	v25 =	vor.u32 v12, v25;
	v20 =	vld.idx.msk [tilespmem:v20+s12+$0x0], $0xffff  }
0x157: {  	v28 =	vadd.s32 s28, v46;
	v27 =	vand.u32 $0x1FF8, v27;
	v26 =	vor.u32 v7, v26;
	v21 =	vld.idx.msk [tilespmem:v21+s12+$0x0], $0xffff  }
0x158: {  	v28 =	vand.u32 $0x1FF8, v28;
	v29 =	vadd.s32 s28, v29;
	v27 =	vor.u32 v8, v27;
	v22 =	vld.idx.msk [tilespmem:v22+s12+$0x0], $0xffff  }
0x159: {  	v28 =	vor.u32 v9, v28;
	v29 =	vand.u32 $0x1FF8, v29;
	v23 =	vld.idx.msk [tilespmem:v23+s12+$0x0], $0xffff  }
0x15a: {  	v29 =	vor.u32 v10, v29;
	v30 =	vadd.s32 s28, v30;
	v24 =	vld.idx.msk [tilespmem:v24+s12+$0x0], $0xffff  }
0x15b: {  	v31 =	vadd.s32 s28, v31;
	v30 =	vand.u32 $0x1FF8, v30;
	v25 =	vld.idx.msk [tilespmem:v25+s12+$0x0], $0xffff  }
0x15c: {  	v31 =	vand.u32 $0x1FF8, v31;
	v30 =	vor.u32 v11, v30;
	v26 =	vld.idx.msk [tilespmem:v26+s12+$0x0], $0xffff  }
0x15d: {  	v34 =	vadd.s32 s28, v34;
	v32 =	vand.u32 $0xFF8, v32;
	v31 =	vor.u32 v12, v31;
	v27 =	vld.idx.msk [tilespmem:v27+s12+$0x0], $0xffff  }
0x15e: {  	v34 =	vand.u32 $0x1FF8, v34;
	v32 =	vor.u32 v13, v32;
	v28 =	vld.idx.msk [tilespmem:v28+s12+$0x0], $0xffff  }
0x15f: {  	v34 =	vor.u32 v13, v34;
	v29 =	vld.idx.msk [tilespmem:v29+s12+$0x0], $0xffff  }
0x160: {  	v33 =	vadd.s32 s28, v63;
	v63 =	vld [tilespmem:$0x1FCC0]  }
0x161: {  	v30 =	vld.idx.msk [tilespmem:v30+s12+$0x0], $0xffff  }
0x162: {  	v1 =	vadd.f32 v2, v1;
	v2 =	vld.idx.msk [tilespmem:v31+s12+$0x0], $0xffff  }
0x163: {  	v14 =	vadd.f32 v15, v14;
	v15 =	vadd.f32 v21, v20;
	v20 =	vld.idx.msk [tilespmem:v32+s12+$0x0], $0xffff  }
0x164: {  	v16 =	vadd.f32 v17, v16;
	v17 =	vadd.f32 v23, v22;
	v22 =	vld.idx.msk [tilespmem:v34+s12+$0x0], $0xffff  }
0x165: {  	v18 =	vadd.f32 v19, v18;
	v19 =	vadd.f32 v25, v24;
	v24 =	vld [tilespmem:$0x1FDF0]  }
0x166: {  	v25 =	vld [tilespmem:$0x1FE00]  }
0x167: {  	v33 =	vand.u32 $0xFF8, v33;
	v21 =	vadd.f32 v27, v26;
	v26 =	vld [tilespmem:$0x1FE20]  }
0x168: {  	v33 =	vor.u32 v13, v33;
	v3 =	vadd.f32 v4, v3;
	v27 =	vld [tilespmem:$0x1FE30]  }
0x169: {  	v31 =	vld [tilespmem:$0x1FE70]  }
0x16a: {  	v23 =	vadd.f32 v29, v28;
	v28 =	vld [tilespmem:$0x1FE40];
	v1 =	vadd.f32 v3, v1  }
0x16b: {  	v3 =	vadd.f32 v16, v14;
	v14 =	vadd.f32 v17, v15;
	v17 =	vld [tilespmem:$0x1FD70];
	v63 =	vadd.s32 s28, v63  }
0x16c: {  	v15 =	vadd.f32 v23, v21;
	v21 =	vld [tilespmem:$0x1FDC0];
	v63 =	vand.u32 $0x1FF8, v63  }
0x16d: {  	v5 =	vadd.f32 v6, v5;
	v63 =	vor.u32 v13, v63;
	v4 =	vld.idx.msk [tilespmem:v33+s12+$0x0], $0xffff  }
0x16e: {  	v16 =	vadd.f32 v22, v19;
	v19 =	vld [tilespmem:$0x1FD90]  }
0x16f: {  	v5 =	vadd.f32 v20, v5;
	v20 =	vld [tilespmem:$0x1FDB0]  }
0x170: {  	v22 =	vld [tilespmem:$0x1FDD0]  }
0x171: {  	v1 =	vadd.f32 v5, v1;
	v5 =	vld [tilespmem:$0x1FCD0]  }
0x172: {  	v6 =	vld.idx.msk [tilespmem:v63+s12+$0x0], $0xffff  }
0x173: {  	v2 =	vadd.f32 v2, v30;
	v17 =	vadd.s32 s28, v17;
	v63 =	vld [tilespmem:$0x1FD30]  }
0x174: {  	v29 =	vld [tilespmem:$0x1FE50];
	v17 =	vand.u32 $0x2FF8, v17;
	v21 =	vadd.s32 s28, v21;
	v4 =	vadd.f32 v4, v18  }
0x175: {  	v1 =	vmul.f32 $1.428571490e-01, v1;
	v17 =	vor.u32 v10, v17;
	v21 =	vand.u32 $0x3FF8, v21;
	v18 =	vld [tilespmem:$0x1FD80]  }
0x176: {  	v19 =	vadd.s32 s28, v19;
	v3 =	vadd.f32 v4, v3;
	v4 =	vadd.f32 v16, v14;
	v14 =	vld [tilespmem:$0x1FCF0]  }
0x177: {  	v20 =	vadd.s32 s28, v20;
	v22 =	vadd.s32 s28, v22;
	v2 =	vadd.f32 v6, v2;
	v6 =	vld [tilespmem:$0x1FCE0]  }
0x178: {  	v19 =	vand.u32 $0x2FF8, v19;
	v5 =	vadd.s32 s28, v5;
	v32 =	vadd.s32 s28, v63;
	v63 =	vld [tilespmem:$0x1FDA0]  }
0x179: {  	v23 =	vld [tilespmem:$0x1FDE0];
	v20 =	vand.u32 $0x3FF8, v20;
	v5 =	vand.u32 $0x3FF8, v5;
	v3 =	vmul.f32 $1.428571490e-01, v3  }
0x17a: {  	v30 =	vld [tilespmem:$0x1FE60];
	v5 =	vor.u32 v7, v5;
	v18 =	vadd.s32 s28, v18;
	v2 =	vadd.f32 v2, v15  }
0x17b: {  	[tilespmem:s29+$0xFFFFF800] =	vst v1;
	v16 =	vld [tilespmem:$0x1FD60];
	v19 =	vor.u32 v12, v19;
	v4 =	vmul.f32 $1.428571490e-01, v4;
	v18 =	vand.u32 $0x2FF8, v18  }
0x17c: {  	[tilespmem:s29+$0xFFFFF900] =	vst v3;
	v15 =	vld [tilespmem:$0x1FD50];
	v18 =	vor.u32 v11, v18;
	v2 =	vmul.f32 $1.428571490e-01, v2;
	v6 =	vadd.s32 s28, v6  }
0x17d: {  	[tilespmem:s29+$0xFFFFFA00] =	vst v4;
	v14 =	vadd.s32 s28, v14;
	v33 =	vadd.s32 s28, v63;
	v63 =	vld [tilespmem:$0x1FE10];
	v6 =	vand.u32 $0x3FF8, v6  }
0x17e: {  	v20 =	vor.u32 v7, v20;
	[tilespmem:s29+$0xFFFFFB00] =	vst v2;
	v1 =	vor.u32 v8, v6;
	v6 =	vand.u32 $0x3FF8, v14;
	v14 =	vld [tilespmem:$0x1FD00]  }
0x17f: {  	v23 =	vadd.s32 s28, v23;
	v21 =	vor.u32 v8, v21;
	v22 =	vand.u32 $0x3FF8, v22;
	v5 =	vld.idx.msk [tilespmem:v5+s12+$0x0], $0xffff  }
0x180: {  	v24 =	vadd.s32 s28, v24;
	v23 =	vand.u32 $0x3FF8, v23;
	v22 =	vor.u32 v9, v22;
	v17 =	vld.idx.msk [tilespmem:v17+s12+$0x0], $0xffff  }
0x181: {  	v25 =	vadd.s32 s28, v25;
	v24 =	vand.u32 $0x3FF8, v24;
	v23 =	vor.u32 v10, v23;
	v18 =	vld.idx.msk [tilespmem:v18+s12+$0x0], $0xffff  }
0x182: {  	v25 =	vand.u32 $0x3FF8, v25;
	v24 =	vor.u32 v11, v24;
	v19 =	vld.idx.msk [tilespmem:v19+s12+$0x0], $0xffff  }
0x183: {  	v26 =	vadd.s32 s28, v26;
	v27 =	vadd.s32 s28, v27;
	v25 =	vor.u32 v12, v25;
	v20 =	vld.idx.msk [tilespmem:v20+s12+$0x0], $0xffff  }
0x184: {  	v26 =	vand.u32 $0x3FF8, v26;
	v27 =	vand.u32 $0x3FF8, v27;
	v21 =	vld.idx.msk [tilespmem:v21+s12+$0x0], $0xffff  }
0x185: {  	v28 =	vadd.s32 s28, v28;
	v29 =	vadd.s32 s28, v29;
	v26 =	vor.u32 v7, v26;
	v22 =	vld.idx.msk [tilespmem:v22+s12+$0x0], $0xffff  }
0x186: {  	v27 =	vor.u32 v8, v27;
	v28 =	vand.u32 $0x3FF8, v28;
	v30 =	vadd.s32 s28, v30;
	v23 =	vld.idx.msk [tilespmem:v23+s12+$0x0], $0xffff  }
0x187: {  	v29 =	vand.u32 $0x3FF8, v29;
	v28 =	vor.u32 v9, v28;
	v30 =	vand.u32 $0x3FF8, v30;
	v24 =	vld.idx.msk [tilespmem:v24+s12+$0x0], $0xffff  }
0x188: {  	v29 =	vor.u32 v10, v29;
	v30 =	vor.u32 v11, v30;
	v25 =	vld.idx.msk [tilespmem:v25+s12+$0x0], $0xffff;
	v14 =	vadd.s32 s28, v14  }
0x189: {  	v16 =	vadd.s32 s28, v16;
	v3 =	vor.u32 v9, v6;
	v6 =	vand.u32 $0x3FF8, v14;
	v14 =	vld [tilespmem:$0x1FD10]  }
0x18a: {  	v16 =	vand.u32 $0x2FF8, v16;
	v26 =	vld.idx.msk [tilespmem:v26+s12+$0x0], $0xffff  }
0x18b: {  	v16 =	vor.u32 v9, v16;
	v27 =	vld.idx.msk [tilespmem:v27+s12+$0x0], $0xffff  }
0x18c: {  	v28 =	vld.idx.msk [tilespmem:v28+s12+$0x0], $0xffff  }
0x18d: {  	v29 =	vld.idx.msk [tilespmem:v29+s12+$0x0], $0xffff  }
0x18e: {  	v30 =	vld.idx.msk [tilespmem:v30+s12+$0x0], $0xffff;
	v14 =	vadd.s32 s28, v14  }
0x18f: {  	v4 =	vor.u32 v10, v6;
	v6 =	vand.u32 $0x3FF8, v14;
	v14 =	vld [tilespmem:$0x1FD20]  }
0x190: {  	v15 =	vadd.s32 s28, v15;
	v16 =	vld.idx.msk [tilespmem:v16+s12+$0x0], $0xffff  }
0x191: {  	v15 =	vand.u32 $0x2FF8, v15;
	v34 =	vadd.s32 s28, v63;
	v63 =	vld [tilespmem:$0x1FE80]  }
0x192: {  	v15 =	vor.u32 v8, v15;
	v1 =	vld.idx.msk [tilespmem:v1+s12+$0x0], $0xffff  }
0x193: {  	v18 =	vadd.f32 v19, v18;
	v19 =	vadd.f32 v25, v24;
	v24 =	vld [tilespmem:$0x1FBD0]  }
0x194: {  	v31 =	vadd.s32 s28, v31;
	v25 =	vld [tilespmem:$0x1FBE0];
	v14 =	vadd.s32 s28, v14  }
0x195: {  	v31 =	vand.u32 $0x3FF8, v31;
	v2 =	vor.u32 v11, v6;
	v6 =	vand.u32 $0x3FF8, v14;
	v14 =	vld [tilespmem:$0x1FD40]  }
0x196: {  	v31 =	vor.u32 v12, v31;
	v3 =	vld.idx.msk [tilespmem:v3+s12+$0x0], $0xffff  }
0x197: {  	v34 =	vand.u32 $0x3FF8, v34;
	v15 =	vld.idx.msk [tilespmem:v15+s12+$0x0], $0xffff;
	v16 =	vadd.f32 v17, v16  }
0x198: {  	v17 =	vadd.f32 v23, v22;
	v23 =	vadd.f32 v29, v28;
	v28 =	vld [tilespmem:$0x1FC10];
	v6 =	vor.u32 v12, v6  }
0x199: {  	v33 =	vand.u32 $0x2FF8, v33;
	v34 =	vor.u32 v13, v34;
	v29 =	vld [tilespmem:$0x1FC20]  }
0x19a: {  	v33 =	vor.u32 v13, v33;
	v4 =	vld.idx.msk [tilespmem:v4+s12+$0x0], $0xffff;
	v14 =	vadd.s32 s28, v14  }
0x19b: {  	v63 =	vadd.s32 s28, v63;
	v1 =	vadd.f32 v1, v5;
	v5 =	vld.idx.msk [tilespmem:v31+s12+$0x0], $0xffff;
	v14 =	vand.u32 $0x2FF8, v14  }
0x19c: {  	v63 =	vand.u32 $0x3FF8, v63;
	v2 =	vld.idx.msk [tilespmem:v2+s12+$0x0], $0xffff;
	v14 =	vor.u32 v7, v14  }
0x19d: {  	v63 =	vor.u32 v13, v63;
	v6 =	vld.idx.msk [tilespmem:v6+s12+$0x0], $0xffff  }
0x19e: {  	v22 =	vld.idx.msk [tilespmem:v34+s12+$0x0], $0xffff  }
0x19f: {  	v3 =	vadd.f32 v4, v3;
	v4 =	vld.idx.msk [tilespmem:v33+s12+$0x0], $0xffff  }
0x1a0: {  	v32 =	vand.u32 $0x3FF8, v32;
	v31 =	vld [tilespmem:$0x1FC40]  }
0x1a1: {  	v32 =	vor.u32 v13, v32;
	v14 =	vld.idx.msk [tilespmem:v14+s12+$0x0], $0xffff  }
0x1a2: {  	v2 =	vadd.f32 v6, v2;
	v6 =	vld.idx.msk [tilespmem:v63+s12+$0x0], $0xffff  }
0x1a3: {  	v5 =	vadd.f32 v5, v30;
	v30 =	vld [tilespmem:$0x1FC30]  }
0x1a4: {  	v4 =	vadd.f32 v4, v18;
	v18 =	vld [tilespmem:$0x1FB70]  }
0x1a5: {  	v63 =	vld [tilespmem:$0x1FB20]  }
0x1a6: {  	v14 =	vadd.f32 v15, v14;
	v15 =	vadd.f32 v21, v20;
	v20 =	vld.idx.msk [tilespmem:v32+s12+$0x0], $0xffff  }
0x1a7: {  	v5 =	vadd.f32 v6, v5;
	v6 =	vld [tilespmem:$0x1FAD0]  }
0x1a8: {  	v21 =	vadd.f32 v27, v26;
	v26 =	vld [tilespmem:$0x1FBF0]  }
0x1a9: {  	v27 =	vld [tilespmem:$0x1FC00]  }
0x1aa: {  	v1 =	vadd.f32 v3, v1;
	v32 =	vadd.s32 s28, v63;
	v63 =	vld [tilespmem:$0x1FC50];
	v3 =	vadd.f32 v16, v14  }
0x1ab: {  	v14 =	vadd.f32 v17, v15;
	v17 =	vld [tilespmem:$0x1FB60];
	v2 =	vadd.f32 v20, v2  }
0x1ac: {  	v16 =	vadd.f32 v22, v19;
	v19 =	vld [tilespmem:$0x1FB80]  }
0x1ad: {  	v24 =	vadd.s32 s28, v24;
	v15 =	vadd.f32 v23, v21;
	v21 =	vld [tilespmem:$0x1FBA0];
	v1 =	vadd.f32 v2, v1  }
0x1ae: {  	v25 =	vadd.s32 s28, v25;
	v2 =	vadd.f32 v4, v3;
	v3 =	vadd.f32 v16, v14;
	v14 =	vld [tilespmem:$0x1FAE0]  }
0x1af: {  	v24 =	vand.u32 $0x4FF8, v24;
	v25 =	vand.u32 $0x4FF8, v25;
	v18 =	vadd.s32 s28, v18;
	v22 =	vld [tilespmem:$0x1FBB0]  }
0x1b0: {  	v24 =	vor.u32 v11, v24;
	v25 =	vor.u32 v12, v25;
	v18 =	vand.u32 $0x7FF8, v18;
	v23 =	vld [tilespmem:$0x1FBC0]  }
0x1b1: {  	v28 =	vadd.s32 s28, v28;
	v18 =	vor.u32 v11, v18;
	v6 =	vadd.s32 s28, v6;
	v20 =	vld [tilespmem:$0x1FB90]  }
0x1b2: {  	v6 =	vand.u32 $0x7FF8, v6;
	v33 =	vadd.s32 s28, v63;
	v63 =	vld [tilespmem:$0x1FC60];
	v1 =	vmul.f32 $1.428571490e-01, v1  }
0x1b3: {  	v4 =	vadd.f32 v5, v15;
	v5 =	vld [tilespmem:$0x1FE90];
	v2 =	vmul.f32 $1.428571490e-01, v2;
	v14 =	vadd.s32 s28, v14  }
0x1b4: {  	v3 =	vmul.f32 $1.428571490e-01, v3;
	[tilespmem:s29+$0xFFFFFC00] =	vst v1;
	v1 =	vor.u32 v8, v6;
	v6 =	vand.u32 $0x7FF8, v14;
	v14 =	vld [tilespmem:$0x1FAF0]  }
0x1b5: {  	v29 =	vadd.s32 s28, v29;
	v26 =	vadd.s32 s28, v26;
	v15 =	vld [tilespmem:$0x1FB40];
	v4 =	vmul.f32 $1.428571490e-01, v4;
	[tilespmem:s29+$0xFFFFFD00] =	vst v2  }
0x1b6: {  	v28 =	vand.u32 $0x5FF8, v28;
	v27 =	vadd.s32 s28, v27;
	v26 =	vand.u32 $0x5FF8, v26;
	v16 =	vld [tilespmem:$0x1FB50];
	[tilespmem:s29+$0xFFFFFE00] =	vst v3  }
0x1b7: {  	v27 =	vand.u32 $0x5FF8, v27;
	v26 =	vor.u32 v7, v26;
	v34 =	vadd.s32 s28, v63;
	v63 =	vld [tilespmem:$0x1FC70];
	[tilespmem:s29+$0xFFFFFF00] =	vst v4  }
0x1b8: {  	v29 =	vand.u32 $0x5FF8, v29;
	v28 =	vor.u32 v9, v28;
	v27 =	vor.u32 v8, v27;
	v18 =	vld.idx.msk [tilespmem:v18+s12+$0x0], $0xffff  }
0x1b9: {  	v29 =	vor.u32 v10, v29;
	v30 =	vadd.s32 s28, v30;
	v24 =	vld.idx.msk [tilespmem:v24+s12+$0x0], $0xffff;
	v14 =	vadd.s32 s28, v14  }
0x1ba: {  	v30 =	vand.u32 $0x5FF8, v30;
	v2 =	vor.u32 v9, v6;
	v6 =	vand.u32 $0x7FF8, v14;
	v14 =	vld [tilespmem:$0x1FB00]  }
0x1bb: {  	v30 =	vor.u32 v11, v30;
	v17 =	vadd.s32 s28, v17;
	v25 =	vld.idx.msk [tilespmem:v25+s12+$0x0], $0xffff  }
0x1bc: {  	v19 =	vadd.s32 s28, v19;
	v21 =	vadd.s32 s28, v21;
	v17 =	vand.u32 $0x7FF8, v17;
	v26 =	vld.idx.msk [tilespmem:v26+s12+$0x0], $0xffff  }
0x1bd: {  	v22 =	vadd.s32 s28, v22;
	v19 =	vand.u32 $0x7FF8, v19;
	v17 =	vor.u32 v10, v17;
	v27 =	vld.idx.msk [tilespmem:v27+s12+$0x0], $0xffff  }
0x1be: {  	v23 =	vadd.s32 s28, v23;
	v21 =	vand.u32 $0x4FF8, v21;
	v19 =	vor.u32 v12, v19;
	v28 =	vld.idx.msk [tilespmem:v28+s12+$0x0], $0xffff  }
0x1bf: {  	v22 =	vand.u32 $0x4FF8, v22;
	v21 =	vor.u32 v8, v21;
	v29 =	vld.idx.msk [tilespmem:v29+s12+$0x0], $0xffff;
	v14 =	vadd.s32 s28, v14  }
0x1c0: {  	v22 =	vor.u32 v9, v22;
	v3 =	vor.u32 v10, v6;
	v6 =	vand.u32 $0x7FF8, v14;
	v14 =	vld [tilespmem:$0x1FB10]  }
0x1c1: {  	v23 =	vand.u32 $0x4FF8, v23;
	v30 =	vld.idx.msk [tilespmem:v30+s12+$0x0], $0xffff  }
0x1c2: {  	v23 =	vor.u32 v10, v23;
	v20 =	vadd.s32 s28, v20;
	v17 =	vld.idx.msk [tilespmem:v17+s12+$0x0], $0xffff  }
0x1c3: {  	v20 =	vand.u32 $0x4FF8, v20;
	v5 =	vadd.s32 s28, v5;
	v19 =	vld.idx.msk [tilespmem:v19+s12+$0x0], $0xffff  }
0x1c4: {  	v20 =	vor.u32 v7, v20;
	v5 =	vand.u32 $0x7FF8, v5;
	v21 =	vld.idx.msk [tilespmem:v21+s12+$0x0], $0xffff  }
0x1c5: {  	v15 =	vadd.s32 s28, v15;
	v5 =	vor.u32 v7, v5;
	v22 =	vld.idx.msk [tilespmem:v22+s12+$0x0], $0xffff;
	v14 =	vadd.s32 s28, v14  }
0x1c6: {  	v15 =	vand.u32 $0x7FF8, v15;
	v4 =	vor.u32 v11, v6;
	v6 =	vand.u32 $0x7FF8, v14;
	v14 =	vld [tilespmem:$0x1FB30]  }
0x1c7: {  	v15 =	vor.u32 v8, v15;
	v23 =	vld.idx.msk [tilespmem:v23+s12+$0x0], $0xffff  }
0x1c8: {  	v1 =	vld.idx.msk [tilespmem:v1+s12+$0x0], $0xffff  }
0x1c9: {  	v16 =	vadd.s32 s28, v16;
	v20 =	vld.idx.msk [tilespmem:v20+s12+$0x0], $0xffff  }
0x1ca: {  	v31 =	vadd.s32 s28, v31;
	v16 =	vand.u32 $0x7FF8, v16;
	v5 =	vld.idx.msk [tilespmem:v5+s12+$0x0], $0xffff;
	v6 =	vor.u32 v12, v6  }
0x1cb: {  	v31 =	vand.u32 $0x5FF8, v31;
	v16 =	vor.u32 v9, v16;
	v2 =	vld.idx.msk [tilespmem:v2+s12+$0x0], $0xffff;
	v14 =	vadd.s32 s28, v14  }
0x1cc: {  	v31 =	vor.u32 v12, v31;
	v15 =	vld.idx.msk [tilespmem:v15+s12+$0x0], $0xffff;
	v14 =	vand.u32 $0x7FF8, v14  }
0x1cd: {  	v33 =	vand.u32 $0x7FF8, v33;
	v63 =	vadd.s32 s28, v63;
	v3 =	vld.idx.msk [tilespmem:v3+s12+$0x0], $0xffff;
	v14 =	vor.u32 v7, v14  }
0x1ce: {  	v33 =	vor.u32 v13, v33;
	v63 =	vand.u32 $0x5FF8, v63;
	v4 =	vld.idx.msk [tilespmem:v4+s12+$0x0], $0xffff  }
0x1cf: {  	v63 =	vor.u32 v13, v63;
	v6 =	vld.idx.msk [tilespmem:v6+s12+$0x0], $0xffff  }
0x1d0: {  	v34 =	vand.u32 $0x4FF8, v34;
	v16 =	vld.idx.msk [tilespmem:v16+s12+$0x0], $0xffff  }
0x1d1: {  	v32 =	vand.u32 $0x7FF8, v32;
	v34 =	vor.u32 v13, v34;
	v1 =	vadd.f32 v1, v5;
	v5 =	vld.idx.msk [tilespmem:v31+s12+$0x0], $0xffff  }
0x1d2: {  	v32 =	vor.u32 v13, v32;
	v14 =	vld.idx.msk [tilespmem:v14+s12+$0x0], $0xffff  }
0x1d3: {  	v18 =	vadd.f32 v19, v18;
	v2 =	vadd.f32 v3, v2;
	v3 =	vld.idx.msk [tilespmem:v33+s12+$0x0], $0xffff  }
0x1d4: {  	v19 =	vadd.f32 v25, v24;
	v4 =	vadd.f32 v6, v4;
	v6 =	vld.idx.msk [tilespmem:v63+s12+$0x0], $0xffff  }
0x1d5: {  	v16 =	vadd.f32 v17, v16;
	v17 =	vadd.f32 v23, v22  }
0x1d6: {  	v22 =	vld.idx.msk [tilespmem:v34+s12+$0x0], $0xffff;
	v23 =	vadd.f32 v29, v28;
	v5 =	vadd.f32 v5, v30  }
0x1d7: {  	v14 =	vadd.f32 v15, v14;
	v15 =	vadd.f32 v21, v20;
	v20 =	vld.idx.msk [tilespmem:v32+s12+$0x0], $0xffff  }
0x1d8: {  	v1 =	vadd.f32 v2, v1;
	v3 =	vadd.f32 v3, v18  }
0x1d9: {  	v18 =	vadd.s32 s28, v44;
	v5 =	vadd.f32 v6, v5;
	v21 =	vadd.f32 v27, v26  }
0x1da: {  	v18 =	vand.u32 $0x7FF8, v18;
	v2 =	vadd.f32 v16, v14;
	v14 =	vadd.f32 v17, v15  }
0x1db: {  	v18 =	vor.u32 v11, v18;
	v15 =	vadd.f32 v23, v21;
	v16 =	vadd.f32 v22, v19  }
0x1dc: {  	v17 =	vadd.s32 s28, v43;
	v2 =	vadd.f32 v3, v2;
	v4 =	vadd.f32 v20, v4  }
0x1dd: {  	v17 =	vand.u32 $0x7FF8, v17;
	v3 =	vadd.f32 v16, v14;
	v16 =	vadd.s32 s28, v42  }
0x1de: {  	v16 =	vand.u32 $0x7FF8, v16;
	v2 =	vmul.f32 $1.428571490e-01, v2;
	v1 =	vadd.f32 v4, v1  }
0x1df: {  	v3 =	vmul.f32 $1.428571490e-01, v3;
	v16 =	vor.u32 v9, v16;
	v4 =	vadd.f32 v5, v15  }
0x1e0: {  	v19 =	vadd.s32 s28, v45;
	v17 =	vor.u32 v10, v17;
	[tilespmem:s29+$0x100] =	vst v2;
	v1 =	vmul.f32 $1.428571490e-01, v1  }
0x1e1: {  	v19 =	vand.u32 $0x7FF8, v19;
	v20 =	vadd.s32 s28, v47;
	[tilespmem:s29+$0x200] =	vst v3;
	v4 =	vmul.f32 $1.428571490e-01, v4  }
0x1e2: {  	v21 =	vadd.s32 s28, v48;
	v19 =	vor.u32 v12, v19;
	v20 =	vand.u32 $0x6FF8, v20;
	[tilespmem:s29+$0x0] =	vst v1  }
0x1e3: {  	v22 =	vadd.s32 s28, v49;
	v21 =	vand.u32 $0x6FF8, v21;
	v5 =	vld [tilespmem:$0x1FAC0];
	v20 =	vor.u32 v7, v20;
	[tilespmem:s29+$0x300] =	vst v4  }
0x1e4: {  	v23 =	vadd.s32 s28, v50;
	v22 =	vand.u32 $0x6FF8, v22;
	v21 =	vor.u32 v8, v21;
	v16 =	vld.idx.msk [tilespmem:v16+s12+$0x0], $0xffff  }
0x1e5: {  	v24 =	vadd.s32 s28, v51;
	v23 =	vand.u32 $0x6FF8, v23;
	v22 =	vor.u32 v9, v22;
	v17 =	vld.idx.msk [tilespmem:v17+s12+$0x0], $0xffff  }
0x1e6: {  	v25 =	vadd.s32 s28, v52;
	v24 =	vand.u32 $0x6FF8, v24;
	v23 =	vor.u32 v10, v23;
	v18 =	vld.idx.msk [tilespmem:v18+s12+$0x0], $0xffff  }
0x1e7: {  	v25 =	vand.u32 $0x6FF8, v25;
	v24 =	vor.u32 v11, v24;
	v26 =	vadd.s32 s28, v53;
	v19 =	vld.idx.msk [tilespmem:v19+s12+$0x0], $0xffff  }
0x1e8: {  	v25 =	vor.u32 v12, v25;
	v27 =	vadd.s32 s28, v54;
	v26 =	vand.u32 $0x7FF8, v26;
	v20 =	vld.idx.msk [tilespmem:v20+s12+$0x0], $0xffff  }
0x1e9: {  	v28 =	vadd.s32 s28, v55;
	v27 =	vand.u32 $0x7FF8, v27;
	v26 =	vor.u32 v7, v26;
	v21 =	vld.idx.msk [tilespmem:v21+s12+$0x0], $0xffff  }
0x1ea: {  	v29 =	vadd.s32 s28, v56;
	v28 =	vand.u32 $0x7FF8, v28;
	v27 =	vor.u32 v8, v27;
	v22 =	vld.idx.msk [tilespmem:v22+s12+$0x0], $0xffff  }
0x1eb: {  	v29 =	vand.u32 $0x7FF8, v29;
	v28 =	vor.u32 v9, v28;
	v30 =	vadd.s32 s28, v57;
	v23 =	vld.idx.msk [tilespmem:v23+s12+$0x0], $0xffff  }
0x1ec: {  	v29 =	vor.u32 v10, v29;
	v30 =	vand.u32 $0x7FF8, v30;
	v15 =	vadd.s32 s28, v41;
	v24 =	vld.idx.msk [tilespmem:v24+s12+$0x0], $0xffff  }
0x1ed: {  	v30 =	vor.u32 v11, v30;
	v6 =	vadd.s32 s28, v35;
	v15 =	vand.u32 $0x7FF8, v15;
	v25 =	vld.idx.msk [tilespmem:v25+s12+$0x0], $0xffff  }
0x1ee: {  	v6 =	vand.u32 $0x5FF8, v6;
	v14 =	vadd.s32 s28, v36;
	v15 =	vor.u32 v8, v15;
	v26 =	vld.idx.msk [tilespmem:v26+s12+$0x0], $0xffff  }
0x1ef: {  	v1 =	vor.u32 v8, v6;
	v6 =	vand.u32 $0x5FF8, v14;
	v27 =	vld.idx.msk [tilespmem:v27+s12+$0x0], $0xffff  }
0x1f0: {  	v14 =	vadd.s32 s28, v37;
	v2 =	vor.u32 v9, v6;
	v28 =	vld.idx.msk [tilespmem:v28+s12+$0x0], $0xffff  }
0x1f1: {  	v63 =	vadd.s32 s28, v59;
	v5 =	vadd.s32 s28, v5;
	v6 =	vand.u32 $0x5FF8, v14;
	v29 =	vld.idx.msk [tilespmem:v29+s12+$0x0], $0xffff  }
0x1f2: {  	v14 =	vadd.s32 s28, v38;
	v30 =	vld.idx.msk [tilespmem:v30+s12+$0x0], $0xffff;
	v5 =	vand.u32 $0x5FF8, v5;
	v3 =	vor.u32 v10, v6  }
0x1f3: {  	v6 =	vand.u32 $0x5FF8, v14;
	v14 =	vadd.s32 s28, v39;
	v5 =	vor.u32 v7, v5;
	v15 =	vld.idx.msk [tilespmem:v15+s12+$0x0], $0xffff  }
0x1f4: {  	v4 =	vor.u32 v11, v6;
	v6 =	vand.u32 $0x5FF8, v14;
	v14 =	vadd.s32 s28, v40;
	v1 =	vld.idx.msk [tilespmem:v1+s12+$0x0], $0xffff  }
0x1f5: {  	v32 =	vand.u32 $0x5FF8, v63;
	v6 =	vor.u32 v12, v6;
	v14 =	vand.u32 $0x7FF8, v14;
	v2 =	vld.idx.msk [tilespmem:v2+s12+$0x0], $0xffff  }
0x1f6: {  	v14 =	vor.u32 v7, v14;
	v20 =	vadd.f32 v21, v20;
	v21 =	vadd.f32 v27, v26;
	v27 =	vld [tilespmem:$0x1FF80]  }
0x1f7: {  	v32 =	vor.u32 v13, v32;
	v3 =	vld.idx.msk [tilespmem:v3+s12+$0x0], $0xffff  }
0x1f8: {  	v63 =	vadd.s32 s28, v60;
	v5 =	vld.idx.msk [tilespmem:v5+s12+$0x0], $0xffff  }
0x1f9: {  	v33 =	vand.u32 $0x7FF8, v63;
	v4 =	vld.idx.msk [tilespmem:v4+s12+$0x0], $0xffff  }
0x1fa: {  	v63 =	vadd.s32 s28, v61;
	v33 =	vor.u32 v13, v33;
	v6 =	vld.idx.msk [tilespmem:v6+s12+$0x0], $0xffff  }
0x1fb: {  	v34 =	vand.u32 $0x6FF8, v63;
	v14 =	vld.idx.msk [tilespmem:v14+s12+$0x0], $0xffff  }
0x1fc: {  	v34 =	vor.u32 v13, v34;
	v2 =	vadd.f32 v3, v2;
	v3 =	vadd.f32 v17, v16;
	v16 =	vld.idx.msk [tilespmem:v32+s12+$0x0], $0xffff  }
0x1fd: {  	v31 =	vadd.s32 s28, v58;
	v32 =	vld [tilespmem:$0x1FFC0]  }
0x1fe: {  	v31 =	vand.u32 $0x7FF8, v31;
	v17 =	vadd.f32 v23, v22;
	v22 =	vadd.f32 v29, v28;
	v28 =	vld [tilespmem:$0x1FF90]  }
0x1ff: {  	v31 =	vor.u32 v12, v31;
	v23 =	vld.idx.msk [tilespmem:v33+s12+$0x0], $0xffff  }
0x200: {  	v63 =	vadd.s32 s28, v62;
	v33 =	vld [tilespmem:$0x1FFE0];
	v1 =	vadd.f32 v1, v5  }
0x201: {  	v63 =	vand.u32 $0x7FF8, v63;
	v4 =	vadd.f32 v6, v4;
	v6 =	vadd.f32 v19, v18;
	v18 =	vld.idx.msk [tilespmem:v34+s12+$0x0], $0xffff  }
0x202: {  	v19 =	vadd.f32 v25, v24;
	v25 =	vld [tilespmem:$0x1FF70];
	v5 =	vadd.f32 v15, v14;
	v15 =	vor.u32 v13, v63  }
0x203: {  	v24 =	vld [tilespmem:$0x1FF50]  }
0x204: {  	v14 =	vld.idx.msk [tilespmem:v31+s12+$0x0], $0xffff  }
0x205: {  	v31 =	vld [tilespmem:$0x1FFB0]  }
0x206: {  	v63 =	vld [tilespmem:$0x1FFF0]  }
0x207: {  	v1 =	vadd.f32 v2, v1;
	v15 =	vld.idx.msk [tilespmem:v15+s12+$0x0], $0xffff  }
0x208: {  	v2 =	vadd.f32 v3, v5;
	v3 =	vadd.f32 v17, v20;
	v20 =	vld [tilespmem:$0x1FF10]  }
0x209: {  	v17 =	vld [tilespmem:$0x1FED0];
	v4 =	vadd.f32 v16, v4;
	v5 =	vadd.f32 v22, v21  }
0x20a: {  	v22 =	vld [tilespmem:$0x1FF30];
	v6 =	vadd.f32 v23, v6;
	v14 =	vadd.f32 v14, v30  }
0x20b: {  	v21 =	vld [tilespmem:$0x1FF20];
	v16 =	vadd.f32 v18, v19;
	v1 =	vadd.f32 v4, v1  }
0x20c: {  	v23 =	vld [tilespmem:$0x1FF40];
	v2 =	vadd.f32 v6, v2;
	v4 =	vadd.f32 v15, v14  }
0x20d: {  	p2 =	sne.s32 s28, $0x690;
	v19 =	vld [tilespmem:$0x1FF00];
	v3 =	vadd.f32 v16, v3;
	v1 =	vmul.f32 $1.428571490e-01, v1  }
.Ltmp4:
0x20e: {  	v18 =	vld [tilespmem:$0x1FEE0];
	v2 =	vmul.f32 $1.428571490e-01, v2;
	v4 =	vadd.f32 v4, v5;
	(pc) =	sbr.rel @p2 .LBB2_9-.Ltmp4, $4  }
0x20f: {  	v30 =	vld [tilespmem:$0x1FFA0];
	[tilespmem:s29+$0x400] =	vst v1;
	v1 =	vmul.f32 $1.428571490e-01, v3  }
0x210: {  	v16 =	vld [tilespmem:$0x1FEC0];
	[tilespmem:s29+$0x500] =	vst v2;
	v2 =	vmul.f32 $1.428571490e-01, v4  }
0x211: {  	v15 =	vld [tilespmem:$0x1FEB0];
	[tilespmem:s29+$0x600] =	vst v1  }
0x212: {  	s28 =	sadd.s32 $0x70, s28;
	v14 =	vld [tilespmem:$0x1FEA0];
	[tilespmem:s29+$0x700] =	vst v2;
	s29 =	sadd.s32 $0x10, s29  }
0x213: {  	s26 =	sadd.s32 s26, s7  }
.Ltmp5:
0x214: {  	p2 =	slt.s32 s26, $0x27F2;
	(pc) =	sbr.rel @p1 .LBB2_12-.Ltmp5, $4  }
0x215: {  	s26 =	simm.s32 @!p2 $0x27F2  }
0x216: {  	s26 =	sshll.u32 s26, $0x5  }
0x217: {  	s26 =	sadd.s32 s5, s26  }
0x218: {  	[hbm4b:s26+s2] =	stream.linear.scatter [tilespmem:s18], [sflag:$0x5], $0x1000, $0x38;
	[tilespmem:$0x18930] =	vst v63  }
.Ltmp6:
0x219: {  	(pc) =	sbr.rel .LBB2_13-.Ltmp6, $4  }
0x21a: {  	_ = 	snop  }
0x21b: {  	_ =	swait.ge [sflag:s19], $0x7000  }
0x21c: {  	[sflag:s19] =	ssyncset.done $0x0  }
0x21d: {  	[sflag:s19] =	ssyncadd.s32 $0xFFFF9000  }
.LBB2_12:
0x21e: {  	s26 =	smul.u32 $0x540, s24;
	_ =	sdelay $0x1  }
0x21f: {  	s26 =	sshra.s32 s26, $0x2  }
.Ltmp7:
0x220: {  	s26 =	sadd.s32 $0x1C0, s26;
	(pc) =	sbr.rel @p0 .LBB2_14-.Ltmp7, $4  }
0x221: {  	[tilespmem:s12], [sflag:$0x2] =	stream.indirect.gather [hbm4b:s4+s10], $0x100, s26, s10, $0xb8;
	[tilespmem:$0x18930] =	vst v63  }
0x222: {  	_ =	swait.ge [sflag:s19], $0x7000  }
0x223: {  	[sflag:s19] =	ssyncset.done $0x0  }
0x224: {  	[sflag:s19] =	ssyncadd.s32 $0xFFFF9000  }
.LBB2_13:
0x225: {  	_ =	swait.ge [sflag:s20], $0x1000  }
0x226: {  	[sflag:s20] =	ssyncset.done $0x0  }
0x227: {  	[sflag:s20] =	ssyncadd.s32 $0xFFFFF000  }
.LBB2_14:
0x228: {  	s26 =	simm.s32 $0x0;
	s28 =	simm.s32 $0x18130;
	v46 =	vld [tilespmem:$0x1FC80]  }
.LBB2_15:
0x229: {  	_ =	sdelay $0x1  }
0x22a: {  	v1 =	vadd.s32 s26, v0  }
0x22b: {  	v1 =	vand.u32 $0xFF8, v1  }
0x22c: {  	v1 =	vor.u32 v7, v1;
	v2 =	vadd.s32 s26, v14  }
0x22d: {  	v3 =	vadd.s32 s26, v15;
	v4 =	vadd.s32 s26, v16;
	v5 =	vadd.s32 s26, v17  }
0x22e: {  	v6 =	vadd.s32 s26, v18;
	v14 =	vadd.s32 s26, v19;
	v15 =	vadd.s32 s26, v20  }
0x22f: {  	v29 =	vld [tilespmem:$0x1FC90];
	v16 =	vadd.s32 s26, v21;
	v18 =	vadd.s32 s26, v23;
	v19 =	vadd.s32 s26, v24  }
0x230: {  	v21 =	vadd.s32 s26, v27;
	v27 =	vadd.s32 s26, v63;
	v63 =	vld [tilespmem:$0x1FEF0];
	v2 =	vand.u32 $0xFF8, v2  }
0x231: {  	v34 =	vld [tilespmem:$0x1FFD0];
	v20 =	vadd.s32 s26, v25;
	v3 =	vand.u32 $0xFF8, v3;
	v2 =	vor.u32 v8, v2  }
0x232: {  	v23 =	vadd.s32 s26, v30;
	v30 =	vld [tilespmem:$0x1FCA0];
	v4 =	vand.u32 $0xFF8, v4;
	v3 =	vor.u32 v9, v3  }
0x233: {  	v24 =	vadd.s32 s26, v31;
	v31 =	vld [tilespmem:$0x1FCB0];
	v5 =	vand.u32 $0xFF8, v5;
	v4 =	vor.u32 v10, v4  }
0x234: {  	v25 =	vadd.s32 s26, v32;
	v6 =	vand.u32 $0xFF8, v6;
	v5 =	vor.u32 v11, v5;
	v1 =	vld.idx.msk [tilespmem:v1+s13+$0x0], $0xffff  }
0x235: {  	v14 =	vand.u32 $0xFF8, v14;
	v6 =	vor.u32 v12, v6;
	v32 =	vadd.s32 s26, v63;
	v63 =	vld [tilespmem:$0x1FF60]  }
0x236: {  	v15 =	vand.u32 $0xFF8, v15;
	v14 =	vor.u32 v7, v14;
	v2 =	vld.idx.msk [tilespmem:v2+s13+$0x0], $0xffff  }
0x237: {  	v17 =	vadd.s32 s26, v22;
	v16 =	vand.u32 $0xFF8, v16;
	v15 =	vor.u32 v8, v15;
	v3 =	vld.idx.msk [tilespmem:v3+s13+$0x0], $0xffff  }
0x238: {  	v17 =	vand.u32 $0xFF8, v17;
	v16 =	vor.u32 v9, v16;
	v4 =	vld.idx.msk [tilespmem:v4+s13+$0x0], $0xffff  }
0x239: {  	v18 =	vand.u32 $0xFF8, v18;
	v17 =	vor.u32 v10, v17;
	v5 =	vld.idx.msk [tilespmem:v5+s13+$0x0], $0xffff  }
0x23a: {  	v19 =	vand.u32 $0xFF8, v19;
	v18 =	vor.u32 v11, v18;
	v6 =	vld.idx.msk [tilespmem:v6+s13+$0x0], $0xffff  }
0x23b: {  	v20 =	vand.u32 $0x1FF8, v20;
	v19 =	vor.u32 v12, v19;
	v14 =	vld.idx.msk [tilespmem:v14+s13+$0x0], $0xffff  }
0x23c: {  	v22 =	vadd.s32 s26, v28;
	v21 =	vand.u32 $0x1FF8, v21;
	v20 =	vor.u32 v7, v20;
	v15 =	vld.idx.msk [tilespmem:v15+s13+$0x0], $0xffff  }
0x23d: {  	v22 =	vand.u32 $0x1FF8, v22;
	v21 =	vor.u32 v8, v21;
	v16 =	vld.idx.msk [tilespmem:v16+s13+$0x0], $0xffff  }
0x23e: {  	v23 =	vand.u32 $0x1FF8, v23;
	v22 =	vor.u32 v9, v22;
	v17 =	vld.idx.msk [tilespmem:v17+s13+$0x0], $0xffff  }
0x23f: {  	v24 =	vand.u32 $0x1FF8, v24;
	v23 =	vor.u32 v10, v23;
	v18 =	vld.idx.msk [tilespmem:v18+s13+$0x0], $0xffff  }
0x240: {  	v26 =	vadd.s32 s26, v33;
	v25 =	vand.u32 $0x1FF8, v25;
	v24 =	vor.u32 v11, v24;
	v19 =	vld.idx.msk [tilespmem:v19+s13+$0x0], $0xffff  }
0x241: {  	v26 =	vand.u32 $0x1FF8, v26;
	v25 =	vor.u32 v12, v25;
	v20 =	vld.idx.msk [tilespmem:v20+s13+$0x0], $0xffff  }
0x242: {  	v28 =	vadd.s32 s26, v46;
	v27 =	vand.u32 $0x1FF8, v27;
	v26 =	vor.u32 v7, v26;
	v21 =	vld.idx.msk [tilespmem:v21+s13+$0x0], $0xffff  }
0x243: {  	v28 =	vand.u32 $0x1FF8, v28;
	v29 =	vadd.s32 s26, v29;
	v27 =	vor.u32 v8, v27;
	v22 =	vld.idx.msk [tilespmem:v22+s13+$0x0], $0xffff  }
0x244: {  	v28 =	vor.u32 v9, v28;
	v29 =	vand.u32 $0x1FF8, v29;
	v23 =	vld.idx.msk [tilespmem:v23+s13+$0x0], $0xffff  }
0x245: {  	v29 =	vor.u32 v10, v29;
	v30 =	vadd.s32 s26, v30;
	v24 =	vld.idx.msk [tilespmem:v24+s13+$0x0], $0xffff  }
0x246: {  	v31 =	vadd.s32 s26, v31;
	v30 =	vand.u32 $0x1FF8, v30;
	v25 =	vld.idx.msk [tilespmem:v25+s13+$0x0], $0xffff  }
0x247: {  	v31 =	vand.u32 $0x1FF8, v31;
	v30 =	vor.u32 v11, v30;
	v26 =	vld.idx.msk [tilespmem:v26+s13+$0x0], $0xffff  }
0x248: {  	v34 =	vadd.s32 s26, v34;
	v32 =	vand.u32 $0xFF8, v32;
	v31 =	vor.u32 v12, v31;
	v27 =	vld.idx.msk [tilespmem:v27+s13+$0x0], $0xffff  }
0x249: {  	v34 =	vand.u32 $0x1FF8, v34;
	v32 =	vor.u32 v13, v32;
	v28 =	vld.idx.msk [tilespmem:v28+s13+$0x0], $0xffff  }
0x24a: {  	v34 =	vor.u32 v13, v34;
	v29 =	vld.idx.msk [tilespmem:v29+s13+$0x0], $0xffff  }
0x24b: {  	v33 =	vadd.s32 s26, v63;
	v63 =	vld [tilespmem:$0x1FCC0]  }
0x24c: {  	v30 =	vld.idx.msk [tilespmem:v30+s13+$0x0], $0xffff  }
0x24d: {  	v1 =	vadd.f32 v2, v1;
	v2 =	vld.idx.msk [tilespmem:v31+s13+$0x0], $0xffff  }
0x24e: {  	v14 =	vadd.f32 v15, v14;
	v15 =	vadd.f32 v21, v20;
	v20 =	vld.idx.msk [tilespmem:v32+s13+$0x0], $0xffff  }
0x24f: {  	v16 =	vadd.f32 v17, v16;
	v17 =	vadd.f32 v23, v22;
	v22 =	vld.idx.msk [tilespmem:v34+s13+$0x0], $0xffff  }
0x250: {  	v18 =	vadd.f32 v19, v18;
	v19 =	vadd.f32 v25, v24;
	v24 =	vld [tilespmem:$0x1FDF0]  }
0x251: {  	v25 =	vld [tilespmem:$0x1FE00]  }
0x252: {  	v33 =	vand.u32 $0xFF8, v33;
	v21 =	vadd.f32 v27, v26;
	v26 =	vld [tilespmem:$0x1FE20]  }
0x253: {  	v33 =	vor.u32 v13, v33;
	v3 =	vadd.f32 v4, v3;
	v27 =	vld [tilespmem:$0x1FE30]  }
0x254: {  	v31 =	vld [tilespmem:$0x1FE70]  }
0x255: {  	v23 =	vadd.f32 v29, v28;
	v28 =	vld [tilespmem:$0x1FE40];
	v1 =	vadd.f32 v3, v1  }
0x256: {  	v3 =	vadd.f32 v16, v14;
	v14 =	vadd.f32 v17, v15;
	v17 =	vld [tilespmem:$0x1FD70];
	v63 =	vadd.s32 s26, v63  }
0x257: {  	v15 =	vadd.f32 v23, v21;
	v21 =	vld [tilespmem:$0x1FDC0];
	v63 =	vand.u32 $0x1FF8, v63  }
0x258: {  	v5 =	vadd.f32 v6, v5;
	v63 =	vor.u32 v13, v63;
	v4 =	vld.idx.msk [tilespmem:v33+s13+$0x0], $0xffff  }
0x259: {  	v16 =	vadd.f32 v22, v19;
	v19 =	vld [tilespmem:$0x1FD90]  }
0x25a: {  	v5 =	vadd.f32 v20, v5;
	v20 =	vld [tilespmem:$0x1FDB0]  }
0x25b: {  	v22 =	vld [tilespmem:$0x1FDD0]  }
0x25c: {  	v1 =	vadd.f32 v5, v1;
	v5 =	vld [tilespmem:$0x1FCD0]  }
0x25d: {  	v6 =	vld.idx.msk [tilespmem:v63+s13+$0x0], $0xffff  }
0x25e: {  	v2 =	vadd.f32 v2, v30;
	v17 =	vadd.s32 s26, v17;
	v63 =	vld [tilespmem:$0x1FD30]  }
0x25f: {  	v29 =	vld [tilespmem:$0x1FE50];
	v17 =	vand.u32 $0x2FF8, v17;
	v21 =	vadd.s32 s26, v21;
	v4 =	vadd.f32 v4, v18  }
0x260: {  	v1 =	vmul.f32 $1.428571490e-01, v1;
	v17 =	vor.u32 v10, v17;
	v21 =	vand.u32 $0x3FF8, v21;
	v18 =	vld [tilespmem:$0x1FD80]  }
0x261: {  	v19 =	vadd.s32 s26, v19;
	v3 =	vadd.f32 v4, v3;
	v4 =	vadd.f32 v16, v14;
	v14 =	vld [tilespmem:$0x1FCF0]  }
0x262: {  	v20 =	vadd.s32 s26, v20;
	v22 =	vadd.s32 s26, v22;
	v2 =	vadd.f32 v6, v2;
	v6 =	vld [tilespmem:$0x1FCE0]  }
0x263: {  	v19 =	vand.u32 $0x2FF8, v19;
	v5 =	vadd.s32 s26, v5;
	v32 =	vadd.s32 s26, v63;
	v63 =	vld [tilespmem:$0x1FDA0]  }
0x264: {  	v23 =	vld [tilespmem:$0x1FDE0];
	v20 =	vand.u32 $0x3FF8, v20;
	v5 =	vand.u32 $0x3FF8, v5;
	v3 =	vmul.f32 $1.428571490e-01, v3  }
0x265: {  	v30 =	vld [tilespmem:$0x1FE60];
	v5 =	vor.u32 v7, v5;
	v18 =	vadd.s32 s26, v18;
	v2 =	vadd.f32 v2, v15  }
0x266: {  	[tilespmem:s28+$0xFFFFF800] =	vst v1;
	v16 =	vld [tilespmem:$0x1FD60];
	v19 =	vor.u32 v12, v19;
	v4 =	vmul.f32 $1.428571490e-01, v4;
	v18 =	vand.u32 $0x2FF8, v18  }
0x267: {  	[tilespmem:s28+$0xFFFFF900] =	vst v3;
	v15 =	vld [tilespmem:$0x1FD50];
	v18 =	vor.u32 v11, v18;
	v2 =	vmul.f32 $1.428571490e-01, v2;
	v6 =	vadd.s32 s26, v6  }
0x268: {  	[tilespmem:s28+$0xFFFFFA00] =	vst v4;
	v14 =	vadd.s32 s26, v14;
	v33 =	vadd.s32 s26, v63;
	v63 =	vld [tilespmem:$0x1FE10];
	v6 =	vand.u32 $0x3FF8, v6  }
0x269: {  	v20 =	vor.u32 v7, v20;
	[tilespmem:s28+$0xFFFFFB00] =	vst v2;
	v1 =	vor.u32 v8, v6;
	v6 =	vand.u32 $0x3FF8, v14;
	v14 =	vld [tilespmem:$0x1FD00]  }
0x26a: {  	v23 =	vadd.s32 s26, v23;
	v21 =	vor.u32 v8, v21;
	v22 =	vand.u32 $0x3FF8, v22;
	v5 =	vld.idx.msk [tilespmem:v5+s13+$0x0], $0xffff  }
0x26b: {  	v24 =	vadd.s32 s26, v24;
	v23 =	vand.u32 $0x3FF8, v23;
	v22 =	vor.u32 v9, v22;
	v17 =	vld.idx.msk [tilespmem:v17+s13+$0x0], $0xffff  }
0x26c: {  	v25 =	vadd.s32 s26, v25;
	v24 =	vand.u32 $0x3FF8, v24;
	v23 =	vor.u32 v10, v23;
	v18 =	vld.idx.msk [tilespmem:v18+s13+$0x0], $0xffff  }
0x26d: {  	v25 =	vand.u32 $0x3FF8, v25;
	v24 =	vor.u32 v11, v24;
	v19 =	vld.idx.msk [tilespmem:v19+s13+$0x0], $0xffff  }
0x26e: {  	v26 =	vadd.s32 s26, v26;
	v27 =	vadd.s32 s26, v27;
	v25 =	vor.u32 v12, v25;
	v20 =	vld.idx.msk [tilespmem:v20+s13+$0x0], $0xffff  }
0x26f: {  	v26 =	vand.u32 $0x3FF8, v26;
	v27 =	vand.u32 $0x3FF8, v27;
	v21 =	vld.idx.msk [tilespmem:v21+s13+$0x0], $0xffff  }
0x270: {  	v28 =	vadd.s32 s26, v28;
	v29 =	vadd.s32 s26, v29;
	v26 =	vor.u32 v7, v26;
	v22 =	vld.idx.msk [tilespmem:v22+s13+$0x0], $0xffff  }
0x271: {  	v27 =	vor.u32 v8, v27;
	v28 =	vand.u32 $0x3FF8, v28;
	v30 =	vadd.s32 s26, v30;
	v23 =	vld.idx.msk [tilespmem:v23+s13+$0x0], $0xffff  }
0x272: {  	v29 =	vand.u32 $0x3FF8, v29;
	v28 =	vor.u32 v9, v28;
	v30 =	vand.u32 $0x3FF8, v30;
	v24 =	vld.idx.msk [tilespmem:v24+s13+$0x0], $0xffff  }
0x273: {  	v29 =	vor.u32 v10, v29;
	v30 =	vor.u32 v11, v30;
	v25 =	vld.idx.msk [tilespmem:v25+s13+$0x0], $0xffff;
	v14 =	vadd.s32 s26, v14  }
0x274: {  	v16 =	vadd.s32 s26, v16;
	v3 =	vor.u32 v9, v6;
	v6 =	vand.u32 $0x3FF8, v14;
	v14 =	vld [tilespmem:$0x1FD10]  }
0x275: {  	v16 =	vand.u32 $0x2FF8, v16;
	v26 =	vld.idx.msk [tilespmem:v26+s13+$0x0], $0xffff  }
0x276: {  	v16 =	vor.u32 v9, v16;
	v27 =	vld.idx.msk [tilespmem:v27+s13+$0x0], $0xffff  }
0x277: {  	v28 =	vld.idx.msk [tilespmem:v28+s13+$0x0], $0xffff  }
0x278: {  	v29 =	vld.idx.msk [tilespmem:v29+s13+$0x0], $0xffff  }
0x279: {  	v30 =	vld.idx.msk [tilespmem:v30+s13+$0x0], $0xffff;
	v14 =	vadd.s32 s26, v14  }
0x27a: {  	v4 =	vor.u32 v10, v6;
	v6 =	vand.u32 $0x3FF8, v14;
	v14 =	vld [tilespmem:$0x1FD20]  }
0x27b: {  	v15 =	vadd.s32 s26, v15;
	v16 =	vld.idx.msk [tilespmem:v16+s13+$0x0], $0xffff  }
0x27c: {  	v15 =	vand.u32 $0x2FF8, v15;
	v34 =	vadd.s32 s26, v63;
	v63 =	vld [tilespmem:$0x1FE80]  }
0x27d: {  	v15 =	vor.u32 v8, v15;
	v1 =	vld.idx.msk [tilespmem:v1+s13+$0x0], $0xffff  }
0x27e: {  	v18 =	vadd.f32 v19, v18;
	v19 =	vadd.f32 v25, v24;
	v24 =	vld [tilespmem:$0x1FBD0]  }
0x27f: {  	v31 =	vadd.s32 s26, v31;
	v25 =	vld [tilespmem:$0x1FBE0];
	v14 =	vadd.s32 s26, v14  }
0x280: {  	v31 =	vand.u32 $0x3FF8, v31;
	v2 =	vor.u32 v11, v6;
	v6 =	vand.u32 $0x3FF8, v14;
	v14 =	vld [tilespmem:$0x1FD40]  }
0x281: {  	v31 =	vor.u32 v12, v31;
	v3 =	vld.idx.msk [tilespmem:v3+s13+$0x0], $0xffff  }
0x282: {  	v34 =	vand.u32 $0x3FF8, v34;
	v15 =	vld.idx.msk [tilespmem:v15+s13+$0x0], $0xffff;
	v16 =	vadd.f32 v17, v16  }
0x283: {  	v17 =	vadd.f32 v23, v22;
	v23 =	vadd.f32 v29, v28;
	v28 =	vld [tilespmem:$0x1FC10];
	v6 =	vor.u32 v12, v6  }
0x284: {  	v33 =	vand.u32 $0x2FF8, v33;
	v34 =	vor.u32 v13, v34;
	v29 =	vld [tilespmem:$0x1FC20]  }
0x285: {  	v33 =	vor.u32 v13, v33;
	v4 =	vld.idx.msk [tilespmem:v4+s13+$0x0], $0xffff;
	v14 =	vadd.s32 s26, v14  }
0x286: {  	v63 =	vadd.s32 s26, v63;
	v1 =	vadd.f32 v1, v5;
	v5 =	vld.idx.msk [tilespmem:v31+s13+$0x0], $0xffff;
	v14 =	vand.u32 $0x2FF8, v14  }
0x287: {  	v63 =	vand.u32 $0x3FF8, v63;
	v2 =	vld.idx.msk [tilespmem:v2+s13+$0x0], $0xffff;
	v14 =	vor.u32 v7, v14  }
0x288: {  	v63 =	vor.u32 v13, v63;
	v6 =	vld.idx.msk [tilespmem:v6+s13+$0x0], $0xffff  }
0x289: {  	v22 =	vld.idx.msk [tilespmem:v34+s13+$0x0], $0xffff  }
0x28a: {  	v3 =	vadd.f32 v4, v3;
	v4 =	vld.idx.msk [tilespmem:v33+s13+$0x0], $0xffff  }
0x28b: {  	v32 =	vand.u32 $0x3FF8, v32;
	v31 =	vld [tilespmem:$0x1FC40]  }
0x28c: {  	v32 =	vor.u32 v13, v32;
	v14 =	vld.idx.msk [tilespmem:v14+s13+$0x0], $0xffff  }
0x28d: {  	v2 =	vadd.f32 v6, v2;
	v6 =	vld.idx.msk [tilespmem:v63+s13+$0x0], $0xffff  }
0x28e: {  	v5 =	vadd.f32 v5, v30;
	v30 =	vld [tilespmem:$0x1FC30]  }
0x28f: {  	v4 =	vadd.f32 v4, v18;
	v18 =	vld [tilespmem:$0x1FB70]  }
0x290: {  	v63 =	vld [tilespmem:$0x1FB20]  }
0x291: {  	v14 =	vadd.f32 v15, v14;
	v15 =	vadd.f32 v21, v20;
	v20 =	vld.idx.msk [tilespmem:v32+s13+$0x0], $0xffff  }
0x292: {  	v5 =	vadd.f32 v6, v5;
	v6 =	vld [tilespmem:$0x1FAD0]  }
0x293: {  	v21 =	vadd.f32 v27, v26;
	v26 =	vld [tilespmem:$0x1FBF0]  }
0x294: {  	v27 =	vld [tilespmem:$0x1FC00]  }
0x295: {  	v1 =	vadd.f32 v3, v1;
	v32 =	vadd.s32 s26, v63;
	v63 =	vld [tilespmem:$0x1FC50];
	v3 =	vadd.f32 v16, v14  }
0x296: {  	v14 =	vadd.f32 v17, v15;
	v17 =	vld [tilespmem:$0x1FB60];
	v2 =	vadd.f32 v20, v2  }
0x297: {  	v16 =	vadd.f32 v22, v19;
	v19 =	vld [tilespmem:$0x1FB80]  }
0x298: {  	v24 =	vadd.s32 s26, v24;
	v15 =	vadd.f32 v23, v21;
	v21 =	vld [tilespmem:$0x1FBA0];
	v1 =	vadd.f32 v2, v1  }
0x299: {  	v25 =	vadd.s32 s26, v25;
	v2 =	vadd.f32 v4, v3;
	v3 =	vadd.f32 v16, v14;
	v14 =	vld [tilespmem:$0x1FAE0]  }
0x29a: {  	v24 =	vand.u32 $0x4FF8, v24;
	v25 =	vand.u32 $0x4FF8, v25;
	v18 =	vadd.s32 s26, v18;
	v22 =	vld [tilespmem:$0x1FBB0]  }
0x29b: {  	v24 =	vor.u32 v11, v24;
	v25 =	vor.u32 v12, v25;
	v18 =	vand.u32 $0x7FF8, v18;
	v23 =	vld [tilespmem:$0x1FBC0]  }
0x29c: {  	v28 =	vadd.s32 s26, v28;
	v18 =	vor.u32 v11, v18;
	v6 =	vadd.s32 s26, v6;
	v20 =	vld [tilespmem:$0x1FB90]  }
0x29d: {  	v6 =	vand.u32 $0x7FF8, v6;
	v33 =	vadd.s32 s26, v63;
	v63 =	vld [tilespmem:$0x1FC60];
	v1 =	vmul.f32 $1.428571490e-01, v1  }
0x29e: {  	v4 =	vadd.f32 v5, v15;
	v5 =	vld [tilespmem:$0x1FE90];
	v2 =	vmul.f32 $1.428571490e-01, v2;
	v14 =	vadd.s32 s26, v14  }
0x29f: {  	v3 =	vmul.f32 $1.428571490e-01, v3;
	[tilespmem:s28+$0xFFFFFC00] =	vst v1;
	v1 =	vor.u32 v8, v6;
	v6 =	vand.u32 $0x7FF8, v14;
	v14 =	vld [tilespmem:$0x1FAF0]  }
0x2a0: {  	v29 =	vadd.s32 s26, v29;
	v26 =	vadd.s32 s26, v26;
	v15 =	vld [tilespmem:$0x1FB40];
	v4 =	vmul.f32 $1.428571490e-01, v4;
	[tilespmem:s28+$0xFFFFFD00] =	vst v2  }
0x2a1: {  	v28 =	vand.u32 $0x5FF8, v28;
	v27 =	vadd.s32 s26, v27;
	v26 =	vand.u32 $0x5FF8, v26;
	v16 =	vld [tilespmem:$0x1FB50];
	[tilespmem:s28+$0xFFFFFE00] =	vst v3  }
0x2a2: {  	v27 =	vand.u32 $0x5FF8, v27;
	v26 =	vor.u32 v7, v26;
	v34 =	vadd.s32 s26, v63;
	v63 =	vld [tilespmem:$0x1FC70];
	[tilespmem:s28+$0xFFFFFF00] =	vst v4  }
0x2a3: {  	v29 =	vand.u32 $0x5FF8, v29;
	v28 =	vor.u32 v9, v28;
	v27 =	vor.u32 v8, v27;
	v18 =	vld.idx.msk [tilespmem:v18+s13+$0x0], $0xffff  }
0x2a4: {  	v29 =	vor.u32 v10, v29;
	v30 =	vadd.s32 s26, v30;
	v24 =	vld.idx.msk [tilespmem:v24+s13+$0x0], $0xffff;
	v14 =	vadd.s32 s26, v14  }
0x2a5: {  	v30 =	vand.u32 $0x5FF8, v30;
	v2 =	vor.u32 v9, v6;
	v6 =	vand.u32 $0x7FF8, v14;
	v14 =	vld [tilespmem:$0x1FB00]  }
0x2a6: {  	v30 =	vor.u32 v11, v30;
	v17 =	vadd.s32 s26, v17;
	v25 =	vld.idx.msk [tilespmem:v25+s13+$0x0], $0xffff  }
0x2a7: {  	v19 =	vadd.s32 s26, v19;
	v21 =	vadd.s32 s26, v21;
	v17 =	vand.u32 $0x7FF8, v17;
	v26 =	vld.idx.msk [tilespmem:v26+s13+$0x0], $0xffff  }
0x2a8: {  	v22 =	vadd.s32 s26, v22;
	v19 =	vand.u32 $0x7FF8, v19;
	v17 =	vor.u32 v10, v17;
	v27 =	vld.idx.msk [tilespmem:v27+s13+$0x0], $0xffff  }
0x2a9: {  	v23 =	vadd.s32 s26, v23;
	v21 =	vand.u32 $0x4FF8, v21;
	v19 =	vor.u32 v12, v19;
	v28 =	vld.idx.msk [tilespmem:v28+s13+$0x0], $0xffff  }
0x2aa: {  	v22 =	vand.u32 $0x4FF8, v22;
	v21 =	vor.u32 v8, v21;
	v29 =	vld.idx.msk [tilespmem:v29+s13+$0x0], $0xffff;
	v14 =	vadd.s32 s26, v14  }
0x2ab: {  	v22 =	vor.u32 v9, v22;
	v3 =	vor.u32 v10, v6;
	v6 =	vand.u32 $0x7FF8, v14;
	v14 =	vld [tilespmem:$0x1FB10]  }
0x2ac: {  	v23 =	vand.u32 $0x4FF8, v23;
	v30 =	vld.idx.msk [tilespmem:v30+s13+$0x0], $0xffff  }
0x2ad: {  	v23 =	vor.u32 v10, v23;
	v20 =	vadd.s32 s26, v20;
	v17 =	vld.idx.msk [tilespmem:v17+s13+$0x0], $0xffff  }
0x2ae: {  	v20 =	vand.u32 $0x4FF8, v20;
	v5 =	vadd.s32 s26, v5;
	v19 =	vld.idx.msk [tilespmem:v19+s13+$0x0], $0xffff  }
0x2af: {  	v20 =	vor.u32 v7, v20;
	v5 =	vand.u32 $0x7FF8, v5;
	v21 =	vld.idx.msk [tilespmem:v21+s13+$0x0], $0xffff  }
0x2b0: {  	v15 =	vadd.s32 s26, v15;
	v5 =	vor.u32 v7, v5;
	v22 =	vld.idx.msk [tilespmem:v22+s13+$0x0], $0xffff;
	v14 =	vadd.s32 s26, v14  }
0x2b1: {  	v15 =	vand.u32 $0x7FF8, v15;
	v4 =	vor.u32 v11, v6;
	v6 =	vand.u32 $0x7FF8, v14;
	v14 =	vld [tilespmem:$0x1FB30]  }
0x2b2: {  	v15 =	vor.u32 v8, v15;
	v23 =	vld.idx.msk [tilespmem:v23+s13+$0x0], $0xffff  }
0x2b3: {  	v1 =	vld.idx.msk [tilespmem:v1+s13+$0x0], $0xffff  }
0x2b4: {  	v16 =	vadd.s32 s26, v16;
	v20 =	vld.idx.msk [tilespmem:v20+s13+$0x0], $0xffff  }
0x2b5: {  	v31 =	vadd.s32 s26, v31;
	v16 =	vand.u32 $0x7FF8, v16;
	v5 =	vld.idx.msk [tilespmem:v5+s13+$0x0], $0xffff;
	v6 =	vor.u32 v12, v6  }
0x2b6: {  	v31 =	vand.u32 $0x5FF8, v31;
	v16 =	vor.u32 v9, v16;
	v2 =	vld.idx.msk [tilespmem:v2+s13+$0x0], $0xffff;
	v14 =	vadd.s32 s26, v14  }
0x2b7: {  	v31 =	vor.u32 v12, v31;
	v15 =	vld.idx.msk [tilespmem:v15+s13+$0x0], $0xffff;
	v14 =	vand.u32 $0x7FF8, v14  }
0x2b8: {  	v33 =	vand.u32 $0x7FF8, v33;
	v63 =	vadd.s32 s26, v63;
	v3 =	vld.idx.msk [tilespmem:v3+s13+$0x0], $0xffff;
	v14 =	vor.u32 v7, v14  }
0x2b9: {  	v33 =	vor.u32 v13, v33;
	v63 =	vand.u32 $0x5FF8, v63;
	v4 =	vld.idx.msk [tilespmem:v4+s13+$0x0], $0xffff  }
0x2ba: {  	v63 =	vor.u32 v13, v63;
	v6 =	vld.idx.msk [tilespmem:v6+s13+$0x0], $0xffff  }
0x2bb: {  	v34 =	vand.u32 $0x4FF8, v34;
	v16 =	vld.idx.msk [tilespmem:v16+s13+$0x0], $0xffff  }
0x2bc: {  	v32 =	vand.u32 $0x7FF8, v32;
	v34 =	vor.u32 v13, v34;
	v1 =	vadd.f32 v1, v5;
	v5 =	vld.idx.msk [tilespmem:v31+s13+$0x0], $0xffff  }
0x2bd: {  	v32 =	vor.u32 v13, v32;
	v14 =	vld.idx.msk [tilespmem:v14+s13+$0x0], $0xffff  }
0x2be: {  	v18 =	vadd.f32 v19, v18;
	v2 =	vadd.f32 v3, v2;
	v3 =	vld.idx.msk [tilespmem:v33+s13+$0x0], $0xffff  }
0x2bf: {  	v19 =	vadd.f32 v25, v24;
	v4 =	vadd.f32 v6, v4;
	v6 =	vld.idx.msk [tilespmem:v63+s13+$0x0], $0xffff  }
0x2c0: {  	v16 =	vadd.f32 v17, v16;
	v17 =	vadd.f32 v23, v22  }
0x2c1: {  	v22 =	vld.idx.msk [tilespmem:v34+s13+$0x0], $0xffff;
	v23 =	vadd.f32 v29, v28;
	v5 =	vadd.f32 v5, v30  }
0x2c2: {  	v14 =	vadd.f32 v15, v14;
	v15 =	vadd.f32 v21, v20;
	v20 =	vld.idx.msk [tilespmem:v32+s13+$0x0], $0xffff  }
0x2c3: {  	v1 =	vadd.f32 v2, v1;
	v3 =	vadd.f32 v3, v18  }
0x2c4: {  	v18 =	vadd.s32 s26, v44;
	v5 =	vadd.f32 v6, v5;
	v21 =	vadd.f32 v27, v26  }
0x2c5: {  	v18 =	vand.u32 $0x7FF8, v18;
	v2 =	vadd.f32 v16, v14;
	v14 =	vadd.f32 v17, v15  }
0x2c6: {  	v18 =	vor.u32 v11, v18;
	v15 =	vadd.f32 v23, v21;
	v16 =	vadd.f32 v22, v19  }
0x2c7: {  	v17 =	vadd.s32 s26, v43;
	v2 =	vadd.f32 v3, v2;
	v4 =	vadd.f32 v20, v4  }
0x2c8: {  	v17 =	vand.u32 $0x7FF8, v17;
	v3 =	vadd.f32 v16, v14;
	v16 =	vadd.s32 s26, v42  }
0x2c9: {  	v16 =	vand.u32 $0x7FF8, v16;
	v2 =	vmul.f32 $1.428571490e-01, v2;
	v1 =	vadd.f32 v4, v1  }
0x2ca: {  	v3 =	vmul.f32 $1.428571490e-01, v3;
	v16 =	vor.u32 v9, v16;
	v4 =	vadd.f32 v5, v15  }
0x2cb: {  	v19 =	vadd.s32 s26, v45;
	v17 =	vor.u32 v10, v17;
	[tilespmem:s28+$0x100] =	vst v2;
	v1 =	vmul.f32 $1.428571490e-01, v1  }
0x2cc: {  	v19 =	vand.u32 $0x7FF8, v19;
	v20 =	vadd.s32 s26, v47;
	[tilespmem:s28+$0x200] =	vst v3;
	v4 =	vmul.f32 $1.428571490e-01, v4  }
0x2cd: {  	v21 =	vadd.s32 s26, v48;
	v19 =	vor.u32 v12, v19;
	v20 =	vand.u32 $0x6FF8, v20;
	[tilespmem:s28+$0x0] =	vst v1  }
0x2ce: {  	v22 =	vadd.s32 s26, v49;
	v21 =	vand.u32 $0x6FF8, v21;
	v5 =	vld [tilespmem:$0x1FAC0];
	v20 =	vor.u32 v7, v20;
	[tilespmem:s28+$0x300] =	vst v4  }
0x2cf: {  	v23 =	vadd.s32 s26, v50;
	v22 =	vand.u32 $0x6FF8, v22;
	v21 =	vor.u32 v8, v21;
	v16 =	vld.idx.msk [tilespmem:v16+s13+$0x0], $0xffff  }
0x2d0: {  	v24 =	vadd.s32 s26, v51;
	v23 =	vand.u32 $0x6FF8, v23;
	v22 =	vor.u32 v9, v22;
	v17 =	vld.idx.msk [tilespmem:v17+s13+$0x0], $0xffff  }
0x2d1: {  	v25 =	vadd.s32 s26, v52;
	v24 =	vand.u32 $0x6FF8, v24;
	v23 =	vor.u32 v10, v23;
	v18 =	vld.idx.msk [tilespmem:v18+s13+$0x0], $0xffff  }
0x2d2: {  	v25 =	vand.u32 $0x6FF8, v25;
	v24 =	vor.u32 v11, v24;
	v26 =	vadd.s32 s26, v53;
	v19 =	vld.idx.msk [tilespmem:v19+s13+$0x0], $0xffff  }
0x2d3: {  	v25 =	vor.u32 v12, v25;
	v27 =	vadd.s32 s26, v54;
	v26 =	vand.u32 $0x7FF8, v26;
	v20 =	vld.idx.msk [tilespmem:v20+s13+$0x0], $0xffff  }
0x2d4: {  	v28 =	vadd.s32 s26, v55;
	v27 =	vand.u32 $0x7FF8, v27;
	v26 =	vor.u32 v7, v26;
	v21 =	vld.idx.msk [tilespmem:v21+s13+$0x0], $0xffff  }
0x2d5: {  	v29 =	vadd.s32 s26, v56;
	v28 =	vand.u32 $0x7FF8, v28;
	v27 =	vor.u32 v8, v27;
	v22 =	vld.idx.msk [tilespmem:v22+s13+$0x0], $0xffff  }
0x2d6: {  	v29 =	vand.u32 $0x7FF8, v29;
	v28 =	vor.u32 v9, v28;
	v30 =	vadd.s32 s26, v57;
	v23 =	vld.idx.msk [tilespmem:v23+s13+$0x0], $0xffff  }
0x2d7: {  	v29 =	vor.u32 v10, v29;
	v30 =	vand.u32 $0x7FF8, v30;
	v15 =	vadd.s32 s26, v41;
	v24 =	vld.idx.msk [tilespmem:v24+s13+$0x0], $0xffff  }
0x2d8: {  	v30 =	vor.u32 v11, v30;
	v6 =	vadd.s32 s26, v35;
	v15 =	vand.u32 $0x7FF8, v15;
	v25 =	vld.idx.msk [tilespmem:v25+s13+$0x0], $0xffff  }
0x2d9: {  	v6 =	vand.u32 $0x5FF8, v6;
	v14 =	vadd.s32 s26, v36;
	v15 =	vor.u32 v8, v15;
	v26 =	vld.idx.msk [tilespmem:v26+s13+$0x0], $0xffff  }
0x2da: {  	v1 =	vor.u32 v8, v6;
	v6 =	vand.u32 $0x5FF8, v14;
	v27 =	vld.idx.msk [tilespmem:v27+s13+$0x0], $0xffff  }
0x2db: {  	v14 =	vadd.s32 s26, v37;
	v2 =	vor.u32 v9, v6;
	v28 =	vld.idx.msk [tilespmem:v28+s13+$0x0], $0xffff  }
0x2dc: {  	v63 =	vadd.s32 s26, v59;
	v5 =	vadd.s32 s26, v5;
	v6 =	vand.u32 $0x5FF8, v14;
	v29 =	vld.idx.msk [tilespmem:v29+s13+$0x0], $0xffff  }
0x2dd: {  	v14 =	vadd.s32 s26, v38;
	v30 =	vld.idx.msk [tilespmem:v30+s13+$0x0], $0xffff;
	v5 =	vand.u32 $0x5FF8, v5;
	v3 =	vor.u32 v10, v6  }
0x2de: {  	v6 =	vand.u32 $0x5FF8, v14;
	v14 =	vadd.s32 s26, v39;
	v5 =	vor.u32 v7, v5;
	v15 =	vld.idx.msk [tilespmem:v15+s13+$0x0], $0xffff  }
0x2df: {  	v4 =	vor.u32 v11, v6;
	v6 =	vand.u32 $0x5FF8, v14;
	v14 =	vadd.s32 s26, v40;
	v1 =	vld.idx.msk [tilespmem:v1+s13+$0x0], $0xffff  }
0x2e0: {  	v32 =	vand.u32 $0x5FF8, v63;
	v6 =	vor.u32 v12, v6;
	v14 =	vand.u32 $0x7FF8, v14;
	v2 =	vld.idx.msk [tilespmem:v2+s13+$0x0], $0xffff  }
0x2e1: {  	v14 =	vor.u32 v7, v14;
	v20 =	vadd.f32 v21, v20;
	v21 =	vadd.f32 v27, v26;
	v27 =	vld [tilespmem:$0x1FF80]  }
0x2e2: {  	v32 =	vor.u32 v13, v32;
	v3 =	vld.idx.msk [tilespmem:v3+s13+$0x0], $0xffff  }
0x2e3: {  	v63 =	vadd.s32 s26, v60;
	v5 =	vld.idx.msk [tilespmem:v5+s13+$0x0], $0xffff  }
0x2e4: {  	v33 =	vand.u32 $0x7FF8, v63;
	v4 =	vld.idx.msk [tilespmem:v4+s13+$0x0], $0xffff  }
0x2e5: {  	v63 =	vadd.s32 s26, v61;
	v33 =	vor.u32 v13, v33;
	v6 =	vld.idx.msk [tilespmem:v6+s13+$0x0], $0xffff  }
0x2e6: {  	v34 =	vand.u32 $0x6FF8, v63;
	v14 =	vld.idx.msk [tilespmem:v14+s13+$0x0], $0xffff  }
0x2e7: {  	v34 =	vor.u32 v13, v34;
	v2 =	vadd.f32 v3, v2;
	v3 =	vadd.f32 v17, v16;
	v16 =	vld.idx.msk [tilespmem:v32+s13+$0x0], $0xffff  }
0x2e8: {  	v31 =	vadd.s32 s26, v58;
	v32 =	vld [tilespmem:$0x1FFC0]  }
0x2e9: {  	v31 =	vand.u32 $0x7FF8, v31;
	v17 =	vadd.f32 v23, v22;
	v22 =	vadd.f32 v29, v28;
	v28 =	vld [tilespmem:$0x1FF90]  }
0x2ea: {  	v31 =	vor.u32 v12, v31;
	v23 =	vld.idx.msk [tilespmem:v33+s13+$0x0], $0xffff  }
0x2eb: {  	v63 =	vadd.s32 s26, v62;
	v33 =	vld [tilespmem:$0x1FFE0];
	v1 =	vadd.f32 v1, v5  }
0x2ec: {  	v63 =	vand.u32 $0x7FF8, v63;
	v4 =	vadd.f32 v6, v4;
	v6 =	vadd.f32 v19, v18;
	v18 =	vld.idx.msk [tilespmem:v34+s13+$0x0], $0xffff  }
0x2ed: {  	v19 =	vadd.f32 v25, v24;
	v25 =	vld [tilespmem:$0x1FF70];
	v5 =	vadd.f32 v15, v14;
	v15 =	vor.u32 v13, v63  }
0x2ee: {  	v24 =	vld [tilespmem:$0x1FF50]  }
0x2ef: {  	v14 =	vld.idx.msk [tilespmem:v31+s13+$0x0], $0xffff  }
0x2f0: {  	v31 =	vld [tilespmem:$0x1FFB0]  }
0x2f1: {  	v63 =	vld [tilespmem:$0x1FFF0]  }
0x2f2: {  	v1 =	vadd.f32 v2, v1;
	v15 =	vld.idx.msk [tilespmem:v15+s13+$0x0], $0xffff  }
0x2f3: {  	v2 =	vadd.f32 v3, v5;
	v3 =	vadd.f32 v17, v20;
	v20 =	vld [tilespmem:$0x1FF10]  }
0x2f4: {  	v17 =	vld [tilespmem:$0x1FED0];
	v4 =	vadd.f32 v16, v4;
	v5 =	vadd.f32 v22, v21  }
0x2f5: {  	v22 =	vld [tilespmem:$0x1FF30];
	v6 =	vadd.f32 v23, v6;
	v14 =	vadd.f32 v14, v30  }
0x2f6: {  	v21 =	vld [tilespmem:$0x1FF20];
	v16 =	vadd.f32 v18, v19;
	v1 =	vadd.f32 v4, v1  }
0x2f7: {  	v23 =	vld [tilespmem:$0x1FF40];
	v2 =	vadd.f32 v6, v2;
	v4 =	vadd.f32 v15, v14  }
0x2f8: {  	p0 =	sne.s32 s26, $0x690;
	v19 =	vld [tilespmem:$0x1FF00];
	v3 =	vadd.f32 v16, v3;
	v1 =	vmul.f32 $1.428571490e-01, v1  }
.Ltmp8:
0x2f9: {  	v18 =	vld [tilespmem:$0x1FEE0];
	v2 =	vmul.f32 $1.428571490e-01, v2;
	v4 =	vadd.f32 v4, v5;
	(pc) =	sbr.rel @p0 .LBB2_15-.Ltmp8, $4  }
0x2fa: {  	v30 =	vld [tilespmem:$0x1FFA0];
	[tilespmem:s28+$0x400] =	vst v1;
	v1 =	vmul.f32 $1.428571490e-01, v3  }
0x2fb: {  	v16 =	vld [tilespmem:$0x1FEC0];
	[tilespmem:s28+$0x500] =	vst v2;
	v2 =	vmul.f32 $1.428571490e-01, v4  }
0x2fc: {  	v15 =	vld [tilespmem:$0x1FEB0];
	[tilespmem:s28+$0x600] =	vst v1  }
0x2fd: {  	s26 =	sadd.s32 $0x70, s26;
	v14 =	vld [tilespmem:$0x1FEA0];
	[tilespmem:s28+$0x700] =	vst v2;
	s28 =	sadd.s32 $0x10, s28  }
0x2fe: {  	s24 =	sadd.s32 $0x1, s24  }
0x2ff: {  	s25 =	sshll.u32 s25, $0x4;
	p0 =	sne.s32 s24, $0x7  }
.Ltmp9:
0x300: {  	s25 =	sadd.s32 s3, s25;
	(pc) =	sbr.rel @p0 .LBB2_2-.Ltmp9, $4  }
0x301: {  	s25 =	smin.u32 s25, $0x27F2  }
0x302: {  	s25 =	sshll.u32 s25, $0x5  }
0x303: {  	s25 =	sadd.s32 s5, s25  }
0x304: {  	[hbm4b:s25+s2] =	stream.linear.scatter [tilespmem:s21], [sflag:$0x6], $0x1000, $0x38;
	[tilespmem:$0x18930] =	vst v63  }
0x305: {  	_ =	swait.ge [sflag:s22], $0x1000  }
0x306: {  	[sflag:s22] =	ssyncset.done $0x0  }
0x307: {  	s23 =	sadd.s32 $0x1, s23;
	[sflag:s22] =	ssyncadd.s32 $0xFFFFF000  }
0x308: {  	p0 =	sne.s32 s23, s8;
	_ =	swait.ge [sflag:s17], $0x1000  }
.Ltmp10:
0x309: {  	[sflag:s17] =	ssyncset.done $0x0;
	(pc) =	sbr.rel @p0 .LBB2_1-.Ltmp10, $4  }
0x30a: {  	[sflag:s17] =	ssyncadd.s32 $0xFFFFF000  }
0x30b: {  	_ =	swait.ge [sflag:s20], $0x1000  }
0x30c: {  	[sflag:s20] =	ssyncset.done $0x0  }
0x30d: {  	[sflag:s20] =	ssyncadd.s32 $0xFFFFF000  }
0x30e: {  	_ =	sfence.sel $0x180000  }
0x30f: {  	[bflag:$0x0] =	sbarrier.arrive $0xFFFF  }
0x310: {  	p0 =	sne.s32 s0, $0x0;
	_ =	strace $0x90000047  }
0x311: {  	s0 =	sadd.s32 @!p0 $0x100000, s1;
	[bflag:$0x2] =	sbarrier.arrive $0xFFFF  }
0x312: {  	[sflag:s0] =	ssyncadd.tile.s32 @!p0 $0x1;
	_ =	shalt  }
.Lfunc_end2:
_tile_overlayer_lowered:
.L_overlay_start_2:
0x313: {  	(tag) =	ssettag $0x2  }
0x314: {  	s0 =	rddreg [dreg:$0x0];
	s2 =	stileid.u32  }
0x315: {  	s1 =	rddreg [dreg:$0x1];
	p0 =	sne.s32 s2, $0x0  }
0x316: {  	s3 =	rddreg [dreg:$0x2];
	[bflag:$0x3] =	sbarrier.arrive $0xFFFF;
	s2 =	simm.s32 @!p0 $0x1C07  }
0x317: {  	[timem:s3], [sflag:s2] =	dma.local @!p0 [hbm:s0], s1  }
0x318: {  	s0 =	simm.s32 @!p0 $0x7  }
0x319: {  	_ =	swait.ge @!p0 [sflag:s0], s1  }
0x31a: {  	s1 =	ssub.s32 @!p0 $0x0, s1;
	[sflag:s0] =	ssyncset.done @!p0 $0x0  }
0x31b: {  	[sflag:s0] =	ssyncadd.s32 @!p0 s1  }
0x31c: {  	[bflag:$0x3] =	sbarrier.arrive $0xFFFF  }
0x31d: {  	_ =	shalt  }

</sc_bundles>
